<compile_context>
chip_gen: v7x
topology: tpu7x:2x2x1
jax: 0.10.2.dev20260603
libtpu: 0.0.44.dev20260713+nightly
codegen_flags: <defaults>
</compile_context>

<pallas_src>
import functools

import jax
import jax.numpy as jnp
from jax import lax
from jax.experimental import pallas as pl
from jax.experimental.pallas import tpu as pltpu
from jax.experimental.pallas import tpu_sc as plsc

NUM_EXPERTS = 8
TOP_K = 2
SL = 2048
HS = 768
FF = 3072
M = SL * TOP_K

TM = 512
NT = M // TM
L = NT + NUM_EXPERTS - 1
FFT = 768
F = FF // FFT

TMS = 512
NTS = SL // TMS


def _grouped_body(meta_ref, x_ref, w1_ref, w2_ref, scale_ref, y_ref):
    l = pl.program_id(0)
    f = pl.program_id(1)
    first = meta_ref[64 + l]

    @pl.when((f == 0) & (first == 1))
    def _():
        y_ref[...] = jnp.zeros_like(y_ref)

    h = jax.nn.gelu(jnp.dot(x_ref[...].astype(jnp.bfloat16),
                            w1_ref[0].astype(jnp.bfloat16),
                            preferred_element_type=jnp.float32))
    m = meta_ref[16 + l]
    start = meta_ref[32 + l]
    end = meta_ref[48 + l]
    rows = m * TM + jax.lax.broadcasted_iota(jnp.int32, (TM, 1), 0)
    scale = scale_ref[0, 0, :].reshape(TM, 1)
    scale = jnp.where((rows >= start) & (rows < end), scale, 0.0)
    y_ref[...] += jnp.dot((h * scale).astype(jnp.bfloat16),
                          w2_ref[0].astype(jnp.bfloat16),
                          preferred_element_type=jnp.float32)


def _grouped_gemm(xs, w1, w2, scale_tiles, meta, interpret=False):
    grid_spec = pltpu.PrefetchScalarGridSpec(
        num_scalar_prefetch=1,
        grid=(L, F),
        in_specs=[
            pl.BlockSpec((TM, HS), lambda l, f, meta: (meta[16 + l], 0)),
            pl.BlockSpec((1, HS, FFT), lambda l, f, meta: (meta[l], 0, f)),
            pl.BlockSpec((1, FFT, HS), lambda l, f, meta: (meta[l], f, 0)),
            pl.BlockSpec((1, 1, TM), lambda l, f, meta: (meta[16 + l], 0, 0)),
        ],
        out_specs=pl.BlockSpec((TM, HS), lambda l, f, meta: (meta[16 + l], 0)),
    )
    return pl.pallas_call(
        _grouped_body,
        grid_spec=grid_spec,
        out_shape=jax.ShapeDtypeStruct((M, HS), jnp.float32),
        interpret=interpret,
    )(meta, xs, w1, w2, scale_tiles)


def _shared_body(x_ref, w1_ref, w2_ref, c0_ref, c1_ref, y_ref):
    f = pl.program_id(1)

    @pl.when(f == 0)
    def _():
        y_ref[...] = jnp.zeros_like(y_ref)

    h = jax.nn.gelu(jnp.dot(x_ref[...].astype(jnp.bfloat16),
                            w1_ref[...].astype(jnp.bfloat16),
                            preferred_element_type=jnp.float32))
    y_ref[...] += jnp.dot(h.astype(jnp.bfloat16),
                          w2_ref[...].astype(jnp.bfloat16),
                          preferred_element_type=jnp.float32)

    @pl.when(f == F - 1)
    def _():
        y_ref[...] += c0_ref[...] + c1_ref[...]


def _shared_mlp(xf, w1_s, w2_s, c, interpret=False):
    return pl.pallas_call(
        _shared_body,
        grid=(NTS, F),
        in_specs=[
            pl.BlockSpec((TMS, HS), lambda m, f: (m, 0)),
            pl.BlockSpec((HS, FFT), lambda m, f: (0, f)),
            pl.BlockSpec((FFT, HS), lambda m, f: (f, 0)),
            pl.BlockSpec((TMS, HS), lambda m, f: (m, 0)),
            pl.BlockSpec((TMS, HS), lambda m, f: (m + NTS, 0)),
        ],
        out_specs=pl.BlockSpec((TMS, HS), lambda m, f: (m, 0)),
        out_shape=jax.ShapeDtypeStruct((SL, HS), jnp.float32),
        interpret=interpret,
    )(xf, w1_s, w2_s, c, c)


NW = 32
SPW = M // NW
_SHIFT = TM.bit_length() - 1


def _route_body(top_hbm, ewt_hbm, xf_hbm, xs_hbm, pos_hbm, ws_hbm, meta_hbm,
                top_v, rows_v, posn_v, wval_v, meta_v, sem):
    cid = lax.axis_index("c")
    sid = lax.axis_index("s")
    wid = sid * 2 + cid
    base = wid * SPW
    tbase = (wid % (NW // TOP_K)) * SPW

    pltpu.sync_copy(top_hbm, top_v)

    lane = lax.iota(jnp.int32, 16)
    zeros = jnp.zeros((16,), jnp.int32)
    cut = wid * (SPW // 16)

    def hist_step(v, carry):
        a0, a1, a2, a3, s0, s1, s2, s3 = carry
        snap = jnp.broadcast_to(v == cut, (16,))
        s0 = jnp.where(snap, a0, s0)
        s1 = jnp.where(snap, a1, s1)
        s2 = jnp.where(snap, a2, s2)
        s3 = jnp.where(snap, a3, s3)
        keys = top_v[pl.ds(v * 16, 16)]
        val = jnp.left_shift(1, jnp.left_shift(keys & 1, 4))
        pair = lax.shift_right_logical(keys, 1)
        a0 = a0 + jnp.where(pair == 0, val, 0)
        a1 = a1 + jnp.where(pair == 1, val, 0)
        a2 = a2 + jnp.where(pair == 2, val, 0)
        a3 = a3 + jnp.where(pair == 3, val, 0)
        return a0, a1, a2, a3, s0, s1, s2, s3

    acc = lax.fori_loop(0, M // 16, hist_step, (zeros,) * 8, unroll=8)

    hist = zeros
    pre = zeros
    for e in range(NUM_EXPERTS):
        sh = (e & 1) * 16
        he = jnp.sum(lax.shift_right_logical(acc[e >> 1], sh) & 0xFFFF)
        pe = jnp.sum(lax.shift_right_logical(acc[4 + (e >> 1)], sh) & 0xFFFF)
        hist = hist + jnp.where(lane == e, he, 0)
        pre = pre + jnp.where(lane == e, pe, 0)

    cum_incl = jnp.cumsum(hist)
    base_e = cum_incl - hist
    cur = base_e + pre

    for v in range(SPW // 16):
        keys = top_v[pl.ds(base + v * 16, 16)]
        pos = zeros
        add = zeros
        for e in range(NUM_EXPERTS):
            mvec = keys == e
            ranks = jnp.cumsum(jnp.where(mvec, 1, 0).astype(jnp.int32))
            cur_e = jnp.sum(jnp.where(lane == e, cur, 0))
            pos = jnp.where(mvec, cur_e + ranks - 1, pos)
            pc = plsc.all_reduce_population_count(mvec)
            add = add + jnp.where(lane == e, pc, 0)
        cur = cur + add
        posn_v[pl.ds(v * 16, 16)] = pos

    pltpu.sync_copy(posn_v, pos_hbm.at[pl.ds(base, SPW)])
    pltpu.sync_copy(ewt_hbm.at[pl.ds(base, SPW)], wval_v)
    pltpu.async_copy(wval_v, ws_hbm.at[posn_v], sem).wait()
    pltpu.sync_copy(xf_hbm.at[pl.ds(tbase, SPW)], rows_v)
    pltpu.async_copy(rows_v, xs_hbm.at[posn_v], sem).wait()

    @pl.when(wid == 0)
    def _():
        tpe = hist
        bins = cum_incl
        starts = base_e
        t1 = lax.shift_right_arithmetic(bins - 1, _SHIFT)
        t0 = lax.shift_right_arithmetic(starts, _SHIFT)
        n = jnp.where(tpe > 0, t1 - t0 + 1, 0)
        cumn = jnp.cumsum(n)

        l = lax.iota(jnp.int32, 16)

        def tiles(lv):
            g = jnp.zeros((16,), jnp.int32)
            sg = jnp.zeros((16,), jnp.int32)
            bg = jnp.zeros((16,), jnp.int32)
            jg = jnp.zeros((16,), jnp.int32)
            for e in range(NUM_EXPERTS):
                ce = jnp.sum(jnp.where(lane == e, cumn, 0))
                g = g + jnp.where(lv < ce, 0, 1)
            gc = jnp.minimum(g, NUM_EXPERTS - 1)
            for e in range(NUM_EXPERTS):
                sel = gc == e
                sg = jnp.where(sel, jnp.sum(jnp.where(lane == e, starts, 0)),
                               sg)
                bg = jnp.where(sel, jnp.sum(jnp.where(lane == e, bins, 0)),
                               bg)
                base_t = jnp.sum(jnp.where(lane == e, cumn - n, 0))
                jg = jnp.where(sel, lv - base_t, jg)
            m = lax.shift_right_arithmetic(sg, _SHIFT) + jg
            return gc, sg, bg, m

        total = jnp.sum(jnp.where(lane == NUM_EXPERTS - 1, cumn, 0))
        gc, sg, bg, m_raw = tiles(l)
        _, _, _, m_prev_raw = tiles(jnp.maximum(l - 1, 0))
        valid = l < total
        m_l = jnp.where(valid, m_raw, NT - 1)
        s_l = jnp.where(valid, sg, 1)
        e_l = jnp.where(valid, bg, 0)
        first = ((l == 0) | (m_raw != m_prev_raw)).astype(jnp.int32)
        first = jnp.where(valid, first, 0)
        meta_v[pl.ds(0, 16)] = gc
        meta_v[pl.ds(16, 16)] = m_l
        meta_v[pl.ds(32, 16)] = s_l
        meta_v[pl.ds(48, 16)] = e_l
        meta_v[pl.ds(64, 16)] = first
        pltpu.sync_copy(meta_v, meta_hbm)


def _route(top, ewt, xf):
    mesh = plsc.VectorSubcoreMesh(core_axis_name="c", subcore_axis_name="s", num_cores=2, num_subcores=16)
    f = functools.partial(
        pl.kernel,
        out_type=(
            jax.ShapeDtypeStruct((M, HS), jnp.float32),
            jax.ShapeDtypeStruct((M,), jnp.int32),
            jax.ShapeDtypeStruct((M,), jnp.float32),
            jax.ShapeDtypeStruct((80,), jnp.int32),
        ),
        mesh=mesh,
        compiler_params=pltpu.CompilerParams(needs_layout_passes=False),
        scratch_types=[
            pltpu.VMEM((M,), jnp.int32),
            pltpu.VMEM((SPW, HS), jnp.float32),
            pltpu.VMEM((SPW,), jnp.int32),
            pltpu.VMEM((SPW,), jnp.float32),
            pltpu.VMEM((80,), jnp.int32),
            pltpu.SemaphoreType.DMA,
        ],
    )(_route_body)
    return f(top, ewt, xf)


def _gather_body(y_hbm, pos_hbm, c_hbm, idx_v, rows_v, sem):
    cid = lax.axis_index("c")
    sid = lax.axis_index("s")
    wid = sid * 2 + cid
    base = wid * SPW
    pltpu.sync_copy(pos_hbm.at[pl.ds(base, SPW)], idx_v)
    pltpu.async_copy(y_hbm.at[idx_v], rows_v, sem).wait()
    pltpu.sync_copy(rows_v, c_hbm.at[pl.ds(base, SPW)])


def _unsort_gather(y, pos):
    mesh = plsc.VectorSubcoreMesh(core_axis_name="c", subcore_axis_name="s", num_cores=2, num_subcores=16)
    f = functools.partial(
        pl.kernel,
        out_type=jax.ShapeDtypeStruct((M, HS), jnp.float32),
        mesh=mesh,
        compiler_params=pltpu.CompilerParams(needs_layout_passes=False),
        scratch_types=[
            pltpu.VMEM((SPW,), jnp.int32),
            pltpu.VMEM((SPW, HS), jnp.float32),
            pltpu.SemaphoreType.DMA,
        ],
    )(_gather_body)
    return f(y, pos)


def kernel(x, expert_weights, expert_indices, w1, w2, w1_s, w2_s):
    in_shape = x.shape
    xf = x.reshape(-1, HS)

    top = expert_indices.reshape(SL, TOP_K).T.reshape(-1).astype(jnp.int32)
    ewt = expert_weights.reshape(SL, TOP_K).T.reshape(-1)

    xs, pos, ws, meta = _route(top, ewt, xf)

    scale_tiles = ws.reshape(NT, 1, TM)
    y = _grouped_gemm(xs, w1, w2, scale_tiles, meta)
    c = _unsort_gather(y, pos)
    out = _shared_mlp(xf, w1_s, w2_s, c)
    return out.reshape(in_shape)

# --- scband reference (transcript-rebuilt; emitter-appended) ---
"""Pipeline reference for scband-parallel-dropless-mlp-2302102471532 (READ-ONLY COPY).

The authoritative reference and input builder live on the scoring server;
editing this copy changes nothing except your own understanding.
"""

import jax, jax.numpy as jnp
import numpy as np

NUM_EXPERTS = 8
TOP_K = 2
SL = 2048
BS = 1
HS = 768
FF = 3072


def setup_inputs(seed: int = 0) -> dict:
    key = jax.random.key(seed)
    ks = jax.random.split(key, 8)
    x = jax.random.normal(ks[0], (SL, BS, HS), dtype=jnp.float32)
    expert_weights = jax.random.uniform(ks[1], (SL * BS, TOP_K), dtype=jnp.float32)
    expert_indices = jax.random.randint(ks[2], (SL * BS, TOP_K), 0, NUM_EXPERTS)
    # grouped expert MLP weights (ParallelGroupedMLP, mlp_type='regular', no bias)
    w1 = jax.random.normal(ks[3], (NUM_EXPERTS, HS, FF), dtype=jnp.float32) * 0.02
    w2 = jax.random.normal(ks[4], (NUM_EXPERTS, FF, HS), dtype=jnp.float32) * 0.02
    # shared expert MLP (ParallelSharedMLP)
    w1_s = jax.random.normal(ks[5], (HS, FF), dtype=jnp.float32) * 0.02
    w2_s = jax.random.normal(ks[6], (FF, HS), dtype=jnp.float32) * 0.02
    return {
        'x': x,
        'expert_weights': expert_weights,
        'expert_indices': expert_indices,
        'w1': w1,
        'w2': w2,
        'w1_s': w1_s,
        'w2_s': w2_s,
    }


def reference(x, expert_weights, expert_indices, w1, w2, w1_s, w2_s):
    in_shape = x.shape
    xf = x.reshape(-1, in_shape[-1])  # [sl*bs, hs]

    # ---- indices_and_bins (megablocks.ops.sort / histogram / inclusive_cumsum) ----
    top_expert = expert_indices.reshape(-1).astype(jnp.int32)
    indices = jnp.argsort(top_expert)              # megablocks.ops.sort (stable radix sort)
    bin_ids = top_expert[indices]
    tokens_per_expert = jnp.bincount(top_expert, length=NUM_EXPERTS)
    bins = jnp.cumsum(tokens_per_expert)           # inclusive cumsum

    # ---- shared expert MLP over all tokens ----
    shared = jnp.dot(jax.nn.gelu(jnp.dot(xf, w1_s)), w2_s)

    # ---- dropless expert computation ----
    # Mathematically identical to megablocks gather -> grouped GEMM -> weighted scatter:
    # each token is processed by each of its top-k experts and combined with its router weight.
    ei2 = expert_indices.reshape(-1, TOP_K)
    ew2 = expert_weights.reshape(-1, TOP_K)
    out = jnp.zeros_like(xf)
    for e in range(NUM_EXPERTS):
        h = jnp.dot(jax.nn.gelu(jnp.dot(xf, w1[e])), w2[e])
        wmask = jnp.sum(ew2 * (ei2 == e).astype(ew2.dtype), axis=1)
        out = out + wmask[:, None] * h

    out = out + shared
    return out.reshape(in_shape)

if __name__ == "__main__":
    import jax
    _d = setup_inputs()
    print(jax.jit(kernel)(*tuple(_d.values())))

</pallas_src>

<mosaic_0001>
#map = affine_map<(d0, d1) -> (0, 0)>
#map1 = affine_map<(d0, d1) -> (0)>
module attributes {stable_mosaic.version = 14 : i64} {
  func.func @_gather_body(%arg0: i32, %arg1: i32, %arg2: memref<4096x768xf32, #tpu.memory_space<hbm>>, %arg3: memref<4096xi32, #tpu.memory_space<hbm>>, %arg4: memref<4096x768xf32, #tpu.memory_space<hbm>>, %arg5: memref<128xi32, #tpu.memory_space<vmem>>, %arg6: memref<128x768xf32, #tpu.memory_space<vmem>>, %arg7: memref<!tpu.dma_semaphore, #tpu.memory_space<semaphore_mem>>) attributes {dimension_semantics = [#tpu.dimension_semantics<core_parallel>, #tpu.dimension_semantics<subcore_parallel>], iteration_bounds = array<i64: 2, 16>, scalar_prefetch = 0 : i64, scratch_operands = 3 : i64, tpu.core_type = #tpu.core_type<sc_vector_subcore>, window_params = [{transform_indices = #map}, {transform_indices = #map1}, {transform_indices = #map}]} {
    %mul3A = arith.constant 2 : i32
    %mul3A_0 = arith.muli %arg1, %mul3A : i32
    %add3A = arith.addi %mul3A_0, %arg0 : i32
    %mul3A_1 = arith.constant 128 : i32
    %mul3A_2 = arith.muli %add3A, %mul3A_1 : i32
    "tpu.region"() ({
      %run_scoped3A = tpu.sem_alloc : memref<!tpu.dma_semaphore, #tpu.memory_space<semaphore_mem>>
      %dma_start3A_7 = tpu.memref_slice %arg3[%mul3A_2] : memref<4096xi32, #tpu.memory_space<hbm>> -> memref<128xi32, #tpu.memory_space<hbm>>
      %dma_start3A_8 = tpu.memref_slice %arg3[%mul3A_2] : memref<4096xi32, #tpu.memory_space<hbm>> -> memref<128xi32, #tpu.memory_space<hbm>>
      tpu.enqueue_dma source(%dma_start3A_8 : memref<128xi32, #tpu.memory_space<hbm>>) target(%arg5 : memref<128xi32, #tpu.memory_space<vmem>>) target_semaphore(%run_scoped3A : memref<!tpu.dma_semaphore, #tpu.memory_space<semaphore_mem>>)
      %dma_wait3A_9 = tpu.memref_slice %arg3[%mul3A_2] : memref<4096xi32, #tpu.memory_space<hbm>> -> memref<128xi32, #tpu.memory_space<hbm>>
      %dma_wait3A_10 = tpu.memref_slice %arg3[%mul3A_2] : memref<4096xi32, #tpu.memory_space<hbm>> -> memref<128xi32, #tpu.memory_space<hbm>>
      tpu.wait_dma2 semaphore(%run_scoped3A : memref<!tpu.dma_semaphore, #tpu.memory_space<semaphore_mem>>) src(%dma_wait3A_10 : memref<128xi32, #tpu.memory_space<hbm>>) dst(%arg5 : memref<128xi32, #tpu.memory_space<vmem>>)
      tpu.yield
    }) : () -> ()
    %dma_start3A = arith.constant 0 : i32
    %dma_start3A_3 = arith.constant 0 : i32
    %dma_start3A_4 = tpu.memref_slice %arg2[%dma_start3A, %dma_start3A_3] : memref<4096x768xf32, #tpu.memory_space<hbm>> -> memref<4096x768xf32, #tpu.memory_space<hbm>>
    tpu.enqueue_indirect_dma source(%dma_start3A_4 : memref<4096x768xf32, #tpu.memory_space<hbm>>) target(%arg6 : memref<128x768xf32, #tpu.memory_space<vmem>>) offsets(%arg5 : memref<128xi32, #tpu.memory_space<vmem>>) semaphore(%arg7 : memref<!tpu.dma_semaphore, #tpu.memory_space<semaphore_mem>>)
    %dma_wait3A = arith.constant 0 : i32
    %dma_wait3A_5 = arith.constant 0 : i32
    %dma_wait3A_6 = tpu.memref_slice %arg2[%dma_wait3A, %dma_wait3A_5] : memref<4096x768xf32, #tpu.memory_space<hbm>> -> memref<4096x768xf32, #tpu.memory_space<hbm>>
    tpu.wait_indirect_dma semaphore(%arg7 : memref<!tpu.dma_semaphore, #tpu.memory_space<semaphore_mem>>) src(%dma_wait3A_6 : memref<4096x768xf32, #tpu.memory_space<hbm>>) dst(%arg6 : memref<128x768xf32, #tpu.memory_space<vmem>>)
    "tpu.region"() ({
      %run_scoped3A = tpu.sem_alloc : memref<!tpu.dma_semaphore, #tpu.memory_space<semaphore_mem>>
      %dma_start3A_7 = arith.constant 0 : i32
      %dma_start3A_8 = tpu.memref_slice %arg4[%mul3A_2, %dma_start3A_7] : memref<4096x768xf32, #tpu.memory_space<hbm>> -> memref<128x768xf32, #tpu.memory_space<hbm>>
      %dma_start3A_9 = arith.constant 0 : i32
      %dma_start3A_10 = tpu.memref_slice %arg4[%mul3A_2, %dma_start3A_9] : memref<4096x768xf32, #tpu.memory_space<hbm>> -> memref<128x768xf32, #tpu.memory_space<hbm>>
      tpu.enqueue_dma source(%arg6 : memref<128x768xf32, #tpu.memory_space<vmem>>) target(%dma_start3A_10 : memref<128x768xf32, #tpu.memory_space<hbm>>) target_semaphore(%run_scoped3A : memref<!tpu.dma_semaphore, #tpu.memory_space<semaphore_mem>>)
      %dma_wait3A_11 = arith.constant 0 : i32
      %dma_wait3A_12 = tpu.memref_slice %arg4[%mul3A_2, %dma_wait3A_11] : memref<4096x768xf32, #tpu.memory_space<hbm>> -> memref<128x768xf32, #tpu.memory_space<hbm>>
      %dma_wait3A_13 = arith.constant 0 : i32
      %dma_wait3A_14 = tpu.memref_slice %arg4[%mul3A_2, %dma_wait3A_13] : memref<4096x768xf32, #tpu.memory_space<hbm>> -> memref<128x768xf32, #tpu.memory_space<hbm>>
      tpu.wait_dma2 semaphore(%run_scoped3A : memref<!tpu.dma_semaphore, #tpu.memory_space<semaphore_mem>>) src(%arg6 : memref<128x768xf32, #tpu.memory_space<vmem>>) dst(%dma_wait3A_14 : memref<128x768xf32, #tpu.memory_space<hbm>>)
      tpu.yield
    }) : () -> ()
    return
  }
}

#map = affine_map<(d0, d1) -> (0)>
#map1 = affine_map<(d0, d1) -> (0, 0)>
module attributes {stable_mosaic.version = 14 : i64} {
  func.func @_route_body(%arg0: i32, %arg1: i32, %arg2: memref<4096xi32, #tpu.memory_space<hbm>>, %arg3: memref<4096xf32, #tpu.memory_space<hbm>>, %arg4: memref<2048x768xf32, #tpu.memory_space<hbm>>, %arg5: memref<4096x768xf32, #tpu.memory_space<hbm>>, %arg6: memref<4096xi32, #tpu.memory_space<hbm>>, %arg7: memref<4096xf32, #tpu.memory_space<hbm>>, %arg8: memref<80xi32, #tpu.memory_space<hbm>>, %arg9: memref<4096xi32, #tpu.memory_space<vmem>>, %arg10: memref<128x768xf32, #tpu.memory_space<vmem>>, %arg11: memref<128xi32, #tpu.memory_space<vmem>>, %arg12: memref<128xf32, #tpu.memory_space<vmem>>, %arg13: memref<80xi32, #tpu.memory_space<vmem>>, %arg14: memref<!tpu.dma_semaphore, #tpu.memory_space<semaphore_mem>>) attributes {dimension_semantics = [#tpu.dimension_semantics<core_parallel>, #tpu.dimension_semantics<subcore_parallel>], iteration_bounds = array<i64: 2, 16>, scalar_prefetch = 0 : i64, scratch_operands = 6 : i64, tpu.core_type = #tpu.core_type<sc_vector_subcore>, window_params = [{transform_indices = #map}, {transform_indices = #map}, {transform_indices = #map1}, {transform_indices = #map1}, {transform_indices = #map}, {transform_indices = #map}, {transform_indices = #map}]} {
    %mul3A = arith.constant 2 : i32
    %mul3A_0 = arith.muli %arg1, %mul3A : i32
    %add3A = arith.addi %mul3A_0, %arg0 : i32
    %mul3A_1 = arith.constant 128 : i32
    %mul3A_2 = arith.muli %add3A, %mul3A_1 : i32
    %jit3A = arith.constant 16 : i32
    %eq3A = arith.constant 0 : i32
    %eq3A_3 = arith.cmpi eq, %jit3A, %eq3A : i32
    %jit3A_4 = arith.constant 1 : i32
    %select_n3A = arith.select %eq3A_3, %jit3A_4, %jit3A : i32
    %rem3A = arith.remsi %add3A, %select_n3A : i32
    %ne3A = arith.constant 0 : i32
    %ne3A_5 = arith.cmpi ne, %rem3A, %ne3A : i32
    %lt3A = arith.constant 0 : i32
    %lt3A_6 = arith.cmpi slt, %rem3A, %lt3A : i32
    %lt3A_7 = arith.constant 0 : i32
    %lt3A_8 = arith.cmpi slt, %select_n3A, %lt3A_7 : i32
    %ne3A_9 = arith.xori %lt3A_6, %lt3A_8 : i1
    %and3A = arith.andi %ne3A_9, %ne3A_5 : i1
    %add3A_10 = arith.addi %rem3A, %select_n3A : i32
    %select_n3A_11 = arith.select %and3A, %add3A_10, %rem3A : i32
    %mul3A_12 = arith.constant 128 : i32
    %mul3A_13 = arith.muli %select_n3A_11, %mul3A_12 : i32
    "tpu.region"() ({
      %run_scoped3A = tpu.sem_alloc : memref<!tpu.dma_semaphore, #tpu.memory_space<semaphore_mem>>
      tpu.enqueue_dma source(%arg2 : memref<4096xi32, #tpu.memory_space<hbm>>) target(%arg9 : memref<4096xi32, #tpu.memory_space<vmem>>) target_semaphore(%run_scoped3A : memref<!tpu.dma_semaphore, #tpu.memory_space<semaphore_mem>>)
      tpu.wait_dma2 semaphore(%run_scoped3A : memref<!tpu.dma_semaphore, #tpu.memory_space<semaphore_mem>>) src(%arg2 : memref<4096xi32, #tpu.memory_space<hbm>>) dst(%arg9 : memref<4096xi32, #tpu.memory_space<vmem>>)
      tpu.yield
    }) : () -> ()
    %iota3A = tpu.iota {dimensions = array<i32: 0>} : vector<16xi32>
    %broadcast_in_dim3A = arith.constant 0 : i32
    %broadcast_in_dim3A_14 = vector.broadcast %broadcast_in_dim3A : i32 to vector<16xi32>
    %mul3A_15 = arith.constant 8 : i32
    %mul3A_16 = arith.muli %add3A, %mul3A_15 : i32
    %scan3A = arith.constant 0 : i32
    %scan3A_17 = arith.constant 256 : i32
    %scan3A_18 = arith.addi %scan3A, %scan3A_17 : i32
    %scan3A_19 = arith.constant 8 : i32
    %scan3A_20:8 = scf.for %scan3A_2615 = %scan3A to %scan3A_18 step %scan3A_19 iter_args(%scan3A_2616 = %broadcast_in_dim3A_14, %scan3A_2617 = %broadcast_in_dim3A_14, %scan3A_2618 = %broadcast_in_dim3A_14, %scan3A_2619 = %broadcast_in_dim3A_14, %scan3A_2620 = %broadcast_in_dim3A_14, %scan3A_2621 = %broadcast_in_dim3A_14, %scan3A_2622 = %broadcast_in_dim3A_14, %scan3A_2623 = %broadcast_in_dim3A_14) -> (vector<16xi32>, vector<16xi32>, vector<16xi32>, vector<16xi32>, vector<16xi32>, vector<16xi32>, vector<16xi32>, vector<16xi32>)  : i32 {
      %eq3A_2624 = arith.cmpi eq, %scan3A_2615, %mul3A_16 : i32
      %broadcast_in_dim3A_2625 = vector.broadcast %eq3A_2624 : i1 to vector<16xi1>
      %select_n3A_2626 = arith.select %broadcast_in_dim3A_2625, %scan3A_2616, %scan3A_2620 : vector<16xi1>, vector<16xi32>
      %select_n3A_2627 = arith.select %broadcast_in_dim3A_2625, %scan3A_2617, %scan3A_2621 : vector<16xi1>, vector<16xi32>
      %select_n3A_2628 = arith.select %broadcast_in_dim3A_2625, %scan3A_2618, %scan3A_2622 : vector<16xi1>, vector<16xi32>
      %select_n3A_2629 = arith.select %broadcast_in_dim3A_2625, %scan3A_2619, %scan3A_2623 : vector<16xi1>, vector<16xi32>
      %mul3A_2630 = arith.constant 16 : i32
      %mul3A_2631 = arith.muli %scan3A_2615, %mul3A_2630 : i32
      %get3A_2632 = arith.index_cast %mul3A_2631 : i32 to index
      %get3A_2633 = tpu.vector_load %arg9[%get3A_2632] {strides = array<i32>} : memref<4096xi32, #tpu.memory_space<vmem>>, vector<16xi32>,
      %and3A_2634 = arith.constant 1 : i32
      %and3A_2635 = vector.broadcast %and3A_2634 : i32 to vector<16xi32>
      %and3A_2636 = arith.andi %get3A_2633, %and3A_2635 : vector<16xi32>
      %shift_left3A = arith.constant 4 : i32
      %shift_left3A_2637 = vector.broadcast %shift_left3A : i32 to vector<16xi32>
      %shift_left3A_2638 = arith.shli %and3A_2636, %shift_left3A_2637 : vector<16xi32>
      %shift_left3A_2639 = arith.constant 1 : i32
      %shift_left3A_2640 = vector.broadcast %shift_left3A_2639 : i32 to vector<16xi32>
      %shift_left3A_2641 = arith.shli %shift_left3A_2640, %shift_left3A_2638 : vector<16xi32>
      %shift_right_logical3A_2642 = arith.constant 1 : i32
      %shift_right_logical3A_2643 = vector.broadcast %shift_right_logical3A_2642 : i32 to vector<16xi32>
      %shift_right_logical3A_2644 = arith.shrui %get3A_2633, %shift_right_logical3A_2643 : vector<16xi32>
      %eq3A_2645 = arith.constant 0 : i32
      %eq3A_2646 = vector.broadcast %eq3A_2645 : i32 to vector<16xi32>
      %eq3A_2647 = arith.cmpi eq, %shift_right_logical3A_2644, %eq3A_2646 : vector<16xi32>
      %jit3A_2648 = arith.constant 0 : i32
      %broadcast_in_dim3A_2649 = vector.broadcast %jit3A_2648 : i32 to vector<16xi32>
      %select_n3A_2650 = arith.select %eq3A_2647, %shift_left3A_2641, %broadcast_in_dim3A_2649 : vector<16xi1>, vector<16xi32>
      %add3A_2651 = arith.addi %scan3A_2616, %select_n3A_2650 : vector<16xi32>
      %eq3A_2652 = arith.constant 1 : i32
      %eq3A_2653 = vector.broadcast %eq3A_2652 : i32 to vector<16xi32>
      %eq3A_2654 = arith.cmpi eq, %shift_right_logical3A_2644, %eq3A_2653 : vector<16xi32>
      %jit3A_2655 = arith.constant 0 : i32
      %broadcast_in_dim3A_2656 = vector.broadcast %jit3A_2655 : i32 to vector<16xi32>
      %select_n3A_2657 = arith.select %eq3A_2654, %shift_left3A_2641, %broadcast_in_dim3A_2656 : vector<16xi1>, vector<16xi32>
      %add3A_2658 = arith.addi %scan3A_2617, %select_n3A_2657 : vector<16xi32>
      %eq3A_2659 = arith.constant 2 : i32
      %eq3A_2660 = vector.broadcast %eq3A_2659 : i32 to vector<16xi32>
      %eq3A_2661 = arith.cmpi eq, %shift_right_logical3A_2644, %eq3A_2660 : vector<16xi32>
      %jit3A_2662 = arith.constant 0 : i32
      %broadcast_in_dim3A_2663 = vector.broadcast %jit3A_2662 : i32 to vector<16xi32>
      %select_n3A_2664 = arith.select %eq3A_2661, %shift_left3A_2641, %broadcast_in_dim3A_2663 : vector<16xi1>, vector<16xi32>
      %add3A_2665 = arith.addi %scan3A_2618, %select_n3A_2664 : vector<16xi32>
      %eq3A_2666 = arith.constant 3 : i32
      %eq3A_2667 = vector.broadcast %eq3A_2666 : i32 to vector<16xi32>
      %eq3A_2668 = arith.cmpi eq, %shift_right_logical3A_2644, %eq3A_2667 : vector<16xi32>
      %jit3A_2669 = arith.constant 0 : i32
      %broadcast_in_dim3A_2670 = vector.broadcast %jit3A_2669 : i32 to vector<16xi32>
      %select_n3A_2671 = arith.select %eq3A_2668, %shift_left3A_2641, %broadcast_in_dim3A_2670 : vector<16xi1>, vector<16xi32>
      %add3A_2672 = arith.addi %scan3A_2619, %select_n3A_2671 : vector<16xi32>
      %scan3A_2673 = arith.constant 1 : i32
      %scan3A_2674 = arith.addi %scan3A_2615, %scan3A_2673 : i32
      %eq3A_2675 = arith.cmpi eq, %scan3A_2674, %mul3A_16 : i32
      %broadcast_in_dim3A_2676 = vector.broadcast %eq3A_2675 : i1 to vector<16xi1>
      %select_n3A_2677 = arith.select %broadcast_in_dim3A_2676, %add3A_2651, %select_n3A_2626 : vector<16xi1>, vector<16xi32>
      %select_n3A_2678 = arith.select %broadcast_in_dim3A_2676, %add3A_2658, %select_n3A_2627 : vector<16xi1>, vector<16xi32>
      %select_n3A_2679 = arith.select %broadcast_in_dim3A_2676, %add3A_2665, %select_n3A_2628 : vector<16xi1>, vector<16xi32>
      %select_n3A_2680 = arith.select %broadcast_in_dim3A_2676, %add3A_2672, %select_n3A_2629 : vector<16xi1>, vector<16xi32>
      %mul3A_2681 = arith.constant 16 : i32
      %mul3A_2682 = arith.muli %scan3A_2674, %mul3A_2681 : i32
      %get3A_2683 = arith.index_cast %mul3A_2682 : i32 to index
      %get3A_2684 = tpu.vector_load %arg9[%get3A_2683] {strides = array<i32>} : memref<4096xi32, #tpu.memory_space<vmem>>, vector<16xi32>,
      %and3A_2685 = arith.constant 1 : i32
      %and3A_2686 = vector.broadcast %and3A_2685 : i32 to vector<16xi32>
      %and3A_2687 = arith.andi %get3A_2684, %and3A_2686 : vector<16xi32>
      %shift_left3A_2688 = arith.constant 4 : i32
      %shift_left3A_2689 = vector.broadcast %shift_left3A_2688 : i32 to vector<16xi32>
      %shift_left3A_2690 = arith.shli %and3A_2687, %shift_left3A_2689 : vector<16xi32>
      %shift_left3A_2691 = arith.constant 1 : i32
      %shift_left3A_2692 = vector.broadcast %shift_left3A_2691 : i32 to vector<16xi32>
      %shift_left3A_2693 = arith.shli %shift_left3A_2692, %shift_left3A_2690 : vector<16xi32>
      %shift_right_logical3A_2694 = arith.constant 1 : i32
      %shift_right_logical3A_2695 = vector.broadcast %shift_right_logical3A_2694 : i32 to vector<16xi32>
      %shift_right_logical3A_2696 = arith.shrui %get3A_2684, %shift_right_logical3A_2695 : vector<16xi32>
      %eq3A_2697 = arith.constant 0 : i32
      %eq3A_2698 = vector.broadcast %eq3A_2697 : i32 to vector<16xi32>
      %eq3A_2699 = arith.cmpi eq, %shift_right_logical3A_2696, %eq3A_2698 : vector<16xi32>
      %jit3A_2700 = arith.constant 0 : i32
      %broadcast_in_dim3A_2701 = vector.broadcast %jit3A_2700 : i32 to vector<16xi32>
      %select_n3A_2702 = arith.select %eq3A_2699, %shift_left3A_2693, %broadcast_in_dim3A_2701 : vector<16xi1>, vector<16xi32>
      %add3A_2703 = arith.addi %add3A_2651, %select_n3A_2702 : vector<16xi32>
      %eq3A_2704 = arith.constant 1 : i32
      %eq3A_2705 = vector.broadcast %eq3A_2704 : i32 to vector<16xi32>
      %eq3A_2706 = arith.cmpi eq, %shift_right_logical3A_2696, %eq3A_2705 : vector<16xi32>
      %jit3A_2707 = arith.constant 0 : i32
      %broadcast_in_dim3A_2708 = vector.broadcast %jit3A_2707 : i32 to vector<16xi32>
      %select_n3A_2709 = arith.select %eq3A_2706, %shift_left3A_2693, %broadcast_in_dim3A_2708 : vector<16xi1>, vector<16xi32>
      %add3A_2710 = arith.addi %add3A_2658, %select_n3A_2709 : vector<16xi32>
      %eq3A_2711 = arith.constant 2 : i32
      %eq3A_2712 = vector.broadcast %eq3A_2711 : i32 to vector<16xi32>
      %eq3A_2713 = arith.cmpi eq, %shift_right_logical3A_2696, %eq3A_2712 : vector<16xi32>
      %jit3A_2714 = arith.constant 0 : i32
      %broadcast_in_dim3A_2715 = vector.broadcast %jit3A_2714 : i32 to vector<16xi32>
      %select_n3A_2716 = arith.select %eq3A_2713, %shift_left3A_2693, %broadcast_in_dim3A_2715 : vector<16xi1>, vector<16xi32>
      %add3A_2717 = arith.addi %add3A_2665, %select_n3A_2716 : vector<16xi32>
      %eq3A_2718 = arith.constant 3 : i32
      %eq3A_2719 = vector.broadcast %eq3A_2718 : i32 to vector<16xi32>
      %eq3A_2720 = arith.cmpi eq, %shift_right_logical3A_2696, %eq3A_2719 : vector<16xi32>
      %jit3A_2721 = arith.constant 0 : i32
      %broadcast_in_dim3A_2722 = vector.broadcast %jit3A_2721 : i32 to vector<16xi32>
      %select_n3A_2723 = arith.select %eq3A_2720, %shift_left3A_2693, %broadcast_in_dim3A_2722 : vector<16xi1>, vector<16xi32>
      %add3A_2724 = arith.addi %add3A_2672, %select_n3A_2723 : vector<16xi32>
      %scan3A_2725 = arith.constant 2 : i32
      %scan3A_2726 = arith.addi %scan3A_2615, %scan3A_2725 : i32
      %eq3A_2727 = arith.cmpi eq, %scan3A_2726, %mul3A_16 : i32
      %broadcast_in_dim3A_2728 = vector.broadcast %eq3A_2727 : i1 to vector<16xi1>
      %select_n3A_2729 = arith.select %broadcast_in_dim3A_2728, %add3A_2703, %select_n3A_2677 : vector<16xi1>, vector<16xi32>
      %select_n3A_2730 = arith.select %broadcast_in_dim3A_2728, %add3A_2710, %select_n3A_2678 : vector<16xi1>, vector<16xi32>
      %select_n3A_2731 = arith.select %broadcast_in_dim3A_2728, %add3A_2717, %select_n3A_2679 : vector<16xi1>, vector<16xi32>
      %select_n3A_2732 = arith.select %broadcast_in_dim3A_2728, %add3A_2724, %select_n3A_2680 : vector<16xi1>, vector<16xi32>
      %mul3A_2733 = arith.constant 16 : i32
      %mul3A_2734 = arith.muli %scan3A_2726, %mul3A_2733 : i32
      %get3A_2735 = arith.index_cast %mul3A_2734 : i32 to index
      %get3A_2736 = tpu.vector_load %arg9[%get3A_2735] {strides = array<i32>} : memref<4096xi32, #tpu.memory_space<vmem>>, vector<16xi32>,
      %and3A_2737 = arith.constant 1 : i32
      %and3A_2738 = vector.broadcast %and3A_2737 : i32 to vector<16xi32>
      %and3A_2739 = arith.andi %get3A_2736, %and3A_2738 : vector<16xi32>
      %shift_left3A_2740 = arith.constant 4 : i32
      %shift_left3A_2741 = vector.broadcast %shift_left3A_2740 : i32 to vector<16xi32>
      %shift_left3A_2742 = arith.shli %and3A_2739, %shift_left3A_2741 : vector<16xi32>
      %shift_left3A_2743 = arith.constant 1 : i32
      %shift_left3A_2744 = vector.broadcast %shift_left3A_2743 : i32 to vector<16xi32>
      %shift_left3A_2745 = arith.shli %shift_left3A_2744, %shift_left3A_2742 : vector<16xi32>
      %shift_right_logical3A_2746 = arith.constant 1 : i32
      %shift_right_logical3A_2747 = vector.broadcast %shift_right_logical3A_2746 : i32 to vector<16xi32>
      %shift_right_logical3A_2748 = arith.shrui %get3A_2736, %shift_right_logical3A_2747 : vector<16xi32>
      %eq3A_2749 = arith.constant 0 : i32
      %eq3A_2750 = vector.broadcast %eq3A_2749 : i32 to vector<16xi32>
      %eq3A_2751 = arith.cmpi eq, %shift_right_logical3A_2748, %eq3A_2750 : vector<16xi32>
      %jit3A_2752 = arith.constant 0 : i32
      %broadcast_in_dim3A_2753 = vector.broadcast %jit3A_2752 : i32 to vector<16xi32>
      %select_n3A_2754 = arith.select %eq3A_2751, %shift_left3A_2745, %broadcast_in_dim3A_2753 : vector<16xi1>, vector<16xi32>
      %add3A_2755 = arith.addi %add3A_2703, %select_n3A_2754 : vector<16xi32>
      %eq3A_2756 = arith.constant 1 : i32
      %eq3A_2757 = vector.broadcast %eq3A_2756 : i32 to vector<16xi32>
      %eq3A_2758 = arith.cmpi eq, %shift_right_logical3A_2748, %eq3A_2757 : vector<16xi32>
      %jit3A_2759 = arith.constant 0 : i32
      %broadcast_in_dim3A_2760 = vector.broadcast %jit3A_2759 : i32 to vector<16xi32>
      %select_n3A_2761 = arith.select %eq3A_2758, %shift_left3A_2745, %broadcast_in_dim3A_2760 : vector<16xi1>, vector<16xi32>
      %add3A_2762 = arith.addi %add3A_2710, %select_n3A_2761 : vector<16xi32>
      %eq3A_2763 = arith.constant 2 : i32
      %eq3A_2764 = vector.broadcast %eq3A_2763 : i32 to vector<16xi32>
      %eq3A_2765 = arith.cmpi eq, %shift_right_logical3A_2748, %eq3A_2764 : vector<16xi32>
      %jit3A_2766 = arith.constant 0 : i32
      %broadcast_in_dim3A_2767 = vector.broadcast %jit3A_2766 : i32 to vector<16xi32>
      %select_n3A_2768 = arith.select %eq3A_2765, %shift_left3A_2745, %broadcast_in_dim3A_2767 : vector<16xi1>, vector<16xi32>
      %add3A_2769 = arith.addi %add3A_2717, %select_n3A_2768 : vector<16xi32>
      %eq3A_2770 = arith.constant 3 : i32
      %eq3A_2771 = vector.broadcast %eq3A_2770 : i32 to vector<16xi32>
      %eq3A_2772 = arith.cmpi eq, %shift_right_logical3A_2748, %eq3A_2771 : vector<16xi32>
      %jit3A_2773 = arith.constant 0 : i32
      %broadcast_in_dim3A_2774 = vector.broadcast %jit3A_2773 : i32 to vector<16xi32>
      %select_n3A_2775 = arith.select %eq3A_2772, %shift_left3A_2745, %broadcast_in_dim3A_2774 : vector<16xi1>, vector<16xi32>
      %add3A_2776 = arith.addi %add3A_2724, %select_n3A_2775 : vector<16xi32>
      %scan3A_2777 = arith.constant 3 : i32
      %scan3A_2778 = arith.addi %scan3A_2615, %scan3A_2777 : i32
      %eq3A_2779 = arith.cmpi eq, %scan3A_2778, %mul3A_16 : i32
      %broadcast_in_dim3A_2780 = vector.broadcast %eq3A_2779 : i1 to vector<16xi1>
      %select_n3A_2781 = arith.select %broadcast_in_dim3A_2780, %add3A_2755, %select_n3A_2729 : vector<16xi1>, vector<16xi32>
      %select_n3A_2782 = arith.select %broadcast_in_dim3A_2780, %add3A_2762, %select_n3A_2730 : vector<16xi1>, vector<16xi32>
      %select_n3A_2783 = arith.select %broadcast_in_dim3A_2780, %add3A_2769, %select_n3A_2731 : vector<16xi1>, vector<16xi32>
      %select_n3A_2784 = arith.select %broadcast_in_dim3A_2780, %add3A_2776, %select_n3A_2732 : vector<16xi1>, vector<16xi32>
      %mul3A_2785 = arith.constant 16 : i32
      %mul3A_2786 = arith.muli %scan3A_2778, %mul3A_2785 : i32
      %get3A_2787 = arith.index_cast %mul3A_2786 : i32 to index
      %get3A_2788 = tpu.vector_load %arg9[%get3A_2787] {strides = array<i32>} : memref<4096xi32, #tpu.memory_space<vmem>>, vector<16xi32>,
      %and3A_2789 = arith.constant 1 : i32
      %and3A_2790 = vector.broadcast %and3A_2789 : i32 to vector<16xi32>
      %and3A_2791 = arith.andi %get3A_2788, %and3A_2790 : vector<16xi32>
      %shift_left3A_2792 = arith.constant 4 : i32
      %shift_left3A_2793 = vector.broadcast %shift_left3A_2792 : i32 to vector<16xi32>
      %shift_left3A_2794 = arith.shli %and3A_2791, %shift_left3A_2793 : vector<16xi32>
      %shift_left3A_2795 = arith.constant 1 : i32
      %shift_left3A_2796 = vector.broadcast %shift_left3A_2795 : i32 to vector<16xi32>
      %shift_left3A_2797 = arith.shli %shift_left3A_2796, %shift_left3A_2794 : vector<16xi32>
      %shift_right_logical3A_2798 = arith.constant 1 : i32
      %shift_right_logical3A_2799 = vector.broadcast %shift_right_logical3A_2798 : i32 to vector<16xi32>
      %shift_right_logical3A_2800 = arith.shrui %get3A_2788, %shift_right_logical3A_2799 : vector<16xi32>
      %eq3A_2801 = arith.constant 0 : i32
      %eq3A_2802 = vector.broadcast %eq3A_2801 : i32 to vector<16xi32>
      %eq3A_2803 = arith.cmpi eq, %shift_right_logical3A_2800, %eq3A_2802 : vector<16xi32>
      %jit3A_2804 = arith.constant 0 : i32
      %broadcast_in_dim3A_2805 = vector.broadcast %jit3A_2804 : i32 to vector<16xi32>
      %select_n3A_2806 = arith.select %eq3A_2803, %shift_left3A_2797, %broadcast_in_dim3A_2805 : vector<16xi1>, vector<16xi32>
      %add3A_2807 = arith.addi %add3A_2755, %select_n3A_2806 : vector<16xi32>
      %eq3A_2808 = arith.constant 1 : i32
      %eq3A_2809 = vector.broadcast %eq3A_2808 : i32 to vector<16xi32>
      %eq3A_2810 = arith.cmpi eq, %shift_right_logical3A_2800, %eq3A_2809 : vector<16xi32>
      %jit3A_2811 = arith.constant 0 : i32
      %broadcast_in_dim3A_2812 = vector.broadcast %jit3A_2811 : i32 to vector<16xi32>
      %select_n3A_2813 = arith.select %eq3A_2810, %shift_left3A_2797, %broadcast_in_dim3A_2812 : vector<16xi1>, vector<16xi32>
      %add3A_2814 = arith.addi %add3A_2762, %select_n3A_2813 : vector<16xi32>
      %eq3A_2815 = arith.constant 2 : i32
      %eq3A_2816 = vector.broadcast %eq3A_2815 : i32 to vector<16xi32>
      %eq3A_2817 = arith.cmpi eq, %shift_right_logical3A_2800, %eq3A_2816 : vector<16xi32>
      %jit3A_2818 = arith.constant 0 : i32
      %broadcast_in_dim3A_2819 = vector.broadcast %jit3A_2818 : i32 to vector<16xi32>
      %select_n3A_2820 = arith.select %eq3A_2817, %shift_left3A_2797, %broadcast_in_dim3A_2819 : vector<16xi1>, vector<16xi32>
      %add3A_2821 = arith.addi %add3A_2769, %select_n3A_2820 : vector<16xi32>
      %eq3A_2822 = arith.constant 3 : i32
      %eq3A_2823 = vector.broadcast %eq3A_2822 : i32 to vector<16xi32>
      %eq3A_2824 = arith.cmpi eq, %shift_right_logical3A_2800, %eq3A_2823 : vector<16xi32>
      %jit3A_2825 = arith.constant 0 : i32
      %broadcast_in_dim3A_2826 = vector.broadcast %jit3A_2825 : i32 to vector<16xi32>
      %select_n3A_2827 = arith.select %eq3A_2824, %shift_left3A_2797, %broadcast_in_dim3A_2826 : vector<16xi1>, vector<16xi32>
      %add3A_2828 = arith.addi %add3A_2776, %select_n3A_2827 : vector<16xi32>
      %scan3A_2829 = arith.constant 4 : i32
      %scan3A_2830 = arith.addi %scan3A_2615, %scan3A_2829 : i32
      %eq3A_2831 = arith.cmpi eq, %scan3A_2830, %mul3A_16 : i32
      %broadcast_in_dim3A_2832 = vector.broadcast %eq3A_2831 : i1 to vector<16xi1>
      %select_n3A_2833 = arith.select %broadcast_in_dim3A_2832, %add3A_2807, %select_n3A_2781 : vector<16xi1>, vector<16xi32>
      %select_n3A_2834 = arith.select %broadcast_in_dim3A_2832, %add3A_2814, %select_n3A_2782 : vector<16xi1>, vector<16xi32>
      %select_n3A_2835 = arith.select %broadcast_in_dim3A_2832, %add3A_2821, %select_n3A_2783 : vector<16xi1>, vector<16xi32>
      %select_n3A_2836 = arith.select %broadcast_in_dim3A_2832, %add3A_2828, %select_n3A_2784 : vector<16xi1>, vector<16xi32>
      %mul3A_2837 = arith.constant 16 : i32
      %mul3A_2838 = arith.muli %scan3A_2830, %mul3A_2837 : i32
      %get3A_2839 = arith.index_cast %mul3A_2838 : i32 to index
      %get3A_2840 = tpu.vector_load %arg9[%get3A_2839] {strides = array<i32>} : memref<4096xi32, #tpu.memory_space<vmem>>, vector<16xi32>,
      %and3A_2841 = arith.constant 1 : i32
      %and3A_2842 = vector.broadcast %and3A_2841 : i32 to vector<16xi32>
      %and3A_2843 = arith.andi %get3A_2840, %and3A_2842 : vector<16xi32>
      %shift_left3A_2844 = arith.constant 4 : i32
      %shift_left3A_2845 = vector.broadcast %shift_left3A_2844 : i32 to vector<16xi32>
      %shift_left3A_2846 = arith.shli %and3A_2843, %shift_left3A_2845 : vector<16xi32>
      %shift_left3A_2847 = arith.constant 1 : i32
      %shift_left3A_2848 = vector.broadcast %shift_left3A_2847 : i32 to vector<16xi32>
      %shift_left3A_2849 = arith.shli %shift_left3A_2848, %shift_left3A_2846 : vector<16xi32>
      %shift_right_logical3A_2850 = arith.constant 1 : i32
      %shift_right_logical3A_2851 = vector.broadcast %shift_right_logical3A_2850 : i32 to vector<16xi32>
      %shift_right_logical3A_2852 = arith.shrui %get3A_2840, %shift_right_logical3A_2851 : vector<16xi32>
      %eq3A_2853 = arith.constant 0 : i32
      %eq3A_2854 = vector.broadcast %eq3A_2853 : i32 to vector<16xi32>
      %eq3A_2855 = arith.cmpi eq, %shift_right_logical3A_2852, %eq3A_2854 : vector<16xi32>
      %jit3A_2856 = arith.constant 0 : i32
      %broadcast_in_dim3A_2857 = vector.broadcast %jit3A_2856 : i32 to vector<16xi32>
      %select_n3A_2858 = arith.select %eq3A_2855, %shift_left3A_2849, %broadcast_in_dim3A_2857 : vector<16xi1>, vector<16xi32>
      %add3A_2859 = arith.addi %add3A_2807, %select_n3A_2858 : vector<16xi32>
      %eq3A_2860 = arith.constant 1 : i32
      %eq3A_2861 = vector.broadcast %eq3A_2860 : i32 to vector<16xi32>
      %eq3A_2862 = arith.cmpi eq, %shift_right_logical3A_2852, %eq3A_2861 : vector<16xi32>
      %jit3A_2863 = arith.constant 0 : i32
      %broadcast_in_dim3A_2864 = vector.broadcast %jit3A_2863 : i32 to vector<16xi32>
      %select_n3A_2865 = arith.select %eq3A_2862, %shift_left3A_2849, %broadcast_in_dim3A_2864 : vector<16xi1>, vector<16xi32>
      %add3A_2866 = arith.addi %add3A_2814, %select_n3A_2865 : vector<16xi32>
      %eq3A_2867 = arith.constant 2 : i32
      %eq3A_2868 = vector.broadcast %eq3A_2867 : i32 to vector<16xi32>
      %eq3A_2869 = arith.cmpi eq, %shift_right_logical3A_2852, %eq3A_2868 : vector<16xi32>
      %jit3A_2870 = arith.constant 0 : i32
      %broadcast_in_dim3A_2871 = vector.broadcast %jit3A_2870 : i32 to vector<16xi32>
      %select_n3A_2872 = arith.select %eq3A_2869, %shift_left3A_2849, %broadcast_in_dim3A_2871 : vector<16xi1>, vector<16xi32>
      %add3A_2873 = arith.addi %add3A_2821, %select_n3A_2872 : vector<16xi32>
      %eq3A_2874 = arith.constant 3 : i32
      %eq3A_2875 = vector.broadcast %eq3A_2874 : i32 to vector<16xi32>
      %eq3A_2876 = arith.cmpi eq, %shift_right_logical3A_2852, %eq3A_2875 : vector<16xi32>
      %jit3A_2877 = arith.constant 0 : i32
      %broadcast_in_dim3A_2878 = vector.broadcast %jit3A_2877 : i32 to vector<16xi32>
      %select_n3A_2879 = arith.select %eq3A_2876, %shift_left3A_2849, %broadcast_in_dim3A_2878 : vector<16xi1>, vector<16xi32>
      %add3A_2880 = arith.addi %add3A_2828, %select_n3A_2879 : vector<16xi32>
      %scan3A_2881 = arith.constant 5 : i32
      %scan3A_2882 = arith.addi %scan3A_2615, %scan3A_2881 : i32
      %eq3A_2883 = arith.cmpi eq, %scan3A_2882, %mul3A_16 : i32
      %broadcast_in_dim3A_2884 = vector.broadcast %eq3A_2883 : i1 to vector<16xi1>
      %select_n3A_2885 = arith.select %broadcast_in_dim3A_2884, %add3A_2859, %select_n3A_2833 : vector<16xi1>, vector<16xi32>
      %select_n3A_2886 = arith.select %broadcast_in_dim3A_2884, %add3A_2866, %select_n3A_2834 : vector<16xi1>, vector<16xi32>
      %select_n3A_2887 = arith.select %broadcast_in_dim3A_2884, %add3A_2873, %select_n3A_2835 : vector<16xi1>, vector<16xi32>
      %select_n3A_2888 = arith.select %broadcast_in_dim3A_2884, %add3A_2880, %select_n3A_2836 : vector<16xi1>, vector<16xi32>
      %mul3A_2889 = arith.constant 16 : i32
      %mul3A_2890 = arith.muli %scan3A_2882, %mul3A_2889 : i32
      %get3A_2891 = arith.index_cast %mul3A_2890 : i32 to index
      %get3A_2892 = tpu.vector_load %arg9[%get3A_2891] {strides = array<i32>} : memref<4096xi32, #tpu.memory_space<vmem>>, vector<16xi32>,
      %and3A_2893 = arith.constant 1 : i32
      %and3A_2894 = vector.broadcast %and3A_2893 : i32 to vector<16xi32>
      %and3A_2895 = arith.andi %get3A_2892, %and3A_2894 : vector<16xi32>
      %shift_left3A_2896 = arith.constant 4 : i32
      %shift_left3A_2897 = vector.broadcast %shift_left3A_2896 : i32 to vector<16xi32>
      %shift_left3A_2898 = arith.shli %and3A_2895, %shift_left3A_2897 : vector<16xi32>
      %shift_left3A_2899 = arith.constant 1 : i32
      %shift_left3A_2900 = vector.broadcast %shift_left3A_2899 : i32 to vector<16xi32>
      %shift_left3A_2901 = arith.shli %shift_left3A_2900, %shift_left3A_2898 : vector<16xi32>
      %shift_right_logical3A_2902 = arith.constant 1 : i32
      %shift_right_logical3A_2903 = vector.broadcast %shift_right_logical3A_2902 : i32 to vector<16xi32>
      %shift_right_logical3A_2904 = arith.shrui %get3A_2892, %shift_right_logical3A_2903 : vector<16xi32>
      %eq3A_2905 = arith.constant 0 : i32
      %eq3A_2906 = vector.broadcast %eq3A_2905 : i32 to vector<16xi32>
      %eq3A_2907 = arith.cmpi eq, %shift_right_logical3A_2904, %eq3A_2906 : vector<16xi32>
      %jit3A_2908 = arith.constant 0 : i32
      %broadcast_in_dim3A_2909 = vector.broadcast %jit3A_2908 : i32 to vector<16xi32>
      %select_n3A_2910 = arith.select %eq3A_2907, %shift_left3A_2901, %broadcast_in_dim3A_2909 : vector<16xi1>, vector<16xi32>
      %add3A_2911 = arith.addi %add3A_2859, %select_n3A_2910 : vector<16xi32>
      %eq3A_2912 = arith.constant 1 : i32
      %eq3A_2913 = vector.broadcast %eq3A_2912 : i32 to vector<16xi32>
      %eq3A_2914 = arith.cmpi eq, %shift_right_logical3A_2904, %eq3A_2913 : vector<16xi32>
      %jit3A_2915 = arith.constant 0 : i32
      %broadcast_in_dim3A_2916 = vector.broadcast %jit3A_2915 : i32 to vector<16xi32>
      %select_n3A_2917 = arith.select %eq3A_2914, %shift_left3A_2901, %broadcast_in_dim3A_2916 : vector<16xi1>, vector<16xi32>
      %add3A_2918 = arith.addi %add3A_2866, %select_n3A_2917 : vector<16xi32>
      %eq3A_2919 = arith.constant 2 : i32
      %eq3A_2920 = vector.broadcast %eq3A_2919 : i32 to vector<16xi32>
      %eq3A_2921 = arith.cmpi eq, %shift_right_logical3A_2904, %eq3A_2920 : vector<16xi32>
      %jit3A_2922 = arith.constant 0 : i32
      %broadcast_in_dim3A_2923 = vector.broadcast %jit3A_2922 : i32 to vector<16xi32>
      %select_n3A_2924 = arith.select %eq3A_2921, %shift_left3A_2901, %broadcast_in_dim3A_2923 : vector<16xi1>, vector<16xi32>
      %add3A_2925 = arith.addi %add3A_2873, %select_n3A_2924 : vector<16xi32>
      %eq3A_2926 = arith.constant 3 : i32
      %eq3A_2927 = vector.broadcast %eq3A_2926 : i32 to vector<16xi32>
      %eq3A_2928 = arith.cmpi eq, %shift_right_logical3A_2904, %eq3A_2927 : vector<16xi32>
      %jit3A_2929 = arith.constant 0 : i32
      %broadcast_in_dim3A_2930 = vector.broadcast %jit3A_2929 : i32 to vector<16xi32>
      %select_n3A_2931 = arith.select %eq3A_2928, %shift_left3A_2901, %broadcast_in_dim3A_2930 : vector<16xi1>, vector<16xi32>
      %add3A_2932 = arith.addi %add3A_2880, %select_n3A_2931 : vector<16xi32>
      %scan3A_2933 = arith.constant 6 : i32
      %scan3A_2934 = arith.addi %scan3A_2615, %scan3A_2933 : i32
      %eq3A_2935 = arith.cmpi eq, %scan3A_2934, %mul3A_16 : i32
      %broadcast_in_dim3A_2936 = vector.broadcast %eq3A_2935 : i1 to vector<16xi1>
      %select_n3A_2937 = arith.select %broadcast_in_dim3A_2936, %add3A_2911, %select_n3A_2885 : vector<16xi1>, vector<16xi32>
      %select_n3A_2938 = arith.select %broadcast_in_dim3A_2936, %add3A_2918, %select_n3A_2886 : vector<16xi1>, vector<16xi32>
      %select_n3A_2939 = arith.select %broadcast_in_dim3A_2936, %add3A_2925, %select_n3A_2887 : vector<16xi1>, vector<16xi32>
      %select_n3A_2940 = arith.select %broadcast_in_dim3A_2936, %add3A_2932, %select_n3A_2888 : vector<16xi1>, vector<16xi32>
      %mul3A_2941 = arith.constant 16 : i32
      %mul3A_2942 = arith.muli %scan3A_2934, %mul3A_2941 : i32
      %get3A_2943 = arith.index_cast %mul3A_2942 : i32 to index
      %get3A_2944 = tpu.vector_load %arg9[%get3A_2943] {strides = array<i32>} : memref<4096xi32, #tpu.memory_space<vmem>>, vector<16xi32>,
      %and3A_2945 = arith.constant 1 : i32
      %and3A_2946 = vector.broadcast %and3A_2945 : i32 to vector<16xi32>
      %and3A_2947 = arith.andi %get3A_2944, %and3A_2946 : vector<16xi32>
      %shift_left3A_2948 = arith.constant 4 : i32
      %shift_left3A_2949 = vector.broadcast %shift_left3A_2948 : i32 to vector<16xi32>
      %shift_left3A_2950 = arith.shli %and3A_2947, %shift_left3A_2949 : vector<16xi32>
      %shift_left3A_2951 = arith.constant 1 : i32
      %shift_left3A_2952 = vector.broadcast %shift_left3A_2951 : i32 to vector<16xi32>
      %shift_left3A_2953 = arith.shli %shift_left3A_2952, %shift_left3A_2950 : vector<16xi32>
      %shift_right_logical3A_2954 = arith.constant 1 : i32
      %shift_right_logical3A_2955 = vector.broadcast %shift_right_logical3A_2954 : i32 to vector<16xi32>
      %shift_right_logical3A_2956 = arith.shrui %get3A_2944, %shift_right_logical3A_2955 : vector<16xi32>
      %eq3A_2957 = arith.constant 0 : i32
      %eq3A_2958 = vector.broadcast %eq3A_2957 : i32 to vector<16xi32>
      %eq3A_2959 = arith.cmpi eq, %shift_right_logical3A_2956, %eq3A_2958 : vector<16xi32>
      %jit3A_2960 = arith.constant 0 : i32
      %broadcast_in_dim3A_2961 = vector.broadcast %jit3A_2960 : i32 to vector<16xi32>
      %select_n3A_2962 = arith.select %eq3A_2959, %shift_left3A_2953, %broadcast_in_dim3A_2961 : vector<16xi1>, vector<16xi32>
      %add3A_2963 = arith.addi %add3A_2911, %select_n3A_2962 : vector<16xi32>
      %eq3A_2964 = arith.constant 1 : i32
      %eq3A_2965 = vector.broadcast %eq3A_2964 : i32 to vector<16xi32>
      %eq3A_2966 = arith.cmpi eq, %shift_right_logical3A_2956, %eq3A_2965 : vector<16xi32>
      %jit3A_2967 = arith.constant 0 : i32
      %broadcast_in_dim3A_2968 = vector.broadcast %jit3A_2967 : i32 to vector<16xi32>
      %select_n3A_2969 = arith.select %eq3A_2966, %shift_left3A_2953, %broadcast_in_dim3A_2968 : vector<16xi1>, vector<16xi32>
      %add3A_2970 = arith.addi %add3A_2918, %select_n3A_2969 : vector<16xi32>
      %eq3A_2971 = arith.constant 2 : i32
      %eq3A_2972 = vector.broadcast %eq3A_2971 : i32 to vector<16xi32>
      %eq3A_2973 = arith.cmpi eq, %shift_right_logical3A_2956, %eq3A_2972 : vector<16xi32>
      %jit3A_2974 = arith.constant 0 : i32
      %broadcast_in_dim3A_2975 = vector.broadcast %jit3A_2974 : i32 to vector<16xi32>
      %select_n3A_2976 = arith.select %eq3A_2973, %shift_left3A_2953, %broadcast_in_dim3A_2975 : vector<16xi1>, vector<16xi32>
      %add3A_2977 = arith.addi %add3A_2925, %select_n3A_2976 : vector<16xi32>
      %eq3A_2978 = arith.constant 3 : i32
      %eq3A_2979 = vector.broadcast %eq3A_2978 : i32 to vector<16xi32>
      %eq3A_2980 = arith.cmpi eq, %shift_right_logical3A_2956, %eq3A_2979 : vector<16xi32>
      %jit3A_2981 = arith.constant 0 : i32
      %broadcast_in_dim3A_2982 = vector.broadcast %jit3A_2981 : i32 to vector<16xi32>
      %select_n3A_2983 = arith.select %eq3A_2980, %shift_left3A_2953, %broadcast_in_dim3A_2982 : vector<16xi1>, vector<16xi32>
      %add3A_2984 = arith.addi %add3A_2932, %select_n3A_2983 : vector<16xi32>
      %scan3A_2985 = arith.constant 7 : i32
      %scan3A_2986 = arith.addi %scan3A_2615, %scan3A_2985 : i32
      %eq3A_2987 = arith.cmpi eq, %scan3A_2986, %mul3A_16 : i32
      %broadcast_in_dim3A_2988 = vector.broadcast %eq3A_2987 : i1 to vector<16xi1>
      %select_n3A_2989 = arith.select %broadcast_in_dim3A_2988, %add3A_2963, %select_n3A_2937 : vector<16xi1>, vector<16xi32>
      %select_n3A_2990 = arith.select %broadcast_in_dim3A_2988, %add3A_2970, %select_n3A_2938 : vector<16xi1>, vector<16xi32>
      %select_n3A_2991 = arith.select %broadcast_in_dim3A_2988, %add3A_2977, %select_n3A_2939 : vector<16xi1>, vector<16xi32>
      %select_n3A_2992 = arith.select %broadcast_in_dim3A_2988, %add3A_2984, %select_n3A_2940 : vector<16xi1>, vector<16xi32>
      %mul3A_2993 = arith.constant 16 : i32
      %mul3A_2994 = arith.muli %scan3A_2986, %mul3A_2993 : i32
      %get3A_2995 = arith.index_cast %mul3A_2994 : i32 to index
      %get3A_2996 = tpu.vector_load %arg9[%get3A_2995] {strides = array<i32>} : memref<4096xi32, #tpu.memory_space<vmem>>, vector<16xi32>,
      %and3A_2997 = arith.constant 1 : i32
      %and3A_2998 = vector.broadcast %and3A_2997 : i32 to vector<16xi32>
      %and3A_2999 = arith.andi %get3A_2996, %and3A_2998 : vector<16xi32>
      %shift_left3A_3000 = arith.constant 4 : i32
      %shift_left3A_3001 = vector.broadcast %shift_left3A_3000 : i32 to vector<16xi32>
      %shift_left3A_3002 = arith.shli %and3A_2999, %shift_left3A_3001 : vector<16xi32>
      %shift_left3A_3003 = arith.constant 1 : i32
      %shift_left3A_3004 = vector.broadcast %shift_left3A_3003 : i32 to vector<16xi32>
      %shift_left3A_3005 = arith.shli %shift_left3A_3004, %shift_left3A_3002 : vector<16xi32>
      %shift_right_logical3A_3006 = arith.constant 1 : i32
      %shift_right_logical3A_3007 = vector.broadcast %shift_right_logical3A_3006 : i32 to vector<16xi32>
      %shift_right_logical3A_3008 = arith.shrui %get3A_2996, %shift_right_logical3A_3007 : vector<16xi32>
      %eq3A_3009 = arith.constant 0 : i32
      %eq3A_3010 = vector.broadcast %eq3A_3009 : i32 to vector<16xi32>
      %eq3A_3011 = arith.cmpi eq, %shift_right_logical3A_3008, %eq3A_3010 : vector<16xi32>
      %jit3A_3012 = arith.constant 0 : i32
      %broadcast_in_dim3A_3013 = vector.broadcast %jit3A_3012 : i32 to vector<16xi32>
      %select_n3A_3014 = arith.select %eq3A_3011, %shift_left3A_3005, %broadcast_in_dim3A_3013 : vector<16xi1>, vector<16xi32>
      %add3A_3015 = arith.addi %add3A_2963, %select_n3A_3014 : vector<16xi32>
      %eq3A_3016 = arith.constant 1 : i32
      %eq3A_3017 = vector.broadcast %eq3A_3016 : i32 to vector<16xi32>
      %eq3A_3018 = arith.cmpi eq, %shift_right_logical3A_3008, %eq3A_3017 : vector<16xi32>
      %jit3A_3019 = arith.constant 0 : i32
      %broadcast_in_dim3A_3020 = vector.broadcast %jit3A_3019 : i32 to vector<16xi32>
      %select_n3A_3021 = arith.select %eq3A_3018, %shift_left3A_3005, %broadcast_in_dim3A_3020 : vector<16xi1>, vector<16xi32>
      %add3A_3022 = arith.addi %add3A_2970, %select_n3A_3021 : vector<16xi32>
      %eq3A_3023 = arith.constant 2 : i32
      %eq3A_3024 = vector.broadcast %eq3A_3023 : i32 to vector<16xi32>
      %eq3A_3025 = arith.cmpi eq, %shift_right_logical3A_3008, %eq3A_3024 : vector<16xi32>
      %jit3A_3026 = arith.constant 0 : i32
      %broadcast_in_dim3A_3027 = vector.broadcast %jit3A_3026 : i32 to vector<16xi32>
      %select_n3A_3028 = arith.select %eq3A_3025, %shift_left3A_3005, %broadcast_in_dim3A_3027 : vector<16xi1>, vector<16xi32>
      %add3A_3029 = arith.addi %add3A_2977, %select_n3A_3028 : vector<16xi32>
      %eq3A_3030 = arith.constant 3 : i32
      %eq3A_3031 = vector.broadcast %eq3A_3030 : i32 to vector<16xi32>
      %eq3A_3032 = arith.cmpi eq, %shift_right_logical3A_3008, %eq3A_3031 : vector<16xi32>
      %jit3A_3033 = arith.constant 0 : i32
      %broadcast_in_dim3A_3034 = vector.broadcast %jit3A_3033 : i32 to vector<16xi32>
      %select_n3A_3035 = arith.select %eq3A_3032, %shift_left3A_3005, %broadcast_in_dim3A_3034 : vector<16xi1>, vector<16xi32>
      %add3A_3036 = arith.addi %add3A_2984, %select_n3A_3035 : vector<16xi32>
      scf.yield %add3A_3015, %add3A_3022, %add3A_3029, %add3A_3036, %select_n3A_2989, %select_n3A_2990, %select_n3A_2991, %select_n3A_2992 : vector<16xi32>, vector<16xi32>, vector<16xi32>, vector<16xi32>, vector<16xi32>, vector<16xi32>, vector<16xi32>, vector<16xi32>
    }
    %scan3A_21 = arith.constant 256 : i32
    %shift_right_logical3A = arith.constant 0 : i32
    %shift_right_logical3A_22 = vector.broadcast %shift_right_logical3A : i32 to vector<16xi32>
    %shift_right_logical3A_23 = arith.shrui %scan3A_20#0, %shift_right_logical3A_22 : vector<16xi32>
    %and3A_24 = arith.constant 65535 : i32
    %and3A_25 = vector.broadcast %and3A_24 : i32 to vector<16xi32>
    %and3A_26 = arith.andi %shift_right_logical3A_23, %and3A_25 : vector<16xi32>
    %reduce_sum3A = arith.constant true
    %reduce_sum3A_27 = vector.broadcast %reduce_sum3A : i1 to vector<16xi1>
    %reduce_sum3A_28 = tpu.scan <sum>, %and3A_26 masked %reduce_sum3A_27 : vector<16xi32>, vector<16xi1> -> vector<16xi32>
    %reduce_sum3A_29 = vector.extract %reduce_sum3A_28[15] : i32 from vector<16xi32>
    %shift_right_logical3A_30 = arith.constant 0 : i32
    %shift_right_logical3A_31 = vector.broadcast %shift_right_logical3A_30 : i32 to vector<16xi32>
    %shift_right_logical3A_32 = arith.shrui %scan3A_20#4, %shift_right_logical3A_31 : vector<16xi32>
    %and3A_33 = arith.constant 65535 : i32
    %and3A_34 = vector.broadcast %and3A_33 : i32 to vector<16xi32>
    %and3A_35 = arith.andi %shift_right_logical3A_32, %and3A_34 : vector<16xi32>
    %reduce_sum3A_36 = arith.constant true
    %reduce_sum3A_37 = vector.broadcast %reduce_sum3A_36 : i1 to vector<16xi1>
    %reduce_sum3A_38 = tpu.scan <sum>, %and3A_35 masked %reduce_sum3A_37 : vector<16xi32>, vector<16xi1> -> vector<16xi32>
    %reduce_sum3A_39 = vector.extract %reduce_sum3A_38[15] : i32 from vector<16xi32>
    %eq3A_40 = arith.constant 0 : i32
    %eq3A_41 = vector.broadcast %eq3A_40 : i32 to vector<16xi32>
    %eq3A_42 = arith.cmpi eq, %iota3A, %eq3A_41 : vector<16xi32>
    %jit3A_43 = arith.constant 0 : i32
    %broadcast_in_dim3A_44 = vector.broadcast %reduce_sum3A_29 : i32 to vector<16xi32>
    %broadcast_in_dim3A_45 = vector.broadcast %jit3A_43 : i32 to vector<16xi32>
    %select_n3A_46 = arith.select %eq3A_42, %broadcast_in_dim3A_44, %broadcast_in_dim3A_45 : vector<16xi1>, vector<16xi32>
    %add3A_47 = arith.addi %broadcast_in_dim3A_14, %select_n3A_46 : vector<16xi32>
    %eq3A_48 = arith.constant 0 : i32
    %eq3A_49 = vector.broadcast %eq3A_48 : i32 to vector<16xi32>
    %eq3A_50 = arith.cmpi eq, %iota3A, %eq3A_49 : vector<16xi32>
    %jit3A_51 = arith.constant 0 : i32
    %broadcast_in_dim3A_52 = vector.broadcast %reduce_sum3A_39 : i32 to vector<16xi32>
    %broadcast_in_dim3A_53 = vector.broadcast %jit3A_51 : i32 to vector<16xi32>
    %select_n3A_54 = arith.select %eq3A_50, %broadcast_in_dim3A_52, %broadcast_in_dim3A_53 : vector<16xi1>, vector<16xi32>
    %add3A_55 = arith.addi %broadcast_in_dim3A_14, %select_n3A_54 : vector<16xi32>
    %shift_right_logical3A_56 = arith.constant 16 : i32
    %shift_right_logical3A_57 = vector.broadcast %shift_right_logical3A_56 : i32 to vector<16xi32>
    %shift_right_logical3A_58 = arith.shrui %scan3A_20#0, %shift_right_logical3A_57 : vector<16xi32>
    %and3A_59 = arith.constant 65535 : i32
    %and3A_60 = vector.broadcast %and3A_59 : i32 to vector<16xi32>
    %and3A_61 = arith.andi %shift_right_logical3A_58, %and3A_60 : vector<16xi32>
    %reduce_sum3A_62 = arith.constant true
    %reduce_sum3A_63 = vector.broadcast %reduce_sum3A_62 : i1 to vector<16xi1>
    %reduce_sum3A_64 = tpu.scan <sum>, %and3A_61 masked %reduce_sum3A_63 : vector<16xi32>, vector<16xi1> -> vector<16xi32>
    %reduce_sum3A_65 = vector.extract %reduce_sum3A_64[15] : i32 from vector<16xi32>
    %shift_right_logical3A_66 = arith.constant 16 : i32
    %shift_right_logical3A_67 = vector.broadcast %shift_right_logical3A_66 : i32 to vector<16xi32>
    %shift_right_logical3A_68 = arith.shrui %scan3A_20#4, %shift_right_logical3A_67 : vector<16xi32>
    %and3A_69 = arith.constant 65535 : i32
    %and3A_70 = vector.broadcast %and3A_69 : i32 to vector<16xi32>
    %and3A_71 = arith.andi %shift_right_logical3A_68, %and3A_70 : vector<16xi32>
    %reduce_sum3A_72 = arith.constant true
    %reduce_sum3A_73 = vector.broadcast %reduce_sum3A_72 : i1 to vector<16xi1>
    %reduce_sum3A_74 = tpu.scan <sum>, %and3A_71 masked %reduce_sum3A_73 : vector<16xi32>, vector<16xi1> -> vector<16xi32>
    %reduce_sum3A_75 = vector.extract %reduce_sum3A_74[15] : i32 from vector<16xi32>
    %eq3A_76 = arith.constant 1 : i32
    %eq3A_77 = vector.broadcast %eq3A_76 : i32 to vector<16xi32>
    %eq3A_78 = arith.cmpi eq, %iota3A, %eq3A_77 : vector<16xi32>
    %jit3A_79 = arith.constant 0 : i32
    %broadcast_in_dim3A_80 = vector.broadcast %reduce_sum3A_65 : i32 to vector<16xi32>
    %broadcast_in_dim3A_81 = vector.broadcast %jit3A_79 : i32 to vector<16xi32>
    %select_n3A_82 = arith.select %eq3A_78, %broadcast_in_dim3A_80, %broadcast_in_dim3A_81 : vector<16xi1>, vector<16xi32>
    %add3A_83 = arith.addi %add3A_47, %select_n3A_82 : vector<16xi32>
    %eq3A_84 = arith.constant 1 : i32
    %eq3A_85 = vector.broadcast %eq3A_84 : i32 to vector<16xi32>
    %eq3A_86 = arith.cmpi eq, %iota3A, %eq3A_85 : vector<16xi32>
    %jit3A_87 = arith.constant 0 : i32
    %broadcast_in_dim3A_88 = vector.broadcast %reduce_sum3A_75 : i32 to vector<16xi32>
    %broadcast_in_dim3A_89 = vector.broadcast %jit3A_87 : i32 to vector<16xi32>
    %select_n3A_90 = arith.select %eq3A_86, %broadcast_in_dim3A_88, %broadcast_in_dim3A_89 : vector<16xi1>, vector<16xi32>
    %add3A_91 = arith.addi %add3A_55, %select_n3A_90 : vector<16xi32>
    %shift_right_logical3A_92 = arith.constant 0 : i32
    %shift_right_logical3A_93 = vector.broadcast %shift_right_logical3A_92 : i32 to vector<16xi32>
    %shift_right_logical3A_94 = arith.shrui %scan3A_20#1, %shift_right_logical3A_93 : vector<16xi32>
    %and3A_95 = arith.constant 65535 : i32
    %and3A_96 = vector.broadcast %and3A_95 : i32 to vector<16xi32>
    %and3A_97 = arith.andi %shift_right_logical3A_94, %and3A_96 : vector<16xi32>
    %reduce_sum3A_98 = arith.constant true
    %reduce_sum3A_99 = vector.broadcast %reduce_sum3A_98 : i1 to vector<16xi1>
    %reduce_sum3A_100 = tpu.scan <sum>, %and3A_97 masked %reduce_sum3A_99 : vector<16xi32>, vector<16xi1> -> vector<16xi32>
    %reduce_sum3A_101 = vector.extract %reduce_sum3A_100[15] : i32 from vector<16xi32>
    %shift_right_logical3A_102 = arith.constant 0 : i32
    %shift_right_logical3A_103 = vector.broadcast %shift_right_logical3A_102 : i32 to vector<16xi32>
    %shift_right_logical3A_104 = arith.shrui %scan3A_20#5, %shift_right_logical3A_103 : vector<16xi32>
    %and3A_105 = arith.constant 65535 : i32
    %and3A_106 = vector.broadcast %and3A_105 : i32 to vector<16xi32>
    %and3A_107 = arith.andi %shift_right_logical3A_104, %and3A_106 : vector<16xi32>
    %reduce_sum3A_108 = arith.constant true
    %reduce_sum3A_109 = vector.broadcast %reduce_sum3A_108 : i1 to vector<16xi1>
    %reduce_sum3A_110 = tpu.scan <sum>, %and3A_107 masked %reduce_sum3A_109 : vector<16xi32>, vector<16xi1> -> vector<16xi32>
    %reduce_sum3A_111 = vector.extract %reduce_sum3A_110[15] : i32 from vector<16xi32>
    %eq3A_112 = arith.constant 2 : i32
    %eq3A_113 = vector.broadcast %eq3A_112 : i32 to vector<16xi32>
    %eq3A_114 = arith.cmpi eq, %iota3A, %eq3A_113 : vector<16xi32>
    %jit3A_115 = arith.constant 0 : i32
    %broadcast_in_dim3A_116 = vector.broadcast %reduce_sum3A_101 : i32 to vector<16xi32>
    %broadcast_in_dim3A_117 = vector.broadcast %jit3A_115 : i32 to vector<16xi32>
    %select_n3A_118 = arith.select %eq3A_114, %broadcast_in_dim3A_116, %broadcast_in_dim3A_117 : vector<16xi1>, vector<16xi32>
    %add3A_119 = arith.addi %add3A_83, %select_n3A_118 : vector<16xi32>
    %eq3A_120 = arith.constant 2 : i32
    %eq3A_121 = vector.broadcast %eq3A_120 : i32 to vector<16xi32>
    %eq3A_122 = arith.cmpi eq, %iota3A, %eq3A_121 : vector<16xi32>
    %jit3A_123 = arith.constant 0 : i32
    %broadcast_in_dim3A_124 = vector.broadcast %reduce_sum3A_111 : i32 to vector<16xi32>
    %broadcast_in_dim3A_125 = vector.broadcast %jit3A_123 : i32 to vector<16xi32>
    %select_n3A_126 = arith.select %eq3A_122, %broadcast_in_dim3A_124, %broadcast_in_dim3A_125 : vector<16xi1>, vector<16xi32>
    %add3A_127 = arith.addi %add3A_91, %select_n3A_126 : vector<16xi32>
    %shift_right_logical3A_128 = arith.constant 16 : i32
    %shift_right_logical3A_129 = vector.broadcast %shift_right_logical3A_128 : i32 to vector<16xi32>
    %shift_right_logical3A_130 = arith.shrui %scan3A_20#1, %shift_right_logical3A_129 : vector<16xi32>
    %and3A_131 = arith.constant 65535 : i32
    %and3A_132 = vector.broadcast %and3A_131 : i32 to vector<16xi32>
    %and3A_133 = arith.andi %shift_right_logical3A_130, %and3A_132 : vector<16xi32>
    %reduce_sum3A_134 = arith.constant true
    %reduce_sum3A_135 = vector.broadcast %reduce_sum3A_134 : i1 to vector<16xi1>
    %reduce_sum3A_136 = tpu.scan <sum>, %and3A_133 masked %reduce_sum3A_135 : vector<16xi32>, vector<16xi1> -> vector<16xi32>
    %reduce_sum3A_137 = vector.extract %reduce_sum3A_136[15] : i32 from vector<16xi32>
    %shift_right_logical3A_138 = arith.constant 16 : i32
    %shift_right_logical3A_139 = vector.broadcast %shift_right_logical3A_138 : i32 to vector<16xi32>
    %shift_right_logical3A_140 = arith.shrui %scan3A_20#5, %shift_right_logical3A_139 : vector<16xi32>
    %and3A_141 = arith.constant 65535 : i32
    %and3A_142 = vector.broadcast %and3A_141 : i32 to vector<16xi32>
    %and3A_143 = arith.andi %shift_right_logical3A_140, %and3A_142 : vector<16xi32>
    %reduce_sum3A_144 = arith.constant true
    %reduce_sum3A_145 = vector.broadcast %reduce_sum3A_144 : i1 to vector<16xi1>
    %reduce_sum3A_146 = tpu.scan <sum>, %and3A_143 masked %reduce_sum3A_145 : vector<16xi32>, vector<16xi1> -> vector<16xi32>
    %reduce_sum3A_147 = vector.extract %reduce_sum3A_146[15] : i32 from vector<16xi32>
    %eq3A_148 = arith.constant 3 : i32
    %eq3A_149 = vector.broadcast %eq3A_148 : i32 to vector<16xi32>
    %eq3A_150 = arith.cmpi eq, %iota3A, %eq3A_149 : vector<16xi32>
    %jit3A_151 = arith.constant 0 : i32
    %broadcast_in_dim3A_152 = vector.broadcast %reduce_sum3A_137 : i32 to vector<16xi32>
    %broadcast_in_dim3A_153 = vector.broadcast %jit3A_151 : i32 to vector<16xi32>
    %select_n3A_154 = arith.select %eq3A_150, %broadcast_in_dim3A_152, %broadcast_in_dim3A_153 : vector<16xi1>, vector<16xi32>
    %add3A_155 = arith.addi %add3A_119, %select_n3A_154 : vector<16xi32>
    %eq3A_156 = arith.constant 3 : i32
    %eq3A_157 = vector.broadcast %eq3A_156 : i32 to vector<16xi32>
    %eq3A_158 = arith.cmpi eq, %iota3A, %eq3A_157 : vector<16xi32>
    %jit3A_159 = arith.constant 0 : i32
    %broadcast_in_dim3A_160 = vector.broadcast %reduce_sum3A_147 : i32 to vector<16xi32>
    %broadcast_in_dim3A_161 = vector.broadcast %jit3A_159 : i32 to vector<16xi32>
    %select_n3A_162 = arith.select %eq3A_158, %broadcast_in_dim3A_160, %broadcast_in_dim3A_161 : vector<16xi1>, vector<16xi32>
    %add3A_163 = arith.addi %add3A_127, %select_n3A_162 : vector<16xi32>
    %shift_right_logical3A_164 = arith.constant 0 : i32
    %shift_right_logical3A_165 = vector.broadcast %shift_right_logical3A_164 : i32 to vector<16xi32>
    %shift_right_logical3A_166 = arith.shrui %scan3A_20#2, %shift_right_logical3A_165 : vector<16xi32>
    %and3A_167 = arith.constant 65535 : i32
    %and3A_168 = vector.broadcast %and3A_167 : i32 to vector<16xi32>
    %and3A_169 = arith.andi %shift_right_logical3A_166, %and3A_168 : vector<16xi32>
    %reduce_sum3A_170 = arith.constant true
    %reduce_sum3A_171 = vector.broadcast %reduce_sum3A_170 : i1 to vector<16xi1>
    %reduce_sum3A_172 = tpu.scan <sum>, %and3A_169 masked %reduce_sum3A_171 : vector<16xi32>, vector<16xi1> -> vector<16xi32>
    %reduce_sum3A_173 = vector.extract %reduce_sum3A_172[15] : i32 from vector<16xi32>
    %shift_right_logical3A_174 = arith.constant 0 : i32
    %shift_right_logical3A_175 = vector.broadcast %shift_right_logical3A_174 : i32 to vector<16xi32>
    %shift_right_logical3A_176 = arith.shrui %scan3A_20#6, %shift_right_logical3A_175 : vector<16xi32>
    %and3A_177 = arith.constant 65535 : i32
    %and3A_178 = vector.broadcast %and3A_177 : i32 to vector<16xi32>
    %and3A_179 = arith.andi %shift_right_logical3A_176, %and3A_178 : vector<16xi32>
    %reduce_sum3A_180 = arith.constant true
    %reduce_sum3A_181 = vector.broadcast %reduce_sum3A_180 : i1 to vector<16xi1>
    %reduce_sum3A_182 = tpu.scan <sum>, %and3A_179 masked %reduce_sum3A_181 : vector<16xi32>, vector<16xi1> -> vector<16xi32>
    %reduce_sum3A_183 = vector.extract %reduce_sum3A_182[15] : i32 from vector<16xi32>
    %eq3A_184 = arith.constant 4 : i32
    %eq3A_185 = vector.broadcast %eq3A_184 : i32 to vector<16xi32>
    %eq3A_186 = arith.cmpi eq, %iota3A, %eq3A_185 : vector<16xi32>
    %jit3A_187 = arith.constant 0 : i32
    %broadcast_in_dim3A_188 = vector.broadcast %reduce_sum3A_173 : i32 to vector<16xi32>
    %broadcast_in_dim3A_189 = vector.broadcast %jit3A_187 : i32 to vector<16xi32>
    %select_n3A_190 = arith.select %eq3A_186, %broadcast_in_dim3A_188, %broadcast_in_dim3A_189 : vector<16xi1>, vector<16xi32>
    %add3A_191 = arith.addi %add3A_155, %select_n3A_190 : vector<16xi32>
    %eq3A_192 = arith.constant 4 : i32
    %eq3A_193 = vector.broadcast %eq3A_192 : i32 to vector<16xi32>
    %eq3A_194 = arith.cmpi eq, %iota3A, %eq3A_193 : vector<16xi32>
    %jit3A_195 = arith.constant 0 : i32
    %broadcast_in_dim3A_196 = vector.broadcast %reduce_sum3A_183 : i32 to vector<16xi32>
    %broadcast_in_dim3A_197 = vector.broadcast %jit3A_195 : i32 to vector<16xi32>
    %select_n3A_198 = arith.select %eq3A_194, %broadcast_in_dim3A_196, %broadcast_in_dim3A_197 : vector<16xi1>, vector<16xi32>
    %add3A_199 = arith.addi %add3A_163, %select_n3A_198 : vector<16xi32>
    %shift_right_logical3A_200 = arith.constant 16 : i32
    %shift_right_logical3A_201 = vector.broadcast %shift_right_logical3A_200 : i32 to vector<16xi32>
    %shift_right_logical3A_202 = arith.shrui %scan3A_20#2, %shift_right_logical3A_201 : vector<16xi32>
    %and3A_203 = arith.constant 65535 : i32
    %and3A_204 = vector.broadcast %and3A_203 : i32 to vector<16xi32>
    %and3A_205 = arith.andi %shift_right_logical3A_202, %and3A_204 : vector<16xi32>
    %reduce_sum3A_206 = arith.constant true
    %reduce_sum3A_207 = vector.broadcast %reduce_sum3A_206 : i1 to vector<16xi1>
    %reduce_sum3A_208 = tpu.scan <sum>, %and3A_205 masked %reduce_sum3A_207 : vector<16xi32>, vector<16xi1> -> vector<16xi32>
    %reduce_sum3A_209 = vector.extract %reduce_sum3A_208[15] : i32 from vector<16xi32>
    %shift_right_logical3A_210 = arith.constant 16 : i32
    %shift_right_logical3A_211 = vector.broadcast %shift_right_logical3A_210 : i32 to vector<16xi32>
    %shift_right_logical3A_212 = arith.shrui %scan3A_20#6, %shift_right_logical3A_211 : vector<16xi32>
    %and3A_213 = arith.constant 65535 : i32
    %and3A_214 = vector.broadcast %and3A_213 : i32 to vector<16xi32>
    %and3A_215 = arith.andi %shift_right_logical3A_212, %and3A_214 : vector<16xi32>
    %reduce_sum3A_216 = arith.constant true
    %reduce_sum3A_217 = vector.broadcast %reduce_sum3A_216 : i1 to vector<16xi1>
    %reduce_sum3A_218 = tpu.scan <sum>, %and3A_215 masked %reduce_sum3A_217 : vector<16xi32>, vector<16xi1> -> vector<16xi32>
    %reduce_sum3A_219 = vector.extract %reduce_sum3A_218[15] : i32 from vector<16xi32>
    %eq3A_220 = arith.constant 5 : i32
    %eq3A_221 = vector.broadcast %eq3A_220 : i32 to vector<16xi32>
    %eq3A_222 = arith.cmpi eq, %iota3A, %eq3A_221 : vector<16xi32>
    %jit3A_223 = arith.constant 0 : i32
    %broadcast_in_dim3A_224 = vector.broadcast %reduce_sum3A_209 : i32 to vector<16xi32>
    %broadcast_in_dim3A_225 = vector.broadcast %jit3A_223 : i32 to vector<16xi32>
    %select_n3A_226 = arith.select %eq3A_222, %broadcast_in_dim3A_224, %broadcast_in_dim3A_225 : vector<16xi1>, vector<16xi32>
    %add3A_227 = arith.addi %add3A_191, %select_n3A_226 : vector<16xi32>
    %eq3A_228 = arith.constant 5 : i32
    %eq3A_229 = vector.broadcast %eq3A_228 : i32 to vector<16xi32>
    %eq3A_230 = arith.cmpi eq, %iota3A, %eq3A_229 : vector<16xi32>
    %jit3A_231 = arith.constant 0 : i32
    %broadcast_in_dim3A_232 = vector.broadcast %reduce_sum3A_219 : i32 to vector<16xi32>
    %broadcast_in_dim3A_233 = vector.broadcast %jit3A_231 : i32 to vector<16xi32>
    %select_n3A_234 = arith.select %eq3A_230, %broadcast_in_dim3A_232, %broadcast_in_dim3A_233 : vector<16xi1>, vector<16xi32>
    %add3A_235 = arith.addi %add3A_199, %select_n3A_234 : vector<16xi32>
    %shift_right_logical3A_236 = arith.constant 0 : i32
    %shift_right_logical3A_237 = vector.broadcast %shift_right_logical3A_236 : i32 to vector<16xi32>
    %shift_right_logical3A_238 = arith.shrui %scan3A_20#3, %shift_right_logical3A_237 : vector<16xi32>
    %and3A_239 = arith.constant 65535 : i32
    %and3A_240 = vector.broadcast %and3A_239 : i32 to vector<16xi32>
    %and3A_241 = arith.andi %shift_right_logical3A_238, %and3A_240 : vector<16xi32>
    %reduce_sum3A_242 = arith.constant true
    %reduce_sum3A_243 = vector.broadcast %reduce_sum3A_242 : i1 to vector<16xi1>
    %reduce_sum3A_244 = tpu.scan <sum>, %and3A_241 masked %reduce_sum3A_243 : vector<16xi32>, vector<16xi1> -> vector<16xi32>
    %reduce_sum3A_245 = vector.extract %reduce_sum3A_244[15] : i32 from vector<16xi32>
    %shift_right_logical3A_246 = arith.constant 0 : i32
    %shift_right_logical3A_247 = vector.broadcast %shift_right_logical3A_246 : i32 to vector<16xi32>
    %shift_right_logical3A_248 = arith.shrui %scan3A_20#7, %shift_right_logical3A_247 : vector<16xi32>
    %and3A_249 = arith.constant 65535 : i32
    %and3A_250 = vector.broadcast %and3A_249 : i32 to vector<16xi32>
    %and3A_251 = arith.andi %shift_right_logical3A_248, %and3A_250 : vector<16xi32>
    %reduce_sum3A_252 = arith.constant true
    %reduce_sum3A_253 = vector.broadcast %reduce_sum3A_252 : i1 to vector<16xi1>
    %reduce_sum3A_254 = tpu.scan <sum>, %and3A_251 masked %reduce_sum3A_253 : vector<16xi32>, vector<16xi1> -> vector<16xi32>
    %reduce_sum3A_255 = vector.extract %reduce_sum3A_254[15] : i32 from vector<16xi32>
    %eq3A_256 = arith.constant 6 : i32
    %eq3A_257 = vector.broadcast %eq3A_256 : i32 to vector<16xi32>
    %eq3A_258 = arith.cmpi eq, %iota3A, %eq3A_257 : vector<16xi32>
    %jit3A_259 = arith.constant 0 : i32
    %broadcast_in_dim3A_260 = vector.broadcast %reduce_sum3A_245 : i32 to vector<16xi32>
    %broadcast_in_dim3A_261 = vector.broadcast %jit3A_259 : i32 to vector<16xi32>
    %select_n3A_262 = arith.select %eq3A_258, %broadcast_in_dim3A_260, %broadcast_in_dim3A_261 : vector<16xi1>, vector<16xi32>
    %add3A_263 = arith.addi %add3A_227, %select_n3A_262 : vector<16xi32>
    %eq3A_264 = arith.constant 6 : i32
    %eq3A_265 = vector.broadcast %eq3A_264 : i32 to vector<16xi32>
    %eq3A_266 = arith.cmpi eq, %iota3A, %eq3A_265 : vector<16xi32>
    %jit3A_267 = arith.constant 0 : i32
    %broadcast_in_dim3A_268 = vector.broadcast %reduce_sum3A_255 : i32 to vector<16xi32>
    %broadcast_in_dim3A_269 = vector.broadcast %jit3A_267 : i32 to vector<16xi32>
    %select_n3A_270 = arith.select %eq3A_266, %broadcast_in_dim3A_268, %broadcast_in_dim3A_269 : vector<16xi1>, vector<16xi32>
    %add3A_271 = arith.addi %add3A_235, %select_n3A_270 : vector<16xi32>
    %shift_right_logical3A_272 = arith.constant 16 : i32
    %shift_right_logical3A_273 = vector.broadcast %shift_right_logical3A_272 : i32 to vector<16xi32>
    %shift_right_logical3A_274 = arith.shrui %scan3A_20#3, %shift_right_logical3A_273 : vector<16xi32>
    %and3A_275 = arith.constant 65535 : i32
    %and3A_276 = vector.broadcast %and3A_275 : i32 to vector<16xi32>
    %and3A_277 = arith.andi %shift_right_logical3A_274, %and3A_276 : vector<16xi32>
    %reduce_sum3A_278 = arith.constant true
    %reduce_sum3A_279 = vector.broadcast %reduce_sum3A_278 : i1 to vector<16xi1>
    %reduce_sum3A_280 = tpu.scan <sum>, %and3A_277 masked %reduce_sum3A_279 : vector<16xi32>, vector<16xi1> -> vector<16xi32>
    %reduce_sum3A_281 = vector.extract %reduce_sum3A_280[15] : i32 from vector<16xi32>
    %shift_right_logical3A_282 = arith.constant 16 : i32
    %shift_right_logical3A_283 = vector.broadcast %shift_right_logical3A_282 : i32 to vector<16xi32>
    %shift_right_logical3A_284 = arith.shrui %scan3A_20#7, %shift_right_logical3A_283 : vector<16xi32>
    %and3A_285 = arith.constant 65535 : i32
    %and3A_286 = vector.broadcast %and3A_285 : i32 to vector<16xi32>
    %and3A_287 = arith.andi %shift_right_logical3A_284, %and3A_286 : vector<16xi32>
    %reduce_sum3A_288 = arith.constant true
    %reduce_sum3A_289 = vector.broadcast %reduce_sum3A_288 : i1 to vector<16xi1>
    %reduce_sum3A_290 = tpu.scan <sum>, %and3A_287 masked %reduce_sum3A_289 : vector<16xi32>, vector<16xi1> -> vector<16xi32>
    %reduce_sum3A_291 = vector.extract %reduce_sum3A_290[15] : i32 from vector<16xi32>
    %eq3A_292 = arith.constant 7 : i32
    %eq3A_293 = vector.broadcast %eq3A_292 : i32 to vector<16xi32>
    %eq3A_294 = arith.cmpi eq, %iota3A, %eq3A_293 : vector<16xi32>
    %jit3A_295 = arith.constant 0 : i32
    %broadcast_in_dim3A_296 = vector.broadcast %reduce_sum3A_281 : i32 to vector<16xi32>
    %broadcast_in_dim3A_297 = vector.broadcast %jit3A_295 : i32 to vector<16xi32>
    %select_n3A_298 = arith.select %eq3A_294, %broadcast_in_dim3A_296, %broadcast_in_dim3A_297 : vector<16xi1>, vector<16xi32>
    %add3A_299 = arith.addi %add3A_263, %select_n3A_298 : vector<16xi32>
    %eq3A_300 = arith.constant 7 : i32
    %eq3A_301 = vector.broadcast %eq3A_300 : i32 to vector<16xi32>
    %eq3A_302 = arith.cmpi eq, %iota3A, %eq3A_301 : vector<16xi32>
    %jit3A_303 = arith.constant 0 : i32
    %broadcast_in_dim3A_304 = vector.broadcast %reduce_sum3A_291 : i32 to vector<16xi32>
    %broadcast_in_dim3A_305 = vector.broadcast %jit3A_303 : i32 to vector<16xi32>
    %select_n3A_306 = arith.select %eq3A_302, %broadcast_in_dim3A_304, %broadcast_in_dim3A_305 : vector<16xi1>, vector<16xi32>
    %add3A_307 = arith.addi %add3A_271, %select_n3A_306 : vector<16xi32>
    %cumsum3A = arith.constant true
    %cumsum3A_308 = vector.broadcast %cumsum3A : i1 to vector<16xi1>
    %cumsum3A_309 = tpu.scan <sum>, %add3A_299 masked %cumsum3A_308 : vector<16xi32>, vector<16xi1> -> vector<16xi32>
    %sub3A = arith.subi %cumsum3A_309, %add3A_299 : vector<16xi32>
    %add3A_310 = arith.addi %sub3A, %add3A_307 : vector<16xi32>
    %add3A_311 = arith.constant 0 : i32
    %add3A_312 = arith.addi %mul3A_2, %add3A_311 : i32
    %get3A = arith.index_cast %add3A_312 : i32 to index
    %get3A_313 = tpu.vector_load %arg9[%get3A] {strides = array<i32>} : memref<4096xi32, #tpu.memory_space<vmem>>, vector<16xi32>,
    %eq3A_314 = arith.constant 0 : i32
    %eq3A_315 = vector.broadcast %eq3A_314 : i32 to vector<16xi32>
    %eq3A_316 = arith.cmpi eq, %get3A_313, %eq3A_315 : vector<16xi32>
    %jit3A_317 = arith.constant 1 : i32
    %jit3A_318 = arith.constant 0 : i32
    %broadcast_in_dim3A_319 = vector.broadcast %jit3A_317 : i32 to vector<16xi32>
    %broadcast_in_dim3A_320 = vector.broadcast %jit3A_318 : i32 to vector<16xi32>
    %select_n3A_321 = arith.select %eq3A_316, %broadcast_in_dim3A_319, %broadcast_in_dim3A_320 : vector<16xi1>, vector<16xi32>
    %cumsum3A_322 = arith.constant true
    %cumsum3A_323 = vector.broadcast %cumsum3A_322 : i1 to vector<16xi1>
    %cumsum3A_324 = tpu.scan <sum>, %select_n3A_321 masked %cumsum3A_323 : vector<16xi32>, vector<16xi1> -> vector<16xi32>
    %eq3A_325 = arith.constant 0 : i32
    %eq3A_326 = vector.broadcast %eq3A_325 : i32 to vector<16xi32>
    %eq3A_327 = arith.cmpi eq, %iota3A, %eq3A_326 : vector<16xi32>
    %jit3A_328 = arith.constant 0 : i32
    %broadcast_in_dim3A_329 = vector.broadcast %jit3A_328 : i32 to vector<16xi32>
    %select_n3A_330 = arith.select %eq3A_327, %add3A_310, %broadcast_in_dim3A_329 : vector<16xi1>, vector<16xi32>
    %reduce_sum3A_331 = arith.constant true
    %reduce_sum3A_332 = vector.broadcast %reduce_sum3A_331 : i1 to vector<16xi1>
    %reduce_sum3A_333 = tpu.scan <sum>, %select_n3A_330 masked %reduce_sum3A_332 : vector<16xi32>, vector<16xi1> -> vector<16xi32>
    %reduce_sum3A_334 = vector.extract %reduce_sum3A_333[15] : i32 from vector<16xi32>
    %add3A_335 = vector.broadcast %reduce_sum3A_334 : i32 to vector<16xi32>
    %add3A_336 = arith.addi %add3A_335, %cumsum3A_324 : vector<16xi32>
    %sub3A_337 = arith.constant 1 : i32
    %sub3A_338 = vector.broadcast %sub3A_337 : i32 to vector<16xi32>
    %sub3A_339 = arith.subi %add3A_336, %sub3A_338 : vector<16xi32>
    %select_n3A_340 = arith.select %eq3A_316, %sub3A_339, %broadcast_in_dim3A_14 : vector<16xi1>, vector<16xi32>
    %all_reduce_population_count3A = tpu.all_reduce %eq3A_316 {dim = 0 : i64, kind = #tpu.reduction_kind<sum>} : vector<16xi1> -> vector<16xi32>
    %eq3A_341 = arith.constant 0 : i32
    %eq3A_342 = vector.broadcast %eq3A_341 : i32 to vector<16xi32>
    %eq3A_343 = arith.cmpi eq, %iota3A, %eq3A_342 : vector<16xi32>
    %jit3A_344 = arith.constant 0 : i32
    %broadcast_in_dim3A_345 = vector.broadcast %jit3A_344 : i32 to vector<16xi32>
    %select_n3A_346 = arith.select %eq3A_343, %all_reduce_population_count3A, %broadcast_in_dim3A_345 : vector<16xi1>, vector<16xi32>
    %add3A_347 = arith.addi %broadcast_in_dim3A_14, %select_n3A_346 : vector<16xi32>
    %eq3A_348 = arith.constant 1 : i32
    %eq3A_349 = vector.broadcast %eq3A_348 : i32 to vector<16xi32>
    %eq3A_350 = arith.cmpi eq, %get3A_313, %eq3A_349 : vector<16xi32>
    %jit3A_351 = arith.constant 1 : i32
    %jit3A_352 = arith.constant 0 : i32
    %broadcast_in_dim3A_353 = vector.broadcast %jit3A_351 : i32 to vector<16xi32>
    %broadcast_in_dim3A_354 = vector.broadcast %jit3A_352 : i32 to vector<16xi32>
    %select_n3A_355 = arith.select %eq3A_350, %broadcast_in_dim3A_353, %broadcast_in_dim3A_354 : vector<16xi1>, vector<16xi32>
    %cumsum3A_356 = arith.constant true
    %cumsum3A_357 = vector.broadcast %cumsum3A_356 : i1 to vector<16xi1>
    %cumsum3A_358 = tpu.scan <sum>, %select_n3A_355 masked %cumsum3A_357 : vector<16xi32>, vector<16xi1> -> vector<16xi32>
    %eq3A_359 = arith.constant 1 : i32
    %eq3A_360 = vector.broadcast %eq3A_359 : i32 to vector<16xi32>
    %eq3A_361 = arith.cmpi eq, %iota3A, %eq3A_360 : vector<16xi32>
    %jit3A_362 = arith.constant 0 : i32
    %broadcast_in_dim3A_363 = vector.broadcast %jit3A_362 : i32 to vector<16xi32>
    %select_n3A_364 = arith.select %eq3A_361, %add3A_310, %broadcast_in_dim3A_363 : vector<16xi1>, vector<16xi32>
    %reduce_sum3A_365 = arith.constant true
    %reduce_sum3A_366 = vector.broadcast %reduce_sum3A_365 : i1 to vector<16xi1>
    %reduce_sum3A_367 = tpu.scan <sum>, %select_n3A_364 masked %reduce_sum3A_366 : vector<16xi32>, vector<16xi1> -> vector<16xi32>
    %reduce_sum3A_368 = vector.extract %reduce_sum3A_367[15] : i32 from vector<16xi32>
    %add3A_369 = vector.broadcast %reduce_sum3A_368 : i32 to vector<16xi32>
    %add3A_370 = arith.addi %add3A_369, %cumsum3A_358 : vector<16xi32>
    %sub3A_371 = arith.constant 1 : i32
    %sub3A_372 = vector.broadcast %sub3A_371 : i32 to vector<16xi32>
    %sub3A_373 = arith.subi %add3A_370, %sub3A_372 : vector<16xi32>
    %select_n3A_374 = arith.select %eq3A_350, %sub3A_373, %select_n3A_340 : vector<16xi1>, vector<16xi32>
    %all_reduce_population_count3A_375 = tpu.all_reduce %eq3A_350 {dim = 0 : i64, kind = #tpu.reduction_kind<sum>} : vector<16xi1> -> vector<16xi32>
    %eq3A_376 = arith.constant 1 : i32
    %eq3A_377 = vector.broadcast %eq3A_376 : i32 to vector<16xi32>
    %eq3A_378 = arith.cmpi eq, %iota3A, %eq3A_377 : vector<16xi32>
    %jit3A_379 = arith.constant 0 : i32
    %broadcast_in_dim3A_380 = vector.broadcast %jit3A_379 : i32 to vector<16xi32>
    %select_n3A_381 = arith.select %eq3A_378, %all_reduce_population_count3A_375, %broadcast_in_dim3A_380 : vector<16xi1>, vector<16xi32>
    %add3A_382 = arith.addi %add3A_347, %select_n3A_381 : vector<16xi32>
    %eq3A_383 = arith.constant 2 : i32
    %eq3A_384 = vector.broadcast %eq3A_383 : i32 to vector<16xi32>
    %eq3A_385 = arith.cmpi eq, %get3A_313, %eq3A_384 : vector<16xi32>
    %jit3A_386 = arith.constant 1 : i32
    %jit3A_387 = arith.constant 0 : i32
    %broadcast_in_dim3A_388 = vector.broadcast %jit3A_386 : i32 to vector<16xi32>
    %broadcast_in_dim3A_389 = vector.broadcast %jit3A_387 : i32 to vector<16xi32>
    %select_n3A_390 = arith.select %eq3A_385, %broadcast_in_dim3A_388, %broadcast_in_dim3A_389 : vector<16xi1>, vector<16xi32>
    %cumsum3A_391 = arith.constant true
    %cumsum3A_392 = vector.broadcast %cumsum3A_391 : i1 to vector<16xi1>
    %cumsum3A_393 = tpu.scan <sum>, %select_n3A_390 masked %cumsum3A_392 : vector<16xi32>, vector<16xi1> -> vector<16xi32>
    %eq3A_394 = arith.constant 2 : i32
    %eq3A_395 = vector.broadcast %eq3A_394 : i32 to vector<16xi32>
    %eq3A_396 = arith.cmpi eq, %iota3A, %eq3A_395 : vector<16xi32>
    %jit3A_397 = arith.constant 0 : i32
    %broadcast_in_dim3A_398 = vector.broadcast %jit3A_397 : i32 to vector<16xi32>
    %select_n3A_399 = arith.select %eq3A_396, %add3A_310, %broadcast_in_dim3A_398 : vector<16xi1>, vector<16xi32>
    %reduce_sum3A_400 = arith.constant true
    %reduce_sum3A_401 = vector.broadcast %reduce_sum3A_400 : i1 to vector<16xi1>
    %reduce_sum3A_402 = tpu.scan <sum>, %select_n3A_399 masked %reduce_sum3A_401 : vector<16xi32>, vector<16xi1> -> vector<16xi32>
    %reduce_sum3A_403 = vector.extract %reduce_sum3A_402[15] : i32 from vector<16xi32>
    %add3A_404 = vector.broadcast %reduce_sum3A_403 : i32 to vector<16xi32>
    %add3A_405 = arith.addi %add3A_404, %cumsum3A_393 : vector<16xi32>
    %sub3A_406 = arith.constant 1 : i32
    %sub3A_407 = vector.broadcast %sub3A_406 : i32 to vector<16xi32>
    %sub3A_408 = arith.subi %add3A_405, %sub3A_407 : vector<16xi32>
    %select_n3A_409 = arith.select %eq3A_385, %sub3A_408, %select_n3A_374 : vector<16xi1>, vector<16xi32>
    %all_reduce_population_count3A_410 = tpu.all_reduce %eq3A_385 {dim = 0 : i64, kind = #tpu.reduction_kind<sum>} : vector<16xi1> -> vector<16xi32>
    %eq3A_411 = arith.constant 2 : i32
    %eq3A_412 = vector.broadcast %eq3A_411 : i32 to vector<16xi32>
    %eq3A_413 = arith.cmpi eq, %iota3A, %eq3A_412 : vector<16xi32>
    %jit3A_414 = arith.constant 0 : i32
    %broadcast_in_dim3A_415 = vector.broadcast %jit3A_414 : i32 to vector<16xi32>
    %select_n3A_416 = arith.select %eq3A_413, %all_reduce_population_count3A_410, %broadcast_in_dim3A_415 : vector<16xi1>, vector<16xi32>
    %add3A_417 = arith.addi %add3A_382, %select_n3A_416 : vector<16xi32>
    %eq3A_418 = arith.constant 3 : i32
    %eq3A_419 = vector.broadcast %eq3A_418 : i32 to vector<16xi32>
    %eq3A_420 = arith.cmpi eq, %get3A_313, %eq3A_419 : vector<16xi32>
    %jit3A_421 = arith.constant 1 : i32
    %jit3A_422 = arith.constant 0 : i32
    %broadcast_in_dim3A_423 = vector.broadcast %jit3A_421 : i32 to vector<16xi32>
    %broadcast_in_dim3A_424 = vector.broadcast %jit3A_422 : i32 to vector<16xi32>
    %select_n3A_425 = arith.select %eq3A_420, %broadcast_in_dim3A_423, %broadcast_in_dim3A_424 : vector<16xi1>, vector<16xi32>
    %cumsum3A_426 = arith.constant true
    %cumsum3A_427 = vector.broadcast %cumsum3A_426 : i1 to vector<16xi1>
    %cumsum3A_428 = tpu.scan <sum>, %select_n3A_425 masked %cumsum3A_427 : vector<16xi32>, vector<16xi1> -> vector<16xi32>
    %eq3A_429 = arith.constant 3 : i32
    %eq3A_430 = vector.broadcast %eq3A_429 : i32 to vector<16xi32>
    %eq3A_431 = arith.cmpi eq, %iota3A, %eq3A_430 : vector<16xi32>
    %jit3A_432 = arith.constant 0 : i32
    %broadcast_in_dim3A_433 = vector.broadcast %jit3A_432 : i32 to vector<16xi32>
    %select_n3A_434 = arith.select %eq3A_431, %add3A_310, %broadcast_in_dim3A_433 : vector<16xi1>, vector<16xi32>
    %reduce_sum3A_435 = arith.constant true
    %reduce_sum3A_436 = vector.broadcast %reduce_sum3A_435 : i1 to vector<16xi1>
    %reduce_sum3A_437 = tpu.scan <sum>, %select_n3A_434 masked %reduce_sum3A_436 : vector<16xi32>, vector<16xi1> -> vector<16xi32>
    %reduce_sum3A_438 = vector.extract %reduce_sum3A_437[15] : i32 from vector<16xi32>
    %add3A_439 = vector.broadcast %reduce_sum3A_438 : i32 to vector<16xi32>
    %add3A_440 = arith.addi %add3A_439, %cumsum3A_428 : vector<16xi32>
    %sub3A_441 = arith.constant 1 : i32
    %sub3A_442 = vector.broadcast %sub3A_441 : i32 to vector<16xi32>
    %sub3A_443 = arith.subi %add3A_440, %sub3A_442 : vector<16xi32>
    %select_n3A_444 = arith.select %eq3A_420, %sub3A_443, %select_n3A_409 : vector<16xi1>, vector<16xi32>
    %all_reduce_population_count3A_445 = tpu.all_reduce %eq3A_420 {dim = 0 : i64, kind = #tpu.reduction_kind<sum>} : vector<16xi1> -> vector<16xi32>
    %eq3A_446 = arith.constant 3 : i32
    %eq3A_447 = vector.broadcast %eq3A_446 : i32 to vector<16xi32>
    %eq3A_448 = arith.cmpi eq, %iota3A, %eq3A_447 : vector<16xi32>
    %jit3A_449 = arith.constant 0 : i32
    %broadcast_in_dim3A_450 = vector.broadcast %jit3A_449 : i32 to vector<16xi32>
    %select_n3A_451 = arith.select %eq3A_448, %all_reduce_population_count3A_445, %broadcast_in_dim3A_450 : vector<16xi1>, vector<16xi32>
    %add3A_452 = arith.addi %add3A_417, %select_n3A_451 : vector<16xi32>
    %eq3A_453 = arith.constant 4 : i32
    %eq3A_454 = vector.broadcast %eq3A_453 : i32 to vector<16xi32>
    %eq3A_455 = arith.cmpi eq, %get3A_313, %eq3A_454 : vector<16xi32>
    %jit3A_456 = arith.constant 1 : i32
    %jit3A_457 = arith.constant 0 : i32
    %broadcast_in_dim3A_458 = vector.broadcast %jit3A_456 : i32 to vector<16xi32>
    %broadcast_in_dim3A_459 = vector.broadcast %jit3A_457 : i32 to vector<16xi32>
    %select_n3A_460 = arith.select %eq3A_455, %broadcast_in_dim3A_458, %broadcast_in_dim3A_459 : vector<16xi1>, vector<16xi32>
    %cumsum3A_461 = arith.constant true
    %cumsum3A_462 = vector.broadcast %cumsum3A_461 : i1 to vector<16xi1>
    %cumsum3A_463 = tpu.scan <sum>, %select_n3A_460 masked %cumsum3A_462 : vector<16xi32>, vector<16xi1> -> vector<16xi32>
    %eq3A_464 = arith.constant 4 : i32
    %eq3A_465 = vector.broadcast %eq3A_464 : i32 to vector<16xi32>
    %eq3A_466 = arith.cmpi eq, %iota3A, %eq3A_465 : vector<16xi32>
    %jit3A_467 = arith.constant 0 : i32
    %broadcast_in_dim3A_468 = vector.broadcast %jit3A_467 : i32 to vector<16xi32>
    %select_n3A_469 = arith.select %eq3A_466, %add3A_310, %broadcast_in_dim3A_468 : vector<16xi1>, vector<16xi32>
    %reduce_sum3A_470 = arith.constant true
    %reduce_sum3A_471 = vector.broadcast %reduce_sum3A_470 : i1 to vector<16xi1>
    %reduce_sum3A_472 = tpu.scan <sum>, %select_n3A_469 masked %reduce_sum3A_471 : vector<16xi32>, vector<16xi1> -> vector<16xi32>
    %reduce_sum3A_473 = vector.extract %reduce_sum3A_472[15] : i32 from vector<16xi32>
    %add3A_474 = vector.broadcast %reduce_sum3A_473 : i32 to vector<16xi32>
    %add3A_475 = arith.addi %add3A_474, %cumsum3A_463 : vector<16xi32>
    %sub3A_476 = arith.constant 1 : i32
    %sub3A_477 = vector.broadcast %sub3A_476 : i32 to vector<16xi32>
    %sub3A_478 = arith.subi %add3A_475, %sub3A_477 : vector<16xi32>
    %select_n3A_479 = arith.select %eq3A_455, %sub3A_478, %select_n3A_444 : vector<16xi1>, vector<16xi32>
    %all_reduce_population_count3A_480 = tpu.all_reduce %eq3A_455 {dim = 0 : i64, kind = #tpu.reduction_kind<sum>} : vector<16xi1> -> vector<16xi32>
    %eq3A_481 = arith.constant 4 : i32
    %eq3A_482 = vector.broadcast %eq3A_481 : i32 to vector<16xi32>
    %eq3A_483 = arith.cmpi eq, %iota3A, %eq3A_482 : vector<16xi32>
    %jit3A_484 = arith.constant 0 : i32
    %broadcast_in_dim3A_485 = vector.broadcast %jit3A_484 : i32 to vector<16xi32>
    %select_n3A_486 = arith.select %eq3A_483, %all_reduce_population_count3A_480, %broadcast_in_dim3A_485 : vector<16xi1>, vector<16xi32>
    %add3A_487 = arith.addi %add3A_452, %select_n3A_486 : vector<16xi32>
    %eq3A_488 = arith.constant 5 : i32
    %eq3A_489 = vector.broadcast %eq3A_488 : i32 to vector<16xi32>
    %eq3A_490 = arith.cmpi eq, %get3A_313, %eq3A_489 : vector<16xi32>
    %jit3A_491 = arith.constant 1 : i32
    %jit3A_492 = arith.constant 0 : i32
    %broadcast_in_dim3A_493 = vector.broadcast %jit3A_491 : i32 to vector<16xi32>
    %broadcast_in_dim3A_494 = vector.broadcast %jit3A_492 : i32 to vector<16xi32>
    %select_n3A_495 = arith.select %eq3A_490, %broadcast_in_dim3A_493, %broadcast_in_dim3A_494 : vector<16xi1>, vector<16xi32>
    %cumsum3A_496 = arith.constant true
    %cumsum3A_497 = vector.broadcast %cumsum3A_496 : i1 to vector<16xi1>
    %cumsum3A_498 = tpu.scan <sum>, %select_n3A_495 masked %cumsum3A_497 : vector<16xi32>, vector<16xi1> -> vector<16xi32>
    %eq3A_499 = arith.constant 5 : i32
    %eq3A_500 = vector.broadcast %eq3A_499 : i32 to vector<16xi32>
    %eq3A_501 = arith.cmpi eq, %iota3A, %eq3A_500 : vector<16xi32>
    %jit3A_502 = arith.constant 0 : i32
    %broadcast_in_dim3A_503 = vector.broadcast %jit3A_502 : i32 to vector<16xi32>
    %select_n3A_504 = arith.select %eq3A_501, %add3A_310, %broadcast_in_dim3A_503 : vector<16xi1>, vector<16xi32>
    %reduce_sum3A_505 = arith.constant true
    %reduce_sum3A_506 = vector.broadcast %reduce_sum3A_505 : i1 to vector<16xi1>
    %reduce_sum3A_507 = tpu.scan <sum>, %select_n3A_504 masked %reduce_sum3A_506 : vector<16xi32>, vector<16xi1> -> vector<16xi32>
    %reduce_sum3A_508 = vector.extract %reduce_sum3A_507[15] : i32 from vector<16xi32>
    %add3A_509 = vector.broadcast %reduce_sum3A_508 : i32 to vector<16xi32>
    %add3A_510 = arith.addi %add3A_509, %cumsum3A_498 : vector<16xi32>
    %sub3A_511 = arith.constant 1 : i32
    %sub3A_512 = vector.broadcast %sub3A_511 : i32 to vector<16xi32>
    %sub3A_513 = arith.subi %add3A_510, %sub3A_512 : vector<16xi32>
    %select_n3A_514 = arith.select %eq3A_490, %sub3A_513, %select_n3A_479 : vector<16xi1>, vector<16xi32>
    %all_reduce_population_count3A_515 = tpu.all_reduce %eq3A_490 {dim = 0 : i64, kind = #tpu.reduction_kind<sum>} : vector<16xi1> -> vector<16xi32>
    %eq3A_516 = arith.constant 5 : i32
    %eq3A_517 = vector.broadcast %eq3A_516 : i32 to vector<16xi32>
    %eq3A_518 = arith.cmpi eq, %iota3A, %eq3A_517 : vector<16xi32>
    %jit3A_519 = arith.constant 0 : i32
    %broadcast_in_dim3A_520 = vector.broadcast %jit3A_519 : i32 to vector<16xi32>
    %select_n3A_521 = arith.select %eq3A_518, %all_reduce_population_count3A_515, %broadcast_in_dim3A_520 : vector<16xi1>, vector<16xi32>
    %add3A_522 = arith.addi %add3A_487, %select_n3A_521 : vector<16xi32>
    %eq3A_523 = arith.constant 6 : i32
    %eq3A_524 = vector.broadcast %eq3A_523 : i32 to vector<16xi32>
    %eq3A_525 = arith.cmpi eq, %get3A_313, %eq3A_524 : vector<16xi32>
    %jit3A_526 = arith.constant 1 : i32
    %jit3A_527 = arith.constant 0 : i32
    %broadcast_in_dim3A_528 = vector.broadcast %jit3A_526 : i32 to vector<16xi32>
    %broadcast_in_dim3A_529 = vector.broadcast %jit3A_527 : i32 to vector<16xi32>
    %select_n3A_530 = arith.select %eq3A_525, %broadcast_in_dim3A_528, %broadcast_in_dim3A_529 : vector<16xi1>, vector<16xi32>
    %cumsum3A_531 = arith.constant true
    %cumsum3A_532 = vector.broadcast %cumsum3A_531 : i1 to vector<16xi1>
    %cumsum3A_533 = tpu.scan <sum>, %select_n3A_530 masked %cumsum3A_532 : vector<16xi32>, vector<16xi1> -> vector<16xi32>
    %eq3A_534 = arith.constant 6 : i32
    %eq3A_535 = vector.broadcast %eq3A_534 : i32 to vector<16xi32>
    %eq3A_536 = arith.cmpi eq, %iota3A, %eq3A_535 : vector<16xi32>
    %jit3A_537 = arith.constant 0 : i32
    %broadcast_in_dim3A_538 = vector.broadcast %jit3A_537 : i32 to vector<16xi32>
    %select_n3A_539 = arith.select %eq3A_536, %add3A_310, %broadcast_in_dim3A_538 : vector<16xi1>, vector<16xi32>
    %reduce_sum3A_540 = arith.constant true
    %reduce_sum3A_541 = vector.broadcast %reduce_sum3A_540 : i1 to vector<16xi1>
    %reduce_sum3A_542 = tpu.scan <sum>, %select_n3A_539 masked %reduce_sum3A_541 : vector<16xi32>, vector<16xi1> -> vector<16xi32>
    %reduce_sum3A_543 = vector.extract %reduce_sum3A_542[15] : i32 from vector<16xi32>
    %add3A_544 = vector.broadcast %reduce_sum3A_543 : i32 to vector<16xi32>
    %add3A_545 = arith.addi %add3A_544, %cumsum3A_533 : vector<16xi32>
    %sub3A_546 = arith.constant 1 : i32
    %sub3A_547 = vector.broadcast %sub3A_546 : i32 to vector<16xi32>
    %sub3A_548 = arith.subi %add3A_545, %sub3A_547 : vector<16xi32>
    %select_n3A_549 = arith.select %eq3A_525, %sub3A_548, %select_n3A_514 : vector<16xi1>, vector<16xi32>
    %all_reduce_population_count3A_550 = tpu.all_reduce %eq3A_525 {dim = 0 : i64, kind = #tpu.reduction_kind<sum>} : vector<16xi1> -> vector<16xi32>
    %eq3A_551 = arith.constant 6 : i32
    %eq3A_552 = vector.broadcast %eq3A_551 : i32 to vector<16xi32>
    %eq3A_553 = arith.cmpi eq, %iota3A, %eq3A_552 : vector<16xi32>
    %jit3A_554 = arith.constant 0 : i32
    %broadcast_in_dim3A_555 = vector.broadcast %jit3A_554 : i32 to vector<16xi32>
    %select_n3A_556 = arith.select %eq3A_553, %all_reduce_population_count3A_550, %broadcast_in_dim3A_555 : vector<16xi1>, vector<16xi32>
    %add3A_557 = arith.addi %add3A_522, %select_n3A_556 : vector<16xi32>
    %eq3A_558 = arith.constant 7 : i32
    %eq3A_559 = vector.broadcast %eq3A_558 : i32 to vector<16xi32>
    %eq3A_560 = arith.cmpi eq, %get3A_313, %eq3A_559 : vector<16xi32>
    %jit3A_561 = arith.constant 1 : i32
    %jit3A_562 = arith.constant 0 : i32
    %broadcast_in_dim3A_563 = vector.broadcast %jit3A_561 : i32 to vector<16xi32>
    %broadcast_in_dim3A_564 = vector.broadcast %jit3A_562 : i32 to vector<16xi32>
    %select_n3A_565 = arith.select %eq3A_560, %broadcast_in_dim3A_563, %broadcast_in_dim3A_564 : vector<16xi1>, vector<16xi32>
    %cumsum3A_566 = arith.constant true
    %cumsum3A_567 = vector.broadcast %cumsum3A_566 : i1 to vector<16xi1>
    %cumsum3A_568 = tpu.scan <sum>, %select_n3A_565 masked %cumsum3A_567 : vector<16xi32>, vector<16xi1> -> vector<16xi32>
    %eq3A_569 = arith.constant 7 : i32
    %eq3A_570 = vector.broadcast %eq3A_569 : i32 to vector<16xi32>
    %eq3A_571 = arith.cmpi eq, %iota3A, %eq3A_570 : vector<16xi32>
    %jit3A_572 = arith.constant 0 : i32
    %broadcast_in_dim3A_573 = vector.broadcast %jit3A_572 : i32 to vector<16xi32>
    %select_n3A_574 = arith.select %eq3A_571, %add3A_310, %broadcast_in_dim3A_573 : vector<16xi1>, vector<16xi32>
    %reduce_sum3A_575 = arith.constant true
    %reduce_sum3A_576 = vector.broadcast %reduce_sum3A_575 : i1 to vector<16xi1>
    %reduce_sum3A_577 = tpu.scan <sum>, %select_n3A_574 masked %reduce_sum3A_576 : vector<16xi32>, vector<16xi1> -> vector<16xi32>
    %reduce_sum3A_578 = vector.extract %reduce_sum3A_577[15] : i32 from vector<16xi32>
    %add3A_579 = vector.broadcast %reduce_sum3A_578 : i32 to vector<16xi32>
    %add3A_580 = arith.addi %add3A_579, %cumsum3A_568 : vector<16xi32>
    %sub3A_581 = arith.constant 1 : i32
    %sub3A_582 = vector.broadcast %sub3A_581 : i32 to vector<16xi32>
    %sub3A_583 = arith.subi %add3A_580, %sub3A_582 : vector<16xi32>
    %select_n3A_584 = arith.select %eq3A_560, %sub3A_583, %select_n3A_549 : vector<16xi1>, vector<16xi32>
    %all_reduce_population_count3A_585 = tpu.all_reduce %eq3A_560 {dim = 0 : i64, kind = #tpu.reduction_kind<sum>} : vector<16xi1> -> vector<16xi32>
    %eq3A_586 = arith.constant 7 : i32
    %eq3A_587 = vector.broadcast %eq3A_586 : i32 to vector<16xi32>
    %eq3A_588 = arith.cmpi eq, %iota3A, %eq3A_587 : vector<16xi32>
    %jit3A_589 = arith.constant 0 : i32
    %broadcast_in_dim3A_590 = vector.broadcast %jit3A_589 : i32 to vector<16xi32>
    %select_n3A_591 = arith.select %eq3A_588, %all_reduce_population_count3A_585, %broadcast_in_dim3A_590 : vector<16xi1>, vector<16xi32>
    %add3A_592 = arith.addi %add3A_557, %select_n3A_591 : vector<16xi32>
    %add3A_593 = arith.addi %add3A_310, %add3A_592 : vector<16xi32>
    %swap3A = arith.constant 0 : index
    %swap3A_594 = tpu.vector_load %arg11[%swap3A] {strides = array<i32>} : memref<128xi32, #tpu.memory_space<vmem>>, vector<16xi32>,
    tpu.vector_store %arg11[%swap3A], %select_n3A_584 {strides = array<i32>} : memref<128xi32, #tpu.memory_space<vmem>>, vector<16xi32>,
    %add3A_595 = arith.constant 16 : i32
    %add3A_596 = arith.addi %mul3A_2, %add3A_595 : i32
    %get3A_597 = arith.index_cast %add3A_596 : i32 to index
    %get3A_598 = tpu.vector_load %arg9[%get3A_597] {strides = array<i32>} : memref<4096xi32, #tpu.memory_space<vmem>>, vector<16xi32>,
    %eq3A_599 = arith.constant 0 : i32
    %eq3A_600 = vector.broadcast %eq3A_599 : i32 to vector<16xi32>
    %eq3A_601 = arith.cmpi eq, %get3A_598, %eq3A_600 : vector<16xi32>
    %jit3A_602 = arith.constant 1 : i32
    %jit3A_603 = arith.constant 0 : i32
    %broadcast_in_dim3A_604 = vector.broadcast %jit3A_602 : i32 to vector<16xi32>
    %broadcast_in_dim3A_605 = vector.broadcast %jit3A_603 : i32 to vector<16xi32>
    %select_n3A_606 = arith.select %eq3A_601, %broadcast_in_dim3A_604, %broadcast_in_dim3A_605 : vector<16xi1>, vector<16xi32>
    %cumsum3A_607 = arith.constant true
    %cumsum3A_608 = vector.broadcast %cumsum3A_607 : i1 to vector<16xi1>
    %cumsum3A_609 = tpu.scan <sum>, %select_n3A_606 masked %cumsum3A_608 : vector<16xi32>, vector<16xi1> -> vector<16xi32>
    %eq3A_610 = arith.constant 0 : i32
    %eq3A_611 = vector.broadcast %eq3A_610 : i32 to vector<16xi32>
    %eq3A_612 = arith.cmpi eq, %iota3A, %eq3A_611 : vector<16xi32>
    %jit3A_613 = arith.constant 0 : i32
    %broadcast_in_dim3A_614 = vector.broadcast %jit3A_613 : i32 to vector<16xi32>
    %select_n3A_615 = arith.select %eq3A_612, %add3A_593, %broadcast_in_dim3A_614 : vector<16xi1>, vector<16xi32>
    %reduce_sum3A_616 = arith.constant true
    %reduce_sum3A_617 = vector.broadcast %reduce_sum3A_616 : i1 to vector<16xi1>
    %reduce_sum3A_618 = tpu.scan <sum>, %select_n3A_615 masked %reduce_sum3A_617 : vector<16xi32>, vector<16xi1> -> vector<16xi32>
    %reduce_sum3A_619 = vector.extract %reduce_sum3A_618[15] : i32 from vector<16xi32>
    %add3A_620 = vector.broadcast %reduce_sum3A_619 : i32 to vector<16xi32>
    %add3A_621 = arith.addi %add3A_620, %cumsum3A_609 : vector<16xi32>
    %sub3A_622 = arith.constant 1 : i32
    %sub3A_623 = vector.broadcast %sub3A_622 : i32 to vector<16xi32>
    %sub3A_624 = arith.subi %add3A_621, %sub3A_623 : vector<16xi32>
    %select_n3A_625 = arith.select %eq3A_601, %sub3A_624, %broadcast_in_dim3A_14 : vector<16xi1>, vector<16xi32>
    %all_reduce_population_count3A_626 = tpu.all_reduce %eq3A_601 {dim = 0 : i64, kind = #tpu.reduction_kind<sum>} : vector<16xi1> -> vector<16xi32>
    %eq3A_627 = arith.constant 0 : i32
    %eq3A_628 = vector.broadcast %eq3A_627 : i32 to vector<16xi32>
    %eq3A_629 = arith.cmpi eq, %iota3A, %eq3A_628 : vector<16xi32>
    %jit3A_630 = arith.constant 0 : i32
    %broadcast_in_dim3A_631 = vector.broadcast %jit3A_630 : i32 to vector<16xi32>
    %select_n3A_632 = arith.select %eq3A_629, %all_reduce_population_count3A_626, %broadcast_in_dim3A_631 : vector<16xi1>, vector<16xi32>
    %add3A_633 = arith.addi %broadcast_in_dim3A_14, %select_n3A_632 : vector<16xi32>
    %eq3A_634 = arith.constant 1 : i32
    %eq3A_635 = vector.broadcast %eq3A_634 : i32 to vector<16xi32>
    %eq3A_636 = arith.cmpi eq, %get3A_598, %eq3A_635 : vector<16xi32>
    %jit3A_637 = arith.constant 1 : i32
    %jit3A_638 = arith.constant 0 : i32
    %broadcast_in_dim3A_639 = vector.broadcast %jit3A_637 : i32 to vector<16xi32>
    %broadcast_in_dim3A_640 = vector.broadcast %jit3A_638 : i32 to vector<16xi32>
    %select_n3A_641 = arith.select %eq3A_636, %broadcast_in_dim3A_639, %broadcast_in_dim3A_640 : vector<16xi1>, vector<16xi32>
    %cumsum3A_642 = arith.constant true
    %cumsum3A_643 = vector.broadcast %cumsum3A_642 : i1 to vector<16xi1>
    %cumsum3A_644 = tpu.scan <sum>, %select_n3A_641 masked %cumsum3A_643 : vector<16xi32>, vector<16xi1> -> vector<16xi32>
    %eq3A_645 = arith.constant 1 : i32
    %eq3A_646 = vector.broadcast %eq3A_645 : i32 to vector<16xi32>
    %eq3A_647 = arith.cmpi eq, %iota3A, %eq3A_646 : vector<16xi32>
    %jit3A_648 = arith.constant 0 : i32
    %broadcast_in_dim3A_649 = vector.broadcast %jit3A_648 : i32 to vector<16xi32>
    %select_n3A_650 = arith.select %eq3A_647, %add3A_593, %broadcast_in_dim3A_649 : vector<16xi1>, vector<16xi32>
    %reduce_sum3A_651 = arith.constant true
    %reduce_sum3A_652 = vector.broadcast %reduce_sum3A_651 : i1 to vector<16xi1>
    %reduce_sum3A_653 = tpu.scan <sum>, %select_n3A_650 masked %reduce_sum3A_652 : vector<16xi32>, vector<16xi1> -> vector<16xi32>
    %reduce_sum3A_654 = vector.extract %reduce_sum3A_653[15] : i32 from vector<16xi32>
    %add3A_655 = vector.broadcast %reduce_sum3A_654 : i32 to vector<16xi32>
    %add3A_656 = arith.addi %add3A_655, %cumsum3A_644 : vector<16xi32>
    %sub3A_657 = arith.constant 1 : i32
    %sub3A_658 = vector.broadcast %sub3A_657 : i32 to vector<16xi32>
    %sub3A_659 = arith.subi %add3A_656, %sub3A_658 : vector<16xi32>
    %select_n3A_660 = arith.select %eq3A_636, %sub3A_659, %select_n3A_625 : vector<16xi1>, vector<16xi32>
    %all_reduce_population_count3A_661 = tpu.all_reduce %eq3A_636 {dim = 0 : i64, kind = #tpu.reduction_kind<sum>} : vector<16xi1> -> vector<16xi32>
    %eq3A_662 = arith.constant 1 : i32
    %eq3A_663 = vector.broadcast %eq3A_662 : i32 to vector<16xi32>
    %eq3A_664 = arith.cmpi eq, %iota3A, %eq3A_663 : vector<16xi32>
    %jit3A_665 = arith.constant 0 : i32
    %broadcast_in_dim3A_666 = vector.broadcast %jit3A_665 : i32 to vector<16xi32>
    %select_n3A_667 = arith.select %eq3A_664, %all_reduce_population_count3A_661, %broadcast_in_dim3A_666 : vector<16xi1>, vector<16xi32>
    %add3A_668 = arith.addi %add3A_633, %select_n3A_667 : vector<16xi32>
    %eq3A_669 = arith.constant 2 : i32
    %eq3A_670 = vector.broadcast %eq3A_669 : i32 to vector<16xi32>
    %eq3A_671 = arith.cmpi eq, %get3A_598, %eq3A_670 : vector<16xi32>
    %jit3A_672 = arith.constant 1 : i32
    %jit3A_673 = arith.constant 0 : i32
    %broadcast_in_dim3A_674 = vector.broadcast %jit3A_672 : i32 to vector<16xi32>
    %broadcast_in_dim3A_675 = vector.broadcast %jit3A_673 : i32 to vector<16xi32>
    %select_n3A_676 = arith.select %eq3A_671, %broadcast_in_dim3A_674, %broadcast_in_dim3A_675 : vector<16xi1>, vector<16xi32>
    %cumsum3A_677 = arith.constant true
    %cumsum3A_678 = vector.broadcast %cumsum3A_677 : i1 to vector<16xi1>
    %cumsum3A_679 = tpu.scan <sum>, %select_n3A_676 masked %cumsum3A_678 : vector<16xi32>, vector<16xi1> -> vector<16xi32>
    %eq3A_680 = arith.constant 2 : i32
    %eq3A_681 = vector.broadcast %eq3A_680 : i32 to vector<16xi32>
    %eq3A_682 = arith.cmpi eq, %iota3A, %eq3A_681 : vector<16xi32>
    %jit3A_683 = arith.constant 0 : i32
    %broadcast_in_dim3A_684 = vector.broadcast %jit3A_683 : i32 to vector<16xi32>
    %select_n3A_685 = arith.select %eq3A_682, %add3A_593, %broadcast_in_dim3A_684 : vector<16xi1>, vector<16xi32>
    %reduce_sum3A_686 = arith.constant true
    %reduce_sum3A_687 = vector.broadcast %reduce_sum3A_686 : i1 to vector<16xi1>
    %reduce_sum3A_688 = tpu.scan <sum>, %select_n3A_685 masked %reduce_sum3A_687 : vector<16xi32>, vector<16xi1> -> vector<16xi32>
    %reduce_sum3A_689 = vector.extract %reduce_sum3A_688[15] : i32 from vector<16xi32>
    %add3A_690 = vector.broadcast %reduce_sum3A_689 : i32 to vector<16xi32>
    %add3A_691 = arith.addi %add3A_690, %cumsum3A_679 : vector<16xi32>
    %sub3A_692 = arith.constant 1 : i32
    %sub3A_693 = vector.broadcast %sub3A_692 : i32 to vector<16xi32>
    %sub3A_694 = arith.subi %add3A_691, %sub3A_693 : vector<16xi32>
    %select_n3A_695 = arith.select %eq3A_671, %sub3A_694, %select_n3A_660 : vector<16xi1>, vector<16xi32>
    %all_reduce_population_count3A_696 = tpu.all_reduce %eq3A_671 {dim = 0 : i64, kind = #tpu.reduction_kind<sum>} : vector<16xi1> -> vector<16xi32>
    %eq3A_697 = arith.constant 2 : i32
    %eq3A_698 = vector.broadcast %eq3A_697 : i32 to vector<16xi32>
    %eq3A_699 = arith.cmpi eq, %iota3A, %eq3A_698 : vector<16xi32>
    %jit3A_700 = arith.constant 0 : i32
    %broadcast_in_dim3A_701 = vector.broadcast %jit3A_700 : i32 to vector<16xi32>
    %select_n3A_702 = arith.select %eq3A_699, %all_reduce_population_count3A_696, %broadcast_in_dim3A_701 : vector<16xi1>, vector<16xi32>
    %add3A_703 = arith.addi %add3A_668, %select_n3A_702 : vector<16xi32>
    %eq3A_704 = arith.constant 3 : i32
    %eq3A_705 = vector.broadcast %eq3A_704 : i32 to vector<16xi32>
    %eq3A_706 = arith.cmpi eq, %get3A_598, %eq3A_705 : vector<16xi32>
    %jit3A_707 = arith.constant 1 : i32
    %jit3A_708 = arith.constant 0 : i32
    %broadcast_in_dim3A_709 = vector.broadcast %jit3A_707 : i32 to vector<16xi32>
    %broadcast_in_dim3A_710 = vector.broadcast %jit3A_708 : i32 to vector<16xi32>
    %select_n3A_711 = arith.select %eq3A_706, %broadcast_in_dim3A_709, %broadcast_in_dim3A_710 : vector<16xi1>, vector<16xi32>
    %cumsum3A_712 = arith.constant true
    %cumsum3A_713 = vector.broadcast %cumsum3A_712 : i1 to vector<16xi1>
    %cumsum3A_714 = tpu.scan <sum>, %select_n3A_711 masked %cumsum3A_713 : vector<16xi32>, vector<16xi1> -> vector<16xi32>
    %eq3A_715 = arith.constant 3 : i32
    %eq3A_716 = vector.broadcast %eq3A_715 : i32 to vector<16xi32>
    %eq3A_717 = arith.cmpi eq, %iota3A, %eq3A_716 : vector<16xi32>
    %jit3A_718 = arith.constant 0 : i32
    %broadcast_in_dim3A_719 = vector.broadcast %jit3A_718 : i32 to vector<16xi32>
    %select_n3A_720 = arith.select %eq3A_717, %add3A_593, %broadcast_in_dim3A_719 : vector<16xi1>, vector<16xi32>
    %reduce_sum3A_721 = arith.constant true
    %reduce_sum3A_722 = vector.broadcast %reduce_sum3A_721 : i1 to vector<16xi1>
    %reduce_sum3A_723 = tpu.scan <sum>, %select_n3A_720 masked %reduce_sum3A_722 : vector<16xi32>, vector<16xi1> -> vector<16xi32>
    %reduce_sum3A_724 = vector.extract %reduce_sum3A_723[15] : i32 from vector<16xi32>
    %add3A_725 = vector.broadcast %reduce_sum3A_724 : i32 to vector<16xi32>
    %add3A_726 = arith.addi %add3A_725, %cumsum3A_714 : vector<16xi32>
    %sub3A_727 = arith.constant 1 : i32
    %sub3A_728 = vector.broadcast %sub3A_727 : i32 to vector<16xi32>
    %sub3A_729 = arith.subi %add3A_726, %sub3A_728 : vector<16xi32>
    %select_n3A_730 = arith.select %eq3A_706, %sub3A_729, %select_n3A_695 : vector<16xi1>, vector<16xi32>
    %all_reduce_population_count3A_731 = tpu.all_reduce %eq3A_706 {dim = 0 : i64, kind = #tpu.reduction_kind<sum>} : vector<16xi1> -> vector<16xi32>
    %eq3A_732 = arith.constant 3 : i32
    %eq3A_733 = vector.broadcast %eq3A_732 : i32 to vector<16xi32>
    %eq3A_734 = arith.cmpi eq, %iota3A, %eq3A_733 : vector<16xi32>
    %jit3A_735 = arith.constant 0 : i32
    %broadcast_in_dim3A_736 = vector.broadcast %jit3A_735 : i32 to vector<16xi32>
    %select_n3A_737 = arith.select %eq3A_734, %all_reduce_population_count3A_731, %broadcast_in_dim3A_736 : vector<16xi1>, vector<16xi32>
    %add3A_738 = arith.addi %add3A_703, %select_n3A_737 : vector<16xi32>
    %eq3A_739 = arith.constant 4 : i32
    %eq3A_740 = vector.broadcast %eq3A_739 : i32 to vector<16xi32>
    %eq3A_741 = arith.cmpi eq, %get3A_598, %eq3A_740 : vector<16xi32>
    %jit3A_742 = arith.constant 1 : i32
    %jit3A_743 = arith.constant 0 : i32
    %broadcast_in_dim3A_744 = vector.broadcast %jit3A_742 : i32 to vector<16xi32>
    %broadcast_in_dim3A_745 = vector.broadcast %jit3A_743 : i32 to vector<16xi32>
    %select_n3A_746 = arith.select %eq3A_741, %broadcast_in_dim3A_744, %broadcast_in_dim3A_745 : vector<16xi1>, vector<16xi32>
    %cumsum3A_747 = arith.constant true
    %cumsum3A_748 = vector.broadcast %cumsum3A_747 : i1 to vector<16xi1>
    %cumsum3A_749 = tpu.scan <sum>, %select_n3A_746 masked %cumsum3A_748 : vector<16xi32>, vector<16xi1> -> vector<16xi32>
    %eq3A_750 = arith.constant 4 : i32
    %eq3A_751 = vector.broadcast %eq3A_750 : i32 to vector<16xi32>
    %eq3A_752 = arith.cmpi eq, %iota3A, %eq3A_751 : vector<16xi32>
    %jit3A_753 = arith.constant 0 : i32
    %broadcast_in_dim3A_754 = vector.broadcast %jit3A_753 : i32 to vector<16xi32>
    %select_n3A_755 = arith.select %eq3A_752, %add3A_593, %broadcast_in_dim3A_754 : vector<16xi1>, vector<16xi32>
    %reduce_sum3A_756 = arith.constant true
    %reduce_sum3A_757 = vector.broadcast %reduce_sum3A_756 : i1 to vector<16xi1>
    %reduce_sum3A_758 = tpu.scan <sum>, %select_n3A_755 masked %reduce_sum3A_757 : vector<16xi32>, vector<16xi1> -> vector<16xi32>
    %reduce_sum3A_759 = vector.extract %reduce_sum3A_758[15] : i32 from vector<16xi32>
    %add3A_760 = vector.broadcast %reduce_sum3A_759 : i32 to vector<16xi32>
    %add3A_761 = arith.addi %add3A_760, %cumsum3A_749 : vector<16xi32>
    %sub3A_762 = arith.constant 1 : i32
    %sub3A_763 = vector.broadcast %sub3A_762 : i32 to vector<16xi32>
    %sub3A_764 = arith.subi %add3A_761, %sub3A_763 : vector<16xi32>
    %select_n3A_765 = arith.select %eq3A_741, %sub3A_764, %select_n3A_730 : vector<16xi1>, vector<16xi32>
    %all_reduce_population_count3A_766 = tpu.all_reduce %eq3A_741 {dim = 0 : i64, kind = #tpu.reduction_kind<sum>} : vector<16xi1> -> vector<16xi32>
    %eq3A_767 = arith.constant 4 : i32
    %eq3A_768 = vector.broadcast %eq3A_767 : i32 to vector<16xi32>
    %eq3A_769 = arith.cmpi eq, %iota3A, %eq3A_768 : vector<16xi32>
    %jit3A_770 = arith.constant 0 : i32
    %broadcast_in_dim3A_771 = vector.broadcast %jit3A_770 : i32 to vector<16xi32>
    %select_n3A_772 = arith.select %eq3A_769, %all_reduce_population_count3A_766, %broadcast_in_dim3A_771 : vector<16xi1>, vector<16xi32>
    %add3A_773 = arith.addi %add3A_738, %select_n3A_772 : vector<16xi32>
    %eq3A_774 = arith.constant 5 : i32
    %eq3A_775 = vector.broadcast %eq3A_774 : i32 to vector<16xi32>
    %eq3A_776 = arith.cmpi eq, %get3A_598, %eq3A_775 : vector<16xi32>
    %jit3A_777 = arith.constant 1 : i32
    %jit3A_778 = arith.constant 0 : i32
    %broadcast_in_dim3A_779 = vector.broadcast %jit3A_777 : i32 to vector<16xi32>
    %broadcast_in_dim3A_780 = vector.broadcast %jit3A_778 : i32 to vector<16xi32>
    %select_n3A_781 = arith.select %eq3A_776, %broadcast_in_dim3A_779, %broadcast_in_dim3A_780 : vector<16xi1>, vector<16xi32>
    %cumsum3A_782 = arith.constant true
    %cumsum3A_783 = vector.broadcast %cumsum3A_782 : i1 to vector<16xi1>
    %cumsum3A_784 = tpu.scan <sum>, %select_n3A_781 masked %cumsum3A_783 : vector<16xi32>, vector<16xi1> -> vector<16xi32>
    %eq3A_785 = arith.constant 5 : i32
    %eq3A_786 = vector.broadcast %eq3A_785 : i32 to vector<16xi32>
    %eq3A_787 = arith.cmpi eq, %iota3A, %eq3A_786 : vector<16xi32>
    %jit3A_788 = arith.constant 0 : i32
    %broadcast_in_dim3A_789 = vector.broadcast %jit3A_788 : i32 to vector<16xi32>
    %select_n3A_790 = arith.select %eq3A_787, %add3A_593, %broadcast_in_dim3A_789 : vector<16xi1>, vector<16xi32>
    %reduce_sum3A_791 = arith.constant true
    %reduce_sum3A_792 = vector.broadcast %reduce_sum3A_791 : i1 to vector<16xi1>
    %reduce_sum3A_793 = tpu.scan <sum>, %select_n3A_790 masked %reduce_sum3A_792 : vector<16xi32>, vector<16xi1> -> vector<16xi32>
    %reduce_sum3A_794 = vector.extract %reduce_sum3A_793[15] : i32 from vector<16xi32>
    %add3A_795 = vector.broadcast %reduce_sum3A_794 : i32 to vector<16xi32>
    %add3A_796 = arith.addi %add3A_795, %cumsum3A_784 : vector<16xi32>
    %sub3A_797 = arith.constant 1 : i32
    %sub3A_798 = vector.broadcast %sub3A_797 : i32 to vector<16xi32>
    %sub3A_799 = arith.subi %add3A_796, %sub3A_798 : vector<16xi32>
    %select_n3A_800 = arith.select %eq3A_776, %sub3A_799, %select_n3A_765 : vector<16xi1>, vector<16xi32>
    %all_reduce_population_count3A_801 = tpu.all_reduce %eq3A_776 {dim = 0 : i64, kind = #tpu.reduction_kind<sum>} : vector<16xi1> -> vector<16xi32>
    %eq3A_802 = arith.constant 5 : i32
    %eq3A_803 = vector.broadcast %eq3A_802 : i32 to vector<16xi32>
    %eq3A_804 = arith.cmpi eq, %iota3A, %eq3A_803 : vector<16xi32>
    %jit3A_805 = arith.constant 0 : i32
    %broadcast_in_dim3A_806 = vector.broadcast %jit3A_805 : i32 to vector<16xi32>
    %select_n3A_807 = arith.select %eq3A_804, %all_reduce_population_count3A_801, %broadcast_in_dim3A_806 : vector<16xi1>, vector<16xi32>
    %add3A_808 = arith.addi %add3A_773, %select_n3A_807 : vector<16xi32>
    %eq3A_809 = arith.constant 6 : i32
    %eq3A_810 = vector.broadcast %eq3A_809 : i32 to vector<16xi32>
    %eq3A_811 = arith.cmpi eq, %get3A_598, %eq3A_810 : vector<16xi32>
    %jit3A_812 = arith.constant 1 : i32
    %jit3A_813 = arith.constant 0 : i32
    %broadcast_in_dim3A_814 = vector.broadcast %jit3A_812 : i32 to vector<16xi32>
    %broadcast_in_dim3A_815 = vector.broadcast %jit3A_813 : i32 to vector<16xi32>
    %select_n3A_816 = arith.select %eq3A_811, %broadcast_in_dim3A_814, %broadcast_in_dim3A_815 : vector<16xi1>, vector<16xi32>
    %cumsum3A_817 = arith.constant true
    %cumsum3A_818 = vector.broadcast %cumsum3A_817 : i1 to vector<16xi1>
    %cumsum3A_819 = tpu.scan <sum>, %select_n3A_816 masked %cumsum3A_818 : vector<16xi32>, vector<16xi1> -> vector<16xi32>
    %eq3A_820 = arith.constant 6 : i32
    %eq3A_821 = vector.broadcast %eq3A_820 : i32 to vector<16xi32>
    %eq3A_822 = arith.cmpi eq, %iota3A, %eq3A_821 : vector<16xi32>
    %jit3A_823 = arith.constant 0 : i32
    %broadcast_in_dim3A_824 = vector.broadcast %jit3A_823 : i32 to vector<16xi32>
    %select_n3A_825 = arith.select %eq3A_822, %add3A_593, %broadcast_in_dim3A_824 : vector<16xi1>, vector<16xi32>
    %reduce_sum3A_826 = arith.constant true
    %reduce_sum3A_827 = vector.broadcast %reduce_sum3A_826 : i1 to vector<16xi1>
    %reduce_sum3A_828 = tpu.scan <sum>, %select_n3A_825 masked %reduce_sum3A_827 : vector<16xi32>, vector<16xi1> -> vector<16xi32>
    %reduce_sum3A_829 = vector.extract %reduce_sum3A_828[15] : i32 from vector<16xi32>
    %add3A_830 = vector.broadcast %reduce_sum3A_829 : i32 to vector<16xi32>
    %add3A_831 = arith.addi %add3A_830, %cumsum3A_819 : vector<16xi32>
    %sub3A_832 = arith.constant 1 : i32
    %sub3A_833 = vector.broadcast %sub3A_832 : i32 to vector<16xi32>
    %sub3A_834 = arith.subi %add3A_831, %sub3A_833 : vector<16xi32>
    %select_n3A_835 = arith.select %eq3A_811, %sub3A_834, %select_n3A_800 : vector<16xi1>, vector<16xi32>
    %all_reduce_population_count3A_836 = tpu.all_reduce %eq3A_811 {dim = 0 : i64, kind = #tpu.reduction_kind<sum>} : vector<16xi1> -> vector<16xi32>
    %eq3A_837 = arith.constant 6 : i32
    %eq3A_838 = vector.broadcast %eq3A_837 : i32 to vector<16xi32>
    %eq3A_839 = arith.cmpi eq, %iota3A, %eq3A_838 : vector<16xi32>
    %jit3A_840 = arith.constant 0 : i32
    %broadcast_in_dim3A_841 = vector.broadcast %jit3A_840 : i32 to vector<16xi32>
    %select_n3A_842 = arith.select %eq3A_839, %all_reduce_population_count3A_836, %broadcast_in_dim3A_841 : vector<16xi1>, vector<16xi32>
    %add3A_843 = arith.addi %add3A_808, %select_n3A_842 : vector<16xi32>
    %eq3A_844 = arith.constant 7 : i32
    %eq3A_845 = vector.broadcast %eq3A_844 : i32 to vector<16xi32>
    %eq3A_846 = arith.cmpi eq, %get3A_598, %eq3A_845 : vector<16xi32>
    %jit3A_847 = arith.constant 1 : i32
    %jit3A_848 = arith.constant 0 : i32
    %broadcast_in_dim3A_849 = vector.broadcast %jit3A_847 : i32 to vector<16xi32>
    %broadcast_in_dim3A_850 = vector.broadcast %jit3A_848 : i32 to vector<16xi32>
    %select_n3A_851 = arith.select %eq3A_846, %broadcast_in_dim3A_849, %broadcast_in_dim3A_850 : vector<16xi1>, vector<16xi32>
    %cumsum3A_852 = arith.constant true
    %cumsum3A_853 = vector.broadcast %cumsum3A_852 : i1 to vector<16xi1>
    %cumsum3A_854 = tpu.scan <sum>, %select_n3A_851 masked %cumsum3A_853 : vector<16xi32>, vector<16xi1> -> vector<16xi32>
    %eq3A_855 = arith.constant 7 : i32
    %eq3A_856 = vector.broadcast %eq3A_855 : i32 to vector<16xi32>
    %eq3A_857 = arith.cmpi eq, %iota3A, %eq3A_856 : vector<16xi32>
    %jit3A_858 = arith.constant 0 : i32
    %broadcast_in_dim3A_859 = vector.broadcast %jit3A_858 : i32 to vector<16xi32>
    %select_n3A_860 = arith.select %eq3A_857, %add3A_593, %broadcast_in_dim3A_859 : vector<16xi1>, vector<16xi32>
    %reduce_sum3A_861 = arith.constant true
    %reduce_sum3A_862 = vector.broadcast %reduce_sum3A_861 : i1 to vector<16xi1>
    %reduce_sum3A_863 = tpu.scan <sum>, %select_n3A_860 masked %reduce_sum3A_862 : vector<16xi32>, vector<16xi1> -> vector<16xi32>
    %reduce_sum3A_864 = vector.extract %reduce_sum3A_863[15] : i32 from vector<16xi32>
    %add3A_865 = vector.broadcast %reduce_sum3A_864 : i32 to vector<16xi32>
    %add3A_866 = arith.addi %add3A_865, %cumsum3A_854 : vector<16xi32>
    %sub3A_867 = arith.constant 1 : i32
    %sub3A_868 = vector.broadcast %sub3A_867 : i32 to vector<16xi32>
    %sub3A_869 = arith.subi %add3A_866, %sub3A_868 : vector<16xi32>
    %select_n3A_870 = arith.select %eq3A_846, %sub3A_869, %select_n3A_835 : vector<16xi1>, vector<16xi32>
    %all_reduce_population_count3A_871 = tpu.all_reduce %eq3A_846 {dim = 0 : i64, kind = #tpu.reduction_kind<sum>} : vector<16xi1> -> vector<16xi32>
    %eq3A_872 = arith.constant 7 : i32
    %eq3A_873 = vector.broadcast %eq3A_872 : i32 to vector<16xi32>
    %eq3A_874 = arith.cmpi eq, %iota3A, %eq3A_873 : vector<16xi32>
    %jit3A_875 = arith.constant 0 : i32
    %broadcast_in_dim3A_876 = vector.broadcast %jit3A_875 : i32 to vector<16xi32>
    %select_n3A_877 = arith.select %eq3A_874, %all_reduce_population_count3A_871, %broadcast_in_dim3A_876 : vector<16xi1>, vector<16xi32>
    %add3A_878 = arith.addi %add3A_843, %select_n3A_877 : vector<16xi32>
    %add3A_879 = arith.addi %add3A_593, %add3A_878 : vector<16xi32>
    %swap3A_880 = arith.constant 16 : index
    %swap3A_881 = tpu.vector_load %arg11[%swap3A_880] {strides = array<i32>} : memref<128xi32, #tpu.memory_space<vmem>>, vector<16xi32>,
    tpu.vector_store %arg11[%swap3A_880], %select_n3A_870 {strides = array<i32>} : memref<128xi32, #tpu.memory_space<vmem>>, vector<16xi32>,
    %add3A_882 = arith.constant 32 : i32
    %add3A_883 = arith.addi %mul3A_2, %add3A_882 : i32
    %get3A_884 = arith.index_cast %add3A_883 : i32 to index
    %get3A_885 = tpu.vector_load %arg9[%get3A_884] {strides = array<i32>} : memref<4096xi32, #tpu.memory_space<vmem>>, vector<16xi32>,
    %eq3A_886 = arith.constant 0 : i32
    %eq3A_887 = vector.broadcast %eq3A_886 : i32 to vector<16xi32>
    %eq3A_888 = arith.cmpi eq, %get3A_885, %eq3A_887 : vector<16xi32>
    %jit3A_889 = arith.constant 1 : i32
    %jit3A_890 = arith.constant 0 : i32
    %broadcast_in_dim3A_891 = vector.broadcast %jit3A_889 : i32 to vector<16xi32>
    %broadcast_in_dim3A_892 = vector.broadcast %jit3A_890 : i32 to vector<16xi32>
    %select_n3A_893 = arith.select %eq3A_888, %broadcast_in_dim3A_891, %broadcast_in_dim3A_892 : vector<16xi1>, vector<16xi32>
    %cumsum3A_894 = arith.constant true
    %cumsum3A_895 = vector.broadcast %cumsum3A_894 : i1 to vector<16xi1>
    %cumsum3A_896 = tpu.scan <sum>, %select_n3A_893 masked %cumsum3A_895 : vector<16xi32>, vector<16xi1> -> vector<16xi32>
    %eq3A_897 = arith.constant 0 : i32
    %eq3A_898 = vector.broadcast %eq3A_897 : i32 to vector<16xi32>
    %eq3A_899 = arith.cmpi eq, %iota3A, %eq3A_898 : vector<16xi32>
    %jit3A_900 = arith.constant 0 : i32
    %broadcast_in_dim3A_901 = vector.broadcast %jit3A_900 : i32 to vector<16xi32>
    %select_n3A_902 = arith.select %eq3A_899, %add3A_879, %broadcast_in_dim3A_901 : vector<16xi1>, vector<16xi32>
    %reduce_sum3A_903 = arith.constant true
    %reduce_sum3A_904 = vector.broadcast %reduce_sum3A_903 : i1 to vector<16xi1>
    %reduce_sum3A_905 = tpu.scan <sum>, %select_n3A_902 masked %reduce_sum3A_904 : vector<16xi32>, vector<16xi1> -> vector<16xi32>
    %reduce_sum3A_906 = vector.extract %reduce_sum3A_905[15] : i32 from vector<16xi32>
    %add3A_907 = vector.broadcast %reduce_sum3A_906 : i32 to vector<16xi32>
    %add3A_908 = arith.addi %add3A_907, %cumsum3A_896 : vector<16xi32>
    %sub3A_909 = arith.constant 1 : i32
    %sub3A_910 = vector.broadcast %sub3A_909 : i32 to vector<16xi32>
    %sub3A_911 = arith.subi %add3A_908, %sub3A_910 : vector<16xi32>
    %select_n3A_912 = arith.select %eq3A_888, %sub3A_911, %broadcast_in_dim3A_14 : vector<16xi1>, vector<16xi32>
    %all_reduce_population_count3A_913 = tpu.all_reduce %eq3A_888 {dim = 0 : i64, kind = #tpu.reduction_kind<sum>} : vector<16xi1> -> vector<16xi32>
    %eq3A_914 = arith.constant 0 : i32
    %eq3A_915 = vector.broadcast %eq3A_914 : i32 to vector<16xi32>
    %eq3A_916 = arith.cmpi eq, %iota3A, %eq3A_915 : vector<16xi32>
    %jit3A_917 = arith.constant 0 : i32
    %broadcast_in_dim3A_918 = vector.broadcast %jit3A_917 : i32 to vector<16xi32>
    %select_n3A_919 = arith.select %eq3A_916, %all_reduce_population_count3A_913, %broadcast_in_dim3A_918 : vector<16xi1>, vector<16xi32>
    %add3A_920 = arith.addi %broadcast_in_dim3A_14, %select_n3A_919 : vector<16xi32>
    %eq3A_921 = arith.constant 1 : i32
    %eq3A_922 = vector.broadcast %eq3A_921 : i32 to vector<16xi32>
    %eq3A_923 = arith.cmpi eq, %get3A_885, %eq3A_922 : vector<16xi32>
    %jit3A_924 = arith.constant 1 : i32
    %jit3A_925 = arith.constant 0 : i32
    %broadcast_in_dim3A_926 = vector.broadcast %jit3A_924 : i32 to vector<16xi32>
    %broadcast_in_dim3A_927 = vector.broadcast %jit3A_925 : i32 to vector<16xi32>
    %select_n3A_928 = arith.select %eq3A_923, %broadcast_in_dim3A_926, %broadcast_in_dim3A_927 : vector<16xi1>, vector<16xi32>
    %cumsum3A_929 = arith.constant true
    %cumsum3A_930 = vector.broadcast %cumsum3A_929 : i1 to vector<16xi1>
    %cumsum3A_931 = tpu.scan <sum>, %select_n3A_928 masked %cumsum3A_930 : vector<16xi32>, vector<16xi1> -> vector<16xi32>
    %eq3A_932 = arith.constant 1 : i32
    %eq3A_933 = vector.broadcast %eq3A_932 : i32 to vector<16xi32>
    %eq3A_934 = arith.cmpi eq, %iota3A, %eq3A_933 : vector<16xi32>
    %jit3A_935 = arith.constant 0 : i32
    %broadcast_in_dim3A_936 = vector.broadcast %jit3A_935 : i32 to vector<16xi32>
    %select_n3A_937 = arith.select %eq3A_934, %add3A_879, %broadcast_in_dim3A_936 : vector<16xi1>, vector<16xi32>
    %reduce_sum3A_938 = arith.constant true
    %reduce_sum3A_939 = vector.broadcast %reduce_sum3A_938 : i1 to vector<16xi1>
    %reduce_sum3A_940 = tpu.scan <sum>, %select_n3A_937 masked %reduce_sum3A_939 : vector<16xi32>, vector<16xi1> -> vector<16xi32>
    %reduce_sum3A_941 = vector.extract %reduce_sum3A_940[15] : i32 from vector<16xi32>
    %add3A_942 = vector.broadcast %reduce_sum3A_941 : i32 to vector<16xi32>
    %add3A_943 = arith.addi %add3A_942, %cumsum3A_931 : vector<16xi32>
    %sub3A_944 = arith.constant 1 : i32
    %sub3A_945 = vector.broadcast %sub3A_944 : i32 to vector<16xi32>
    %sub3A_946 = arith.subi %add3A_943, %sub3A_945 : vector<16xi32>
    %select_n3A_947 = arith.select %eq3A_923, %sub3A_946, %select_n3A_912 : vector<16xi1>, vector<16xi32>
    %all_reduce_population_count3A_948 = tpu.all_reduce %eq3A_923 {dim = 0 : i64, kind = #tpu.reduction_kind<sum>} : vector<16xi1> -> vector<16xi32>
    %eq3A_949 = arith.constant 1 : i32
    %eq3A_950 = vector.broadcast %eq3A_949 : i32 to vector<16xi32>
    %eq3A_951 = arith.cmpi eq, %iota3A, %eq3A_950 : vector<16xi32>
    %jit3A_952 = arith.constant 0 : i32
    %broadcast_in_dim3A_953 = vector.broadcast %jit3A_952 : i32 to vector<16xi32>
    %select_n3A_954 = arith.select %eq3A_951, %all_reduce_population_count3A_948, %broadcast_in_dim3A_953 : vector<16xi1>, vector<16xi32>
    %add3A_955 = arith.addi %add3A_920, %select_n3A_954 : vector<16xi32>
    %eq3A_956 = arith.constant 2 : i32
    %eq3A_957 = vector.broadcast %eq3A_956 : i32 to vector<16xi32>
    %eq3A_958 = arith.cmpi eq, %get3A_885, %eq3A_957 : vector<16xi32>
    %jit3A_959 = arith.constant 1 : i32
    %jit3A_960 = arith.constant 0 : i32
    %broadcast_in_dim3A_961 = vector.broadcast %jit3A_959 : i32 to vector<16xi32>
    %broadcast_in_dim3A_962 = vector.broadcast %jit3A_960 : i32 to vector<16xi32>
    %select_n3A_963 = arith.select %eq3A_958, %broadcast_in_dim3A_961, %broadcast_in_dim3A_962 : vector<16xi1>, vector<16xi32>
    %cumsum3A_964 = arith.constant true
    %cumsum3A_965 = vector.broadcast %cumsum3A_964 : i1 to vector<16xi1>
    %cumsum3A_966 = tpu.scan <sum>, %select_n3A_963 masked %cumsum3A_965 : vector<16xi32>, vector<16xi1> -> vector<16xi32>
    %eq3A_967 = arith.constant 2 : i32
    %eq3A_968 = vector.broadcast %eq3A_967 : i32 to vector<16xi32>
    %eq3A_969 = arith.cmpi eq, %iota3A, %eq3A_968 : vector<16xi32>
    %jit3A_970 = arith.constant 0 : i32
    %broadcast_in_dim3A_971 = vector.broadcast %jit3A_970 : i32 to vector<16xi32>
    %select_n3A_972 = arith.select %eq3A_969, %add3A_879, %broadcast_in_dim3A_971 : vector<16xi1>, vector<16xi32>
    %reduce_sum3A_973 = arith.constant true
    %reduce_sum3A_974 = vector.broadcast %reduce_sum3A_973 : i1 to vector<16xi1>
    %reduce_sum3A_975 = tpu.scan <sum>, %select_n3A_972 masked %reduce_sum3A_974 : vector<16xi32>, vector<16xi1> -> vector<16xi32>
    %reduce_sum3A_976 = vector.extract %reduce_sum3A_975[15] : i32 from vector<16xi32>
    %add3A_977 = vector.broadcast %reduce_sum3A_976 : i32 to vector<16xi32>
    %add3A_978 = arith.addi %add3A_977, %cumsum3A_966 : vector<16xi32>
    %sub3A_979 = arith.constant 1 : i32
    %sub3A_980 = vector.broadcast %sub3A_979 : i32 to vector<16xi32>
    %sub3A_981 = arith.subi %add3A_978, %sub3A_980 : vector<16xi32>
    %select_n3A_982 = arith.select %eq3A_958, %sub3A_981, %select_n3A_947 : vector<16xi1>, vector<16xi32>
    %all_reduce_population_count3A_983 = tpu.all_reduce %eq3A_958 {dim = 0 : i64, kind = #tpu.reduction_kind<sum>} : vector<16xi1> -> vector<16xi32>
    %eq3A_984 = arith.constant 2 : i32
    %eq3A_985 = vector.broadcast %eq3A_984 : i32 to vector<16xi32>
    %eq3A_986 = arith.cmpi eq, %iota3A, %eq3A_985 : vector<16xi32>
    %jit3A_987 = arith.constant 0 : i32
    %broadcast_in_dim3A_988 = vector.broadcast %jit3A_987 : i32 to vector<16xi32>
    %select_n3A_989 = arith.select %eq3A_986, %all_reduce_population_count3A_983, %broadcast_in_dim3A_988 : vector<16xi1>, vector<16xi32>
    %add3A_990 = arith.addi %add3A_955, %select_n3A_989 : vector<16xi32>
    %eq3A_991 = arith.constant 3 : i32
    %eq3A_992 = vector.broadcast %eq3A_991 : i32 to vector<16xi32>
    %eq3A_993 = arith.cmpi eq, %get3A_885, %eq3A_992 : vector<16xi32>
    %jit3A_994 = arith.constant 1 : i32
    %jit3A_995 = arith.constant 0 : i32
    %broadcast_in_dim3A_996 = vector.broadcast %jit3A_994 : i32 to vector<16xi32>
    %broadcast_in_dim3A_997 = vector.broadcast %jit3A_995 : i32 to vector<16xi32>
    %select_n3A_998 = arith.select %eq3A_993, %broadcast_in_dim3A_996, %broadcast_in_dim3A_997 : vector<16xi1>, vector<16xi32>
    %cumsum3A_999 = arith.constant true
    %cumsum3A_1000 = vector.broadcast %cumsum3A_999 : i1 to vector<16xi1>
    %cumsum3A_1001 = tpu.scan <sum>, %select_n3A_998 masked %cumsum3A_1000 : vector<16xi32>, vector<16xi1> -> vector<16xi32>
    %eq3A_1002 = arith.constant 3 : i32
    %eq3A_1003 = vector.broadcast %eq3A_1002 : i32 to vector<16xi32>
    %eq3A_1004 = arith.cmpi eq, %iota3A, %eq3A_1003 : vector<16xi32>
    %jit3A_1005 = arith.constant 0 : i32
    %broadcast_in_dim3A_1006 = vector.broadcast %jit3A_1005 : i32 to vector<16xi32>
    %select_n3A_1007 = arith.select %eq3A_1004, %add3A_879, %broadcast_in_dim3A_1006 : vector<16xi1>, vector<16xi32>
    %reduce_sum3A_1008 = arith.constant true
    %reduce_sum3A_1009 = vector.broadcast %reduce_sum3A_1008 : i1 to vector<16xi1>
    %reduce_sum3A_1010 = tpu.scan <sum>, %select_n3A_1007 masked %reduce_sum3A_1009 : vector<16xi32>, vector<16xi1> -> vector<16xi32>
    %reduce_sum3A_1011 = vector.extract %reduce_sum3A_1010[15] : i32 from vector<16xi32>
    %add3A_1012 = vector.broadcast %reduce_sum3A_1011 : i32 to vector<16xi32>
    %add3A_1013 = arith.addi %add3A_1012, %cumsum3A_1001 : vector<16xi32>
    %sub3A_1014 = arith.constant 1 : i32
    %sub3A_1015 = vector.broadcast %sub3A_1014 : i32 to vector<16xi32>
    %sub3A_1016 = arith.subi %add3A_1013, %sub3A_1015 : vector<16xi32>
    %select_n3A_1017 = arith.select %eq3A_993, %sub3A_1016, %select_n3A_982 : vector<16xi1>, vector<16xi32>
    %all_reduce_population_count3A_1018 = tpu.all_reduce %eq3A_993 {dim = 0 : i64, kind = #tpu.reduction_kind<sum>} : vector<16xi1> -> vector<16xi32>
    %eq3A_1019 = arith.constant 3 : i32
    %eq3A_1020 = vector.broadcast %eq3A_1019 : i32 to vector<16xi32>
    %eq3A_1021 = arith.cmpi eq, %iota3A, %eq3A_1020 : vector<16xi32>
    %jit3A_1022 = arith.constant 0 : i32
    %broadcast_in_dim3A_1023 = vector.broadcast %jit3A_1022 : i32 to vector<16xi32>
    %select_n3A_1024 = arith.select %eq3A_1021, %all_reduce_population_count3A_1018, %broadcast_in_dim3A_1023 : vector<16xi1>, vector<16xi32>
    %add3A_1025 = arith.addi %add3A_990, %select_n3A_1024 : vector<16xi32>
    %eq3A_1026 = arith.constant 4 : i32
    %eq3A_1027 = vector.broadcast %eq3A_1026 : i32 to vector<16xi32>
    %eq3A_1028 = arith.cmpi eq, %get3A_885, %eq3A_1027 : vector<16xi32>
    %jit3A_1029 = arith.constant 1 : i32
    %jit3A_1030 = arith.constant 0 : i32
    %broadcast_in_dim3A_1031 = vector.broadcast %jit3A_1029 : i32 to vector<16xi32>
    %broadcast_in_dim3A_1032 = vector.broadcast %jit3A_1030 : i32 to vector<16xi32>
    %select_n3A_1033 = arith.select %eq3A_1028, %broadcast_in_dim3A_1031, %broadcast_in_dim3A_1032 : vector<16xi1>, vector<16xi32>
    %cumsum3A_1034 = arith.constant true
    %cumsum3A_1035 = vector.broadcast %cumsum3A_1034 : i1 to vector<16xi1>
    %cumsum3A_1036 = tpu.scan <sum>, %select_n3A_1033 masked %cumsum3A_1035 : vector<16xi32>, vector<16xi1> -> vector<16xi32>
    %eq3A_1037 = arith.constant 4 : i32
    %eq3A_1038 = vector.broadcast %eq3A_1037 : i32 to vector<16xi32>
    %eq3A_1039 = arith.cmpi eq, %iota3A, %eq3A_1038 : vector<16xi32>
    %jit3A_1040 = arith.constant 0 : i32
    %broadcast_in_dim3A_1041 = vector.broadcast %jit3A_1040 : i32 to vector<16xi32>
    %select_n3A_1042 = arith.select %eq3A_1039, %add3A_879, %broadcast_in_dim3A_1041 : vector<16xi1>, vector<16xi32>
    %reduce_sum3A_1043 = arith.constant true
    %reduce_sum3A_1044 = vector.broadcast %reduce_sum3A_1043 : i1 to vector<16xi1>
    %reduce_sum3A_1045 = tpu.scan <sum>, %select_n3A_1042 masked %reduce_sum3A_1044 : vector<16xi32>, vector<16xi1> -> vector<16xi32>
    %reduce_sum3A_1046 = vector.extract %reduce_sum3A_1045[15] : i32 from vector<16xi32>
    %add3A_1047 = vector.broadcast %reduce_sum3A_1046 : i32 to vector<16xi32>
    %add3A_1048 = arith.addi %add3A_1047, %cumsum3A_1036 : vector<16xi32>
    %sub3A_1049 = arith.constant 1 : i32
    %sub3A_1050 = vector.broadcast %sub3A_1049 : i32 to vector<16xi32>
    %sub3A_1051 = arith.subi %add3A_1048, %sub3A_1050 : vector<16xi32>
    %select_n3A_1052 = arith.select %eq3A_1028, %sub3A_1051, %select_n3A_1017 : vector<16xi1>, vector<16xi32>
    %all_reduce_population_count3A_1053 = tpu.all_reduce %eq3A_1028 {dim = 0 : i64, kind = #tpu.reduction_kind<sum>} : vector<16xi1> -> vector<16xi32>
    %eq3A_1054 = arith.constant 4 : i32
    %eq3A_1055 = vector.broadcast %eq3A_1054 : i32 to vector<16xi32>
    %eq3A_1056 = arith.cmpi eq, %iota3A, %eq3A_1055 : vector<16xi32>
    %jit3A_1057 = arith.constant 0 : i32
    %broadcast_in_dim3A_1058 = vector.broadcast %jit3A_1057 : i32 to vector<16xi32>
    %select_n3A_1059 = arith.select %eq3A_1056, %all_reduce_population_count3A_1053, %broadcast_in_dim3A_1058 : vector<16xi1>, vector<16xi32>
    %add3A_1060 = arith.addi %add3A_1025, %select_n3A_1059 : vector<16xi32>
    %eq3A_1061 = arith.constant 5 : i32
    %eq3A_1062 = vector.broadcast %eq3A_1061 : i32 to vector<16xi32>
    %eq3A_1063 = arith.cmpi eq, %get3A_885, %eq3A_1062 : vector<16xi32>
    %jit3A_1064 = arith.constant 1 : i32
    %jit3A_1065 = arith.constant 0 : i32
    %broadcast_in_dim3A_1066 = vector.broadcast %jit3A_1064 : i32 to vector<16xi32>
    %broadcast_in_dim3A_1067 = vector.broadcast %jit3A_1065 : i32 to vector<16xi32>
    %select_n3A_1068 = arith.select %eq3A_1063, %broadcast_in_dim3A_1066, %broadcast_in_dim3A_1067 : vector<16xi1>, vector<16xi32>
    %cumsum3A_1069 = arith.constant true
    %cumsum3A_1070 = vector.broadcast %cumsum3A_1069 : i1 to vector<16xi1>
    %cumsum3A_1071 = tpu.scan <sum>, %select_n3A_1068 masked %cumsum3A_1070 : vector<16xi32>, vector<16xi1> -> vector<16xi32>
    %eq3A_1072 = arith.constant 5 : i32
    %eq3A_1073 = vector.broadcast %eq3A_1072 : i32 to vector<16xi32>
    %eq3A_1074 = arith.cmpi eq, %iota3A, %eq3A_1073 : vector<16xi32>
    %jit3A_1075 = arith.constant 0 : i32
    %broadcast_in_dim3A_1076 = vector.broadcast %jit3A_1075 : i32 to vector<16xi32>
    %select_n3A_1077 = arith.select %eq3A_1074, %add3A_879, %broadcast_in_dim3A_1076 : vector<16xi1>, vector<16xi32>
    %reduce_sum3A_1078 = arith.constant true
    %reduce_sum3A_1079 = vector.broadcast %reduce_sum3A_1078 : i1 to vector<16xi1>
    %reduce_sum3A_1080 = tpu.scan <sum>, %select_n3A_1077 masked %reduce_sum3A_1079 : vector<16xi32>, vector<16xi1> -> vector<16xi32>
    %reduce_sum3A_1081 = vector.extract %reduce_sum3A_1080[15] : i32 from vector<16xi32>
    %add3A_1082 = vector.broadcast %reduce_sum3A_1081 : i32 to vector<16xi32>
    %add3A_1083 = arith.addi %add3A_1082, %cumsum3A_1071 : vector<16xi32>
    %sub3A_1084 = arith.constant 1 : i32
    %sub3A_1085 = vector.broadcast %sub3A_1084 : i32 to vector<16xi32>
    %sub3A_1086 = arith.subi %add3A_1083, %sub3A_1085 : vector<16xi32>
    %select_n3A_1087 = arith.select %eq3A_1063, %sub3A_1086, %select_n3A_1052 : vector<16xi1>, vector<16xi32>
    %all_reduce_population_count3A_1088 = tpu.all_reduce %eq3A_1063 {dim = 0 : i64, kind = #tpu.reduction_kind<sum>} : vector<16xi1> -> vector<16xi32>
    %eq3A_1089 = arith.constant 5 : i32
    %eq3A_1090 = vector.broadcast %eq3A_1089 : i32 to vector<16xi32>
    %eq3A_1091 = arith.cmpi eq, %iota3A, %eq3A_1090 : vector<16xi32>
    %jit3A_1092 = arith.constant 0 : i32
    %broadcast_in_dim3A_1093 = vector.broadcast %jit3A_1092 : i32 to vector<16xi32>
    %select_n3A_1094 = arith.select %eq3A_1091, %all_reduce_population_count3A_1088, %broadcast_in_dim3A_1093 : vector<16xi1>, vector<16xi32>
    %add3A_1095 = arith.addi %add3A_1060, %select_n3A_1094 : vector<16xi32>
    %eq3A_1096 = arith.constant 6 : i32
    %eq3A_1097 = vector.broadcast %eq3A_1096 : i32 to vector<16xi32>
    %eq3A_1098 = arith.cmpi eq, %get3A_885, %eq3A_1097 : vector<16xi32>
    %jit3A_1099 = arith.constant 1 : i32
    %jit3A_1100 = arith.constant 0 : i32
    %broadcast_in_dim3A_1101 = vector.broadcast %jit3A_1099 : i32 to vector<16xi32>
    %broadcast_in_dim3A_1102 = vector.broadcast %jit3A_1100 : i32 to vector<16xi32>
    %select_n3A_1103 = arith.select %eq3A_1098, %broadcast_in_dim3A_1101, %broadcast_in_dim3A_1102 : vector<16xi1>, vector<16xi32>
    %cumsum3A_1104 = arith.constant true
    %cumsum3A_1105 = vector.broadcast %cumsum3A_1104 : i1 to vector<16xi1>
    %cumsum3A_1106 = tpu.scan <sum>, %select_n3A_1103 masked %cumsum3A_1105 : vector<16xi32>, vector<16xi1> -> vector<16xi32>
    %eq3A_1107 = arith.constant 6 : i32
    %eq3A_1108 = vector.broadcast %eq3A_1107 : i32 to vector<16xi32>
    %eq3A_1109 = arith.cmpi eq, %iota3A, %eq3A_1108 : vector<16xi32>
    %jit3A_1110 = arith.constant 0 : i32
    %broadcast_in_dim3A_1111 = vector.broadcast %jit3A_1110 : i32 to vector<16xi32>
    %select_n3A_1112 = arith.select %eq3A_1109, %add3A_879, %broadcast_in_dim3A_1111 : vector<16xi1>, vector<16xi32>
    %reduce_sum3A_1113 = arith.constant true
    %reduce_sum3A_1114 = vector.broadcast %reduce_sum3A_1113 : i1 to vector<16xi1>
    %reduce_sum3A_1115 = tpu.scan <sum>, %select_n3A_1112 masked %reduce_sum3A_1114 : vector<16xi32>, vector<16xi1> -> vector<16xi32>
    %reduce_sum3A_1116 = vector.extract %reduce_sum3A_1115[15] : i32 from vector<16xi32>
    %add3A_1117 = vector.broadcast %reduce_sum3A_1116 : i32 to vector<16xi32>
    %add3A_1118 = arith.addi %add3A_1117, %cumsum3A_1106 : vector<16xi32>
    %sub3A_1119 = arith.constant 1 : i32
    %sub3A_1120 = vector.broadcast %sub3A_1119 : i32 to vector<16xi32>
    %sub3A_1121 = arith.subi %add3A_1118, %sub3A_1120 : vector<16xi32>
    %select_n3A_1122 = arith.select %eq3A_1098, %sub3A_1121, %select_n3A_1087 : vector<16xi1>, vector<16xi32>
    %all_reduce_population_count3A_1123 = tpu.all_reduce %eq3A_1098 {dim = 0 : i64, kind = #tpu.reduction_kind<sum>} : vector<16xi1> -> vector<16xi32>
    %eq3A_1124 = arith.constant 6 : i32
    %eq3A_1125 = vector.broadcast %eq3A_1124 : i32 to vector<16xi32>
    %eq3A_1126 = arith.cmpi eq, %iota3A, %eq3A_1125 : vector<16xi32>
    %jit3A_1127 = arith.constant 0 : i32
    %broadcast_in_dim3A_1128 = vector.broadcast %jit3A_1127 : i32 to vector<16xi32>
    %select_n3A_1129 = arith.select %eq3A_1126, %all_reduce_population_count3A_1123, %broadcast_in_dim3A_1128 : vector<16xi1>, vector<16xi32>
    %add3A_1130 = arith.addi %add3A_1095, %select_n3A_1129 : vector<16xi32>
    %eq3A_1131 = arith.constant 7 : i32
    %eq3A_1132 = vector.broadcast %eq3A_1131 : i32 to vector<16xi32>
    %eq3A_1133 = arith.cmpi eq, %get3A_885, %eq3A_1132 : vector<16xi32>
    %jit3A_1134 = arith.constant 1 : i32
    %jit3A_1135 = arith.constant 0 : i32
    %broadcast_in_dim3A_1136 = vector.broadcast %jit3A_1134 : i32 to vector<16xi32>
    %broadcast_in_dim3A_1137 = vector.broadcast %jit3A_1135 : i32 to vector<16xi32>
    %select_n3A_1138 = arith.select %eq3A_1133, %broadcast_in_dim3A_1136, %broadcast_in_dim3A_1137 : vector<16xi1>, vector<16xi32>
    %cumsum3A_1139 = arith.constant true
    %cumsum3A_1140 = vector.broadcast %cumsum3A_1139 : i1 to vector<16xi1>
    %cumsum3A_1141 = tpu.scan <sum>, %select_n3A_1138 masked %cumsum3A_1140 : vector<16xi32>, vector<16xi1> -> vector<16xi32>
    %eq3A_1142 = arith.constant 7 : i32
    %eq3A_1143 = vector.broadcast %eq3A_1142 : i32 to vector<16xi32>
    %eq3A_1144 = arith.cmpi eq, %iota3A, %eq3A_1143 : vector<16xi32>
    %jit3A_1145 = arith.constant 0 : i32
    %broadcast_in_dim3A_1146 = vector.broadcast %jit3A_1145 : i32 to vector<16xi32>
    %select_n3A_1147 = arith.select %eq3A_1144, %add3A_879, %broadcast_in_dim3A_1146 : vector<16xi1>, vector<16xi32>
    %reduce_sum3A_1148 = arith.constant true
    %reduce_sum3A_1149 = vector.broadcast %reduce_sum3A_1148 : i1 to vector<16xi1>
    %reduce_sum3A_1150 = tpu.scan <sum>, %select_n3A_1147 masked %reduce_sum3A_1149 : vector<16xi32>, vector<16xi1> -> vector<16xi32>
    %reduce_sum3A_1151 = vector.extract %reduce_sum3A_1150[15] : i32 from vector<16xi32>
    %add3A_1152 = vector.broadcast %reduce_sum3A_1151 : i32 to vector<16xi32>
    %add3A_1153 = arith.addi %add3A_1152, %cumsum3A_1141 : vector<16xi32>
    %sub3A_1154 = arith.constant 1 : i32
    %sub3A_1155 = vector.broadcast %sub3A_1154 : i32 to vector<16xi32>
    %sub3A_1156 = arith.subi %add3A_1153, %sub3A_1155 : vector<16xi32>
    %select_n3A_1157 = arith.select %eq3A_1133, %sub3A_1156, %select_n3A_1122 : vector<16xi1>, vector<16xi32>
    %all_reduce_population_count3A_1158 = tpu.all_reduce %eq3A_1133 {dim = 0 : i64, kind = #tpu.reduction_kind<sum>} : vector<16xi1> -> vector<16xi32>
    %eq3A_1159 = arith.constant 7 : i32
    %eq3A_1160 = vector.broadcast %eq3A_1159 : i32 to vector<16xi32>
    %eq3A_1161 = arith.cmpi eq, %iota3A, %eq3A_1160 : vector<16xi32>
    %jit3A_1162 = arith.constant 0 : i32
    %broadcast_in_dim3A_1163 = vector.broadcast %jit3A_1162 : i32 to vector<16xi32>
    %select_n3A_1164 = arith.select %eq3A_1161, %all_reduce_population_count3A_1158, %broadcast_in_dim3A_1163 : vector<16xi1>, vector<16xi32>
    %add3A_1165 = arith.addi %add3A_1130, %select_n3A_1164 : vector<16xi32>
    %add3A_1166 = arith.addi %add3A_879, %add3A_1165 : vector<16xi32>
    %swap3A_1167 = arith.constant 32 : index
    %swap3A_1168 = tpu.vector_load %arg11[%swap3A_1167] {strides = array<i32>} : memref<128xi32, #tpu.memory_space<vmem>>, vector<16xi32>,
    tpu.vector_store %arg11[%swap3A_1167], %select_n3A_1157 {strides = array<i32>} : memref<128xi32, #tpu.memory_space<vmem>>, vector<16xi32>,
    %add3A_1169 = arith.constant 48 : i32
    %add3A_1170 = arith.addi %mul3A_2, %add3A_1169 : i32
    %get3A_1171 = arith.index_cast %add3A_1170 : i32 to index
    %get3A_1172 = tpu.vector_load %arg9[%get3A_1171] {strides = array<i32>} : memref<4096xi32, #tpu.memory_space<vmem>>, vector<16xi32>,
    %eq3A_1173 = arith.constant 0 : i32
    %eq3A_1174 = vector.broadcast %eq3A_1173 : i32 to vector<16xi32>
    %eq3A_1175 = arith.cmpi eq, %get3A_1172, %eq3A_1174 : vector<16xi32>
    %jit3A_1176 = arith.constant 1 : i32
    %jit3A_1177 = arith.constant 0 : i32
    %broadcast_in_dim3A_1178 = vector.broadcast %jit3A_1176 : i32 to vector<16xi32>
    %broadcast_in_dim3A_1179 = vector.broadcast %jit3A_1177 : i32 to vector<16xi32>
    %select_n3A_1180 = arith.select %eq3A_1175, %broadcast_in_dim3A_1178, %broadcast_in_dim3A_1179 : vector<16xi1>, vector<16xi32>
    %cumsum3A_1181 = arith.constant true
    %cumsum3A_1182 = vector.broadcast %cumsum3A_1181 : i1 to vector<16xi1>
    %cumsum3A_1183 = tpu.scan <sum>, %select_n3A_1180 masked %cumsum3A_1182 : vector<16xi32>, vector<16xi1> -> vector<16xi32>
    %eq3A_1184 = arith.constant 0 : i32
    %eq3A_1185 = vector.broadcast %eq3A_1184 : i32 to vector<16xi32>
    %eq3A_1186 = arith.cmpi eq, %iota3A, %eq3A_1185 : vector<16xi32>
    %jit3A_1187 = arith.constant 0 : i32
    %broadcast_in_dim3A_1188 = vector.broadcast %jit3A_1187 : i32 to vector<16xi32>
    %select_n3A_1189 = arith.select %eq3A_1186, %add3A_1166, %broadcast_in_dim3A_1188 : vector<16xi1>, vector<16xi32>
    %reduce_sum3A_1190 = arith.constant true
    %reduce_sum3A_1191 = vector.broadcast %reduce_sum3A_1190 : i1 to vector<16xi1>
    %reduce_sum3A_1192 = tpu.scan <sum>, %select_n3A_1189 masked %reduce_sum3A_1191 : vector<16xi32>, vector<16xi1> -> vector<16xi32>
    %reduce_sum3A_1193 = vector.extract %reduce_sum3A_1192[15] : i32 from vector<16xi32>
    %add3A_1194 = vector.broadcast %reduce_sum3A_1193 : i32 to vector<16xi32>
    %add3A_1195 = arith.addi %add3A_1194, %cumsum3A_1183 : vector<16xi32>
    %sub3A_1196 = arith.constant 1 : i32
    %sub3A_1197 = vector.broadcast %sub3A_1196 : i32 to vector<16xi32>
    %sub3A_1198 = arith.subi %add3A_1195, %sub3A_1197 : vector<16xi32>
    %select_n3A_1199 = arith.select %eq3A_1175, %sub3A_1198, %broadcast_in_dim3A_14 : vector<16xi1>, vector<16xi32>
    %all_reduce_population_count3A_1200 = tpu.all_reduce %eq3A_1175 {dim = 0 : i64, kind = #tpu.reduction_kind<sum>} : vector<16xi1> -> vector<16xi32>
    %eq3A_1201 = arith.constant 0 : i32
    %eq3A_1202 = vector.broadcast %eq3A_1201 : i32 to vector<16xi32>
    %eq3A_1203 = arith.cmpi eq, %iota3A, %eq3A_1202 : vector<16xi32>
    %jit3A_1204 = arith.constant 0 : i32
    %broadcast_in_dim3A_1205 = vector.broadcast %jit3A_1204 : i32 to vector<16xi32>
    %select_n3A_1206 = arith.select %eq3A_1203, %all_reduce_population_count3A_1200, %broadcast_in_dim3A_1205 : vector<16xi1>, vector<16xi32>
    %add3A_1207 = arith.addi %broadcast_in_dim3A_14, %select_n3A_1206 : vector<16xi32>
    %eq3A_1208 = arith.constant 1 : i32
    %eq3A_1209 = vector.broadcast %eq3A_1208 : i32 to vector<16xi32>
    %eq3A_1210 = arith.cmpi eq, %get3A_1172, %eq3A_1209 : vector<16xi32>
    %jit3A_1211 = arith.constant 1 : i32
    %jit3A_1212 = arith.constant 0 : i32
    %broadcast_in_dim3A_1213 = vector.broadcast %jit3A_1211 : i32 to vector<16xi32>
    %broadcast_in_dim3A_1214 = vector.broadcast %jit3A_1212 : i32 to vector<16xi32>
    %select_n3A_1215 = arith.select %eq3A_1210, %broadcast_in_dim3A_1213, %broadcast_in_dim3A_1214 : vector<16xi1>, vector<16xi32>
    %cumsum3A_1216 = arith.constant true
    %cumsum3A_1217 = vector.broadcast %cumsum3A_1216 : i1 to vector<16xi1>
    %cumsum3A_1218 = tpu.scan <sum>, %select_n3A_1215 masked %cumsum3A_1217 : vector<16xi32>, vector<16xi1> -> vector<16xi32>
    %eq3A_1219 = arith.constant 1 : i32
    %eq3A_1220 = vector.broadcast %eq3A_1219 : i32 to vector<16xi32>
    %eq3A_1221 = arith.cmpi eq, %iota3A, %eq3A_1220 : vector<16xi32>
    %jit3A_1222 = arith.constant 0 : i32
    %broadcast_in_dim3A_1223 = vector.broadcast %jit3A_1222 : i32 to vector<16xi32>
    %select_n3A_1224 = arith.select %eq3A_1221, %add3A_1166, %broadcast_in_dim3A_1223 : vector<16xi1>, vector<16xi32>
    %reduce_sum3A_1225 = arith.constant true
    %reduce_sum3A_1226 = vector.broadcast %reduce_sum3A_1225 : i1 to vector<16xi1>
    %reduce_sum3A_1227 = tpu.scan <sum>, %select_n3A_1224 masked %reduce_sum3A_1226 : vector<16xi32>, vector<16xi1> -> vector<16xi32>
    %reduce_sum3A_1228 = vector.extract %reduce_sum3A_1227[15] : i32 from vector<16xi32>
    %add3A_1229 = vector.broadcast %reduce_sum3A_1228 : i32 to vector<16xi32>
    %add3A_1230 = arith.addi %add3A_1229, %cumsum3A_1218 : vector<16xi32>
    %sub3A_1231 = arith.constant 1 : i32
    %sub3A_1232 = vector.broadcast %sub3A_1231 : i32 to vector<16xi32>
    %sub3A_1233 = arith.subi %add3A_1230, %sub3A_1232 : vector<16xi32>
    %select_n3A_1234 = arith.select %eq3A_1210, %sub3A_1233, %select_n3A_1199 : vector<16xi1>, vector<16xi32>
    %all_reduce_population_count3A_1235 = tpu.all_reduce %eq3A_1210 {dim = 0 : i64, kind = #tpu.reduction_kind<sum>} : vector<16xi1> -> vector<16xi32>
    %eq3A_1236 = arith.constant 1 : i32
    %eq3A_1237 = vector.broadcast %eq3A_1236 : i32 to vector<16xi32>
    %eq3A_1238 = arith.cmpi eq, %iota3A, %eq3A_1237 : vector<16xi32>
    %jit3A_1239 = arith.constant 0 : i32
    %broadcast_in_dim3A_1240 = vector.broadcast %jit3A_1239 : i32 to vector<16xi32>
    %select_n3A_1241 = arith.select %eq3A_1238, %all_reduce_population_count3A_1235, %broadcast_in_dim3A_1240 : vector<16xi1>, vector<16xi32>
    %add3A_1242 = arith.addi %add3A_1207, %select_n3A_1241 : vector<16xi32>
    %eq3A_1243 = arith.constant 2 : i32
    %eq3A_1244 = vector.broadcast %eq3A_1243 : i32 to vector<16xi32>
    %eq3A_1245 = arith.cmpi eq, %get3A_1172, %eq3A_1244 : vector<16xi32>
    %jit3A_1246 = arith.constant 1 : i32
    %jit3A_1247 = arith.constant 0 : i32
    %broadcast_in_dim3A_1248 = vector.broadcast %jit3A_1246 : i32 to vector<16xi32>
    %broadcast_in_dim3A_1249 = vector.broadcast %jit3A_1247 : i32 to vector<16xi32>
    %select_n3A_1250 = arith.select %eq3A_1245, %broadcast_in_dim3A_1248, %broadcast_in_dim3A_1249 : vector<16xi1>, vector<16xi32>
    %cumsum3A_1251 = arith.constant true
    %cumsum3A_1252 = vector.broadcast %cumsum3A_1251 : i1 to vector<16xi1>
    %cumsum3A_1253 = tpu.scan <sum>, %select_n3A_1250 masked %cumsum3A_1252 : vector<16xi32>, vector<16xi1> -> vector<16xi32>
    %eq3A_1254 = arith.constant 2 : i32
    %eq3A_1255 = vector.broadcast %eq3A_1254 : i32 to vector<16xi32>
    %eq3A_1256 = arith.cmpi eq, %iota3A, %eq3A_1255 : vector<16xi32>
    %jit3A_1257 = arith.constant 0 : i32
    %broadcast_in_dim3A_1258 = vector.broadcast %jit3A_1257 : i32 to vector<16xi32>
    %select_n3A_1259 = arith.select %eq3A_1256, %add3A_1166, %broadcast_in_dim3A_1258 : vector<16xi1>, vector<16xi32>
    %reduce_sum3A_1260 = arith.constant true
    %reduce_sum3A_1261 = vector.broadcast %reduce_sum3A_1260 : i1 to vector<16xi1>
    %reduce_sum3A_1262 = tpu.scan <sum>, %select_n3A_1259 masked %reduce_sum3A_1261 : vector<16xi32>, vector<16xi1> -> vector<16xi32>
    %reduce_sum3A_1263 = vector.extract %reduce_sum3A_1262[15] : i32 from vector<16xi32>
    %add3A_1264 = vector.broadcast %reduce_sum3A_1263 : i32 to vector<16xi32>
    %add3A_1265 = arith.addi %add3A_1264, %cumsum3A_1253 : vector<16xi32>
    %sub3A_1266 = arith.constant 1 : i32
    %sub3A_1267 = vector.broadcast %sub3A_1266 : i32 to vector<16xi32>
    %sub3A_1268 = arith.subi %add3A_1265, %sub3A_1267 : vector<16xi32>
    %select_n3A_1269 = arith.select %eq3A_1245, %sub3A_1268, %select_n3A_1234 : vector<16xi1>, vector<16xi32>
    %all_reduce_population_count3A_1270 = tpu.all_reduce %eq3A_1245 {dim = 0 : i64, kind = #tpu.reduction_kind<sum>} : vector<16xi1> -> vector<16xi32>
    %eq3A_1271 = arith.constant 2 : i32
    %eq3A_1272 = vector.broadcast %eq3A_1271 : i32 to vector<16xi32>
    %eq3A_1273 = arith.cmpi eq, %iota3A, %eq3A_1272 : vector<16xi32>
    %jit3A_1274 = arith.constant 0 : i32
    %broadcast_in_dim3A_1275 = vector.broadcast %jit3A_1274 : i32 to vector<16xi32>
    %select_n3A_1276 = arith.select %eq3A_1273, %all_reduce_population_count3A_1270, %broadcast_in_dim3A_1275 : vector<16xi1>, vector<16xi32>
    %add3A_1277 = arith.addi %add3A_1242, %select_n3A_1276 : vector<16xi32>
    %eq3A_1278 = arith.constant 3 : i32
    %eq3A_1279 = vector.broadcast %eq3A_1278 : i32 to vector<16xi32>
    %eq3A_1280 = arith.cmpi eq, %get3A_1172, %eq3A_1279 : vector<16xi32>
    %jit3A_1281 = arith.constant 1 : i32
    %jit3A_1282 = arith.constant 0 : i32
    %broadcast_in_dim3A_1283 = vector.broadcast %jit3A_1281 : i32 to vector<16xi32>
    %broadcast_in_dim3A_1284 = vector.broadcast %jit3A_1282 : i32 to vector<16xi32>
    %select_n3A_1285 = arith.select %eq3A_1280, %broadcast_in_dim3A_1283, %broadcast_in_dim3A_1284 : vector<16xi1>, vector<16xi32>
    %cumsum3A_1286 = arith.constant true
    %cumsum3A_1287 = vector.broadcast %cumsum3A_1286 : i1 to vector<16xi1>
    %cumsum3A_1288 = tpu.scan <sum>, %select_n3A_1285 masked %cumsum3A_1287 : vector<16xi32>, vector<16xi1> -> vector<16xi32>
    %eq3A_1289 = arith.constant 3 : i32
    %eq3A_1290 = vector.broadcast %eq3A_1289 : i32 to vector<16xi32>
    %eq3A_1291 = arith.cmpi eq, %iota3A, %eq3A_1290 : vector<16xi32>
    %jit3A_1292 = arith.constant 0 : i32
    %broadcast_in_dim3A_1293 = vector.broadcast %jit3A_1292 : i32 to vector<16xi32>
    %select_n3A_1294 = arith.select %eq3A_1291, %add3A_1166, %broadcast_in_dim3A_1293 : vector<16xi1>, vector<16xi32>
    %reduce_sum3A_1295 = arith.constant true
    %reduce_sum3A_1296 = vector.broadcast %reduce_sum3A_1295 : i1 to vector<16xi1>
    %reduce_sum3A_1297 = tpu.scan <sum>, %select_n3A_1294 masked %reduce_sum3A_1296 : vector<16xi32>, vector<16xi1> -> vector<16xi32>
    %reduce_sum3A_1298 = vector.extract %reduce_sum3A_1297[15] : i32 from vector<16xi32>
    %add3A_1299 = vector.broadcast %reduce_sum3A_1298 : i32 to vector<16xi32>
    %add3A_1300 = arith.addi %add3A_1299, %cumsum3A_1288 : vector<16xi32>
    %sub3A_1301 = arith.constant 1 : i32
    %sub3A_1302 = vector.broadcast %sub3A_1301 : i32 to vector<16xi32>
    %sub3A_1303 = arith.subi %add3A_1300, %sub3A_1302 : vector<16xi32>
    %select_n3A_1304 = arith.select %eq3A_1280, %sub3A_1303, %select_n3A_1269 : vector<16xi1>, vector<16xi32>
    %all_reduce_population_count3A_1305 = tpu.all_reduce %eq3A_1280 {dim = 0 : i64, kind = #tpu.reduction_kind<sum>} : vector<16xi1> -> vector<16xi32>
    %eq3A_1306 = arith.constant 3 : i32
    %eq3A_1307 = vector.broadcast %eq3A_1306 : i32 to vector<16xi32>
    %eq3A_1308 = arith.cmpi eq, %iota3A, %eq3A_1307 : vector<16xi32>
    %jit3A_1309 = arith.constant 0 : i32
    %broadcast_in_dim3A_1310 = vector.broadcast %jit3A_1309 : i32 to vector<16xi32>
    %select_n3A_1311 = arith.select %eq3A_1308, %all_reduce_population_count3A_1305, %broadcast_in_dim3A_1310 : vector<16xi1>, vector<16xi32>
    %add3A_1312 = arith.addi %add3A_1277, %select_n3A_1311 : vector<16xi32>
    %eq3A_1313 = arith.constant 4 : i32
    %eq3A_1314 = vector.broadcast %eq3A_1313 : i32 to vector<16xi32>
    %eq3A_1315 = arith.cmpi eq, %get3A_1172, %eq3A_1314 : vector<16xi32>
    %jit3A_1316 = arith.constant 1 : i32
    %jit3A_1317 = arith.constant 0 : i32
    %broadcast_in_dim3A_1318 = vector.broadcast %jit3A_1316 : i32 to vector<16xi32>
    %broadcast_in_dim3A_1319 = vector.broadcast %jit3A_1317 : i32 to vector<16xi32>
    %select_n3A_1320 = arith.select %eq3A_1315, %broadcast_in_dim3A_1318, %broadcast_in_dim3A_1319 : vector<16xi1>, vector<16xi32>
    %cumsum3A_1321 = arith.constant true
    %cumsum3A_1322 = vector.broadcast %cumsum3A_1321 : i1 to vector<16xi1>
    %cumsum3A_1323 = tpu.scan <sum>, %select_n3A_1320 masked %cumsum3A_1322 : vector<16xi32>, vector<16xi1> -> vector<16xi32>
    %eq3A_1324 = arith.constant 4 : i32
    %eq3A_1325 = vector.broadcast %eq3A_1324 : i32 to vector<16xi32>
    %eq3A_1326 = arith.cmpi eq, %iota3A, %eq3A_1325 : vector<16xi32>
    %jit3A_1327 = arith.constant 0 : i32
    %broadcast_in_dim3A_1328 = vector.broadcast %jit3A_1327 : i32 to vector<16xi32>
    %select_n3A_1329 = arith.select %eq3A_1326, %add3A_1166, %broadcast_in_dim3A_1328 : vector<16xi1>, vector<16xi32>
    %reduce_sum3A_1330 = arith.constant true
    %reduce_sum3A_1331 = vector.broadcast %reduce_sum3A_1330 : i1 to vector<16xi1>
    %reduce_sum3A_1332 = tpu.scan <sum>, %select_n3A_1329 masked %reduce_sum3A_1331 : vector<16xi32>, vector<16xi1> -> vector<16xi32>
    %reduce_sum3A_1333 = vector.extract %reduce_sum3A_1332[15] : i32 from vector<16xi32>
    %add3A_1334 = vector.broadcast %reduce_sum3A_1333 : i32 to vector<16xi32>
    %add3A_1335 = arith.addi %add3A_1334, %cumsum3A_1323 : vector<16xi32>
    %sub3A_1336 = arith.constant 1 : i32
    %sub3A_1337 = vector.broadcast %sub3A_1336 : i32 to vector<16xi32>
    %sub3A_1338 = arith.subi %add3A_1335, %sub3A_1337 : vector<16xi32>
    %select_n3A_1339 = arith.select %eq3A_1315, %sub3A_1338, %select_n3A_1304 : vector<16xi1>, vector<16xi32>
    %all_reduce_population_count3A_1340 = tpu.all_reduce %eq3A_1315 {dim = 0 : i64, kind = #tpu.reduction_kind<sum>} : vector<16xi1> -> vector<16xi32>
    %eq3A_1341 = arith.constant 4 : i32
    %eq3A_1342 = vector.broadcast %eq3A_1341 : i32 to vector<16xi32>
    %eq3A_1343 = arith.cmpi eq, %iota3A, %eq3A_1342 : vector<16xi32>
    %jit3A_1344 = arith.constant 0 : i32
    %broadcast_in_dim3A_1345 = vector.broadcast %jit3A_1344 : i32 to vector<16xi32>
    %select_n3A_1346 = arith.select %eq3A_1343, %all_reduce_population_count3A_1340, %broadcast_in_dim3A_1345 : vector<16xi1>, vector<16xi32>
    %add3A_1347 = arith.addi %add3A_1312, %select_n3A_1346 : vector<16xi32>
    %eq3A_1348 = arith.constant 5 : i32
    %eq3A_1349 = vector.broadcast %eq3A_1348 : i32 to vector<16xi32>
    %eq3A_1350 = arith.cmpi eq, %get3A_1172, %eq3A_1349 : vector<16xi32>
    %jit3A_1351 = arith.constant 1 : i32
    %jit3A_1352 = arith.constant 0 : i32
    %broadcast_in_dim3A_1353 = vector.broadcast %jit3A_1351 : i32 to vector<16xi32>
    %broadcast_in_dim3A_1354 = vector.broadcast %jit3A_1352 : i32 to vector<16xi32>
    %select_n3A_1355 = arith.select %eq3A_1350, %broadcast_in_dim3A_1353, %broadcast_in_dim3A_1354 : vector<16xi1>, vector<16xi32>
    %cumsum3A_1356 = arith.constant true
    %cumsum3A_1357 = vector.broadcast %cumsum3A_1356 : i1 to vector<16xi1>
    %cumsum3A_1358 = tpu.scan <sum>, %select_n3A_1355 masked %cumsum3A_1357 : vector<16xi32>, vector<16xi1> -> vector<16xi32>
    %eq3A_1359 = arith.constant 5 : i32
    %eq3A_1360 = vector.broadcast %eq3A_1359 : i32 to vector<16xi32>
    %eq3A_1361 = arith.cmpi eq, %iota3A, %eq3A_1360 : vector<16xi32>
    %jit3A_1362 = arith.constant 0 : i32
    %broadcast_in_dim3A_1363 = vector.broadcast %jit3A_1362 : i32 to vector<16xi32>
    %select_n3A_1364 = arith.select %eq3A_1361, %add3A_1166, %broadcast_in_dim3A_1363 : vector<16xi1>, vector<16xi32>
    %reduce_sum3A_1365 = arith.constant true
    %reduce_sum3A_1366 = vector.broadcast %reduce_sum3A_1365 : i1 to vector<16xi1>
    %reduce_sum3A_1367 = tpu.scan <sum>, %select_n3A_1364 masked %reduce_sum3A_1366 : vector<16xi32>, vector<16xi1> -> vector<16xi32>
    %reduce_sum3A_1368 = vector.extract %reduce_sum3A_1367[15] : i32 from vector<16xi32>
    %add3A_1369 = vector.broadcast %reduce_sum3A_1368 : i32 to vector<16xi32>
    %add3A_1370 = arith.addi %add3A_1369, %cumsum3A_1358 : vector<16xi32>
    %sub3A_1371 = arith.constant 1 : i32
    %sub3A_1372 = vector.broadcast %sub3A_1371 : i32 to vector<16xi32>
    %sub3A_1373 = arith.subi %add3A_1370, %sub3A_1372 : vector<16xi32>
    %select_n3A_1374 = arith.select %eq3A_1350, %sub3A_1373, %select_n3A_1339 : vector<16xi1>, vector<16xi32>
    %all_reduce_population_count3A_1375 = tpu.all_reduce %eq3A_1350 {dim = 0 : i64, kind = #tpu.reduction_kind<sum>} : vector<16xi1> -> vector<16xi32>
    %eq3A_1376 = arith.constant 5 : i32
    %eq3A_1377 = vector.broadcast %eq3A_1376 : i32 to vector<16xi32>
    %eq3A_1378 = arith.cmpi eq, %iota3A, %eq3A_1377 : vector<16xi32>
    %jit3A_1379 = arith.constant 0 : i32
    %broadcast_in_dim3A_1380 = vector.broadcast %jit3A_1379 : i32 to vector<16xi32>
    %select_n3A_1381 = arith.select %eq3A_1378, %all_reduce_population_count3A_1375, %broadcast_in_dim3A_1380 : vector<16xi1>, vector<16xi32>
    %add3A_1382 = arith.addi %add3A_1347, %select_n3A_1381 : vector<16xi32>
    %eq3A_1383 = arith.constant 6 : i32
    %eq3A_1384 = vector.broadcast %eq3A_1383 : i32 to vector<16xi32>
    %eq3A_1385 = arith.cmpi eq, %get3A_1172, %eq3A_1384 : vector<16xi32>
    %jit3A_1386 = arith.constant 1 : i32
    %jit3A_1387 = arith.constant 0 : i32
    %broadcast_in_dim3A_1388 = vector.broadcast %jit3A_1386 : i32 to vector<16xi32>
    %broadcast_in_dim3A_1389 = vector.broadcast %jit3A_1387 : i32 to vector<16xi32>
    %select_n3A_1390 = arith.select %eq3A_1385, %broadcast_in_dim3A_1388, %broadcast_in_dim3A_1389 : vector<16xi1>, vector<16xi32>
    %cumsum3A_1391 = arith.constant true
    %cumsum3A_1392 = vector.broadcast %cumsum3A_1391 : i1 to vector<16xi1>
    %cumsum3A_1393 = tpu.scan <sum>, %select_n3A_1390 masked %cumsum3A_1392 : vector<16xi32>, vector<16xi1> -> vector<16xi32>
    %eq3A_1394 = arith.constant 6 : i32
    %eq3A_1395 = vector.broadcast %eq3A_1394 : i32 to vector<16xi32>
    %eq3A_1396 = arith.cmpi eq, %iota3A, %eq3A_1395 : vector<16xi32>
    %jit3A_1397 = arith.constant 0 : i32
    %broadcast_in_dim3A_1398 = vector.broadcast %jit3A_1397 : i32 to vector<16xi32>
    %select_n3A_1399 = arith.select %eq3A_1396, %add3A_1166, %broadcast_in_dim3A_1398 : vector<16xi1>, vector<16xi32>
    %reduce_sum3A_1400 = arith.constant true
    %reduce_sum3A_1401 = vector.broadcast %reduce_sum3A_1400 : i1 to vector<16xi1>
    %reduce_sum3A_1402 = tpu.scan <sum>, %select_n3A_1399 masked %reduce_sum3A_1401 : vector<16xi32>, vector<16xi1> -> vector<16xi32>
    %reduce_sum3A_1403 = vector.extract %reduce_sum3A_1402[15] : i32 from vector<16xi32>
    %add3A_1404 = vector.broadcast %reduce_sum3A_1403 : i32 to vector<16xi32>
    %add3A_1405 = arith.addi %add3A_1404, %cumsum3A_1393 : vector<16xi32>
    %sub3A_1406 = arith.constant 1 : i32
    %sub3A_1407 = vector.broadcast %sub3A_1406 : i32 to vector<16xi32>
    %sub3A_1408 = arith.subi %add3A_1405, %sub3A_1407 : vector<16xi32>
    %select_n3A_1409 = arith.select %eq3A_1385, %sub3A_1408, %select_n3A_1374 : vector<16xi1>, vector<16xi32>
    %all_reduce_population_count3A_1410 = tpu.all_reduce %eq3A_1385 {dim = 0 : i64, kind = #tpu.reduction_kind<sum>} : vector<16xi1> -> vector<16xi32>
    %eq3A_1411 = arith.constant 6 : i32
    %eq3A_1412 = vector.broadcast %eq3A_1411 : i32 to vector<16xi32>
    %eq3A_1413 = arith.cmpi eq, %iota3A, %eq3A_1412 : vector<16xi32>
    %jit3A_1414 = arith.constant 0 : i32
    %broadcast_in_dim3A_1415 = vector.broadcast %jit3A_1414 : i32 to vector<16xi32>
    %select_n3A_1416 = arith.select %eq3A_1413, %all_reduce_population_count3A_1410, %broadcast_in_dim3A_1415 : vector<16xi1>, vector<16xi32>
    %add3A_1417 = arith.addi %add3A_1382, %select_n3A_1416 : vector<16xi32>
    %eq3A_1418 = arith.constant 7 : i32
    %eq3A_1419 = vector.broadcast %eq3A_1418 : i32 to vector<16xi32>
    %eq3A_1420 = arith.cmpi eq, %get3A_1172, %eq3A_1419 : vector<16xi32>
    %jit3A_1421 = arith.constant 1 : i32
    %jit3A_1422 = arith.constant 0 : i32
    %broadcast_in_dim3A_1423 = vector.broadcast %jit3A_1421 : i32 to vector<16xi32>
    %broadcast_in_dim3A_1424 = vector.broadcast %jit3A_1422 : i32 to vector<16xi32>
    %select_n3A_1425 = arith.select %eq3A_1420, %broadcast_in_dim3A_1423, %broadcast_in_dim3A_1424 : vector<16xi1>, vector<16xi32>
    %cumsum3A_1426 = arith.constant true
    %cumsum3A_1427 = vector.broadcast %cumsum3A_1426 : i1 to vector<16xi1>
    %cumsum3A_1428 = tpu.scan <sum>, %select_n3A_1425 masked %cumsum3A_1427 : vector<16xi32>, vector<16xi1> -> vector<16xi32>
    %eq3A_1429 = arith.constant 7 : i32
    %eq3A_1430 = vector.broadcast %eq3A_1429 : i32 to vector<16xi32>
    %eq3A_1431 = arith.cmpi eq, %iota3A, %eq3A_1430 : vector<16xi32>
    %jit3A_1432 = arith.constant 0 : i32
    %broadcast_in_dim3A_1433 = vector.broadcast %jit3A_1432 : i32 to vector<16xi32>
    %select_n3A_1434 = arith.select %eq3A_1431, %add3A_1166, %broadcast_in_dim3A_1433 : vector<16xi1>, vector<16xi32>
    %reduce_sum3A_1435 = arith.constant true
    %reduce_sum3A_1436 = vector.broadcast %reduce_sum3A_1435 : i1 to vector<16xi1>
    %reduce_sum3A_1437 = tpu.scan <sum>, %select_n3A_1434 masked %reduce_sum3A_1436 : vector<16xi32>, vector<16xi1> -> vector<16xi32>
    %reduce_sum3A_1438 = vector.extract %reduce_sum3A_1437[15] : i32 from vector<16xi32>
    %add3A_1439 = vector.broadcast %reduce_sum3A_1438 : i32 to vector<16xi32>
    %add3A_1440 = arith.addi %add3A_1439, %cumsum3A_1428 : vector<16xi32>
    %sub3A_1441 = arith.constant 1 : i32
    %sub3A_1442 = vector.broadcast %sub3A_1441 : i32 to vector<16xi32>
    %sub3A_1443 = arith.subi %add3A_1440, %sub3A_1442 : vector<16xi32>
    %select_n3A_1444 = arith.select %eq3A_1420, %sub3A_1443, %select_n3A_1409 : vector<16xi1>, vector<16xi32>
    %all_reduce_population_count3A_1445 = tpu.all_reduce %eq3A_1420 {dim = 0 : i64, kind = #tpu.reduction_kind<sum>} : vector<16xi1> -> vector<16xi32>
    %eq3A_1446 = arith.constant 7 : i32
    %eq3A_1447 = vector.broadcast %eq3A_1446 : i32 to vector<16xi32>
    %eq3A_1448 = arith.cmpi eq, %iota3A, %eq3A_1447 : vector<16xi32>
    %jit3A_1449 = arith.constant 0 : i32
    %broadcast_in_dim3A_1450 = vector.broadcast %jit3A_1449 : i32 to vector<16xi32>
    %select_n3A_1451 = arith.select %eq3A_1448, %all_reduce_population_count3A_1445, %broadcast_in_dim3A_1450 : vector<16xi1>, vector<16xi32>
    %add3A_1452 = arith.addi %add3A_1417, %select_n3A_1451 : vector<16xi32>
    %add3A_1453 = arith.addi %add3A_1166, %add3A_1452 : vector<16xi32>
    %swap3A_1454 = arith.constant 48 : index
    %swap3A_1455 = tpu.vector_load %arg11[%swap3A_1454] {strides = array<i32>} : memref<128xi32, #tpu.memory_space<vmem>>, vector<16xi32>,
    tpu.vector_store %arg11[%swap3A_1454], %select_n3A_1444 {strides = array<i32>} : memref<128xi32, #tpu.memory_space<vmem>>, vector<16xi32>,
    %add3A_1456 = arith.constant 64 : i32
    %add3A_1457 = arith.addi %mul3A_2, %add3A_1456 : i32
    %get3A_1458 = arith.index_cast %add3A_1457 : i32 to index
    %get3A_1459 = tpu.vector_load %arg9[%get3A_1458] {strides = array<i32>} : memref<4096xi32, #tpu.memory_space<vmem>>, vector<16xi32>,
    %eq3A_1460 = arith.constant 0 : i32
    %eq3A_1461 = vector.broadcast %eq3A_1460 : i32 to vector<16xi32>
    %eq3A_1462 = arith.cmpi eq, %get3A_1459, %eq3A_1461 : vector<16xi32>
    %jit3A_1463 = arith.constant 1 : i32
    %jit3A_1464 = arith.constant 0 : i32
    %broadcast_in_dim3A_1465 = vector.broadcast %jit3A_1463 : i32 to vector<16xi32>
    %broadcast_in_dim3A_1466 = vector.broadcast %jit3A_1464 : i32 to vector<16xi32>
    %select_n3A_1467 = arith.select %eq3A_1462, %broadcast_in_dim3A_1465, %broadcast_in_dim3A_1466 : vector<16xi1>, vector<16xi32>
    %cumsum3A_1468 = arith.constant true
    %cumsum3A_1469 = vector.broadcast %cumsum3A_1468 : i1 to vector<16xi1>
    %cumsum3A_1470 = tpu.scan <sum>, %select_n3A_1467 masked %cumsum3A_1469 : vector<16xi32>, vector<16xi1> -> vector<16xi32>
    %eq3A_1471 = arith.constant 0 : i32
    %eq3A_1472 = vector.broadcast %eq3A_1471 : i32 to vector<16xi32>
    %eq3A_1473 = arith.cmpi eq, %iota3A, %eq3A_1472 : vector<16xi32>
    %jit3A_1474 = arith.constant 0 : i32
    %broadcast_in_dim3A_1475 = vector.broadcast %jit3A_1474 : i32 to vector<16xi32>
    %select_n3A_1476 = arith.select %eq3A_1473, %add3A_1453, %broadcast_in_dim3A_1475 : vector<16xi1>, vector<16xi32>
    %reduce_sum3A_1477 = arith.constant true
    %reduce_sum3A_1478 = vector.broadcast %reduce_sum3A_1477 : i1 to vector<16xi1>
    %reduce_sum3A_1479 = tpu.scan <sum>, %select_n3A_1476 masked %reduce_sum3A_1478 : vector<16xi32>, vector<16xi1> -> vector<16xi32>
    %reduce_sum3A_1480 = vector.extract %reduce_sum3A_1479[15] : i32 from vector<16xi32>
    %add3A_1481 = vector.broadcast %reduce_sum3A_1480 : i32 to vector<16xi32>
    %add3A_1482 = arith.addi %add3A_1481, %cumsum3A_1470 : vector<16xi32>
    %sub3A_1483 = arith.constant 1 : i32
    %sub3A_1484 = vector.broadcast %sub3A_1483 : i32 to vector<16xi32>
    %sub3A_1485 = arith.subi %add3A_1482, %sub3A_1484 : vector<16xi32>
    %select_n3A_1486 = arith.select %eq3A_1462, %sub3A_1485, %broadcast_in_dim3A_14 : vector<16xi1>, vector<16xi32>
    %all_reduce_population_count3A_1487 = tpu.all_reduce %eq3A_1462 {dim = 0 : i64, kind = #tpu.reduction_kind<sum>} : vector<16xi1> -> vector<16xi32>
    %eq3A_1488 = arith.constant 0 : i32
    %eq3A_1489 = vector.broadcast %eq3A_1488 : i32 to vector<16xi32>
    %eq3A_1490 = arith.cmpi eq, %iota3A, %eq3A_1489 : vector<16xi32>
    %jit3A_1491 = arith.constant 0 : i32
    %broadcast_in_dim3A_1492 = vector.broadcast %jit3A_1491 : i32 to vector<16xi32>
    %select_n3A_1493 = arith.select %eq3A_1490, %all_reduce_population_count3A_1487, %broadcast_in_dim3A_1492 : vector<16xi1>, vector<16xi32>
    %add3A_1494 = arith.addi %broadcast_in_dim3A_14, %select_n3A_1493 : vector<16xi32>
    %eq3A_1495 = arith.constant 1 : i32
    %eq3A_1496 = vector.broadcast %eq3A_1495 : i32 to vector<16xi32>
    %eq3A_1497 = arith.cmpi eq, %get3A_1459, %eq3A_1496 : vector<16xi32>
    %jit3A_1498 = arith.constant 1 : i32
    %jit3A_1499 = arith.constant 0 : i32
    %broadcast_in_dim3A_1500 = vector.broadcast %jit3A_1498 : i32 to vector<16xi32>
    %broadcast_in_dim3A_1501 = vector.broadcast %jit3A_1499 : i32 to vector<16xi32>
    %select_n3A_1502 = arith.select %eq3A_1497, %broadcast_in_dim3A_1500, %broadcast_in_dim3A_1501 : vector<16xi1>, vector<16xi32>
    %cumsum3A_1503 = arith.constant true
    %cumsum3A_1504 = vector.broadcast %cumsum3A_1503 : i1 to vector<16xi1>
    %cumsum3A_1505 = tpu.scan <sum>, %select_n3A_1502 masked %cumsum3A_1504 : vector<16xi32>, vector<16xi1> -> vector<16xi32>
    %eq3A_1506 = arith.constant 1 : i32
    %eq3A_1507 = vector.broadcast %eq3A_1506 : i32 to vector<16xi32>
    %eq3A_1508 = arith.cmpi eq, %iota3A, %eq3A_1507 : vector<16xi32>
    %jit3A_1509 = arith.constant 0 : i32
    %broadcast_in_dim3A_1510 = vector.broadcast %jit3A_1509 : i32 to vector<16xi32>
    %select_n3A_1511 = arith.select %eq3A_1508, %add3A_1453, %broadcast_in_dim3A_1510 : vector<16xi1>, vector<16xi32>
    %reduce_sum3A_1512 = arith.constant true
    %reduce_sum3A_1513 = vector.broadcast %reduce_sum3A_1512 : i1 to vector<16xi1>
    %reduce_sum3A_1514 = tpu.scan <sum>, %select_n3A_1511 masked %reduce_sum3A_1513 : vector<16xi32>, vector<16xi1> -> vector<16xi32>
    %reduce_sum3A_1515 = vector.extract %reduce_sum3A_1514[15] : i32 from vector<16xi32>
    %add3A_1516 = vector.broadcast %reduce_sum3A_1515 : i32 to vector<16xi32>
    %add3A_1517 = arith.addi %add3A_1516, %cumsum3A_1505 : vector<16xi32>
    %sub3A_1518 = arith.constant 1 : i32
    %sub3A_1519 = vector.broadcast %sub3A_1518 : i32 to vector<16xi32>
    %sub3A_1520 = arith.subi %add3A_1517, %sub3A_1519 : vector<16xi32>
    %select_n3A_1521 = arith.select %eq3A_1497, %sub3A_1520, %select_n3A_1486 : vector<16xi1>, vector<16xi32>
    %all_reduce_population_count3A_1522 = tpu.all_reduce %eq3A_1497 {dim = 0 : i64, kind = #tpu.reduction_kind<sum>} : vector<16xi1> -> vector<16xi32>
    %eq3A_1523 = arith.constant 1 : i32
    %eq3A_1524 = vector.broadcast %eq3A_1523 : i32 to vector<16xi32>
    %eq3A_1525 = arith.cmpi eq, %iota3A, %eq3A_1524 : vector<16xi32>
    %jit3A_1526 = arith.constant 0 : i32
    %broadcast_in_dim3A_1527 = vector.broadcast %jit3A_1526 : i32 to vector<16xi32>
    %select_n3A_1528 = arith.select %eq3A_1525, %all_reduce_population_count3A_1522, %broadcast_in_dim3A_1527 : vector<16xi1>, vector<16xi32>
    %add3A_1529 = arith.addi %add3A_1494, %select_n3A_1528 : vector<16xi32>
    %eq3A_1530 = arith.constant 2 : i32
    %eq3A_1531 = vector.broadcast %eq3A_1530 : i32 to vector<16xi32>
    %eq3A_1532 = arith.cmpi eq, %get3A_1459, %eq3A_1531 : vector<16xi32>
    %jit3A_1533 = arith.constant 1 : i32
    %jit3A_1534 = arith.constant 0 : i32
    %broadcast_in_dim3A_1535 = vector.broadcast %jit3A_1533 : i32 to vector<16xi32>
    %broadcast_in_dim3A_1536 = vector.broadcast %jit3A_1534 : i32 to vector<16xi32>
    %select_n3A_1537 = arith.select %eq3A_1532, %broadcast_in_dim3A_1535, %broadcast_in_dim3A_1536 : vector<16xi1>, vector<16xi32>
    %cumsum3A_1538 = arith.constant true
    %cumsum3A_1539 = vector.broadcast %cumsum3A_1538 : i1 to vector<16xi1>
    %cumsum3A_1540 = tpu.scan <sum>, %select_n3A_1537 masked %cumsum3A_1539 : vector<16xi32>, vector<16xi1> -> vector<16xi32>
    %eq3A_1541 = arith.constant 2 : i32
    %eq3A_1542 = vector.broadcast %eq3A_1541 : i32 to vector<16xi32>
    %eq3A_1543 = arith.cmpi eq, %iota3A, %eq3A_1542 : vector<16xi32>
    %jit3A_1544 = arith.constant 0 : i32
    %broadcast_in_dim3A_1545 = vector.broadcast %jit3A_1544 : i32 to vector<16xi32>
    %select_n3A_1546 = arith.select %eq3A_1543, %add3A_1453, %broadcast_in_dim3A_1545 : vector<16xi1>, vector<16xi32>
    %reduce_sum3A_1547 = arith.constant true
    %reduce_sum3A_1548 = vector.broadcast %reduce_sum3A_1547 : i1 to vector<16xi1>
    %reduce_sum3A_1549 = tpu.scan <sum>, %select_n3A_1546 masked %reduce_sum3A_1548 : vector<16xi32>, vector<16xi1> -> vector<16xi32>
    %reduce_sum3A_1550 = vector.extract %reduce_sum3A_1549[15] : i32 from vector<16xi32>
    %add3A_1551 = vector.broadcast %reduce_sum3A_1550 : i32 to vector<16xi32>
    %add3A_1552 = arith.addi %add3A_1551, %cumsum3A_1540 : vector<16xi32>
    %sub3A_1553 = arith.constant 1 : i32
    %sub3A_1554 = vector.broadcast %sub3A_1553 : i32 to vector<16xi32>
    %sub3A_1555 = arith.subi %add3A_1552, %sub3A_1554 : vector<16xi32>
    %select_n3A_1556 = arith.select %eq3A_1532, %sub3A_1555, %select_n3A_1521 : vector<16xi1>, vector<16xi32>
    %all_reduce_population_count3A_1557 = tpu.all_reduce %eq3A_1532 {dim = 0 : i64, kind = #tpu.reduction_kind<sum>} : vector<16xi1> -> vector<16xi32>
    %eq3A_1558 = arith.constant 2 : i32
    %eq3A_1559 = vector.broadcast %eq3A_1558 : i32 to vector<16xi32>
    %eq3A_1560 = arith.cmpi eq, %iota3A, %eq3A_1559 : vector<16xi32>
    %jit3A_1561 = arith.constant 0 : i32
    %broadcast_in_dim3A_1562 = vector.broadcast %jit3A_1561 : i32 to vector<16xi32>
    %select_n3A_1563 = arith.select %eq3A_1560, %all_reduce_population_count3A_1557, %broadcast_in_dim3A_1562 : vector<16xi1>, vector<16xi32>
    %add3A_1564 = arith.addi %add3A_1529, %select_n3A_1563 : vector<16xi32>
    %eq3A_1565 = arith.constant 3 : i32
    %eq3A_1566 = vector.broadcast %eq3A_1565 : i32 to vector<16xi32>
    %eq3A_1567 = arith.cmpi eq, %get3A_1459, %eq3A_1566 : vector<16xi32>
    %jit3A_1568 = arith.constant 1 : i32
    %jit3A_1569 = arith.constant 0 : i32
    %broadcast_in_dim3A_1570 = vector.broadcast %jit3A_1568 : i32 to vector<16xi32>
    %broadcast_in_dim3A_1571 = vector.broadcast %jit3A_1569 : i32 to vector<16xi32>
    %select_n3A_1572 = arith.select %eq3A_1567, %broadcast_in_dim3A_1570, %broadcast_in_dim3A_1571 : vector<16xi1>, vector<16xi32>
    %cumsum3A_1573 = arith.constant true
    %cumsum3A_1574 = vector.broadcast %cumsum3A_1573 : i1 to vector<16xi1>
    %cumsum3A_1575 = tpu.scan <sum>, %select_n3A_1572 masked %cumsum3A_1574 : vector<16xi32>, vector<16xi1> -> vector<16xi32>
    %eq3A_1576 = arith.constant 3 : i32
    %eq3A_1577 = vector.broadcast %eq3A_1576 : i32 to vector<16xi32>
    %eq3A_1578 = arith.cmpi eq, %iota3A, %eq3A_1577 : vector<16xi32>
    %jit3A_1579 = arith.constant 0 : i32
    %broadcast_in_dim3A_1580 = vector.broadcast %jit3A_1579 : i32 to vector<16xi32>
    %select_n3A_1581 = arith.select %eq3A_1578, %add3A_1453, %broadcast_in_dim3A_1580 : vector<16xi1>, vector<16xi32>
    %reduce_sum3A_1582 = arith.constant true
    %reduce_sum3A_1583 = vector.broadcast %reduce_sum3A_1582 : i1 to vector<16xi1>
    %reduce_sum3A_1584 = tpu.scan <sum>, %select_n3A_1581 masked %reduce_sum3A_1583 : vector<16xi32>, vector<16xi1> -> vector<16xi32>
    %reduce_sum3A_1585 = vector.extract %reduce_sum3A_1584[15] : i32 from vector<16xi32>
    %add3A_1586 = vector.broadcast %reduce_sum3A_1585 : i32 to vector<16xi32>
    %add3A_1587 = arith.addi %add3A_1586, %cumsum3A_1575 : vector<16xi32>
    %sub3A_1588 = arith.constant 1 : i32
    %sub3A_1589 = vector.broadcast %sub3A_1588 : i32 to vector<16xi32>
    %sub3A_1590 = arith.subi %add3A_1587, %sub3A_1589 : vector<16xi32>
    %select_n3A_1591 = arith.select %eq3A_1567, %sub3A_1590, %select_n3A_1556 : vector<16xi1>, vector<16xi32>
    %all_reduce_population_count3A_1592 = tpu.all_reduce %eq3A_1567 {dim = 0 : i64, kind = #tpu.reduction_kind<sum>} : vector<16xi1> -> vector<16xi32>
    %eq3A_1593 = arith.constant 3 : i32
    %eq3A_1594 = vector.broadcast %eq3A_1593 : i32 to vector<16xi32>
    %eq3A_1595 = arith.cmpi eq, %iota3A, %eq3A_1594 : vector<16xi32>
    %jit3A_1596 = arith.constant 0 : i32
    %broadcast_in_dim3A_1597 = vector.broadcast %jit3A_1596 : i32 to vector<16xi32>
    %select_n3A_1598 = arith.select %eq3A_1595, %all_reduce_population_count3A_1592, %broadcast_in_dim3A_1597 : vector<16xi1>, vector<16xi32>
    %add3A_1599 = arith.addi %add3A_1564, %select_n3A_1598 : vector<16xi32>
    %eq3A_1600 = arith.constant 4 : i32
    %eq3A_1601 = vector.broadcast %eq3A_1600 : i32 to vector<16xi32>
    %eq3A_1602 = arith.cmpi eq, %get3A_1459, %eq3A_1601 : vector<16xi32>
    %jit3A_1603 = arith.constant 1 : i32
    %jit3A_1604 = arith.constant 0 : i32
    %broadcast_in_dim3A_1605 = vector.broadcast %jit3A_1603 : i32 to vector<16xi32>
    %broadcast_in_dim3A_1606 = vector.broadcast %jit3A_1604 : i32 to vector<16xi32>
    %select_n3A_1607 = arith.select %eq3A_1602, %broadcast_in_dim3A_1605, %broadcast_in_dim3A_1606 : vector<16xi1>, vector<16xi32>
    %cumsum3A_1608 = arith.constant true
    %cumsum3A_1609 = vector.broadcast %cumsum3A_1608 : i1 to vector<16xi1>
    %cumsum3A_1610 = tpu.scan <sum>, %select_n3A_1607 masked %cumsum3A_1609 : vector<16xi32>, vector<16xi1> -> vector<16xi32>
    %eq3A_1611 = arith.constant 4 : i32
    %eq3A_1612 = vector.broadcast %eq3A_1611 : i32 to vector<16xi32>
    %eq3A_1613 = arith.cmpi eq, %iota3A, %eq3A_1612 : vector<16xi32>
    %jit3A_1614 = arith.constant 0 : i32
    %broadcast_in_dim3A_1615 = vector.broadcast %jit3A_1614 : i32 to vector<16xi32>
    %select_n3A_1616 = arith.select %eq3A_1613, %add3A_1453, %broadcast_in_dim3A_1615 : vector<16xi1>, vector<16xi32>
    %reduce_sum3A_1617 = arith.constant true
    %reduce_sum3A_1618 = vector.broadcast %reduce_sum3A_1617 : i1 to vector<16xi1>
    %reduce_sum3A_1619 = tpu.scan <sum>, %select_n3A_1616 masked %reduce_sum3A_1618 : vector<16xi32>, vector<16xi1> -> vector<16xi32>
    %reduce_sum3A_1620 = vector.extract %reduce_sum3A_1619[15] : i32 from vector<16xi32>
    %add3A_1621 = vector.broadcast %reduce_sum3A_1620 : i32 to vector<16xi32>
    %add3A_1622 = arith.addi %add3A_1621, %cumsum3A_1610 : vector<16xi32>
    %sub3A_1623 = arith.constant 1 : i32
    %sub3A_1624 = vector.broadcast %sub3A_1623 : i32 to vector<16xi32>
    %sub3A_1625 = arith.subi %add3A_1622, %sub3A_1624 : vector<16xi32>
    %select_n3A_1626 = arith.select %eq3A_1602, %sub3A_1625, %select_n3A_1591 : vector<16xi1>, vector<16xi32>
    %all_reduce_population_count3A_1627 = tpu.all_reduce %eq3A_1602 {dim = 0 : i64, kind = #tpu.reduction_kind<sum>} : vector<16xi1> -> vector<16xi32>
    %eq3A_1628 = arith.constant 4 : i32
    %eq3A_1629 = vector.broadcast %eq3A_1628 : i32 to vector<16xi32>
    %eq3A_1630 = arith.cmpi eq, %iota3A, %eq3A_1629 : vector<16xi32>
    %jit3A_1631 = arith.constant 0 : i32
    %broadcast_in_dim3A_1632 = vector.broadcast %jit3A_1631 : i32 to vector<16xi32>
    %select_n3A_1633 = arith.select %eq3A_1630, %all_reduce_population_count3A_1627, %broadcast_in_dim3A_1632 : vector<16xi1>, vector<16xi32>
    %add3A_1634 = arith.addi %add3A_1599, %select_n3A_1633 : vector<16xi32>
    %eq3A_1635 = arith.constant 5 : i32
    %eq3A_1636 = vector.broadcast %eq3A_1635 : i32 to vector<16xi32>
    %eq3A_1637 = arith.cmpi eq, %get3A_1459, %eq3A_1636 : vector<16xi32>
    %jit3A_1638 = arith.constant 1 : i32
    %jit3A_1639 = arith.constant 0 : i32
    %broadcast_in_dim3A_1640 = vector.broadcast %jit3A_1638 : i32 to vector<16xi32>
    %broadcast_in_dim3A_1641 = vector.broadcast %jit3A_1639 : i32 to vector<16xi32>
    %select_n3A_1642 = arith.select %eq3A_1637, %broadcast_in_dim3A_1640, %broadcast_in_dim3A_1641 : vector<16xi1>, vector<16xi32>
    %cumsum3A_1643 = arith.constant true
    %cumsum3A_1644 = vector.broadcast %cumsum3A_1643 : i1 to vector<16xi1>
    %cumsum3A_1645 = tpu.scan <sum>, %select_n3A_1642 masked %cumsum3A_1644 : vector<16xi32>, vector<16xi1> -> vector<16xi32>
    %eq3A_1646 = arith.constant 5 : i32
    %eq3A_1647 = vector.broadcast %eq3A_1646 : i32 to vector<16xi32>
    %eq3A_1648 = arith.cmpi eq, %iota3A, %eq3A_1647 : vector<16xi32>
    %jit3A_1649 = arith.constant 0 : i32
    %broadcast_in_dim3A_1650 = vector.broadcast %jit3A_1649 : i32 to vector<16xi32>
    %select_n3A_1651 = arith.select %eq3A_1648, %add3A_1453, %broadcast_in_dim3A_1650 : vector<16xi1>, vector<16xi32>
    %reduce_sum3A_1652 = arith.constant true
    %reduce_sum3A_1653 = vector.broadcast %reduce_sum3A_1652 : i1 to vector<16xi1>
    %reduce_sum3A_1654 = tpu.scan <sum>, %select_n3A_1651 masked %reduce_sum3A_1653 : vector<16xi32>, vector<16xi1> -> vector<16xi32>
    %reduce_sum3A_1655 = vector.extract %reduce_sum3A_1654[15] : i32 from vector<16xi32>
    %add3A_1656 = vector.broadcast %reduce_sum3A_1655 : i32 to vector<16xi32>
    %add3A_1657 = arith.addi %add3A_1656, %cumsum3A_1645 : vector<16xi32>
    %sub3A_1658 = arith.constant 1 : i32
    %sub3A_1659 = vector.broadcast %sub3A_1658 : i32 to vector<16xi32>
    %sub3A_1660 = arith.subi %add3A_1657, %sub3A_1659 : vector<16xi32>
    %select_n3A_1661 = arith.select %eq3A_1637, %sub3A_1660, %select_n3A_1626 : vector<16xi1>, vector<16xi32>
    %all_reduce_population_count3A_1662 = tpu.all_reduce %eq3A_1637 {dim = 0 : i64, kind = #tpu.reduction_kind<sum>} : vector<16xi1> -> vector<16xi32>
    %eq3A_1663 = arith.constant 5 : i32
    %eq3A_1664 = vector.broadcast %eq3A_1663 : i32 to vector<16xi32>
    %eq3A_1665 = arith.cmpi eq, %iota3A, %eq3A_1664 : vector<16xi32>
    %jit3A_1666 = arith.constant 0 : i32
    %broadcast_in_dim3A_1667 = vector.broadcast %jit3A_1666 : i32 to vector<16xi32>
    %select_n3A_1668 = arith.select %eq3A_1665, %all_reduce_population_count3A_1662, %broadcast_in_dim3A_1667 : vector<16xi1>, vector<16xi32>
    %add3A_1669 = arith.addi %add3A_1634, %select_n3A_1668 : vector<16xi32>
    %eq3A_1670 = arith.constant 6 : i32
    %eq3A_1671 = vector.broadcast %eq3A_1670 : i32 to vector<16xi32>
    %eq3A_1672 = arith.cmpi eq, %get3A_1459, %eq3A_1671 : vector<16xi32>
    %jit3A_1673 = arith.constant 1 : i32
    %jit3A_1674 = arith.constant 0 : i32
    %broadcast_in_dim3A_1675 = vector.broadcast %jit3A_1673 : i32 to vector<16xi32>
    %broadcast_in_dim3A_1676 = vector.broadcast %jit3A_1674 : i32 to vector<16xi32>
    %select_n3A_1677 = arith.select %eq3A_1672, %broadcast_in_dim3A_1675, %broadcast_in_dim3A_1676 : vector<16xi1>, vector<16xi32>
    %cumsum3A_1678 = arith.constant true
    %cumsum3A_1679 = vector.broadcast %cumsum3A_1678 : i1 to vector<16xi1>
    %cumsum3A_1680 = tpu.scan <sum>, %select_n3A_1677 masked %cumsum3A_1679 : vector<16xi32>, vector<16xi1> -> vector<16xi32>
    %eq3A_1681 = arith.constant 6 : i32
    %eq3A_1682 = vector.broadcast %eq3A_1681 : i32 to vector<16xi32>
    %eq3A_1683 = arith.cmpi eq, %iota3A, %eq3A_1682 : vector<16xi32>
    %jit3A_1684 = arith.constant 0 : i32
    %broadcast_in_dim3A_1685 = vector.broadcast %jit3A_1684 : i32 to vector<16xi32>
    %select_n3A_1686 = arith.select %eq3A_1683, %add3A_1453, %broadcast_in_dim3A_1685 : vector<16xi1>, vector<16xi32>
    %reduce_sum3A_1687 = arith.constant true
    %reduce_sum3A_1688 = vector.broadcast %reduce_sum3A_1687 : i1 to vector<16xi1>
    %reduce_sum3A_1689 = tpu.scan <sum>, %select_n3A_1686 masked %reduce_sum3A_1688 : vector<16xi32>, vector<16xi1> -> vector<16xi32>
    %reduce_sum3A_1690 = vector.extract %reduce_sum3A_1689[15] : i32 from vector<16xi32>
    %add3A_1691 = vector.broadcast %reduce_sum3A_1690 : i32 to vector<16xi32>
    %add3A_1692 = arith.addi %add3A_1691, %cumsum3A_1680 : vector<16xi32>
    %sub3A_1693 = arith.constant 1 : i32
    %sub3A_1694 = vector.broadcast %sub3A_1693 : i32 to vector<16xi32>
    %sub3A_1695 = arith.subi %add3A_1692, %sub3A_1694 : vector<16xi32>
    %select_n3A_1696 = arith.select %eq3A_1672, %sub3A_1695, %select_n3A_1661 : vector<16xi1>, vector<16xi32>
    %all_reduce_population_count3A_1697 = tpu.all_reduce %eq3A_1672 {dim = 0 : i64, kind = #tpu.reduction_kind<sum>} : vector<16xi1> -> vector<16xi32>
    %eq3A_1698 = arith.constant 6 : i32
    %eq3A_1699 = vector.broadcast %eq3A_1698 : i32 to vector<16xi32>
    %eq3A_1700 = arith.cmpi eq, %iota3A, %eq3A_1699 : vector<16xi32>
    %jit3A_1701 = arith.constant 0 : i32
    %broadcast_in_dim3A_1702 = vector.broadcast %jit3A_1701 : i32 to vector<16xi32>
    %select_n3A_1703 = arith.select %eq3A_1700, %all_reduce_population_count3A_1697, %broadcast_in_dim3A_1702 : vector<16xi1>, vector<16xi32>
    %add3A_1704 = arith.addi %add3A_1669, %select_n3A_1703 : vector<16xi32>
    %eq3A_1705 = arith.constant 7 : i32
    %eq3A_1706 = vector.broadcast %eq3A_1705 : i32 to vector<16xi32>
    %eq3A_1707 = arith.cmpi eq, %get3A_1459, %eq3A_1706 : vector<16xi32>
    %jit3A_1708 = arith.constant 1 : i32
    %jit3A_1709 = arith.constant 0 : i32
    %broadcast_in_dim3A_1710 = vector.broadcast %jit3A_1708 : i32 to vector<16xi32>
    %broadcast_in_dim3A_1711 = vector.broadcast %jit3A_1709 : i32 to vector<16xi32>
    %select_n3A_1712 = arith.select %eq3A_1707, %broadcast_in_dim3A_1710, %broadcast_in_dim3A_1711 : vector<16xi1>, vector<16xi32>
    %cumsum3A_1713 = arith.constant true
    %cumsum3A_1714 = vector.broadcast %cumsum3A_1713 : i1 to vector<16xi1>
    %cumsum3A_1715 = tpu.scan <sum>, %select_n3A_1712 masked %cumsum3A_1714 : vector<16xi32>, vector<16xi1> -> vector<16xi32>
    %eq3A_1716 = arith.constant 7 : i32
    %eq3A_1717 = vector.broadcast %eq3A_1716 : i32 to vector<16xi32>
    %eq3A_1718 = arith.cmpi eq, %iota3A, %eq3A_1717 : vector<16xi32>
    %jit3A_1719 = arith.constant 0 : i32
    %broadcast_in_dim3A_1720 = vector.broadcast %jit3A_1719 : i32 to vector<16xi32>
    %select_n3A_1721 = arith.select %eq3A_1718, %add3A_1453, %broadcast_in_dim3A_1720 : vector<16xi1>, vector<16xi32>
    %reduce_sum3A_1722 = arith.constant true
    %reduce_sum3A_1723 = vector.broadcast %reduce_sum3A_1722 : i1 to vector<16xi1>
    %reduce_sum3A_1724 = tpu.scan <sum>, %select_n3A_1721 masked %reduce_sum3A_1723 : vector<16xi32>, vector<16xi1> -> vector<16xi32>
    %reduce_sum3A_1725 = vector.extract %reduce_sum3A_1724[15] : i32 from vector<16xi32>
    %add3A_1726 = vector.broadcast %reduce_sum3A_1725 : i32 to vector<16xi32>
    %add3A_1727 = arith.addi %add3A_1726, %cumsum3A_1715 : vector<16xi32>
    %sub3A_1728 = arith.constant 1 : i32
    %sub3A_1729 = vector.broadcast %sub3A_1728 : i32 to vector<16xi32>
    %sub3A_1730 = arith.subi %add3A_1727, %sub3A_1729 : vector<16xi32>
    %select_n3A_1731 = arith.select %eq3A_1707, %sub3A_1730, %select_n3A_1696 : vector<16xi1>, vector<16xi32>
    %all_reduce_population_count3A_1732 = tpu.all_reduce %eq3A_1707 {dim = 0 : i64, kind = #tpu.reduction_kind<sum>} : vector<16xi1> -> vector<16xi32>
    %eq3A_1733 = arith.constant 7 : i32
    %eq3A_1734 = vector.broadcast %eq3A_1733 : i32 to vector<16xi32>
    %eq3A_1735 = arith.cmpi eq, %iota3A, %eq3A_1734 : vector<16xi32>
    %jit3A_1736 = arith.constant 0 : i32
    %broadcast_in_dim3A_1737 = vector.broadcast %jit3A_1736 : i32 to vector<16xi32>
    %select_n3A_1738 = arith.select %eq3A_1735, %all_reduce_population_count3A_1732, %broadcast_in_dim3A_1737 : vector<16xi1>, vector<16xi32>
    %add3A_1739 = arith.addi %add3A_1704, %select_n3A_1738 : vector<16xi32>
    %add3A_1740 = arith.addi %add3A_1453, %add3A_1739 : vector<16xi32>
    %swap3A_1741 = arith.constant 64 : index
    %swap3A_1742 = tpu.vector_load %arg11[%swap3A_1741] {strides = array<i32>} : memref<128xi32, #tpu.memory_space<vmem>>, vector<16xi32>,
    tpu.vector_store %arg11[%swap3A_1741], %select_n3A_1731 {strides = array<i32>} : memref<128xi32, #tpu.memory_space<vmem>>, vector<16xi32>,
    %add3A_1743 = arith.constant 80 : i32
    %add3A_1744 = arith.addi %mul3A_2, %add3A_1743 : i32
    %get3A_1745 = arith.index_cast %add3A_1744 : i32 to index
    %get3A_1746 = tpu.vector_load %arg9[%get3A_1745] {strides = array<i32>} : memref<4096xi32, #tpu.memory_space<vmem>>, vector<16xi32>,
    %eq3A_1747 = arith.constant 0 : i32
    %eq3A_1748 = vector.broadcast %eq3A_1747 : i32 to vector<16xi32>
    %eq3A_1749 = arith.cmpi eq, %get3A_1746, %eq3A_1748 : vector<16xi32>
    %jit3A_1750 = arith.constant 1 : i32
    %jit3A_1751 = arith.constant 0 : i32
    %broadcast_in_dim3A_1752 = vector.broadcast %jit3A_1750 : i32 to vector<16xi32>
    %broadcast_in_dim3A_1753 = vector.broadcast %jit3A_1751 : i32 to vector<16xi32>
    %select_n3A_1754 = arith.select %eq3A_1749, %broadcast_in_dim3A_1752, %broadcast_in_dim3A_1753 : vector<16xi1>, vector<16xi32>
    %cumsum3A_1755 = arith.constant true
    %cumsum3A_1756 = vector.broadcast %cumsum3A_1755 : i1 to vector<16xi1>
    %cumsum3A_1757 = tpu.scan <sum>, %select_n3A_1754 masked %cumsum3A_1756 : vector<16xi32>, vector<16xi1> -> vector<16xi32>
    %eq3A_1758 = arith.constant 0 : i32
    %eq3A_1759 = vector.broadcast %eq3A_1758 : i32 to vector<16xi32>
    %eq3A_1760 = arith.cmpi eq, %iota3A, %eq3A_1759 : vector<16xi32>
    %jit3A_1761 = arith.constant 0 : i32
    %broadcast_in_dim3A_1762 = vector.broadcast %jit3A_1761 : i32 to vector<16xi32>
    %select_n3A_1763 = arith.select %eq3A_1760, %add3A_1740, %broadcast_in_dim3A_1762 : vector<16xi1>, vector<16xi32>
    %reduce_sum3A_1764 = arith.constant true
    %reduce_sum3A_1765 = vector.broadcast %reduce_sum3A_1764 : i1 to vector<16xi1>
    %reduce_sum3A_1766 = tpu.scan <sum>, %select_n3A_1763 masked %reduce_sum3A_1765 : vector<16xi32>, vector<16xi1> -> vector<16xi32>
    %reduce_sum3A_1767 = vector.extract %reduce_sum3A_1766[15] : i32 from vector<16xi32>
    %add3A_1768 = vector.broadcast %reduce_sum3A_1767 : i32 to vector<16xi32>
    %add3A_1769 = arith.addi %add3A_1768, %cumsum3A_1757 : vector<16xi32>
    %sub3A_1770 = arith.constant 1 : i32
    %sub3A_1771 = vector.broadcast %sub3A_1770 : i32 to vector<16xi32>
    %sub3A_1772 = arith.subi %add3A_1769, %sub3A_1771 : vector<16xi32>
    %select_n3A_1773 = arith.select %eq3A_1749, %sub3A_1772, %broadcast_in_dim3A_14 : vector<16xi1>, vector<16xi32>
    %all_reduce_population_count3A_1774 = tpu.all_reduce %eq3A_1749 {dim = 0 : i64, kind = #tpu.reduction_kind<sum>} : vector<16xi1> -> vector<16xi32>
    %eq3A_1775 = arith.constant 0 : i32
    %eq3A_1776 = vector.broadcast %eq3A_1775 : i32 to vector<16xi32>
    %eq3A_1777 = arith.cmpi eq, %iota3A, %eq3A_1776 : vector<16xi32>
    %jit3A_1778 = arith.constant 0 : i32
    %broadcast_in_dim3A_1779 = vector.broadcast %jit3A_1778 : i32 to vector<16xi32>
    %select_n3A_1780 = arith.select %eq3A_1777, %all_reduce_population_count3A_1774, %broadcast_in_dim3A_1779 : vector<16xi1>, vector<16xi32>
    %add3A_1781 = arith.addi %broadcast_in_dim3A_14, %select_n3A_1780 : vector<16xi32>
    %eq3A_1782 = arith.constant 1 : i32
    %eq3A_1783 = vector.broadcast %eq3A_1782 : i32 to vector<16xi32>
    %eq3A_1784 = arith.cmpi eq, %get3A_1746, %eq3A_1783 : vector<16xi32>
    %jit3A_1785 = arith.constant 1 : i32
    %jit3A_1786 = arith.constant 0 : i32
    %broadcast_in_dim3A_1787 = vector.broadcast %jit3A_1785 : i32 to vector<16xi32>
    %broadcast_in_dim3A_1788 = vector.broadcast %jit3A_1786 : i32 to vector<16xi32>
    %select_n3A_1789 = arith.select %eq3A_1784, %broadcast_in_dim3A_1787, %broadcast_in_dim3A_1788 : vector<16xi1>, vector<16xi32>
    %cumsum3A_1790 = arith.constant true
    %cumsum3A_1791 = vector.broadcast %cumsum3A_1790 : i1 to vector<16xi1>
    %cumsum3A_1792 = tpu.scan <sum>, %select_n3A_1789 masked %cumsum3A_1791 : vector<16xi32>, vector<16xi1> -> vector<16xi32>
    %eq3A_1793 = arith.constant 1 : i32
    %eq3A_1794 = vector.broadcast %eq3A_1793 : i32 to vector<16xi32>
    %eq3A_1795 = arith.cmpi eq, %iota3A, %eq3A_1794 : vector<16xi32>
    %jit3A_1796 = arith.constant 0 : i32
    %broadcast_in_dim3A_1797 = vector.broadcast %jit3A_1796 : i32 to vector<16xi32>
    %select_n3A_1798 = arith.select %eq3A_1795, %add3A_1740, %broadcast_in_dim3A_1797 : vector<16xi1>, vector<16xi32>
    %reduce_sum3A_1799 = arith.constant true
    %reduce_sum3A_1800 = vector.broadcast %reduce_sum3A_1799 : i1 to vector<16xi1>
    %reduce_sum3A_1801 = tpu.scan <sum>, %select_n3A_1798 masked %reduce_sum3A_1800 : vector<16xi32>, vector<16xi1> -> vector<16xi32>
    %reduce_sum3A_1802 = vector.extract %reduce_sum3A_1801[15] : i32 from vector<16xi32>
    %add3A_1803 = vector.broadcast %reduce_sum3A_1802 : i32 to vector<16xi32>
    %add3A_1804 = arith.addi %add3A_1803, %cumsum3A_1792 : vector<16xi32>
    %sub3A_1805 = arith.constant 1 : i32
    %sub3A_1806 = vector.broadcast %sub3A_1805 : i32 to vector<16xi32>
    %sub3A_1807 = arith.subi %add3A_1804, %sub3A_1806 : vector<16xi32>
    %select_n3A_1808 = arith.select %eq3A_1784, %sub3A_1807, %select_n3A_1773 : vector<16xi1>, vector<16xi32>
    %all_reduce_population_count3A_1809 = tpu.all_reduce %eq3A_1784 {dim = 0 : i64, kind = #tpu.reduction_kind<sum>} : vector<16xi1> -> vector<16xi32>
    %eq3A_1810 = arith.constant 1 : i32
    %eq3A_1811 = vector.broadcast %eq3A_1810 : i32 to vector<16xi32>
    %eq3A_1812 = arith.cmpi eq, %iota3A, %eq3A_1811 : vector<16xi32>
    %jit3A_1813 = arith.constant 0 : i32
    %broadcast_in_dim3A_1814 = vector.broadcast %jit3A_1813 : i32 to vector<16xi32>
    %select_n3A_1815 = arith.select %eq3A_1812, %all_reduce_population_count3A_1809, %broadcast_in_dim3A_1814 : vector<16xi1>, vector<16xi32>
    %add3A_1816 = arith.addi %add3A_1781, %select_n3A_1815 : vector<16xi32>
    %eq3A_1817 = arith.constant 2 : i32
    %eq3A_1818 = vector.broadcast %eq3A_1817 : i32 to vector<16xi32>
    %eq3A_1819 = arith.cmpi eq, %get3A_1746, %eq3A_1818 : vector<16xi32>
    %jit3A_1820 = arith.constant 1 : i32
    %jit3A_1821 = arith.constant 0 : i32
    %broadcast_in_dim3A_1822 = vector.broadcast %jit3A_1820 : i32 to vector<16xi32>
    %broadcast_in_dim3A_1823 = vector.broadcast %jit3A_1821 : i32 to vector<16xi32>
    %select_n3A_1824 = arith.select %eq3A_1819, %broadcast_in_dim3A_1822, %broadcast_in_dim3A_1823 : vector<16xi1>, vector<16xi32>
    %cumsum3A_1825 = arith.constant true
    %cumsum3A_1826 = vector.broadcast %cumsum3A_1825 : i1 to vector<16xi1>
    %cumsum3A_1827 = tpu.scan <sum>, %select_n3A_1824 masked %cumsum3A_1826 : vector<16xi32>, vector<16xi1> -> vector<16xi32>
    %eq3A_1828 = arith.constant 2 : i32
    %eq3A_1829 = vector.broadcast %eq3A_1828 : i32 to vector<16xi32>
    %eq3A_1830 = arith.cmpi eq, %iota3A, %eq3A_1829 : vector<16xi32>
    %jit3A_1831 = arith.constant 0 : i32
    %broadcast_in_dim3A_1832 = vector.broadcast %jit3A_1831 : i32 to vector<16xi32>
    %select_n3A_1833 = arith.select %eq3A_1830, %add3A_1740, %broadcast_in_dim3A_1832 : vector<16xi1>, vector<16xi32>
    %reduce_sum3A_1834 = arith.constant true
    %reduce_sum3A_1835 = vector.broadcast %reduce_sum3A_1834 : i1 to vector<16xi1>
    %reduce_sum3A_1836 = tpu.scan <sum>, %select_n3A_1833 masked %reduce_sum3A_1835 : vector<16xi32>, vector<16xi1> -> vector<16xi32>
    %reduce_sum3A_1837 = vector.extract %reduce_sum3A_1836[15] : i32 from vector<16xi32>
    %add3A_1838 = vector.broadcast %reduce_sum3A_1837 : i32 to vector<16xi32>
    %add3A_1839 = arith.addi %add3A_1838, %cumsum3A_1827 : vector<16xi32>
    %sub3A_1840 = arith.constant 1 : i32
    %sub3A_1841 = vector.broadcast %sub3A_1840 : i32 to vector<16xi32>
    %sub3A_1842 = arith.subi %add3A_1839, %sub3A_1841 : vector<16xi32>
    %select_n3A_1843 = arith.select %eq3A_1819, %sub3A_1842, %select_n3A_1808 : vector<16xi1>, vector<16xi32>
    %all_reduce_population_count3A_1844 = tpu.all_reduce %eq3A_1819 {dim = 0 : i64, kind = #tpu.reduction_kind<sum>} : vector<16xi1> -> vector<16xi32>
    %eq3A_1845 = arith.constant 2 : i32
    %eq3A_1846 = vector.broadcast %eq3A_1845 : i32 to vector<16xi32>
    %eq3A_1847 = arith.cmpi eq, %iota3A, %eq3A_1846 : vector<16xi32>
    %jit3A_1848 = arith.constant 0 : i32
    %broadcast_in_dim3A_1849 = vector.broadcast %jit3A_1848 : i32 to vector<16xi32>
    %select_n3A_1850 = arith.select %eq3A_1847, %all_reduce_population_count3A_1844, %broadcast_in_dim3A_1849 : vector<16xi1>, vector<16xi32>
    %add3A_1851 = arith.addi %add3A_1816, %select_n3A_1850 : vector<16xi32>
    %eq3A_1852 = arith.constant 3 : i32
    %eq3A_1853 = vector.broadcast %eq3A_1852 : i32 to vector<16xi32>
    %eq3A_1854 = arith.cmpi eq, %get3A_1746, %eq3A_1853 : vector<16xi32>
    %jit3A_1855 = arith.constant 1 : i32
    %jit3A_1856 = arith.constant 0 : i32
    %broadcast_in_dim3A_1857 = vector.broadcast %jit3A_1855 : i32 to vector<16xi32>
    %broadcast_in_dim3A_1858 = vector.broadcast %jit3A_1856 : i32 to vector<16xi32>
    %select_n3A_1859 = arith.select %eq3A_1854, %broadcast_in_dim3A_1857, %broadcast_in_dim3A_1858 : vector<16xi1>, vector<16xi32>
    %cumsum3A_1860 = arith.constant true
    %cumsum3A_1861 = vector.broadcast %cumsum3A_1860 : i1 to vector<16xi1>
    %cumsum3A_1862 = tpu.scan <sum>, %select_n3A_1859 masked %cumsum3A_1861 : vector<16xi32>, vector<16xi1> -> vector<16xi32>
    %eq3A_1863 = arith.constant 3 : i32
    %eq3A_1864 = vector.broadcast %eq3A_1863 : i32 to vector<16xi32>
    %eq3A_1865 = arith.cmpi eq, %iota3A, %eq3A_1864 : vector<16xi32>
    %jit3A_1866 = arith.constant 0 : i32
    %broadcast_in_dim3A_1867 = vector.broadcast %jit3A_1866 : i32 to vector<16xi32>
    %select_n3A_1868 = arith.select %eq3A_1865, %add3A_1740, %broadcast_in_dim3A_1867 : vector<16xi1>, vector<16xi32>
    %reduce_sum3A_1869 = arith.constant true
    %reduce_sum3A_1870 = vector.broadcast %reduce_sum3A_1869 : i1 to vector<16xi1>
    %reduce_sum3A_1871 = tpu.scan <sum>, %select_n3A_1868 masked %reduce_sum3A_1870 : vector<16xi32>, vector<16xi1> -> vector<16xi32>
    %reduce_sum3A_1872 = vector.extract %reduce_sum3A_1871[15] : i32 from vector<16xi32>
    %add3A_1873 = vector.broadcast %reduce_sum3A_1872 : i32 to vector<16xi32>
    %add3A_1874 = arith.addi %add3A_1873, %cumsum3A_1862 : vector<16xi32>
    %sub3A_1875 = arith.constant 1 : i32
    %sub3A_1876 = vector.broadcast %sub3A_1875 : i32 to vector<16xi32>
    %sub3A_1877 = arith.subi %add3A_1874, %sub3A_1876 : vector<16xi32>
    %select_n3A_1878 = arith.select %eq3A_1854, %sub3A_1877, %select_n3A_1843 : vector<16xi1>, vector<16xi32>
    %all_reduce_population_count3A_1879 = tpu.all_reduce %eq3A_1854 {dim = 0 : i64, kind = #tpu.reduction_kind<sum>} : vector<16xi1> -> vector<16xi32>
    %eq3A_1880 = arith.constant 3 : i32
    %eq3A_1881 = vector.broadcast %eq3A_1880 : i32 to vector<16xi32>
    %eq3A_1882 = arith.cmpi eq, %iota3A, %eq3A_1881 : vector<16xi32>
    %jit3A_1883 = arith.constant 0 : i32
    %broadcast_in_dim3A_1884 = vector.broadcast %jit3A_1883 : i32 to vector<16xi32>
    %select_n3A_1885 = arith.select %eq3A_1882, %all_reduce_population_count3A_1879, %broadcast_in_dim3A_1884 : vector<16xi1>, vector<16xi32>
    %add3A_1886 = arith.addi %add3A_1851, %select_n3A_1885 : vector<16xi32>
    %eq3A_1887 = arith.constant 4 : i32
    %eq3A_1888 = vector.broadcast %eq3A_1887 : i32 to vector<16xi32>
    %eq3A_1889 = arith.cmpi eq, %get3A_1746, %eq3A_1888 : vector<16xi32>
    %jit3A_1890 = arith.constant 1 : i32
    %jit3A_1891 = arith.constant 0 : i32
    %broadcast_in_dim3A_1892 = vector.broadcast %jit3A_1890 : i32 to vector<16xi32>
    %broadcast_in_dim3A_1893 = vector.broadcast %jit3A_1891 : i32 to vector<16xi32>
    %select_n3A_1894 = arith.select %eq3A_1889, %broadcast_in_dim3A_1892, %broadcast_in_dim3A_1893 : vector<16xi1>, vector<16xi32>
    %cumsum3A_1895 = arith.constant true
    %cumsum3A_1896 = vector.broadcast %cumsum3A_1895 : i1 to vector<16xi1>
    %cumsum3A_1897 = tpu.scan <sum>, %select_n3A_1894 masked %cumsum3A_1896 : vector<16xi32>, vector<16xi1> -> vector<16xi32>
    %eq3A_1898 = arith.constant 4 : i32
    %eq3A_1899 = vector.broadcast %eq3A_1898 : i32 to vector<16xi32>
    %eq3A_1900 = arith.cmpi eq, %iota3A, %eq3A_1899 : vector<16xi32>
    %jit3A_1901 = arith.constant 0 : i32
    %broadcast_in_dim3A_1902 = vector.broadcast %jit3A_1901 : i32 to vector<16xi32>
    %select_n3A_1903 = arith.select %eq3A_1900, %add3A_1740, %broadcast_in_dim3A_1902 : vector<16xi1>, vector<16xi32>
    %reduce_sum3A_1904 = arith.constant true
    %reduce_sum3A_1905 = vector.broadcast %reduce_sum3A_1904 : i1 to vector<16xi1>
    %reduce_sum3A_1906 = tpu.scan <sum>, %select_n3A_1903 masked %reduce_sum3A_1905 : vector<16xi32>, vector<16xi1> -> vector<16xi32>
    %reduce_sum3A_1907 = vector.extract %reduce_sum3A_1906[15] : i32 from vector<16xi32>
    %add3A_1908 = vector.broadcast %reduce_sum3A_1907 : i32 to vector<16xi32>
    %add3A_1909 = arith.addi %add3A_1908, %cumsum3A_1897 : vector<16xi32>
    %sub3A_1910 = arith.constant 1 : i32
    %sub3A_1911 = vector.broadcast %sub3A_1910 : i32 to vector<16xi32>
    %sub3A_1912 = arith.subi %add3A_1909, %sub3A_1911 : vector<16xi32>
    %select_n3A_1913 = arith.select %eq3A_1889, %sub3A_1912, %select_n3A_1878 : vector<16xi1>, vector<16xi32>
    %all_reduce_population_count3A_1914 = tpu.all_reduce %eq3A_1889 {dim = 0 : i64, kind = #tpu.reduction_kind<sum>} : vector<16xi1> -> vector<16xi32>
    %eq3A_1915 = arith.constant 4 : i32
    %eq3A_1916 = vector.broadcast %eq3A_1915 : i32 to vector<16xi32>
    %eq3A_1917 = arith.cmpi eq, %iota3A, %eq3A_1916 : vector<16xi32>
    %jit3A_1918 = arith.constant 0 : i32
    %broadcast_in_dim3A_1919 = vector.broadcast %jit3A_1918 : i32 to vector<16xi32>
    %select_n3A_1920 = arith.select %eq3A_1917, %all_reduce_population_count3A_1914, %broadcast_in_dim3A_1919 : vector<16xi1>, vector<16xi32>
    %add3A_1921 = arith.addi %add3A_1886, %select_n3A_1920 : vector<16xi32>
    %eq3A_1922 = arith.constant 5 : i32
    %eq3A_1923 = vector.broadcast %eq3A_1922 : i32 to vector<16xi32>
    %eq3A_1924 = arith.cmpi eq, %get3A_1746, %eq3A_1923 : vector<16xi32>
    %jit3A_1925 = arith.constant 1 : i32
    %jit3A_1926 = arith.constant 0 : i32
    %broadcast_in_dim3A_1927 = vector.broadcast %jit3A_1925 : i32 to vector<16xi32>
    %broadcast_in_dim3A_1928 = vector.broadcast %jit3A_1926 : i32 to vector<16xi32>
    %select_n3A_1929 = arith.select %eq3A_1924, %broadcast_in_dim3A_1927, %broadcast_in_dim3A_1928 : vector<16xi1>, vector<16xi32>
    %cumsum3A_1930 = arith.constant true
    %cumsum3A_1931 = vector.broadcast %cumsum3A_1930 : i1 to vector<16xi1>
    %cumsum3A_1932 = tpu.scan <sum>, %select_n3A_1929 masked %cumsum3A_1931 : vector<16xi32>, vector<16xi1> -> vector<16xi32>
    %eq3A_1933 = arith.constant 5 : i32
    %eq3A_1934 = vector.broadcast %eq3A_1933 : i32 to vector<16xi32>
    %eq3A_1935 = arith.cmpi eq, %iota3A, %eq3A_1934 : vector<16xi32>
    %jit3A_1936 = arith.constant 0 : i32
    %broadcast_in_dim3A_1937 = vector.broadcast %jit3A_1936 : i32 to vector<16xi32>
    %select_n3A_1938 = arith.select %eq3A_1935, %add3A_1740, %broadcast_in_dim3A_1937 : vector<16xi1>, vector<16xi32>
    %reduce_sum3A_1939 = arith.constant true
    %reduce_sum3A_1940 = vector.broadcast %reduce_sum3A_1939 : i1 to vector<16xi1>
    %reduce_sum3A_1941 = tpu.scan <sum>, %select_n3A_1938 masked %reduce_sum3A_1940 : vector<16xi32>, vector<16xi1> -> vector<16xi32>
    %reduce_sum3A_1942 = vector.extract %reduce_sum3A_1941[15] : i32 from vector<16xi32>
    %add3A_1943 = vector.broadcast %reduce_sum3A_1942 : i32 to vector<16xi32>
    %add3A_1944 = arith.addi %add3A_1943, %cumsum3A_1932 : vector<16xi32>
    %sub3A_1945 = arith.constant 1 : i32
    %sub3A_1946 = vector.broadcast %sub3A_1945 : i32 to vector<16xi32>
    %sub3A_1947 = arith.subi %add3A_1944, %sub3A_1946 : vector<16xi32>
    %select_n3A_1948 = arith.select %eq3A_1924, %sub3A_1947, %select_n3A_1913 : vector<16xi1>, vector<16xi32>
    %all_reduce_population_count3A_1949 = tpu.all_reduce %eq3A_1924 {dim = 0 : i64, kind = #tpu.reduction_kind<sum>} : vector<16xi1> -> vector<16xi32>
    %eq3A_1950 = arith.constant 5 : i32
    %eq3A_1951 = vector.broadcast %eq3A_1950 : i32 to vector<16xi32>
    %eq3A_1952 = arith.cmpi eq, %iota3A, %eq3A_1951 : vector<16xi32>
    %jit3A_1953 = arith.constant 0 : i32
    %broadcast_in_dim3A_1954 = vector.broadcast %jit3A_1953 : i32 to vector<16xi32>
    %select_n3A_1955 = arith.select %eq3A_1952, %all_reduce_population_count3A_1949, %broadcast_in_dim3A_1954 : vector<16xi1>, vector<16xi32>
    %add3A_1956 = arith.addi %add3A_1921, %select_n3A_1955 : vector<16xi32>
    %eq3A_1957 = arith.constant 6 : i32
    %eq3A_1958 = vector.broadcast %eq3A_1957 : i32 to vector<16xi32>
    %eq3A_1959 = arith.cmpi eq, %get3A_1746, %eq3A_1958 : vector<16xi32>
    %jit3A_1960 = arith.constant 1 : i32
    %jit3A_1961 = arith.constant 0 : i32
    %broadcast_in_dim3A_1962 = vector.broadcast %jit3A_1960 : i32 to vector<16xi32>
    %broadcast_in_dim3A_1963 = vector.broadcast %jit3A_1961 : i32 to vector<16xi32>
    %select_n3A_1964 = arith.select %eq3A_1959, %broadcast_in_dim3A_1962, %broadcast_in_dim3A_1963 : vector<16xi1>, vector<16xi32>
    %cumsum3A_1965 = arith.constant true
    %cumsum3A_1966 = vector.broadcast %cumsum3A_1965 : i1 to vector<16xi1>
    %cumsum3A_1967 = tpu.scan <sum>, %select_n3A_1964 masked %cumsum3A_1966 : vector<16xi32>, vector<16xi1> -> vector<16xi32>
    %eq3A_1968 = arith.constant 6 : i32
    %eq3A_1969 = vector.broadcast %eq3A_1968 : i32 to vector<16xi32>
    %eq3A_1970 = arith.cmpi eq, %iota3A, %eq3A_1969 : vector<16xi32>
    %jit3A_1971 = arith.constant 0 : i32
    %broadcast_in_dim3A_1972 = vector.broadcast %jit3A_1971 : i32 to vector<16xi32>
    %select_n3A_1973 = arith.select %eq3A_1970, %add3A_1740, %broadcast_in_dim3A_1972 : vector<16xi1>, vector<16xi32>
    %reduce_sum3A_1974 = arith.constant true
    %reduce_sum3A_1975 = vector.broadcast %reduce_sum3A_1974 : i1 to vector<16xi1>
    %reduce_sum3A_1976 = tpu.scan <sum>, %select_n3A_1973 masked %reduce_sum3A_1975 : vector<16xi32>, vector<16xi1> -> vector<16xi32>
    %reduce_sum3A_1977 = vector.extract %reduce_sum3A_1976[15] : i32 from vector<16xi32>
    %add3A_1978 = vector.broadcast %reduce_sum3A_1977 : i32 to vector<16xi32>
    %add3A_1979 = arith.addi %add3A_1978, %cumsum3A_1967 : vector<16xi32>
    %sub3A_1980 = arith.constant 1 : i32
    %sub3A_1981 = vector.broadcast %sub3A_1980 : i32 to vector<16xi32>
    %sub3A_1982 = arith.subi %add3A_1979, %sub3A_1981 : vector<16xi32>
    %select_n3A_1983 = arith.select %eq3A_1959, %sub3A_1982, %select_n3A_1948 : vector<16xi1>, vector<16xi32>
    %all_reduce_population_count3A_1984 = tpu.all_reduce %eq3A_1959 {dim = 0 : i64, kind = #tpu.reduction_kind<sum>} : vector<16xi1> -> vector<16xi32>
    %eq3A_1985 = arith.constant 6 : i32
    %eq3A_1986 = vector.broadcast %eq3A_1985 : i32 to vector<16xi32>
    %eq3A_1987 = arith.cmpi eq, %iota3A, %eq3A_1986 : vector<16xi32>
    %jit3A_1988 = arith.constant 0 : i32
    %broadcast_in_dim3A_1989 = vector.broadcast %jit3A_1988 : i32 to vector<16xi32>
    %select_n3A_1990 = arith.select %eq3A_1987, %all_reduce_population_count3A_1984, %broadcast_in_dim3A_1989 : vector<16xi1>, vector<16xi32>
    %add3A_1991 = arith.addi %add3A_1956, %select_n3A_1990 : vector<16xi32>
    %eq3A_1992 = arith.constant 7 : i32
    %eq3A_1993 = vector.broadcast %eq3A_1992 : i32 to vector<16xi32>
    %eq3A_1994 = arith.cmpi eq, %get3A_1746, %eq3A_1993 : vector<16xi32>
    %jit3A_1995 = arith.constant 1 : i32
    %jit3A_1996 = arith.constant 0 : i32
    %broadcast_in_dim3A_1997 = vector.broadcast %jit3A_1995 : i32 to vector<16xi32>
    %broadcast_in_dim3A_1998 = vector.broadcast %jit3A_1996 : i32 to vector<16xi32>
    %select_n3A_1999 = arith.select %eq3A_1994, %broadcast_in_dim3A_1997, %broadcast_in_dim3A_1998 : vector<16xi1>, vector<16xi32>
    %cumsum3A_2000 = arith.constant true
    %cumsum3A_2001 = vector.broadcast %cumsum3A_2000 : i1 to vector<16xi1>
    %cumsum3A_2002 = tpu.scan <sum>, %select_n3A_1999 masked %cumsum3A_2001 : vector<16xi32>, vector<16xi1> -> vector<16xi32>
    %eq3A_2003 = arith.constant 7 : i32
    %eq3A_2004 = vector.broadcast %eq3A_2003 : i32 to vector<16xi32>
    %eq3A_2005 = arith.cmpi eq, %iota3A, %eq3A_2004 : vector<16xi32>
    %jit3A_2006 = arith.constant 0 : i32
    %broadcast_in_dim3A_2007 = vector.broadcast %jit3A_2006 : i32 to vector<16xi32>
    %select_n3A_2008 = arith.select %eq3A_2005, %add3A_1740, %broadcast_in_dim3A_2007 : vector<16xi1>, vector<16xi32>
    %reduce_sum3A_2009 = arith.constant true
    %reduce_sum3A_2010 = vector.broadcast %reduce_sum3A_2009 : i1 to vector<16xi1>
    %reduce_sum3A_2011 = tpu.scan <sum>, %select_n3A_2008 masked %reduce_sum3A_2010 : vector<16xi32>, vector<16xi1> -> vector<16xi32>
    %reduce_sum3A_2012 = vector.extract %reduce_sum3A_2011[15] : i32 from vector<16xi32>
    %add3A_2013 = vector.broadcast %reduce_sum3A_2012 : i32 to vector<16xi32>
    %add3A_2014 = arith.addi %add3A_2013, %cumsum3A_2002 : vector<16xi32>
    %sub3A_2015 = arith.constant 1 : i32
    %sub3A_2016 = vector.broadcast %sub3A_2015 : i32 to vector<16xi32>
    %sub3A_2017 = arith.subi %add3A_2014, %sub3A_2016 : vector<16xi32>
    %select_n3A_2018 = arith.select %eq3A_1994, %sub3A_2017, %select_n3A_1983 : vector<16xi1>, vector<16xi32>
    %all_reduce_population_count3A_2019 = tpu.all_reduce %eq3A_1994 {dim = 0 : i64, kind = #tpu.reduction_kind<sum>} : vector<16xi1> -> vector<16xi32>
    %eq3A_2020 = arith.constant 7 : i32
    %eq3A_2021 = vector.broadcast %eq3A_2020 : i32 to vector<16xi32>
    %eq3A_2022 = arith.cmpi eq, %iota3A, %eq3A_2021 : vector<16xi32>
    %jit3A_2023 = arith.constant 0 : i32
    %broadcast_in_dim3A_2024 = vector.broadcast %jit3A_2023 : i32 to vector<16xi32>
    %select_n3A_2025 = arith.select %eq3A_2022, %all_reduce_population_count3A_2019, %broadcast_in_dim3A_2024 : vector<16xi1>, vector<16xi32>
    %add3A_2026 = arith.addi %add3A_1991, %select_n3A_2025 : vector<16xi32>
    %add3A_2027 = arith.addi %add3A_1740, %add3A_2026 : vector<16xi32>
    %swap3A_2028 = arith.constant 80 : index
    %swap3A_2029 = tpu.vector_load %arg11[%swap3A_2028] {strides = array<i32>} : memref<128xi32, #tpu.memory_space<vmem>>, vector<16xi32>,
    tpu.vector_store %arg11[%swap3A_2028], %select_n3A_2018 {strides = array<i32>} : memref<128xi32, #tpu.memory_space<vmem>>, vector<16xi32>,
    %add3A_2030 = arith.constant 96 : i32
    %add3A_2031 = arith.addi %mul3A_2, %add3A_2030 : i32
    %get3A_2032 = arith.index_cast %add3A_2031 : i32 to index
    %get3A_2033 = tpu.vector_load %arg9[%get3A_2032] {strides = array<i32>} : memref<4096xi32, #tpu.memory_space<vmem>>, vector<16xi32>,
    %eq3A_2034 = arith.constant 0 : i32
    %eq3A_2035 = vector.broadcast %eq3A_2034 : i32 to vector<16xi32>
    %eq3A_2036 = arith.cmpi eq, %get3A_2033, %eq3A_2035 : vector<16xi32>
    %jit3A_2037 = arith.constant 1 : i32
    %jit3A_2038 = arith.constant 0 : i32
    %broadcast_in_dim3A_2039 = vector.broadcast %jit3A_2037 : i32 to vector<16xi32>
    %broadcast_in_dim3A_2040 = vector.broadcast %jit3A_2038 : i32 to vector<16xi32>
    %select_n3A_2041 = arith.select %eq3A_2036, %broadcast_in_dim3A_2039, %broadcast_in_dim3A_2040 : vector<16xi1>, vector<16xi32>
    %cumsum3A_2042 = arith.constant true
    %cumsum3A_2043 = vector.broadcast %cumsum3A_2042 : i1 to vector<16xi1>
    %cumsum3A_2044 = tpu.scan <sum>, %select_n3A_2041 masked %cumsum3A_2043 : vector<16xi32>, vector<16xi1> -> vector<16xi32>
    %eq3A_2045 = arith.constant 0 : i32
    %eq3A_2046 = vector.broadcast %eq3A_2045 : i32 to vector<16xi32>
    %eq3A_2047 = arith.cmpi eq, %iota3A, %eq3A_2046 : vector<16xi32>
    %jit3A_2048 = arith.constant 0 : i32
    %broadcast_in_dim3A_2049 = vector.broadcast %jit3A_2048 : i32 to vector<16xi32>
    %select_n3A_2050 = arith.select %eq3A_2047, %add3A_2027, %broadcast_in_dim3A_2049 : vector<16xi1>, vector<16xi32>
    %reduce_sum3A_2051 = arith.constant true
    %reduce_sum3A_2052 = vector.broadcast %reduce_sum3A_2051 : i1 to vector<16xi1>
    %reduce_sum3A_2053 = tpu.scan <sum>, %select_n3A_2050 masked %reduce_sum3A_2052 : vector<16xi32>, vector<16xi1> -> vector<16xi32>
    %reduce_sum3A_2054 = vector.extract %reduce_sum3A_2053[15] : i32 from vector<16xi32>
    %add3A_2055 = vector.broadcast %reduce_sum3A_2054 : i32 to vector<16xi32>
    %add3A_2056 = arith.addi %add3A_2055, %cumsum3A_2044 : vector<16xi32>
    %sub3A_2057 = arith.constant 1 : i32
    %sub3A_2058 = vector.broadcast %sub3A_2057 : i32 to vector<16xi32>
    %sub3A_2059 = arith.subi %add3A_2056, %sub3A_2058 : vector<16xi32>
    %select_n3A_2060 = arith.select %eq3A_2036, %sub3A_2059, %broadcast_in_dim3A_14 : vector<16xi1>, vector<16xi32>
    %all_reduce_population_count3A_2061 = tpu.all_reduce %eq3A_2036 {dim = 0 : i64, kind = #tpu.reduction_kind<sum>} : vector<16xi1> -> vector<16xi32>
    %eq3A_2062 = arith.constant 0 : i32
    %eq3A_2063 = vector.broadcast %eq3A_2062 : i32 to vector<16xi32>
    %eq3A_2064 = arith.cmpi eq, %iota3A, %eq3A_2063 : vector<16xi32>
    %jit3A_2065 = arith.constant 0 : i32
    %broadcast_in_dim3A_2066 = vector.broadcast %jit3A_2065 : i32 to vector<16xi32>
    %select_n3A_2067 = arith.select %eq3A_2064, %all_reduce_population_count3A_2061, %broadcast_in_dim3A_2066 : vector<16xi1>, vector<16xi32>
    %add3A_2068 = arith.addi %broadcast_in_dim3A_14, %select_n3A_2067 : vector<16xi32>
    %eq3A_2069 = arith.constant 1 : i32
    %eq3A_2070 = vector.broadcast %eq3A_2069 : i32 to vector<16xi32>
    %eq3A_2071 = arith.cmpi eq, %get3A_2033, %eq3A_2070 : vector<16xi32>
    %jit3A_2072 = arith.constant 1 : i32
    %jit3A_2073 = arith.constant 0 : i32
    %broadcast_in_dim3A_2074 = vector.broadcast %jit3A_2072 : i32 to vector<16xi32>
    %broadcast_in_dim3A_2075 = vector.broadcast %jit3A_2073 : i32 to vector<16xi32>
    %select_n3A_2076 = arith.select %eq3A_2071, %broadcast_in_dim3A_2074, %broadcast_in_dim3A_2075 : vector<16xi1>, vector<16xi32>
    %cumsum3A_2077 = arith.constant true
    %cumsum3A_2078 = vector.broadcast %cumsum3A_2077 : i1 to vector<16xi1>
    %cumsum3A_2079 = tpu.scan <sum>, %select_n3A_2076 masked %cumsum3A_2078 : vector<16xi32>, vector<16xi1> -> vector<16xi32>
    %eq3A_2080 = arith.constant 1 : i32
    %eq3A_2081 = vector.broadcast %eq3A_2080 : i32 to vector<16xi32>
    %eq3A_2082 = arith.cmpi eq, %iota3A, %eq3A_2081 : vector<16xi32>
    %jit3A_2083 = arith.constant 0 : i32
    %broadcast_in_dim3A_2084 = vector.broadcast %jit3A_2083 : i32 to vector<16xi32>
    %select_n3A_2085 = arith.select %eq3A_2082, %add3A_2027, %broadcast_in_dim3A_2084 : vector<16xi1>, vector<16xi32>
    %reduce_sum3A_2086 = arith.constant true
    %reduce_sum3A_2087 = vector.broadcast %reduce_sum3A_2086 : i1 to vector<16xi1>
    %reduce_sum3A_2088 = tpu.scan <sum>, %select_n3A_2085 masked %reduce_sum3A_2087 : vector<16xi32>, vector<16xi1> -> vector<16xi32>
    %reduce_sum3A_2089 = vector.extract %reduce_sum3A_2088[15] : i32 from vector<16xi32>
    %add3A_2090 = vector.broadcast %reduce_sum3A_2089 : i32 to vector<16xi32>
    %add3A_2091 = arith.addi %add3A_2090, %cumsum3A_2079 : vector<16xi32>
    %sub3A_2092 = arith.constant 1 : i32
    %sub3A_2093 = vector.broadcast %sub3A_2092 : i32 to vector<16xi32>
    %sub3A_2094 = arith.subi %add3A_2091, %sub3A_2093 : vector<16xi32>
    %select_n3A_2095 = arith.select %eq3A_2071, %sub3A_2094, %select_n3A_2060 : vector<16xi1>, vector<16xi32>
    %all_reduce_population_count3A_2096 = tpu.all_reduce %eq3A_2071 {dim = 0 : i64, kind = #tpu.reduction_kind<sum>} : vector<16xi1> -> vector<16xi32>
    %eq3A_2097 = arith.constant 1 : i32
    %eq3A_2098 = vector.broadcast %eq3A_2097 : i32 to vector<16xi32>
    %eq3A_2099 = arith.cmpi eq, %iota3A, %eq3A_2098 : vector<16xi32>
    %jit3A_2100 = arith.constant 0 : i32
    %broadcast_in_dim3A_2101 = vector.broadcast %jit3A_2100 : i32 to vector<16xi32>
    %select_n3A_2102 = arith.select %eq3A_2099, %all_reduce_population_count3A_2096, %broadcast_in_dim3A_2101 : vector<16xi1>, vector<16xi32>
    %add3A_2103 = arith.addi %add3A_2068, %select_n3A_2102 : vector<16xi32>
    %eq3A_2104 = arith.constant 2 : i32
    %eq3A_2105 = vector.broadcast %eq3A_2104 : i32 to vector<16xi32>
    %eq3A_2106 = arith.cmpi eq, %get3A_2033, %eq3A_2105 : vector<16xi32>
    %jit3A_2107 = arith.constant 1 : i32
    %jit3A_2108 = arith.constant 0 : i32
    %broadcast_in_dim3A_2109 = vector.broadcast %jit3A_2107 : i32 to vector<16xi32>
    %broadcast_in_dim3A_2110 = vector.broadcast %jit3A_2108 : i32 to vector<16xi32>
    %select_n3A_2111 = arith.select %eq3A_2106, %broadcast_in_dim3A_2109, %broadcast_in_dim3A_2110 : vector<16xi1>, vector<16xi32>
    %cumsum3A_2112 = arith.constant true
    %cumsum3A_2113 = vector.broadcast %cumsum3A_2112 : i1 to vector<16xi1>
    %cumsum3A_2114 = tpu.scan <sum>, %select_n3A_2111 masked %cumsum3A_2113 : vector<16xi32>, vector<16xi1> -> vector<16xi32>
    %eq3A_2115 = arith.constant 2 : i32
    %eq3A_2116 = vector.broadcast %eq3A_2115 : i32 to vector<16xi32>
    %eq3A_2117 = arith.cmpi eq, %iota3A, %eq3A_2116 : vector<16xi32>
    %jit3A_2118 = arith.constant 0 : i32
    %broadcast_in_dim3A_2119 = vector.broadcast %jit3A_2118 : i32 to vector<16xi32>
    %select_n3A_2120 = arith.select %eq3A_2117, %add3A_2027, %broadcast_in_dim3A_2119 : vector<16xi1>, vector<16xi32>
    %reduce_sum3A_2121 = arith.constant true
    %reduce_sum3A_2122 = vector.broadcast %reduce_sum3A_2121 : i1 to vector<16xi1>
    %reduce_sum3A_2123 = tpu.scan <sum>, %select_n3A_2120 masked %reduce_sum3A_2122 : vector<16xi32>, vector<16xi1> -> vector<16xi32>
    %reduce_sum3A_2124 = vector.extract %reduce_sum3A_2123[15] : i32 from vector<16xi32>
    %add3A_2125 = vector.broadcast %reduce_sum3A_2124 : i32 to vector<16xi32>
    %add3A_2126 = arith.addi %add3A_2125, %cumsum3A_2114 : vector<16xi32>
    %sub3A_2127 = arith.constant 1 : i32
    %sub3A_2128 = vector.broadcast %sub3A_2127 : i32 to vector<16xi32>
    %sub3A_2129 = arith.subi %add3A_2126, %sub3A_2128 : vector<16xi32>
    %select_n3A_2130 = arith.select %eq3A_2106, %sub3A_2129, %select_n3A_2095 : vector<16xi1>, vector<16xi32>
    %all_reduce_population_count3A_2131 = tpu.all_reduce %eq3A_2106 {dim = 0 : i64, kind = #tpu.reduction_kind<sum>} : vector<16xi1> -> vector<16xi32>
    %eq3A_2132 = arith.constant 2 : i32
    %eq3A_2133 = vector.broadcast %eq3A_2132 : i32 to vector<16xi32>
    %eq3A_2134 = arith.cmpi eq, %iota3A, %eq3A_2133 : vector<16xi32>
    %jit3A_2135 = arith.constant 0 : i32
    %broadcast_in_dim3A_2136 = vector.broadcast %jit3A_2135 : i32 to vector<16xi32>
    %select_n3A_2137 = arith.select %eq3A_2134, %all_reduce_population_count3A_2131, %broadcast_in_dim3A_2136 : vector<16xi1>, vector<16xi32>
    %add3A_2138 = arith.addi %add3A_2103, %select_n3A_2137 : vector<16xi32>
    %eq3A_2139 = arith.constant 3 : i32
    %eq3A_2140 = vector.broadcast %eq3A_2139 : i32 to vector<16xi32>
    %eq3A_2141 = arith.cmpi eq, %get3A_2033, %eq3A_2140 : vector<16xi32>
    %jit3A_2142 = arith.constant 1 : i32
    %jit3A_2143 = arith.constant 0 : i32
    %broadcast_in_dim3A_2144 = vector.broadcast %jit3A_2142 : i32 to vector<16xi32>
    %broadcast_in_dim3A_2145 = vector.broadcast %jit3A_2143 : i32 to vector<16xi32>
    %select_n3A_2146 = arith.select %eq3A_2141, %broadcast_in_dim3A_2144, %broadcast_in_dim3A_2145 : vector<16xi1>, vector<16xi32>
    %cumsum3A_2147 = arith.constant true
    %cumsum3A_2148 = vector.broadcast %cumsum3A_2147 : i1 to vector<16xi1>
    %cumsum3A_2149 = tpu.scan <sum>, %select_n3A_2146 masked %cumsum3A_2148 : vector<16xi32>, vector<16xi1> -> vector<16xi32>
    %eq3A_2150 = arith.constant 3 : i32
    %eq3A_2151 = vector.broadcast %eq3A_2150 : i32 to vector<16xi32>
    %eq3A_2152 = arith.cmpi eq, %iota3A, %eq3A_2151 : vector<16xi32>
    %jit3A_2153 = arith.constant 0 : i32
    %broadcast_in_dim3A_2154 = vector.broadcast %jit3A_2153 : i32 to vector<16xi32>
    %select_n3A_2155 = arith.select %eq3A_2152, %add3A_2027, %broadcast_in_dim3A_2154 : vector<16xi1>, vector<16xi32>
    %reduce_sum3A_2156 = arith.constant true
    %reduce_sum3A_2157 = vector.broadcast %reduce_sum3A_2156 : i1 to vector<16xi1>
    %reduce_sum3A_2158 = tpu.scan <sum>, %select_n3A_2155 masked %reduce_sum3A_2157 : vector<16xi32>, vector<16xi1> -> vector<16xi32>
    %reduce_sum3A_2159 = vector.extract %reduce_sum3A_2158[15] : i32 from vector<16xi32>
    %add3A_2160 = vector.broadcast %reduce_sum3A_2159 : i32 to vector<16xi32>
    %add3A_2161 = arith.addi %add3A_2160, %cumsum3A_2149 : vector<16xi32>
    %sub3A_2162 = arith.constant 1 : i32
    %sub3A_2163 = vector.broadcast %sub3A_2162 : i32 to vector<16xi32>
    %sub3A_2164 = arith.subi %add3A_2161, %sub3A_2163 : vector<16xi32>
    %select_n3A_2165 = arith.select %eq3A_2141, %sub3A_2164, %select_n3A_2130 : vector<16xi1>, vector<16xi32>
    %all_reduce_population_count3A_2166 = tpu.all_reduce %eq3A_2141 {dim = 0 : i64, kind = #tpu.reduction_kind<sum>} : vector<16xi1> -> vector<16xi32>
    %eq3A_2167 = arith.constant 3 : i32
    %eq3A_2168 = vector.broadcast %eq3A_2167 : i32 to vector<16xi32>
    %eq3A_2169 = arith.cmpi eq, %iota3A, %eq3A_2168 : vector<16xi32>
    %jit3A_2170 = arith.constant 0 : i32
    %broadcast_in_dim3A_2171 = vector.broadcast %jit3A_2170 : i32 to vector<16xi32>
    %select_n3A_2172 = arith.select %eq3A_2169, %all_reduce_population_count3A_2166, %broadcast_in_dim3A_2171 : vector<16xi1>, vector<16xi32>
    %add3A_2173 = arith.addi %add3A_2138, %select_n3A_2172 : vector<16xi32>
    %eq3A_2174 = arith.constant 4 : i32
    %eq3A_2175 = vector.broadcast %eq3A_2174 : i32 to vector<16xi32>
    %eq3A_2176 = arith.cmpi eq, %get3A_2033, %eq3A_2175 : vector<16xi32>
    %jit3A_2177 = arith.constant 1 : i32
    %jit3A_2178 = arith.constant 0 : i32
    %broadcast_in_dim3A_2179 = vector.broadcast %jit3A_2177 : i32 to vector<16xi32>
    %broadcast_in_dim3A_2180 = vector.broadcast %jit3A_2178 : i32 to vector<16xi32>
    %select_n3A_2181 = arith.select %eq3A_2176, %broadcast_in_dim3A_2179, %broadcast_in_dim3A_2180 : vector<16xi1>, vector<16xi32>
    %cumsum3A_2182 = arith.constant true
    %cumsum3A_2183 = vector.broadcast %cumsum3A_2182 : i1 to vector<16xi1>
    %cumsum3A_2184 = tpu.scan <sum>, %select_n3A_2181 masked %cumsum3A_2183 : vector<16xi32>, vector<16xi1> -> vector<16xi32>
    %eq3A_2185 = arith.constant 4 : i32
    %eq3A_2186 = vector.broadcast %eq3A_2185 : i32 to vector<16xi32>
    %eq3A_2187 = arith.cmpi eq, %iota3A, %eq3A_2186 : vector<16xi32>
    %jit3A_2188 = arith.constant 0 : i32
    %broadcast_in_dim3A_2189 = vector.broadcast %jit3A_2188 : i32 to vector<16xi32>
    %select_n3A_2190 = arith.select %eq3A_2187, %add3A_2027, %broadcast_in_dim3A_2189 : vector<16xi1>, vector<16xi32>
    %reduce_sum3A_2191 = arith.constant true
    %reduce_sum3A_2192 = vector.broadcast %reduce_sum3A_2191 : i1 to vector<16xi1>
    %reduce_sum3A_2193 = tpu.scan <sum>, %select_n3A_2190 masked %reduce_sum3A_2192 : vector<16xi32>, vector<16xi1> -> vector<16xi32>
    %reduce_sum3A_2194 = vector.extract %reduce_sum3A_2193[15] : i32 from vector<16xi32>
    %add3A_2195 = vector.broadcast %reduce_sum3A_2194 : i32 to vector<16xi32>
    %add3A_2196 = arith.addi %add3A_2195, %cumsum3A_2184 : vector<16xi32>
    %sub3A_2197 = arith.constant 1 : i32
    %sub3A_2198 = vector.broadcast %sub3A_2197 : i32 to vector<16xi32>
    %sub3A_2199 = arith.subi %add3A_2196, %sub3A_2198 : vector<16xi32>
    %select_n3A_2200 = arith.select %eq3A_2176, %sub3A_2199, %select_n3A_2165 : vector<16xi1>, vector<16xi32>
    %all_reduce_population_count3A_2201 = tpu.all_reduce %eq3A_2176 {dim = 0 : i64, kind = #tpu.reduction_kind<sum>} : vector<16xi1> -> vector<16xi32>
    %eq3A_2202 = arith.constant 4 : i32
    %eq3A_2203 = vector.broadcast %eq3A_2202 : i32 to vector<16xi32>
    %eq3A_2204 = arith.cmpi eq, %iota3A, %eq3A_2203 : vector<16xi32>
    %jit3A_2205 = arith.constant 0 : i32
    %broadcast_in_dim3A_2206 = vector.broadcast %jit3A_2205 : i32 to vector<16xi32>
    %select_n3A_2207 = arith.select %eq3A_2204, %all_reduce_population_count3A_2201, %broadcast_in_dim3A_2206 : vector<16xi1>, vector<16xi32>
    %add3A_2208 = arith.addi %add3A_2173, %select_n3A_2207 : vector<16xi32>
    %eq3A_2209 = arith.constant 5 : i32
    %eq3A_2210 = vector.broadcast %eq3A_2209 : i32 to vector<16xi32>
    %eq3A_2211 = arith.cmpi eq, %get3A_2033, %eq3A_2210 : vector<16xi32>
    %jit3A_2212 = arith.constant 1 : i32
    %jit3A_2213 = arith.constant 0 : i32
    %broadcast_in_dim3A_2214 = vector.broadcast %jit3A_2212 : i32 to vector<16xi32>
    %broadcast_in_dim3A_2215 = vector.broadcast %jit3A_2213 : i32 to vector<16xi32>
    %select_n3A_2216 = arith.select %eq3A_2211, %broadcast_in_dim3A_2214, %broadcast_in_dim3A_2215 : vector<16xi1>, vector<16xi32>
    %cumsum3A_2217 = arith.constant true
    %cumsum3A_2218 = vector.broadcast %cumsum3A_2217 : i1 to vector<16xi1>
    %cumsum3A_2219 = tpu.scan <sum>, %select_n3A_2216 masked %cumsum3A_2218 : vector<16xi32>, vector<16xi1> -> vector<16xi32>
    %eq3A_2220 = arith.constant 5 : i32
    %eq3A_2221 = vector.broadcast %eq3A_2220 : i32 to vector<16xi32>
    %eq3A_2222 = arith.cmpi eq, %iota3A, %eq3A_2221 : vector<16xi32>
    %jit3A_2223 = arith.constant 0 : i32
    %broadcast_in_dim3A_2224 = vector.broadcast %jit3A_2223 : i32 to vector<16xi32>
    %select_n3A_2225 = arith.select %eq3A_2222, %add3A_2027, %broadcast_in_dim3A_2224 : vector<16xi1>, vector<16xi32>
    %reduce_sum3A_2226 = arith.constant true
    %reduce_sum3A_2227 = vector.broadcast %reduce_sum3A_2226 : i1 to vector<16xi1>
    %reduce_sum3A_2228 = tpu.scan <sum>, %select_n3A_2225 masked %reduce_sum3A_2227 : vector<16xi32>, vector<16xi1> -> vector<16xi32>
    %reduce_sum3A_2229 = vector.extract %reduce_sum3A_2228[15] : i32 from vector<16xi32>
    %add3A_2230 = vector.broadcast %reduce_sum3A_2229 : i32 to vector<16xi32>
    %add3A_2231 = arith.addi %add3A_2230, %cumsum3A_2219 : vector<16xi32>
    %sub3A_2232 = arith.constant 1 : i32
    %sub3A_2233 = vector.broadcast %sub3A_2232 : i32 to vector<16xi32>
    %sub3A_2234 = arith.subi %add3A_2231, %sub3A_2233 : vector<16xi32>
    %select_n3A_2235 = arith.select %eq3A_2211, %sub3A_2234, %select_n3A_2200 : vector<16xi1>, vector<16xi32>
    %all_reduce_population_count3A_2236 = tpu.all_reduce %eq3A_2211 {dim = 0 : i64, kind = #tpu.reduction_kind<sum>} : vector<16xi1> -> vector<16xi32>
    %eq3A_2237 = arith.constant 5 : i32
    %eq3A_2238 = vector.broadcast %eq3A_2237 : i32 to vector<16xi32>
    %eq3A_2239 = arith.cmpi eq, %iota3A, %eq3A_2238 : vector<16xi32>
    %jit3A_2240 = arith.constant 0 : i32
    %broadcast_in_dim3A_2241 = vector.broadcast %jit3A_2240 : i32 to vector<16xi32>
    %select_n3A_2242 = arith.select %eq3A_2239, %all_reduce_population_count3A_2236, %broadcast_in_dim3A_2241 : vector<16xi1>, vector<16xi32>
    %add3A_2243 = arith.addi %add3A_2208, %select_n3A_2242 : vector<16xi32>
    %eq3A_2244 = arith.constant 6 : i32
    %eq3A_2245 = vector.broadcast %eq3A_2244 : i32 to vector<16xi32>
    %eq3A_2246 = arith.cmpi eq, %get3A_2033, %eq3A_2245 : vector<16xi32>
    %jit3A_2247 = arith.constant 1 : i32
    %jit3A_2248 = arith.constant 0 : i32
    %broadcast_in_dim3A_2249 = vector.broadcast %jit3A_2247 : i32 to vector<16xi32>
    %broadcast_in_dim3A_2250 = vector.broadcast %jit3A_2248 : i32 to vector<16xi32>
    %select_n3A_2251 = arith.select %eq3A_2246, %broadcast_in_dim3A_2249, %broadcast_in_dim3A_2250 : vector<16xi1>, vector<16xi32>
    %cumsum3A_2252 = arith.constant true
    %cumsum3A_2253 = vector.broadcast %cumsum3A_2252 : i1 to vector<16xi1>
    %cumsum3A_2254 = tpu.scan <sum>, %select_n3A_2251 masked %cumsum3A_2253 : vector<16xi32>, vector<16xi1> -> vector<16xi32>
    %eq3A_2255 = arith.constant 6 : i32
    %eq3A_2256 = vector.broadcast %eq3A_2255 : i32 to vector<16xi32>
    %eq3A_2257 = arith.cmpi eq, %iota3A, %eq3A_2256 : vector<16xi32>
    %jit3A_2258 = arith.constant 0 : i32
    %broadcast_in_dim3A_2259 = vector.broadcast %jit3A_2258 : i32 to vector<16xi32>
    %select_n3A_2260 = arith.select %eq3A_2257, %add3A_2027, %broadcast_in_dim3A_2259 : vector<16xi1>, vector<16xi32>
    %reduce_sum3A_2261 = arith.constant true
    %reduce_sum3A_2262 = vector.broadcast %reduce_sum3A_2261 : i1 to vector<16xi1>
    %reduce_sum3A_2263 = tpu.scan <sum>, %select_n3A_2260 masked %reduce_sum3A_2262 : vector<16xi32>, vector<16xi1> -> vector<16xi32>
    %reduce_sum3A_2264 = vector.extract %reduce_sum3A_2263[15] : i32 from vector<16xi32>
    %add3A_2265 = vector.broadcast %reduce_sum3A_2264 : i32 to vector<16xi32>
    %add3A_2266 = arith.addi %add3A_2265, %cumsum3A_2254 : vector<16xi32>
    %sub3A_2267 = arith.constant 1 : i32
    %sub3A_2268 = vector.broadcast %sub3A_2267 : i32 to vector<16xi32>
    %sub3A_2269 = arith.subi %add3A_2266, %sub3A_2268 : vector<16xi32>
    %select_n3A_2270 = arith.select %eq3A_2246, %sub3A_2269, %select_n3A_2235 : vector<16xi1>, vector<16xi32>
    %all_reduce_population_count3A_2271 = tpu.all_reduce %eq3A_2246 {dim = 0 : i64, kind = #tpu.reduction_kind<sum>} : vector<16xi1> -> vector<16xi32>
    %eq3A_2272 = arith.constant 6 : i32
    %eq3A_2273 = vector.broadcast %eq3A_2272 : i32 to vector<16xi32>
    %eq3A_2274 = arith.cmpi eq, %iota3A, %eq3A_2273 : vector<16xi32>
    %jit3A_2275 = arith.constant 0 : i32
    %broadcast_in_dim3A_2276 = vector.broadcast %jit3A_2275 : i32 to vector<16xi32>
    %select_n3A_2277 = arith.select %eq3A_2274, %all_reduce_population_count3A_2271, %broadcast_in_dim3A_2276 : vector<16xi1>, vector<16xi32>
    %add3A_2278 = arith.addi %add3A_2243, %select_n3A_2277 : vector<16xi32>
    %eq3A_2279 = arith.constant 7 : i32
    %eq3A_2280 = vector.broadcast %eq3A_2279 : i32 to vector<16xi32>
    %eq3A_2281 = arith.cmpi eq, %get3A_2033, %eq3A_2280 : vector<16xi32>
    %jit3A_2282 = arith.constant 1 : i32
    %jit3A_2283 = arith.constant 0 : i32
    %broadcast_in_dim3A_2284 = vector.broadcast %jit3A_2282 : i32 to vector<16xi32>
    %broadcast_in_dim3A_2285 = vector.broadcast %jit3A_2283 : i32 to vector<16xi32>
    %select_n3A_2286 = arith.select %eq3A_2281, %broadcast_in_dim3A_2284, %broadcast_in_dim3A_2285 : vector<16xi1>, vector<16xi32>
    %cumsum3A_2287 = arith.constant true
    %cumsum3A_2288 = vector.broadcast %cumsum3A_2287 : i1 to vector<16xi1>
    %cumsum3A_2289 = tpu.scan <sum>, %select_n3A_2286 masked %cumsum3A_2288 : vector<16xi32>, vector<16xi1> -> vector<16xi32>
    %eq3A_2290 = arith.constant 7 : i32
    %eq3A_2291 = vector.broadcast %eq3A_2290 : i32 to vector<16xi32>
    %eq3A_2292 = arith.cmpi eq, %iota3A, %eq3A_2291 : vector<16xi32>
    %jit3A_2293 = arith.constant 0 : i32
    %broadcast_in_dim3A_2294 = vector.broadcast %jit3A_2293 : i32 to vector<16xi32>
    %select_n3A_2295 = arith.select %eq3A_2292, %add3A_2027, %broadcast_in_dim3A_2294 : vector<16xi1>, vector<16xi32>
    %reduce_sum3A_2296 = arith.constant true
    %reduce_sum3A_2297 = vector.broadcast %reduce_sum3A_2296 : i1 to vector<16xi1>
    %reduce_sum3A_2298 = tpu.scan <sum>, %select_n3A_2295 masked %reduce_sum3A_2297 : vector<16xi32>, vector<16xi1> -> vector<16xi32>
    %reduce_sum3A_2299 = vector.extract %reduce_sum3A_2298[15] : i32 from vector<16xi32>
    %add3A_2300 = vector.broadcast %reduce_sum3A_2299 : i32 to vector<16xi32>
    %add3A_2301 = arith.addi %add3A_2300, %cumsum3A_2289 : vector<16xi32>
    %sub3A_2302 = arith.constant 1 : i32
    %sub3A_2303 = vector.broadcast %sub3A_2302 : i32 to vector<16xi32>
    %sub3A_2304 = arith.subi %add3A_2301, %sub3A_2303 : vector<16xi32>
    %select_n3A_2305 = arith.select %eq3A_2281, %sub3A_2304, %select_n3A_2270 : vector<16xi1>, vector<16xi32>
    %all_reduce_population_count3A_2306 = tpu.all_reduce %eq3A_2281 {dim = 0 : i64, kind = #tpu.reduction_kind<sum>} : vector<16xi1> -> vector<16xi32>
    %eq3A_2307 = arith.constant 7 : i32
    %eq3A_2308 = vector.broadcast %eq3A_2307 : i32 to vector<16xi32>
    %eq3A_2309 = arith.cmpi eq, %iota3A, %eq3A_2308 : vector<16xi32>
    %jit3A_2310 = arith.constant 0 : i32
    %broadcast_in_dim3A_2311 = vector.broadcast %jit3A_2310 : i32 to vector<16xi32>
    %select_n3A_2312 = arith.select %eq3A_2309, %all_reduce_population_count3A_2306, %broadcast_in_dim3A_2311 : vector<16xi1>, vector<16xi32>
    %add3A_2313 = arith.addi %add3A_2278, %select_n3A_2312 : vector<16xi32>
    %add3A_2314 = arith.addi %add3A_2027, %add3A_2313 : vector<16xi32>
    %swap3A_2315 = arith.constant 96 : index
    %swap3A_2316 = tpu.vector_load %arg11[%swap3A_2315] {strides = array<i32>} : memref<128xi32, #tpu.memory_space<vmem>>, vector<16xi32>,
    tpu.vector_store %arg11[%swap3A_2315], %select_n3A_2305 {strides = array<i32>} : memref<128xi32, #tpu.memory_space<vmem>>, vector<16xi32>,
    %add3A_2317 = arith.constant 112 : i32
    %add3A_2318 = arith.addi %mul3A_2, %add3A_2317 : i32
    %get3A_2319 = arith.index_cast %add3A_2318 : i32 to index
    %get3A_2320 = tpu.vector_load %arg9[%get3A_2319] {strides = array<i32>} : memref<4096xi32, #tpu.memory_space<vmem>>, vector<16xi32>,
    %eq3A_2321 = arith.constant 0 : i32
    %eq3A_2322 = vector.broadcast %eq3A_2321 : i32 to vector<16xi32>
    %eq3A_2323 = arith.cmpi eq, %get3A_2320, %eq3A_2322 : vector<16xi32>
    %jit3A_2324 = arith.constant 1 : i32
    %jit3A_2325 = arith.constant 0 : i32
    %broadcast_in_dim3A_2326 = vector.broadcast %jit3A_2324 : i32 to vector<16xi32>
    %broadcast_in_dim3A_2327 = vector.broadcast %jit3A_2325 : i32 to vector<16xi32>
    %select_n3A_2328 = arith.select %eq3A_2323, %broadcast_in_dim3A_2326, %broadcast_in_dim3A_2327 : vector<16xi1>, vector<16xi32>
    %cumsum3A_2329 = arith.constant true
    %cumsum3A_2330 = vector.broadcast %cumsum3A_2329 : i1 to vector<16xi1>
    %cumsum3A_2331 = tpu.scan <sum>, %select_n3A_2328 masked %cumsum3A_2330 : vector<16xi32>, vector<16xi1> -> vector<16xi32>
    %eq3A_2332 = arith.constant 0 : i32
    %eq3A_2333 = vector.broadcast %eq3A_2332 : i32 to vector<16xi32>
    %eq3A_2334 = arith.cmpi eq, %iota3A, %eq3A_2333 : vector<16xi32>
    %jit3A_2335 = arith.constant 0 : i32
    %broadcast_in_dim3A_2336 = vector.broadcast %jit3A_2335 : i32 to vector<16xi32>
    %select_n3A_2337 = arith.select %eq3A_2334, %add3A_2314, %broadcast_in_dim3A_2336 : vector<16xi1>, vector<16xi32>
    %reduce_sum3A_2338 = arith.constant true
    %reduce_sum3A_2339 = vector.broadcast %reduce_sum3A_2338 : i1 to vector<16xi1>
    %reduce_sum3A_2340 = tpu.scan <sum>, %select_n3A_2337 masked %reduce_sum3A_2339 : vector<16xi32>, vector<16xi1> -> vector<16xi32>
    %reduce_sum3A_2341 = vector.extract %reduce_sum3A_2340[15] : i32 from vector<16xi32>
    %add3A_2342 = vector.broadcast %reduce_sum3A_2341 : i32 to vector<16xi32>
    %add3A_2343 = arith.addi %add3A_2342, %cumsum3A_2331 : vector<16xi32>
    %sub3A_2344 = arith.constant 1 : i32
    %sub3A_2345 = vector.broadcast %sub3A_2344 : i32 to vector<16xi32>
    %sub3A_2346 = arith.subi %add3A_2343, %sub3A_2345 : vector<16xi32>
    %select_n3A_2347 = arith.select %eq3A_2323, %sub3A_2346, %broadcast_in_dim3A_14 : vector<16xi1>, vector<16xi32>
    %all_reduce_population_count3A_2348 = tpu.all_reduce %eq3A_2323 {dim = 0 : i64, kind = #tpu.reduction_kind<sum>} : vector<16xi1> -> vector<16xi32>
    %eq3A_2349 = arith.constant 0 : i32
    %eq3A_2350 = vector.broadcast %eq3A_2349 : i32 to vector<16xi32>
    %eq3A_2351 = arith.cmpi eq, %iota3A, %eq3A_2350 : vector<16xi32>
    %jit3A_2352 = arith.constant 0 : i32
    %broadcast_in_dim3A_2353 = vector.broadcast %jit3A_2352 : i32 to vector<16xi32>
    %select_n3A_2354 = arith.select %eq3A_2351, %all_reduce_population_count3A_2348, %broadcast_in_dim3A_2353 : vector<16xi1>, vector<16xi32>
    %add3A_2355 = arith.addi %broadcast_in_dim3A_14, %select_n3A_2354 : vector<16xi32>
    %eq3A_2356 = arith.constant 1 : i32
    %eq3A_2357 = vector.broadcast %eq3A_2356 : i32 to vector<16xi32>
    %eq3A_2358 = arith.cmpi eq, %get3A_2320, %eq3A_2357 : vector<16xi32>
    %jit3A_2359 = arith.constant 1 : i32
    %jit3A_2360 = arith.constant 0 : i32
    %broadcast_in_dim3A_2361 = vector.broadcast %jit3A_2359 : i32 to vector<16xi32>
    %broadcast_in_dim3A_2362 = vector.broadcast %jit3A_2360 : i32 to vector<16xi32>
    %select_n3A_2363 = arith.select %eq3A_2358, %broadcast_in_dim3A_2361, %broadcast_in_dim3A_2362 : vector<16xi1>, vector<16xi32>
    %cumsum3A_2364 = arith.constant true
    %cumsum3A_2365 = vector.broadcast %cumsum3A_2364 : i1 to vector<16xi1>
    %cumsum3A_2366 = tpu.scan <sum>, %select_n3A_2363 masked %cumsum3A_2365 : vector<16xi32>, vector<16xi1> -> vector<16xi32>
    %eq3A_2367 = arith.constant 1 : i32
    %eq3A_2368 = vector.broadcast %eq3A_2367 : i32 to vector<16xi32>
    %eq3A_2369 = arith.cmpi eq, %iota3A, %eq3A_2368 : vector<16xi32>
    %jit3A_2370 = arith.constant 0 : i32
    %broadcast_in_dim3A_2371 = vector.broadcast %jit3A_2370 : i32 to vector<16xi32>
    %select_n3A_2372 = arith.select %eq3A_2369, %add3A_2314, %broadcast_in_dim3A_2371 : vector<16xi1>, vector<16xi32>
    %reduce_sum3A_2373 = arith.constant true
    %reduce_sum3A_2374 = vector.broadcast %reduce_sum3A_2373 : i1 to vector<16xi1>
    %reduce_sum3A_2375 = tpu.scan <sum>, %select_n3A_2372 masked %reduce_sum3A_2374 : vector<16xi32>, vector<16xi1> -> vector<16xi32>
    %reduce_sum3A_2376 = vector.extract %reduce_sum3A_2375[15] : i32 from vector<16xi32>
    %add3A_2377 = vector.broadcast %reduce_sum3A_2376 : i32 to vector<16xi32>
    %add3A_2378 = arith.addi %add3A_2377, %cumsum3A_2366 : vector<16xi32>
    %sub3A_2379 = arith.constant 1 : i32
    %sub3A_2380 = vector.broadcast %sub3A_2379 : i32 to vector<16xi32>
    %sub3A_2381 = arith.subi %add3A_2378, %sub3A_2380 : vector<16xi32>
    %select_n3A_2382 = arith.select %eq3A_2358, %sub3A_2381, %select_n3A_2347 : vector<16xi1>, vector<16xi32>
    %all_reduce_population_count3A_2383 = tpu.all_reduce %eq3A_2358 {dim = 0 : i64, kind = #tpu.reduction_kind<sum>} : vector<16xi1> -> vector<16xi32>
    %eq3A_2384 = arith.constant 1 : i32
    %eq3A_2385 = vector.broadcast %eq3A_2384 : i32 to vector<16xi32>
    %eq3A_2386 = arith.cmpi eq, %iota3A, %eq3A_2385 : vector<16xi32>
    %jit3A_2387 = arith.constant 0 : i32
    %broadcast_in_dim3A_2388 = vector.broadcast %jit3A_2387 : i32 to vector<16xi32>
    %select_n3A_2389 = arith.select %eq3A_2386, %all_reduce_population_count3A_2383, %broadcast_in_dim3A_2388 : vector<16xi1>, vector<16xi32>
    %add3A_2390 = arith.addi %add3A_2355, %select_n3A_2389 : vector<16xi32>
    %eq3A_2391 = arith.constant 2 : i32
    %eq3A_2392 = vector.broadcast %eq3A_2391 : i32 to vector<16xi32>
    %eq3A_2393 = arith.cmpi eq, %get3A_2320, %eq3A_2392 : vector<16xi32>
    %jit3A_2394 = arith.constant 1 : i32
    %jit3A_2395 = arith.constant 0 : i32
    %broadcast_in_dim3A_2396 = vector.broadcast %jit3A_2394 : i32 to vector<16xi32>
    %broadcast_in_dim3A_2397 = vector.broadcast %jit3A_2395 : i32 to vector<16xi32>
    %select_n3A_2398 = arith.select %eq3A_2393, %broadcast_in_dim3A_2396, %broadcast_in_dim3A_2397 : vector<16xi1>, vector<16xi32>
    %cumsum3A_2399 = arith.constant true
    %cumsum3A_2400 = vector.broadcast %cumsum3A_2399 : i1 to vector<16xi1>
    %cumsum3A_2401 = tpu.scan <sum>, %select_n3A_2398 masked %cumsum3A_2400 : vector<16xi32>, vector<16xi1> -> vector<16xi32>
    %eq3A_2402 = arith.constant 2 : i32
    %eq3A_2403 = vector.broadcast %eq3A_2402 : i32 to vector<16xi32>
    %eq3A_2404 = arith.cmpi eq, %iota3A, %eq3A_2403 : vector<16xi32>
    %jit3A_2405 = arith.constant 0 : i32
    %broadcast_in_dim3A_2406 = vector.broadcast %jit3A_2405 : i32 to vector<16xi32>
    %select_n3A_2407 = arith.select %eq3A_2404, %add3A_2314, %broadcast_in_dim3A_2406 : vector<16xi1>, vector<16xi32>
    %reduce_sum3A_2408 = arith.constant true
    %reduce_sum3A_2409 = vector.broadcast %reduce_sum3A_2408 : i1 to vector<16xi1>
    %reduce_sum3A_2410 = tpu.scan <sum>, %select_n3A_2407 masked %reduce_sum3A_2409 : vector<16xi32>, vector<16xi1> -> vector<16xi32>
    %reduce_sum3A_2411 = vector.extract %reduce_sum3A_2410[15] : i32 from vector<16xi32>
    %add3A_2412 = vector.broadcast %reduce_sum3A_2411 : i32 to vector<16xi32>
    %add3A_2413 = arith.addi %add3A_2412, %cumsum3A_2401 : vector<16xi32>
    %sub3A_2414 = arith.constant 1 : i32
    %sub3A_2415 = vector.broadcast %sub3A_2414 : i32 to vector<16xi32>
    %sub3A_2416 = arith.subi %add3A_2413, %sub3A_2415 : vector<16xi32>
    %select_n3A_2417 = arith.select %eq3A_2393, %sub3A_2416, %select_n3A_2382 : vector<16xi1>, vector<16xi32>
    %all_reduce_population_count3A_2418 = tpu.all_reduce %eq3A_2393 {dim = 0 : i64, kind = #tpu.reduction_kind<sum>} : vector<16xi1> -> vector<16xi32>
    %eq3A_2419 = arith.constant 2 : i32
    %eq3A_2420 = vector.broadcast %eq3A_2419 : i32 to vector<16xi32>
    %eq3A_2421 = arith.cmpi eq, %iota3A, %eq3A_2420 : vector<16xi32>
    %jit3A_2422 = arith.constant 0 : i32
    %broadcast_in_dim3A_2423 = vector.broadcast %jit3A_2422 : i32 to vector<16xi32>
    %select_n3A_2424 = arith.select %eq3A_2421, %all_reduce_population_count3A_2418, %broadcast_in_dim3A_2423 : vector<16xi1>, vector<16xi32>
    %add3A_2425 = arith.addi %add3A_2390, %select_n3A_2424 : vector<16xi32>
    %eq3A_2426 = arith.constant 3 : i32
    %eq3A_2427 = vector.broadcast %eq3A_2426 : i32 to vector<16xi32>
    %eq3A_2428 = arith.cmpi eq, %get3A_2320, %eq3A_2427 : vector<16xi32>
    %jit3A_2429 = arith.constant 1 : i32
    %jit3A_2430 = arith.constant 0 : i32
    %broadcast_in_dim3A_2431 = vector.broadcast %jit3A_2429 : i32 to vector<16xi32>
    %broadcast_in_dim3A_2432 = vector.broadcast %jit3A_2430 : i32 to vector<16xi32>
    %select_n3A_2433 = arith.select %eq3A_2428, %broadcast_in_dim3A_2431, %broadcast_in_dim3A_2432 : vector<16xi1>, vector<16xi32>
    %cumsum3A_2434 = arith.constant true
    %cumsum3A_2435 = vector.broadcast %cumsum3A_2434 : i1 to vector<16xi1>
    %cumsum3A_2436 = tpu.scan <sum>, %select_n3A_2433 masked %cumsum3A_2435 : vector<16xi32>, vector<16xi1> -> vector<16xi32>
    %eq3A_2437 = arith.constant 3 : i32
    %eq3A_2438 = vector.broadcast %eq3A_2437 : i32 to vector<16xi32>
    %eq3A_2439 = arith.cmpi eq, %iota3A, %eq3A_2438 : vector<16xi32>
    %jit3A_2440 = arith.constant 0 : i32
    %broadcast_in_dim3A_2441 = vector.broadcast %jit3A_2440 : i32 to vector<16xi32>
    %select_n3A_2442 = arith.select %eq3A_2439, %add3A_2314, %broadcast_in_dim3A_2441 : vector<16xi1>, vector<16xi32>
    %reduce_sum3A_2443 = arith.constant true
    %reduce_sum3A_2444 = vector.broadcast %reduce_sum3A_2443 : i1 to vector<16xi1>
    %reduce_sum3A_2445 = tpu.scan <sum>, %select_n3A_2442 masked %reduce_sum3A_2444 : vector<16xi32>, vector<16xi1> -> vector<16xi32>
    %reduce_sum3A_2446 = vector.extract %reduce_sum3A_2445[15] : i32 from vector<16xi32>
    %add3A_2447 = vector.broadcast %reduce_sum3A_2446 : i32 to vector<16xi32>
    %add3A_2448 = arith.addi %add3A_2447, %cumsum3A_2436 : vector<16xi32>
    %sub3A_2449 = arith.constant 1 : i32
    %sub3A_2450 = vector.broadcast %sub3A_2449 : i32 to vector<16xi32>
    %sub3A_2451 = arith.subi %add3A_2448, %sub3A_2450 : vector<16xi32>
    %select_n3A_2452 = arith.select %eq3A_2428, %sub3A_2451, %select_n3A_2417 : vector<16xi1>, vector<16xi32>
    %all_reduce_population_count3A_2453 = tpu.all_reduce %eq3A_2428 {dim = 0 : i64, kind = #tpu.reduction_kind<sum>} : vector<16xi1> -> vector<16xi32>
    %eq3A_2454 = arith.constant 3 : i32
    %eq3A_2455 = vector.broadcast %eq3A_2454 : i32 to vector<16xi32>
    %eq3A_2456 = arith.cmpi eq, %iota3A, %eq3A_2455 : vector<16xi32>
    %jit3A_2457 = arith.constant 0 : i32
    %broadcast_in_dim3A_2458 = vector.broadcast %jit3A_2457 : i32 to vector<16xi32>
    %select_n3A_2459 = arith.select %eq3A_2456, %all_reduce_population_count3A_2453, %broadcast_in_dim3A_2458 : vector<16xi1>, vector<16xi32>
    %add3A_2460 = arith.addi %add3A_2425, %select_n3A_2459 : vector<16xi32>
    %eq3A_2461 = arith.constant 4 : i32
    %eq3A_2462 = vector.broadcast %eq3A_2461 : i32 to vector<16xi32>
    %eq3A_2463 = arith.cmpi eq, %get3A_2320, %eq3A_2462 : vector<16xi32>
    %jit3A_2464 = arith.constant 1 : i32
    %jit3A_2465 = arith.constant 0 : i32
    %broadcast_in_dim3A_2466 = vector.broadcast %jit3A_2464 : i32 to vector<16xi32>
    %broadcast_in_dim3A_2467 = vector.broadcast %jit3A_2465 : i32 to vector<16xi32>
    %select_n3A_2468 = arith.select %eq3A_2463, %broadcast_in_dim3A_2466, %broadcast_in_dim3A_2467 : vector<16xi1>, vector<16xi32>
    %cumsum3A_2469 = arith.constant true
    %cumsum3A_2470 = vector.broadcast %cumsum3A_2469 : i1 to vector<16xi1>
    %cumsum3A_2471 = tpu.scan <sum>, %select_n3A_2468 masked %cumsum3A_2470 : vector<16xi32>, vector<16xi1> -> vector<16xi32>
    %eq3A_2472 = arith.constant 4 : i32
    %eq3A_2473 = vector.broadcast %eq3A_2472 : i32 to vector<16xi32>
    %eq3A_2474 = arith.cmpi eq, %iota3A, %eq3A_2473 : vector<16xi32>
    %jit3A_2475 = arith.constant 0 : i32
    %broadcast_in_dim3A_2476 = vector.broadcast %jit3A_2475 : i32 to vector<16xi32>
    %select_n3A_2477 = arith.select %eq3A_2474, %add3A_2314, %broadcast_in_dim3A_2476 : vector<16xi1>, vector<16xi32>
    %reduce_sum3A_2478 = arith.constant true
    %reduce_sum3A_2479 = vector.broadcast %reduce_sum3A_2478 : i1 to vector<16xi1>
    %reduce_sum3A_2480 = tpu.scan <sum>, %select_n3A_2477 masked %reduce_sum3A_2479 : vector<16xi32>, vector<16xi1> -> vector<16xi32>
    %reduce_sum3A_2481 = vector.extract %reduce_sum3A_2480[15] : i32 from vector<16xi32>
    %add3A_2482 = vector.broadcast %reduce_sum3A_2481 : i32 to vector<16xi32>
    %add3A_2483 = arith.addi %add3A_2482, %cumsum3A_2471 : vector<16xi32>
    %sub3A_2484 = arith.constant 1 : i32
    %sub3A_2485 = vector.broadcast %sub3A_2484 : i32 to vector<16xi32>
    %sub3A_2486 = arith.subi %add3A_2483, %sub3A_2485 : vector<16xi32>
    %select_n3A_2487 = arith.select %eq3A_2463, %sub3A_2486, %select_n3A_2452 : vector<16xi1>, vector<16xi32>
    %all_reduce_population_count3A_2488 = tpu.all_reduce %eq3A_2463 {dim = 0 : i64, kind = #tpu.reduction_kind<sum>} : vector<16xi1> -> vector<16xi32>
    %eq3A_2489 = arith.constant 4 : i32
    %eq3A_2490 = vector.broadcast %eq3A_2489 : i32 to vector<16xi32>
    %eq3A_2491 = arith.cmpi eq, %iota3A, %eq3A_2490 : vector<16xi32>
    %jit3A_2492 = arith.constant 0 : i32
    %broadcast_in_dim3A_2493 = vector.broadcast %jit3A_2492 : i32 to vector<16xi32>
    %select_n3A_2494 = arith.select %eq3A_2491, %all_reduce_population_count3A_2488, %broadcast_in_dim3A_2493 : vector<16xi1>, vector<16xi32>
    %add3A_2495 = arith.addi %add3A_2460, %select_n3A_2494 : vector<16xi32>
    %eq3A_2496 = arith.constant 5 : i32
    %eq3A_2497 = vector.broadcast %eq3A_2496 : i32 to vector<16xi32>
    %eq3A_2498 = arith.cmpi eq, %get3A_2320, %eq3A_2497 : vector<16xi32>
    %jit3A_2499 = arith.constant 1 : i32
    %jit3A_2500 = arith.constant 0 : i32
    %broadcast_in_dim3A_2501 = vector.broadcast %jit3A_2499 : i32 to vector<16xi32>
    %broadcast_in_dim3A_2502 = vector.broadcast %jit3A_2500 : i32 to vector<16xi32>
    %select_n3A_2503 = arith.select %eq3A_2498, %broadcast_in_dim3A_2501, %broadcast_in_dim3A_2502 : vector<16xi1>, vector<16xi32>
    %cumsum3A_2504 = arith.constant true
    %cumsum3A_2505 = vector.broadcast %cumsum3A_2504 : i1 to vector<16xi1>
    %cumsum3A_2506 = tpu.scan <sum>, %select_n3A_2503 masked %cumsum3A_2505 : vector<16xi32>, vector<16xi1> -> vector<16xi32>
    %eq3A_2507 = arith.constant 5 : i32
    %eq3A_2508 = vector.broadcast %eq3A_2507 : i32 to vector<16xi32>
    %eq3A_2509 = arith.cmpi eq, %iota3A, %eq3A_2508 : vector<16xi32>
    %jit3A_2510 = arith.constant 0 : i32
    %broadcast_in_dim3A_2511 = vector.broadcast %jit3A_2510 : i32 to vector<16xi32>
    %select_n3A_2512 = arith.select %eq3A_2509, %add3A_2314, %broadcast_in_dim3A_2511 : vector<16xi1>, vector<16xi32>
    %reduce_sum3A_2513 = arith.constant true
    %reduce_sum3A_2514 = vector.broadcast %reduce_sum3A_2513 : i1 to vector<16xi1>
    %reduce_sum3A_2515 = tpu.scan <sum>, %select_n3A_2512 masked %reduce_sum3A_2514 : vector<16xi32>, vector<16xi1> -> vector<16xi32>
    %reduce_sum3A_2516 = vector.extract %reduce_sum3A_2515[15] : i32 from vector<16xi32>
    %add3A_2517 = vector.broadcast %reduce_sum3A_2516 : i32 to vector<16xi32>
    %add3A_2518 = arith.addi %add3A_2517, %cumsum3A_2506 : vector<16xi32>
    %sub3A_2519 = arith.constant 1 : i32
    %sub3A_2520 = vector.broadcast %sub3A_2519 : i32 to vector<16xi32>
    %sub3A_2521 = arith.subi %add3A_2518, %sub3A_2520 : vector<16xi32>
    %select_n3A_2522 = arith.select %eq3A_2498, %sub3A_2521, %select_n3A_2487 : vector<16xi1>, vector<16xi32>
    %all_reduce_population_count3A_2523 = tpu.all_reduce %eq3A_2498 {dim = 0 : i64, kind = #tpu.reduction_kind<sum>} : vector<16xi1> -> vector<16xi32>
    %eq3A_2524 = arith.constant 5 : i32
    %eq3A_2525 = vector.broadcast %eq3A_2524 : i32 to vector<16xi32>
    %eq3A_2526 = arith.cmpi eq, %iota3A, %eq3A_2525 : vector<16xi32>
    %jit3A_2527 = arith.constant 0 : i32
    %broadcast_in_dim3A_2528 = vector.broadcast %jit3A_2527 : i32 to vector<16xi32>
    %select_n3A_2529 = arith.select %eq3A_2526, %all_reduce_population_count3A_2523, %broadcast_in_dim3A_2528 : vector<16xi1>, vector<16xi32>
    %add3A_2530 = arith.addi %add3A_2495, %select_n3A_2529 : vector<16xi32>
    %eq3A_2531 = arith.constant 6 : i32
    %eq3A_2532 = vector.broadcast %eq3A_2531 : i32 to vector<16xi32>
    %eq3A_2533 = arith.cmpi eq, %get3A_2320, %eq3A_2532 : vector<16xi32>
    %jit3A_2534 = arith.constant 1 : i32
    %jit3A_2535 = arith.constant 0 : i32
    %broadcast_in_dim3A_2536 = vector.broadcast %jit3A_2534 : i32 to vector<16xi32>
    %broadcast_in_dim3A_2537 = vector.broadcast %jit3A_2535 : i32 to vector<16xi32>
    %select_n3A_2538 = arith.select %eq3A_2533, %broadcast_in_dim3A_2536, %broadcast_in_dim3A_2537 : vector<16xi1>, vector<16xi32>
    %cumsum3A_2539 = arith.constant true
    %cumsum3A_2540 = vector.broadcast %cumsum3A_2539 : i1 to vector<16xi1>
    %cumsum3A_2541 = tpu.scan <sum>, %select_n3A_2538 masked %cumsum3A_2540 : vector<16xi32>, vector<16xi1> -> vector<16xi32>
    %eq3A_2542 = arith.constant 6 : i32
    %eq3A_2543 = vector.broadcast %eq3A_2542 : i32 to vector<16xi32>
    %eq3A_2544 = arith.cmpi eq, %iota3A, %eq3A_2543 : vector<16xi32>
    %jit3A_2545 = arith.constant 0 : i32
    %broadcast_in_dim3A_2546 = vector.broadcast %jit3A_2545 : i32 to vector<16xi32>
    %select_n3A_2547 = arith.select %eq3A_2544, %add3A_2314, %broadcast_in_dim3A_2546 : vector<16xi1>, vector<16xi32>
    %reduce_sum3A_2548 = arith.constant true
    %reduce_sum3A_2549 = vector.broadcast %reduce_sum3A_2548 : i1 to vector<16xi1>
    %reduce_sum3A_2550 = tpu.scan <sum>, %select_n3A_2547 masked %reduce_sum3A_2549 : vector<16xi32>, vector<16xi1> -> vector<16xi32>
    %reduce_sum3A_2551 = vector.extract %reduce_sum3A_2550[15] : i32 from vector<16xi32>
    %add3A_2552 = vector.broadcast %reduce_sum3A_2551 : i32 to vector<16xi32>
    %add3A_2553 = arith.addi %add3A_2552, %cumsum3A_2541 : vector<16xi32>
    %sub3A_2554 = arith.constant 1 : i32
    %sub3A_2555 = vector.broadcast %sub3A_2554 : i32 to vector<16xi32>
    %sub3A_2556 = arith.subi %add3A_2553, %sub3A_2555 : vector<16xi32>
    %select_n3A_2557 = arith.select %eq3A_2533, %sub3A_2556, %select_n3A_2522 : vector<16xi1>, vector<16xi32>
    %all_reduce_population_count3A_2558 = tpu.all_reduce %eq3A_2533 {dim = 0 : i64, kind = #tpu.reduction_kind<sum>} : vector<16xi1> -> vector<16xi32>
    %eq3A_2559 = arith.constant 6 : i32
    %eq3A_2560 = vector.broadcast %eq3A_2559 : i32 to vector<16xi32>
    %eq3A_2561 = arith.cmpi eq, %iota3A, %eq3A_2560 : vector<16xi32>
    %jit3A_2562 = arith.constant 0 : i32
    %broadcast_in_dim3A_2563 = vector.broadcast %jit3A_2562 : i32 to vector<16xi32>
    %select_n3A_2564 = arith.select %eq3A_2561, %all_reduce_population_count3A_2558, %broadcast_in_dim3A_2563 : vector<16xi1>, vector<16xi32>
    %add3A_2565 = arith.addi %add3A_2530, %select_n3A_2564 : vector<16xi32>
    %eq3A_2566 = arith.constant 7 : i32
    %eq3A_2567 = vector.broadcast %eq3A_2566 : i32 to vector<16xi32>
    %eq3A_2568 = arith.cmpi eq, %get3A_2320, %eq3A_2567 : vector<16xi32>
    %jit3A_2569 = arith.constant 1 : i32
    %jit3A_2570 = arith.constant 0 : i32
    %broadcast_in_dim3A_2571 = vector.broadcast %jit3A_2569 : i32 to vector<16xi32>
    %broadcast_in_dim3A_2572 = vector.broadcast %jit3A_2570 : i32 to vector<16xi32>
    %select_n3A_2573 = arith.select %eq3A_2568, %broadcast_in_dim3A_2571, %broadcast_in_dim3A_2572 : vector<16xi1>, vector<16xi32>
    %cumsum3A_2574 = arith.constant true
    %cumsum3A_2575 = vector.broadcast %cumsum3A_2574 : i1 to vector<16xi1>
    %cumsum3A_2576 = tpu.scan <sum>, %select_n3A_2573 masked %cumsum3A_2575 : vector<16xi32>, vector<16xi1> -> vector<16xi32>
    %eq3A_2577 = arith.constant 7 : i32
    %eq3A_2578 = vector.broadcast %eq3A_2577 : i32 to vector<16xi32>
    %eq3A_2579 = arith.cmpi eq, %iota3A, %eq3A_2578 : vector<16xi32>
    %jit3A_2580 = arith.constant 0 : i32
    %broadcast_in_dim3A_2581 = vector.broadcast %jit3A_2580 : i32 to vector<16xi32>
    %select_n3A_2582 = arith.select %eq3A_2579, %add3A_2314, %broadcast_in_dim3A_2581 : vector<16xi1>, vector<16xi32>
    %reduce_sum3A_2583 = arith.constant true
    %reduce_sum3A_2584 = vector.broadcast %reduce_sum3A_2583 : i1 to vector<16xi1>
    %reduce_sum3A_2585 = tpu.scan <sum>, %select_n3A_2582 masked %reduce_sum3A_2584 : vector<16xi32>, vector<16xi1> -> vector<16xi32>
    %reduce_sum3A_2586 = vector.extract %reduce_sum3A_2585[15] : i32 from vector<16xi32>
    %add3A_2587 = vector.broadcast %reduce_sum3A_2586 : i32 to vector<16xi32>
    %add3A_2588 = arith.addi %add3A_2587, %cumsum3A_2576 : vector<16xi32>
    %sub3A_2589 = arith.constant 1 : i32
    %sub3A_2590 = vector.broadcast %sub3A_2589 : i32 to vector<16xi32>
    %sub3A_2591 = arith.subi %add3A_2588, %sub3A_2590 : vector<16xi32>
    %select_n3A_2592 = arith.select %eq3A_2568, %sub3A_2591, %select_n3A_2557 : vector<16xi1>, vector<16xi32>
    %all_reduce_population_count3A_2593 = tpu.all_reduce %eq3A_2568 {dim = 0 : i64, kind = #tpu.reduction_kind<sum>} : vector<16xi1> -> vector<16xi32>
    %eq3A_2594 = arith.constant 7 : i32
    %eq3A_2595 = vector.broadcast %eq3A_2594 : i32 to vector<16xi32>
    %eq3A_2596 = arith.cmpi eq, %iota3A, %eq3A_2595 : vector<16xi32>
    %jit3A_2597 = arith.constant 0 : i32
    %broadcast_in_dim3A_2598 = vector.broadcast %jit3A_2597 : i32 to vector<16xi32>
    %select_n3A_2599 = arith.select %eq3A_2596, %all_reduce_population_count3A_2593, %broadcast_in_dim3A_2598 : vector<16xi1>, vector<16xi32>
    %add3A_2600 = arith.addi %add3A_2565, %select_n3A_2599 : vector<16xi32>
    %add3A_2601 = arith.addi %add3A_2314, %add3A_2600 : vector<16xi32>
    %swap3A_2602 = arith.constant 112 : index
    %swap3A_2603 = tpu.vector_load %arg11[%swap3A_2602] {strides = array<i32>} : memref<128xi32, #tpu.memory_space<vmem>>, vector<16xi32>,
    tpu.vector_store %arg11[%swap3A_2602], %select_n3A_2592 {strides = array<i32>} : memref<128xi32, #tpu.memory_space<vmem>>, vector<16xi32>,
    "tpu.region"() ({
      %run_scoped3A = tpu.sem_alloc : memref<!tpu.dma_semaphore, #tpu.memory_space<semaphore_mem>>
      %dma_start3A_2615 = tpu.memref_slice %arg6[%mul3A_2] : memref<4096xi32, #tpu.memory_space<hbm>> -> memref<128xi32, #tpu.memory_space<hbm>>
      %dma_start3A_2616 = tpu.memref_slice %arg6[%mul3A_2] : memref<4096xi32, #tpu.memory_space<hbm>> -> memref<128xi32, #tpu.memory_space<hbm>>
      tpu.enqueue_dma source(%arg11 : memref<128xi32, #tpu.memory_space<vmem>>) target(%dma_start3A_2616 : memref<128xi32, #tpu.memory_space<hbm>>) target_semaphore(%run_scoped3A : memref<!tpu.dma_semaphore, #tpu.memory_space<semaphore_mem>>)
      %dma_wait3A_2617 = tpu.memref_slice %arg6[%mul3A_2] : memref<4096xi32, #tpu.memory_space<hbm>> -> memref<128xi32, #tpu.memory_space<hbm>>
      %dma_wait3A_2618 = tpu.memref_slice %arg6[%mul3A_2] : memref<4096xi32, #tpu.memory_space<hbm>> -> memref<128xi32, #tpu.memory_space<hbm>>
      tpu.wait_dma2 semaphore(%run_scoped3A : memref<!tpu.dma_semaphore, #tpu.memory_space<semaphore_mem>>) src(%arg11 : memref<128xi32, #tpu.memory_space<vmem>>) dst(%dma_wait3A_2618 : memref<128xi32, #tpu.memory_space<hbm>>)
      tpu.yield
    }) : () -> ()
    "tpu.region"() ({
      %run_scoped3A = tpu.sem_alloc : memref<!tpu.dma_semaphore, #tpu.memory_space<semaphore_mem>>
      %dma_start3A_2615 = tpu.memref_slice %arg3[%mul3A_2] : memref<4096xf32, #tpu.memory_space<hbm>> -> memref<128xf32, #tpu.memory_space<hbm>>
      %dma_start3A_2616 = tpu.memref_slice %arg3[%mul3A_2] : memref<4096xf32, #tpu.memory_space<hbm>> -> memref<128xf32, #tpu.memory_space<hbm>>
      tpu.enqueue_dma source(%dma_start3A_2616 : memref<128xf32, #tpu.memory_space<hbm>>) target(%arg12 : memref<128xf32, #tpu.memory_space<vmem>>) target_semaphore(%run_scoped3A : memref<!tpu.dma_semaphore, #tpu.memory_space<semaphore_mem>>)
      %dma_wait3A_2617 = tpu.memref_slice %arg3[%mul3A_2] : memref<4096xf32, #tpu.memory_space<hbm>> -> memref<128xf32, #tpu.memory_space<hbm>>
      %dma_wait3A_2618 = tpu.memref_slice %arg3[%mul3A_2] : memref<4096xf32, #tpu.memory_space<hbm>> -> memref<128xf32, #tpu.memory_space<hbm>>
      tpu.wait_dma2 semaphore(%run_scoped3A : memref<!tpu.dma_semaphore, #tpu.memory_space<semaphore_mem>>) src(%dma_wait3A_2618 : memref<128xf32, #tpu.memory_space<hbm>>) dst(%arg12 : memref<128xf32, #tpu.memory_space<vmem>>)
      tpu.yield
    }) : () -> ()
    %dma_start3A = arith.constant 0 : i32
    %dma_start3A_2604 = tpu.memref_slice %arg7[%dma_start3A] : memref<4096xf32, #tpu.memory_space<hbm>> -> memref<4096xf32, #tpu.memory_space<hbm>>
    tpu.enqueue_indirect_dma source(%arg12 : memref<128xf32, #tpu.memory_space<vmem>>) target(%dma_start3A_2604 : memref<4096xf32, #tpu.memory_space<hbm>>) offsets(%arg11 : memref<128xi32, #tpu.memory_space<vmem>>) semaphore(%arg14 : memref<!tpu.dma_semaphore, #tpu.memory_space<semaphore_mem>>)
    %dma_wait3A = arith.constant 0 : i32
    %dma_wait3A_2605 = tpu.memref_slice %arg7[%dma_wait3A] : memref<4096xf32, #tpu.memory_space<hbm>> -> memref<4096xf32, #tpu.memory_space<hbm>>
    tpu.wait_indirect_dma semaphore(%arg14 : memref<!tpu.dma_semaphore, #tpu.memory_space<semaphore_mem>>) src(%arg12 : memref<128xf32, #tpu.memory_space<vmem>>) dst(%dma_wait3A_2605 : memref<4096xf32, #tpu.memory_space<hbm>>)
    "tpu.region"() ({
      %run_scoped3A = tpu.sem_alloc : memref<!tpu.dma_semaphore, #tpu.memory_space<semaphore_mem>>
      %dma_start3A_2615 = arith.constant 0 : i32
      %dma_start3A_2616 = tpu.memref_slice %arg4[%mul3A_13, %dma_start3A_2615] : memref<2048x768xf32, #tpu.memory_space<hbm>> -> memref<128x768xf32, #tpu.memory_space<hbm>>
      %dma_start3A_2617 = arith.constant 0 : i32
      %dma_start3A_2618 = tpu.memref_slice %arg4[%mul3A_13, %dma_start3A_2617] : memref<2048x768xf32, #tpu.memory_space<hbm>> -> memref<128x768xf32, #tpu.memory_space<hbm>>
      tpu.enqueue_dma source(%dma_start3A_2618 : memref<128x768xf32, #tpu.memory_space<hbm>>) target(%arg10 : memref<128x768xf32, #tpu.memory_space<vmem>>) target_semaphore(%run_scoped3A : memref<!tpu.dma_semaphore, #tpu.memory_space<semaphore_mem>>)
      %dma_wait3A_2619 = arith.constant 0 : i32
      %dma_wait3A_2620 = tpu.memref_slice %arg4[%mul3A_13, %dma_wait3A_2619] : memref<2048x768xf32, #tpu.memory_space<hbm>> -> memref<128x768xf32, #tpu.memory_space<hbm>>
      %dma_wait3A_2621 = arith.constant 0 : i32
      %dma_wait3A_2622 = tpu.memref_slice %arg4[%mul3A_13, %dma_wait3A_2621] : memref<2048x768xf32, #tpu.memory_space<hbm>> -> memref<128x768xf32, #tpu.memory_space<hbm>>
      tpu.wait_dma2 semaphore(%run_scoped3A : memref<!tpu.dma_semaphore, #tpu.memory_space<semaphore_mem>>) src(%dma_wait3A_2622 : memref<128x768xf32, #tpu.memory_space<hbm>>) dst(%arg10 : memref<128x768xf32, #tpu.memory_space<vmem>>)
      tpu.yield
    }) : () -> ()
    %dma_start3A_2606 = arith.constant 0 : i32
    %dma_start3A_2607 = arith.constant 0 : i32
    %dma_start3A_2608 = tpu.memref_slice %arg5[%dma_start3A_2606, %dma_start3A_2607] : memref<4096x768xf32, #tpu.memory_space<hbm>> -> memref<4096x768xf32, #tpu.memory_space<hbm>>
    tpu.enqueue_indirect_dma source(%arg10 : memref<128x768xf32, #tpu.memory_space<vmem>>) target(%dma_start3A_2608 : memref<4096x768xf32, #tpu.memory_space<hbm>>) offsets(%arg11 : memref<128xi32, #tpu.memory_space<vmem>>) semaphore(%arg14 : memref<!tpu.dma_semaphore, #tpu.memory_space<semaphore_mem>>)
    %dma_wait3A_2609 = arith.constant 0 : i32
    %dma_wait3A_2610 = arith.constant 0 : i32
    %dma_wait3A_2611 = tpu.memref_slice %arg5[%dma_wait3A_2609, %dma_wait3A_2610] : memref<4096x768xf32, #tpu.memory_space<hbm>> -> memref<4096x768xf32, #tpu.memory_space<hbm>>
    tpu.wait_indirect_dma semaphore(%arg14 : memref<!tpu.dma_semaphore, #tpu.memory_space<semaphore_mem>>) src(%arg10 : memref<128x768xf32, #tpu.memory_space<vmem>>) dst(%dma_wait3A_2611 : memref<4096x768xf32, #tpu.memory_space<hbm>>)
    %eq3A_2612 = arith.constant 0 : i32
    %eq3A_2613 = arith.cmpi eq, %add3A, %eq3A_2612 : i32
    %convert_element_type3A = arith.extui %eq3A_2613 : i1 to i32
    %cond3A = arith.constant 0 : i32
    %cond3A_2614 = arith.cmpi ne, %convert_element_type3A, %cond3A : i32
    scf.if %cond3A_2614 {
      %sub3A_2615 = arith.constant 1 : i32
      %sub3A_2616 = vector.broadcast %sub3A_2615 : i32 to vector<16xi32>
      %sub3A_2617 = arith.subi %cumsum3A_309, %sub3A_2616 : vector<16xi32>
      %shift_right_arithmetic3A = arith.constant 9 : i32
      %shift_right_arithmetic3A_2618 = vector.broadcast %shift_right_arithmetic3A : i32 to vector<16xi32>
      %shift_right_arithmetic3A_2619 = arith.shrsi %sub3A_2617, %shift_right_arithmetic3A_2618 : vector<16xi32>
      %shift_right_arithmetic3A_2620 = arith.constant 9 : i32
      %shift_right_arithmetic3A_2621 = vector.broadcast %shift_right_arithmetic3A_2620 : i32 to vector<16xi32>
      %shift_right_arithmetic3A_2622 = arith.shrsi %sub3A, %shift_right_arithmetic3A_2621 : vector<16xi32>
      %gt3A = arith.constant 0 : i32
      %gt3A_2623 = vector.broadcast %gt3A : i32 to vector<16xi32>
      %gt3A_2624 = arith.cmpi sgt, %add3A_299, %gt3A_2623 : vector<16xi32>
      %sub3A_2625 = arith.subi %shift_right_arithmetic3A_2619, %shift_right_arithmetic3A_2622 : vector<16xi32>
      %add3A_2626 = arith.constant 1 : i32
      %add3A_2627 = vector.broadcast %add3A_2626 : i32 to vector<16xi32>
      %add3A_2628 = arith.addi %sub3A_2625, %add3A_2627 : vector<16xi32>
      %jit3A_2629 = arith.constant 0 : i32
      %broadcast_in_dim3A_2630 = vector.broadcast %jit3A_2629 : i32 to vector<16xi32>
      %select_n3A_2631 = arith.select %gt3A_2624, %add3A_2628, %broadcast_in_dim3A_2630 : vector<16xi1>, vector<16xi32>
      %cumsum3A_2632 = arith.constant true
      %cumsum3A_2633 = vector.broadcast %cumsum3A_2632 : i1 to vector<16xi1>
      %cumsum3A_2634 = tpu.scan <sum>, %select_n3A_2631 masked %cumsum3A_2633 : vector<16xi32>, vector<16xi1> -> vector<16xi32>
      %iota3A_2635 = tpu.iota {dimensions = array<i32: 0>} : vector<16xi32>
      %eq3A_2636 = arith.constant 7 : i32
      %eq3A_2637 = vector.broadcast %eq3A_2636 : i32 to vector<16xi32>
      %eq3A_2638 = arith.cmpi eq, %iota3A, %eq3A_2637 : vector<16xi32>
      %jit3A_2639 = arith.constant 0 : i32
      %broadcast_in_dim3A_2640 = vector.broadcast %jit3A_2639 : i32 to vector<16xi32>
      %select_n3A_2641 = arith.select %eq3A_2638, %cumsum3A_2634, %broadcast_in_dim3A_2640 : vector<16xi1>, vector<16xi32>
      %reduce_sum3A_2642 = arith.constant true
      %reduce_sum3A_2643 = vector.broadcast %reduce_sum3A_2642 : i1 to vector<16xi1>
      %reduce_sum3A_2644 = tpu.scan <sum>, %select_n3A_2641 masked %reduce_sum3A_2643 : vector<16xi32>, vector<16xi1> -> vector<16xi32>
      %reduce_sum3A_2645 = vector.extract %reduce_sum3A_2644[15] : i32 from vector<16xi32>
      %broadcast_in_dim3A_2646 = arith.constant 0 : i32
      %broadcast_in_dim3A_2647 = vector.broadcast %broadcast_in_dim3A_2646 : i32 to vector<16xi32>
      %broadcast_in_dim3A_2648 = arith.constant 0 : i32
      %broadcast_in_dim3A_2649 = vector.broadcast %broadcast_in_dim3A_2648 : i32 to vector<16xi32>
      %broadcast_in_dim3A_2650 = arith.constant 0 : i32
      %broadcast_in_dim3A_2651 = vector.broadcast %broadcast_in_dim3A_2650 : i32 to vector<16xi32>
      %broadcast_in_dim3A_2652 = arith.constant 0 : i32
      %broadcast_in_dim3A_2653 = vector.broadcast %broadcast_in_dim3A_2652 : i32 to vector<16xi32>
      %eq3A_2654 = arith.constant 0 : i32
      %eq3A_2655 = vector.broadcast %eq3A_2654 : i32 to vector<16xi32>
      %eq3A_2656 = arith.cmpi eq, %iota3A, %eq3A_2655 : vector<16xi32>
      %jit3A_2657 = arith.constant 0 : i32
      %broadcast_in_dim3A_2658 = vector.broadcast %jit3A_2657 : i32 to vector<16xi32>
      %select_n3A_2659 = arith.select %eq3A_2656, %cumsum3A_2634, %broadcast_in_dim3A_2658 : vector<16xi1>, vector<16xi32>
      %reduce_sum3A_2660 = arith.constant true
      %reduce_sum3A_2661 = vector.broadcast %reduce_sum3A_2660 : i1 to vector<16xi1>
      %reduce_sum3A_2662 = tpu.scan <sum>, %select_n3A_2659 masked %reduce_sum3A_2661 : vector<16xi32>, vector<16xi1> -> vector<16xi32>
      %reduce_sum3A_2663 = vector.extract %reduce_sum3A_2662[15] : i32 from vector<16xi32>
      %lt3A_2664 = vector.broadcast %reduce_sum3A_2663 : i32 to vector<16xi32>
      %lt3A_2665 = arith.cmpi slt, %iota3A_2635, %lt3A_2664 : vector<16xi32>
      %jit3A_2666 = arith.constant 0 : i32
      %jit3A_2667 = arith.constant 1 : i32
      %broadcast_in_dim3A_2668 = vector.broadcast %jit3A_2666 : i32 to vector<16xi32>
      %broadcast_in_dim3A_2669 = vector.broadcast %jit3A_2667 : i32 to vector<16xi32>
      %select_n3A_2670 = arith.select %lt3A_2665, %broadcast_in_dim3A_2668, %broadcast_in_dim3A_2669 : vector<16xi1>, vector<16xi32>
      %add3A_2671 = arith.addi %broadcast_in_dim3A_2647, %select_n3A_2670 : vector<16xi32>
      %eq3A_2672 = arith.constant 1 : i32
      %eq3A_2673 = vector.broadcast %eq3A_2672 : i32 to vector<16xi32>
      %eq3A_2674 = arith.cmpi eq, %iota3A, %eq3A_2673 : vector<16xi32>
      %jit3A_2675 = arith.constant 0 : i32
      %broadcast_in_dim3A_2676 = vector.broadcast %jit3A_2675 : i32 to vector<16xi32>
      %select_n3A_2677 = arith.select %eq3A_2674, %cumsum3A_2634, %broadcast_in_dim3A_2676 : vector<16xi1>, vector<16xi32>
      %reduce_sum3A_2678 = arith.constant true
      %reduce_sum3A_2679 = vector.broadcast %reduce_sum3A_2678 : i1 to vector<16xi1>
      %reduce_sum3A_2680 = tpu.scan <sum>, %select_n3A_2677 masked %reduce_sum3A_2679 : vector<16xi32>, vector<16xi1> -> vector<16xi32>
      %reduce_sum3A_2681 = vector.extract %reduce_sum3A_2680[15] : i32 from vector<16xi32>
      %lt3A_2682 = vector.broadcast %reduce_sum3A_2681 : i32 to vector<16xi32>
      %lt3A_2683 = arith.cmpi slt, %iota3A_2635, %lt3A_2682 : vector<16xi32>
      %jit3A_2684 = arith.constant 0 : i32
      %jit3A_2685 = arith.constant 1 : i32
      %broadcast_in_dim3A_2686 = vector.broadcast %jit3A_2684 : i32 to vector<16xi32>
      %broadcast_in_dim3A_2687 = vector.broadcast %jit3A_2685 : i32 to vector<16xi32>
      %select_n3A_2688 = arith.select %lt3A_2683, %broadcast_in_dim3A_2686, %broadcast_in_dim3A_2687 : vector<16xi1>, vector<16xi32>
      %add3A_2689 = arith.addi %add3A_2671, %select_n3A_2688 : vector<16xi32>
      %eq3A_2690 = arith.constant 2 : i32
      %eq3A_2691 = vector.broadcast %eq3A_2690 : i32 to vector<16xi32>
      %eq3A_2692 = arith.cmpi eq, %iota3A, %eq3A_2691 : vector<16xi32>
      %jit3A_2693 = arith.constant 0 : i32
      %broadcast_in_dim3A_2694 = vector.broadcast %jit3A_2693 : i32 to vector<16xi32>
      %select_n3A_2695 = arith.select %eq3A_2692, %cumsum3A_2634, %broadcast_in_dim3A_2694 : vector<16xi1>, vector<16xi32>
      %reduce_sum3A_2696 = arith.constant true
      %reduce_sum3A_2697 = vector.broadcast %reduce_sum3A_2696 : i1 to vector<16xi1>
      %reduce_sum3A_2698 = tpu.scan <sum>, %select_n3A_2695 masked %reduce_sum3A_2697 : vector<16xi32>, vector<16xi1> -> vector<16xi32>
      %reduce_sum3A_2699 = vector.extract %reduce_sum3A_2698[15] : i32 from vector<16xi32>
      %lt3A_2700 = vector.broadcast %reduce_sum3A_2699 : i32 to vector<16xi32>
      %lt3A_2701 = arith.cmpi slt, %iota3A_2635, %lt3A_2700 : vector<16xi32>
      %jit3A_2702 = arith.constant 0 : i32
      %jit3A_2703 = arith.constant 1 : i32
      %broadcast_in_dim3A_2704 = vector.broadcast %jit3A_2702 : i32 to vector<16xi32>
      %broadcast_in_dim3A_2705 = vector.broadcast %jit3A_2703 : i32 to vector<16xi32>
      %select_n3A_2706 = arith.select %lt3A_2701, %broadcast_in_dim3A_2704, %broadcast_in_dim3A_2705 : vector<16xi1>, vector<16xi32>
      %add3A_2707 = arith.addi %add3A_2689, %select_n3A_2706 : vector<16xi32>
      %eq3A_2708 = arith.constant 3 : i32
      %eq3A_2709 = vector.broadcast %eq3A_2708 : i32 to vector<16xi32>
      %eq3A_2710 = arith.cmpi eq, %iota3A, %eq3A_2709 : vector<16xi32>
      %jit3A_2711 = arith.constant 0 : i32
      %broadcast_in_dim3A_2712 = vector.broadcast %jit3A_2711 : i32 to vector<16xi32>
      %select_n3A_2713 = arith.select %eq3A_2710, %cumsum3A_2634, %broadcast_in_dim3A_2712 : vector<16xi1>, vector<16xi32>
      %reduce_sum3A_2714 = arith.constant true
      %reduce_sum3A_2715 = vector.broadcast %reduce_sum3A_2714 : i1 to vector<16xi1>
      %reduce_sum3A_2716 = tpu.scan <sum>, %select_n3A_2713 masked %reduce_sum3A_2715 : vector<16xi32>, vector<16xi1> -> vector<16xi32>
      %reduce_sum3A_2717 = vector.extract %reduce_sum3A_2716[15] : i32 from vector<16xi32>
      %lt3A_2718 = vector.broadcast %reduce_sum3A_2717 : i32 to vector<16xi32>
      %lt3A_2719 = arith.cmpi slt, %iota3A_2635, %lt3A_2718 : vector<16xi32>
      %jit3A_2720 = arith.constant 0 : i32
      %jit3A_2721 = arith.constant 1 : i32
      %broadcast_in_dim3A_2722 = vector.broadcast %jit3A_2720 : i32 to vector<16xi32>
      %broadcast_in_dim3A_2723 = vector.broadcast %jit3A_2721 : i32 to vector<16xi32>
      %select_n3A_2724 = arith.select %lt3A_2719, %broadcast_in_dim3A_2722, %broadcast_in_dim3A_2723 : vector<16xi1>, vector<16xi32>
      %add3A_2725 = arith.addi %add3A_2707, %select_n3A_2724 : vector<16xi32>
      %eq3A_2726 = arith.constant 4 : i32
      %eq3A_2727 = vector.broadcast %eq3A_2726 : i32 to vector<16xi32>
      %eq3A_2728 = arith.cmpi eq, %iota3A, %eq3A_2727 : vector<16xi32>
      %jit3A_2729 = arith.constant 0 : i32
      %broadcast_in_dim3A_2730 = vector.broadcast %jit3A_2729 : i32 to vector<16xi32>
      %select_n3A_2731 = arith.select %eq3A_2728, %cumsum3A_2634, %broadcast_in_dim3A_2730 : vector<16xi1>, vector<16xi32>
      %reduce_sum3A_2732 = arith.constant true
      %reduce_sum3A_2733 = vector.broadcast %reduce_sum3A_2732 : i1 to vector<16xi1>
      %reduce_sum3A_2734 = tpu.scan <sum>, %select_n3A_2731 masked %reduce_sum3A_2733 : vector<16xi32>, vector<16xi1> -> vector<16xi32>
      %reduce_sum3A_2735 = vector.extract %reduce_sum3A_2734[15] : i32 from vector<16xi32>
      %lt3A_2736 = vector.broadcast %reduce_sum3A_2735 : i32 to vector<16xi32>
      %lt3A_2737 = arith.cmpi slt, %iota3A_2635, %lt3A_2736 : vector<16xi32>
      %jit3A_2738 = arith.constant 0 : i32
      %jit3A_2739 = arith.constant 1 : i32
      %broadcast_in_dim3A_2740 = vector.broadcast %jit3A_2738 : i32 to vector<16xi32>
      %broadcast_in_dim3A_2741 = vector.broadcast %jit3A_2739 : i32 to vector<16xi32>
      %select_n3A_2742 = arith.select %lt3A_2737, %broadcast_in_dim3A_2740, %broadcast_in_dim3A_2741 : vector<16xi1>, vector<16xi32>
      %add3A_2743 = arith.addi %add3A_2725, %select_n3A_2742 : vector<16xi32>
      %eq3A_2744 = arith.constant 5 : i32
      %eq3A_2745 = vector.broadcast %eq3A_2744 : i32 to vector<16xi32>
      %eq3A_2746 = arith.cmpi eq, %iota3A, %eq3A_2745 : vector<16xi32>
      %jit3A_2747 = arith.constant 0 : i32
      %broadcast_in_dim3A_2748 = vector.broadcast %jit3A_2747 : i32 to vector<16xi32>
      %select_n3A_2749 = arith.select %eq3A_2746, %cumsum3A_2634, %broadcast_in_dim3A_2748 : vector<16xi1>, vector<16xi32>
      %reduce_sum3A_2750 = arith.constant true
      %reduce_sum3A_2751 = vector.broadcast %reduce_sum3A_2750 : i1 to vector<16xi1>
      %reduce_sum3A_2752 = tpu.scan <sum>, %select_n3A_2749 masked %reduce_sum3A_2751 : vector<16xi32>, vector<16xi1> -> vector<16xi32>
      %reduce_sum3A_2753 = vector.extract %reduce_sum3A_2752[15] : i32 from vector<16xi32>
      %lt3A_2754 = vector.broadcast %reduce_sum3A_2753 : i32 to vector<16xi32>
      %lt3A_2755 = arith.cmpi slt, %iota3A_2635, %lt3A_2754 : vector<16xi32>
      %jit3A_2756 = arith.constant 0 : i32
      %jit3A_2757 = arith.constant 1 : i32
      %broadcast_in_dim3A_2758 = vector.broadcast %jit3A_2756 : i32 to vector<16xi32>
      %broadcast_in_dim3A_2759 = vector.broadcast %jit3A_2757 : i32 to vector<16xi32>
      %select_n3A_2760 = arith.select %lt3A_2755, %broadcast_in_dim3A_2758, %broadcast_in_dim3A_2759 : vector<16xi1>, vector<16xi32>
      %add3A_2761 = arith.addi %add3A_2743, %select_n3A_2760 : vector<16xi32>
      %eq3A_2762 = arith.constant 6 : i32
      %eq3A_2763 = vector.broadcast %eq3A_2762 : i32 to vector<16xi32>
      %eq3A_2764 = arith.cmpi eq, %iota3A, %eq3A_2763 : vector<16xi32>
      %jit3A_2765 = arith.constant 0 : i32
      %broadcast_in_dim3A_2766 = vector.broadcast %jit3A_2765 : i32 to vector<16xi32>
      %select_n3A_2767 = arith.select %eq3A_2764, %cumsum3A_2634, %broadcast_in_dim3A_2766 : vector<16xi1>, vector<16xi32>
      %reduce_sum3A_2768 = arith.constant true
      %reduce_sum3A_2769 = vector.broadcast %reduce_sum3A_2768 : i1 to vector<16xi1>
      %reduce_sum3A_2770 = tpu.scan <sum>, %select_n3A_2767 masked %reduce_sum3A_2769 : vector<16xi32>, vector<16xi1> -> vector<16xi32>
      %reduce_sum3A_2771 = vector.extract %reduce_sum3A_2770[15] : i32 from vector<16xi32>
      %lt3A_2772 = vector.broadcast %reduce_sum3A_2771 : i32 to vector<16xi32>
      %lt3A_2773 = arith.cmpi slt, %iota3A_2635, %lt3A_2772 : vector<16xi32>
      %jit3A_2774 = arith.constant 0 : i32
      %jit3A_2775 = arith.constant 1 : i32
      %broadcast_in_dim3A_2776 = vector.broadcast %jit3A_2774 : i32 to vector<16xi32>
      %broadcast_in_dim3A_2777 = vector.broadcast %jit3A_2775 : i32 to vector<16xi32>
      %select_n3A_2778 = arith.select %lt3A_2773, %broadcast_in_dim3A_2776, %broadcast_in_dim3A_2777 : vector<16xi1>, vector<16xi32>
      %add3A_2779 = arith.addi %add3A_2761, %select_n3A_2778 : vector<16xi32>
      %eq3A_2780 = arith.constant 7 : i32
      %eq3A_2781 = vector.broadcast %eq3A_2780 : i32 to vector<16xi32>
      %eq3A_2782 = arith.cmpi eq, %iota3A, %eq3A_2781 : vector<16xi32>
      %jit3A_2783 = arith.constant 0 : i32
      %broadcast_in_dim3A_2784 = vector.broadcast %jit3A_2783 : i32 to vector<16xi32>
      %select_n3A_2785 = arith.select %eq3A_2782, %cumsum3A_2634, %broadcast_in_dim3A_2784 : vector<16xi1>, vector<16xi32>
      %reduce_sum3A_2786 = arith.constant true
      %reduce_sum3A_2787 = vector.broadcast %reduce_sum3A_2786 : i1 to vector<16xi1>
      %reduce_sum3A_2788 = tpu.scan <sum>, %select_n3A_2785 masked %reduce_sum3A_2787 : vector<16xi32>, vector<16xi1> -> vector<16xi32>
      %reduce_sum3A_2789 = vector.extract %reduce_sum3A_2788[15] : i32 from vector<16xi32>
      %lt3A_2790 = vector.broadcast %reduce_sum3A_2789 : i32 to vector<16xi32>
      %lt3A_2791 = arith.cmpi slt, %iota3A_2635, %lt3A_2790 : vector<16xi32>
      %jit3A_2792 = arith.constant 0 : i32
      %jit3A_2793 = arith.constant 1 : i32
      %broadcast_in_dim3A_2794 = vector.broadcast %jit3A_2792 : i32 to vector<16xi32>
      %broadcast_in_dim3A_2795 = vector.broadcast %jit3A_2793 : i32 to vector<16xi32>
      %select_n3A_2796 = arith.select %lt3A_2791, %broadcast_in_dim3A_2794, %broadcast_in_dim3A_2795 : vector<16xi1>, vector<16xi32>
      %add3A_2797 = arith.addi %add3A_2779, %select_n3A_2796 : vector<16xi32>
      %min3A = arith.constant 7 : i32
      %min3A_2798 = vector.broadcast %min3A : i32 to vector<16xi32>
      %min3A_2799 = arith.minsi %add3A_2797, %min3A_2798 : vector<16xi32>
      %eq3A_2800 = arith.constant 0 : i32
      %eq3A_2801 = vector.broadcast %eq3A_2800 : i32 to vector<16xi32>
      %eq3A_2802 = arith.cmpi eq, %min3A_2799, %eq3A_2801 : vector<16xi32>
      %eq3A_2803 = arith.constant 0 : i32
      %eq3A_2804 = vector.broadcast %eq3A_2803 : i32 to vector<16xi32>
      %eq3A_2805 = arith.cmpi eq, %iota3A, %eq3A_2804 : vector<16xi32>
      %jit3A_2806 = arith.constant 0 : i32
      %broadcast_in_dim3A_2807 = vector.broadcast %jit3A_2806 : i32 to vector<16xi32>
      %select_n3A_2808 = arith.select %eq3A_2805, %sub3A, %broadcast_in_dim3A_2807 : vector<16xi1>, vector<16xi32>
      %reduce_sum3A_2809 = arith.constant true
      %reduce_sum3A_2810 = vector.broadcast %reduce_sum3A_2809 : i1 to vector<16xi1>
      %reduce_sum3A_2811 = tpu.scan <sum>, %select_n3A_2808 masked %reduce_sum3A_2810 : vector<16xi32>, vector<16xi1> -> vector<16xi32>
      %reduce_sum3A_2812 = vector.extract %reduce_sum3A_2811[15] : i32 from vector<16xi32>
      %broadcast_in_dim3A_2813 = vector.broadcast %reduce_sum3A_2812 : i32 to vector<16xi32>
      %select_n3A_2814 = arith.select %eq3A_2802, %broadcast_in_dim3A_2813, %broadcast_in_dim3A_2649 : vector<16xi1>, vector<16xi32>
      %eq3A_2815 = arith.constant 0 : i32
      %eq3A_2816 = vector.broadcast %eq3A_2815 : i32 to vector<16xi32>
      %eq3A_2817 = arith.cmpi eq, %iota3A, %eq3A_2816 : vector<16xi32>
      %jit3A_2818 = arith.constant 0 : i32
      %broadcast_in_dim3A_2819 = vector.broadcast %jit3A_2818 : i32 to vector<16xi32>
      %select_n3A_2820 = arith.select %eq3A_2817, %cumsum3A_309, %broadcast_in_dim3A_2819 : vector<16xi1>, vector<16xi32>
      %reduce_sum3A_2821 = arith.constant true
      %reduce_sum3A_2822 = vector.broadcast %reduce_sum3A_2821 : i1 to vector<16xi1>
      %reduce_sum3A_2823 = tpu.scan <sum>, %select_n3A_2820 masked %reduce_sum3A_2822 : vector<16xi32>, vector<16xi1> -> vector<16xi32>
      %reduce_sum3A_2824 = vector.extract %reduce_sum3A_2823[15] : i32 from vector<16xi32>
      %broadcast_in_dim3A_2825 = vector.broadcast %reduce_sum3A_2824 : i32 to vector<16xi32>
      %select_n3A_2826 = arith.select %eq3A_2802, %broadcast_in_dim3A_2825, %broadcast_in_dim3A_2651 : vector<16xi1>, vector<16xi32>
      %eq3A_2827 = arith.constant 0 : i32
      %eq3A_2828 = vector.broadcast %eq3A_2827 : i32 to vector<16xi32>
      %eq3A_2829 = arith.cmpi eq, %iota3A, %eq3A_2828 : vector<16xi32>
      %sub3A_2830 = arith.subi %cumsum3A_2634, %select_n3A_2631 : vector<16xi32>
      %jit3A_2831 = arith.constant 0 : i32
      %broadcast_in_dim3A_2832 = vector.broadcast %jit3A_2831 : i32 to vector<16xi32>
      %select_n3A_2833 = arith.select %eq3A_2829, %sub3A_2830, %broadcast_in_dim3A_2832 : vector<16xi1>, vector<16xi32>
      %reduce_sum3A_2834 = arith.constant true
      %reduce_sum3A_2835 = vector.broadcast %reduce_sum3A_2834 : i1 to vector<16xi1>
      %reduce_sum3A_2836 = tpu.scan <sum>, %select_n3A_2833 masked %reduce_sum3A_2835 : vector<16xi32>, vector<16xi1> -> vector<16xi32>
      %reduce_sum3A_2837 = vector.extract %reduce_sum3A_2836[15] : i32 from vector<16xi32>
      %sub3A_2838 = vector.broadcast %reduce_sum3A_2837 : i32 to vector<16xi32>
      %sub3A_2839 = arith.subi %iota3A_2635, %sub3A_2838 : vector<16xi32>
      %select_n3A_2840 = arith.select %eq3A_2802, %sub3A_2839, %broadcast_in_dim3A_2653 : vector<16xi1>, vector<16xi32>
      %eq3A_2841 = arith.constant 1 : i32
      %eq3A_2842 = vector.broadcast %eq3A_2841 : i32 to vector<16xi32>
      %eq3A_2843 = arith.cmpi eq, %min3A_2799, %eq3A_2842 : vector<16xi32>
      %eq3A_2844 = arith.constant 1 : i32
      %eq3A_2845 = vector.broadcast %eq3A_2844 : i32 to vector<16xi32>
      %eq3A_2846 = arith.cmpi eq, %iota3A, %eq3A_2845 : vector<16xi32>
      %jit3A_2847 = arith.constant 0 : i32
      %broadcast_in_dim3A_2848 = vector.broadcast %jit3A_2847 : i32 to vector<16xi32>
      %select_n3A_2849 = arith.select %eq3A_2846, %sub3A, %broadcast_in_dim3A_2848 : vector<16xi1>, vector<16xi32>
      %reduce_sum3A_2850 = arith.constant true
      %reduce_sum3A_2851 = vector.broadcast %reduce_sum3A_2850 : i1 to vector<16xi1>
      %reduce_sum3A_2852 = tpu.scan <sum>, %select_n3A_2849 masked %reduce_sum3A_2851 : vector<16xi32>, vector<16xi1> -> vector<16xi32>
      %reduce_sum3A_2853 = vector.extract %reduce_sum3A_2852[15] : i32 from vector<16xi32>
      %broadcast_in_dim3A_2854 = vector.broadcast %reduce_sum3A_2853 : i32 to vector<16xi32>
      %select_n3A_2855 = arith.select %eq3A_2843, %broadcast_in_dim3A_2854, %select_n3A_2814 : vector<16xi1>, vector<16xi32>
      %eq3A_2856 = arith.constant 1 : i32
      %eq3A_2857 = vector.broadcast %eq3A_2856 : i32 to vector<16xi32>
      %eq3A_2858 = arith.cmpi eq, %iota3A, %eq3A_2857 : vector<16xi32>
      %jit3A_2859 = arith.constant 0 : i32
      %broadcast_in_dim3A_2860 = vector.broadcast %jit3A_2859 : i32 to vector<16xi32>
      %select_n3A_2861 = arith.select %eq3A_2858, %cumsum3A_309, %broadcast_in_dim3A_2860 : vector<16xi1>, vector<16xi32>
      %reduce_sum3A_2862 = arith.constant true
      %reduce_sum3A_2863 = vector.broadcast %reduce_sum3A_2862 : i1 to vector<16xi1>
      %reduce_sum3A_2864 = tpu.scan <sum>, %select_n3A_2861 masked %reduce_sum3A_2863 : vector<16xi32>, vector<16xi1> -> vector<16xi32>
      %reduce_sum3A_2865 = vector.extract %reduce_sum3A_2864[15] : i32 from vector<16xi32>
      %broadcast_in_dim3A_2866 = vector.broadcast %reduce_sum3A_2865 : i32 to vector<16xi32>
      %select_n3A_2867 = arith.select %eq3A_2843, %broadcast_in_dim3A_2866, %select_n3A_2826 : vector<16xi1>, vector<16xi32>
      %eq3A_2868 = arith.constant 1 : i32
      %eq3A_2869 = vector.broadcast %eq3A_2868 : i32 to vector<16xi32>
      %eq3A_2870 = arith.cmpi eq, %iota3A, %eq3A_2869 : vector<16xi32>
      %sub3A_2871 = arith.subi %cumsum3A_2634, %select_n3A_2631 : vector<16xi32>
      %jit3A_2872 = arith.constant 0 : i32
      %broadcast_in_dim3A_2873 = vector.broadcast %jit3A_2872 : i32 to vector<16xi32>
      %select_n3A_2874 = arith.select %eq3A_2870, %sub3A_2871, %broadcast_in_dim3A_2873 : vector<16xi1>, vector<16xi32>
      %reduce_sum3A_2875 = arith.constant true
      %reduce_sum3A_2876 = vector.broadcast %reduce_sum3A_2875 : i1 to vector<16xi1>
      %reduce_sum3A_2877 = tpu.scan <sum>, %select_n3A_2874 masked %reduce_sum3A_2876 : vector<16xi32>, vector<16xi1> -> vector<16xi32>
      %reduce_sum3A_2878 = vector.extract %reduce_sum3A_2877[15] : i32 from vector<16xi32>
      %sub3A_2879 = vector.broadcast %reduce_sum3A_2878 : i32 to vector<16xi32>
      %sub3A_2880 = arith.subi %iota3A_2635, %sub3A_2879 : vector<16xi32>
      %select_n3A_2881 = arith.select %eq3A_2843, %sub3A_2880, %select_n3A_2840 : vector<16xi1>, vector<16xi32>
      %eq3A_2882 = arith.constant 2 : i32
      %eq3A_2883 = vector.broadcast %eq3A_2882 : i32 to vector<16xi32>
      %eq3A_2884 = arith.cmpi eq, %min3A_2799, %eq3A_2883 : vector<16xi32>
      %eq3A_2885 = arith.constant 2 : i32
      %eq3A_2886 = vector.broadcast %eq3A_2885 : i32 to vector<16xi32>
      %eq3A_2887 = arith.cmpi eq, %iota3A, %eq3A_2886 : vector<16xi32>
      %jit3A_2888 = arith.constant 0 : i32
      %broadcast_in_dim3A_2889 = vector.broadcast %jit3A_2888 : i32 to vector<16xi32>
      %select_n3A_2890 = arith.select %eq3A_2887, %sub3A, %broadcast_in_dim3A_2889 : vector<16xi1>, vector<16xi32>
      %reduce_sum3A_2891 = arith.constant true
      %reduce_sum3A_2892 = vector.broadcast %reduce_sum3A_2891 : i1 to vector<16xi1>
      %reduce_sum3A_2893 = tpu.scan <sum>, %select_n3A_2890 masked %reduce_sum3A_2892 : vector<16xi32>, vector<16xi1> -> vector<16xi32>
      %reduce_sum3A_2894 = vector.extract %reduce_sum3A_2893[15] : i32 from vector<16xi32>
      %broadcast_in_dim3A_2895 = vector.broadcast %reduce_sum3A_2894 : i32 to vector<16xi32>
      %select_n3A_2896 = arith.select %eq3A_2884, %broadcast_in_dim3A_2895, %select_n3A_2855 : vector<16xi1>, vector<16xi32>
      %eq3A_2897 = arith.constant 2 : i32
      %eq3A_2898 = vector.broadcast %eq3A_2897 : i32 to vector<16xi32>
      %eq3A_2899 = arith.cmpi eq, %iota3A, %eq3A_2898 : vector<16xi32>
      %jit3A_2900 = arith.constant 0 : i32
      %broadcast_in_dim3A_2901 = vector.broadcast %jit3A_2900 : i32 to vector<16xi32>
      %select_n3A_2902 = arith.select %eq3A_2899, %cumsum3A_309, %broadcast_in_dim3A_2901 : vector<16xi1>, vector<16xi32>
      %reduce_sum3A_2903 = arith.constant true
      %reduce_sum3A_2904 = vector.broadcast %reduce_sum3A_2903 : i1 to vector<16xi1>
      %reduce_sum3A_2905 = tpu.scan <sum>, %select_n3A_2902 masked %reduce_sum3A_2904 : vector<16xi32>, vector<16xi1> -> vector<16xi32>
      %reduce_sum3A_2906 = vector.extract %reduce_sum3A_2905[15] : i32 from vector<16xi32>
      %broadcast_in_dim3A_2907 = vector.broadcast %reduce_sum3A_2906 : i32 to vector<16xi32>
      %select_n3A_2908 = arith.select %eq3A_2884, %broadcast_in_dim3A_2907, %select_n3A_2867 : vector<16xi1>, vector<16xi32>
      %eq3A_2909 = arith.constant 2 : i32
      %eq3A_2910 = vector.broadcast %eq3A_2909 : i32 to vector<16xi32>
      %eq3A_2911 = arith.cmpi eq, %iota3A, %eq3A_2910 : vector<16xi32>
      %sub3A_2912 = arith.subi %cumsum3A_2634, %select_n3A_2631 : vector<16xi32>
      %jit3A_2913 = arith.constant 0 : i32
      %broadcast_in_dim3A_2914 = vector.broadcast %jit3A_2913 : i32 to vector<16xi32>
      %select_n3A_2915 = arith.select %eq3A_2911, %sub3A_2912, %broadcast_in_dim3A_2914 : vector<16xi1>, vector<16xi32>
      %reduce_sum3A_2916 = arith.constant true
      %reduce_sum3A_2917 = vector.broadcast %reduce_sum3A_2916 : i1 to vector<16xi1>
      %reduce_sum3A_2918 = tpu.scan <sum>, %select_n3A_2915 masked %reduce_sum3A_2917 : vector<16xi32>, vector<16xi1> -> vector<16xi32>
      %reduce_sum3A_2919 = vector.extract %reduce_sum3A_2918[15] : i32 from vector<16xi32>
      %sub3A_2920 = vector.broadcast %reduce_sum3A_2919 : i32 to vector<16xi32>
      %sub3A_2921 = arith.subi %iota3A_2635, %sub3A_2920 : vector<16xi32>
      %select_n3A_2922 = arith.select %eq3A_2884, %sub3A_2921, %select_n3A_2881 : vector<16xi1>, vector<16xi32>
      %eq3A_2923 = arith.constant 3 : i32
      %eq3A_2924 = vector.broadcast %eq3A_2923 : i32 to vector<16xi32>
      %eq3A_2925 = arith.cmpi eq, %min3A_2799, %eq3A_2924 : vector<16xi32>
      %eq3A_2926 = arith.constant 3 : i32
      %eq3A_2927 = vector.broadcast %eq3A_2926 : i32 to vector<16xi32>
      %eq3A_2928 = arith.cmpi eq, %iota3A, %eq3A_2927 : vector<16xi32>
      %jit3A_2929 = arith.constant 0 : i32
      %broadcast_in_dim3A_2930 = vector.broadcast %jit3A_2929 : i32 to vector<16xi32>
      %select_n3A_2931 = arith.select %eq3A_2928, %sub3A, %broadcast_in_dim3A_2930 : vector<16xi1>, vector<16xi32>
      %reduce_sum3A_2932 = arith.constant true
      %reduce_sum3A_2933 = vector.broadcast %reduce_sum3A_2932 : i1 to vector<16xi1>
      %reduce_sum3A_2934 = tpu.scan <sum>, %select_n3A_2931 masked %reduce_sum3A_2933 : vector<16xi32>, vector<16xi1> -> vector<16xi32>
      %reduce_sum3A_2935 = vector.extract %reduce_sum3A_2934[15] : i32 from vector<16xi32>
      %broadcast_in_dim3A_2936 = vector.broadcast %reduce_sum3A_2935 : i32 to vector<16xi32>
      %select_n3A_2937 = arith.select %eq3A_2925, %broadcast_in_dim3A_2936, %select_n3A_2896 : vector<16xi1>, vector<16xi32>
      %eq3A_2938 = arith.constant 3 : i32
      %eq3A_2939 = vector.broadcast %eq3A_2938 : i32 to vector<16xi32>
      %eq3A_2940 = arith.cmpi eq, %iota3A, %eq3A_2939 : vector<16xi32>
      %jit3A_2941 = arith.constant 0 : i32
      %broadcast_in_dim3A_2942 = vector.broadcast %jit3A_2941 : i32 to vector<16xi32>
      %select_n3A_2943 = arith.select %eq3A_2940, %cumsum3A_309, %broadcast_in_dim3A_2942 : vector<16xi1>, vector<16xi32>
      %reduce_sum3A_2944 = arith.constant true
      %reduce_sum3A_2945 = vector.broadcast %reduce_sum3A_2944 : i1 to vector<16xi1>
      %reduce_sum3A_2946 = tpu.scan <sum>, %select_n3A_2943 masked %reduce_sum3A_2945 : vector<16xi32>, vector<16xi1> -> vector<16xi32>
      %reduce_sum3A_2947 = vector.extract %reduce_sum3A_2946[15] : i32 from vector<16xi32>
      %broadcast_in_dim3A_2948 = vector.broadcast %reduce_sum3A_2947 : i32 to vector<16xi32>
      %select_n3A_2949 = arith.select %eq3A_2925, %broadcast_in_dim3A_2948, %select_n3A_2908 : vector<16xi1>, vector<16xi32>
      %eq3A_2950 = arith.constant 3 : i32
      %eq3A_2951 = vector.broadcast %eq3A_2950 : i32 to vector<16xi32>
      %eq3A_2952 = arith.cmpi eq, %iota3A, %eq3A_2951 : vector<16xi32>
      %sub3A_2953 = arith.subi %cumsum3A_2634, %select_n3A_2631 : vector<16xi32>
      %jit3A_2954 = arith.constant 0 : i32
      %broadcast_in_dim3A_2955 = vector.broadcast %jit3A_2954 : i32 to vector<16xi32>
      %select_n3A_2956 = arith.select %eq3A_2952, %sub3A_2953, %broadcast_in_dim3A_2955 : vector<16xi1>, vector<16xi32>
      %reduce_sum3A_2957 = arith.constant true
      %reduce_sum3A_2958 = vector.broadcast %reduce_sum3A_2957 : i1 to vector<16xi1>
      %reduce_sum3A_2959 = tpu.scan <sum>, %select_n3A_2956 masked %reduce_sum3A_2958 : vector<16xi32>, vector<16xi1> -> vector<16xi32>
      %reduce_sum3A_2960 = vector.extract %reduce_sum3A_2959[15] : i32 from vector<16xi32>
      %sub3A_2961 = vector.broadcast %reduce_sum3A_2960 : i32 to vector<16xi32>
      %sub3A_2962 = arith.subi %iota3A_2635, %sub3A_2961 : vector<16xi32>
      %select_n3A_2963 = arith.select %eq3A_2925, %sub3A_2962, %select_n3A_2922 : vector<16xi1>, vector<16xi32>
      %eq3A_2964 = arith.constant 4 : i32
      %eq3A_2965 = vector.broadcast %eq3A_2964 : i32 to vector<16xi32>
      %eq3A_2966 = arith.cmpi eq, %min3A_2799, %eq3A_2965 : vector<16xi32>
      %eq3A_2967 = arith.constant 4 : i32
      %eq3A_2968 = vector.broadcast %eq3A_2967 : i32 to vector<16xi32>
      %eq3A_2969 = arith.cmpi eq, %iota3A, %eq3A_2968 : vector<16xi32>
      %jit3A_2970 = arith.constant 0 : i32
      %broadcast_in_dim3A_2971 = vector.broadcast %jit3A_2970 : i32 to vector<16xi32>
      %select_n3A_2972 = arith.select %eq3A_2969, %sub3A, %broadcast_in_dim3A_2971 : vector<16xi1>, vector<16xi32>
      %reduce_sum3A_2973 = arith.constant true
      %reduce_sum3A_2974 = vector.broadcast %reduce_sum3A_2973 : i1 to vector<16xi1>
      %reduce_sum3A_2975 = tpu.scan <sum>, %select_n3A_2972 masked %reduce_sum3A_2974 : vector<16xi32>, vector<16xi1> -> vector<16xi32>
      %reduce_sum3A_2976 = vector.extract %reduce_sum3A_2975[15] : i32 from vector<16xi32>
      %broadcast_in_dim3A_2977 = vector.broadcast %reduce_sum3A_2976 : i32 to vector<16xi32>
      %select_n3A_2978 = arith.select %eq3A_2966, %broadcast_in_dim3A_2977, %select_n3A_2937 : vector<16xi1>, vector<16xi32>
      %eq3A_2979 = arith.constant 4 : i32
      %eq3A_2980 = vector.broadcast %eq3A_2979 : i32 to vector<16xi32>
      %eq3A_2981 = arith.cmpi eq, %iota3A, %eq3A_2980 : vector<16xi32>
      %jit3A_2982 = arith.constant 0 : i32
      %broadcast_in_dim3A_2983 = vector.broadcast %jit3A_2982 : i32 to vector<16xi32>
      %select_n3A_2984 = arith.select %eq3A_2981, %cumsum3A_309, %broadcast_in_dim3A_2983 : vector<16xi1>, vector<16xi32>
      %reduce_sum3A_2985 = arith.constant true
      %reduce_sum3A_2986 = vector.broadcast %reduce_sum3A_2985 : i1 to vector<16xi1>
      %reduce_sum3A_2987 = tpu.scan <sum>, %select_n3A_2984 masked %reduce_sum3A_2986 : vector<16xi32>, vector<16xi1> -> vector<16xi32>
      %reduce_sum3A_2988 = vector.extract %reduce_sum3A_2987[15] : i32 from vector<16xi32>
      %broadcast_in_dim3A_2989 = vector.broadcast %reduce_sum3A_2988 : i32 to vector<16xi32>
      %select_n3A_2990 = arith.select %eq3A_2966, %broadcast_in_dim3A_2989, %select_n3A_2949 : vector<16xi1>, vector<16xi32>
      %eq3A_2991 = arith.constant 4 : i32
      %eq3A_2992 = vector.broadcast %eq3A_2991 : i32 to vector<16xi32>
      %eq3A_2993 = arith.cmpi eq, %iota3A, %eq3A_2992 : vector<16xi32>
      %sub3A_2994 = arith.subi %cumsum3A_2634, %select_n3A_2631 : vector<16xi32>
      %jit3A_2995 = arith.constant 0 : i32
      %broadcast_in_dim3A_2996 = vector.broadcast %jit3A_2995 : i32 to vector<16xi32>
      %select_n3A_2997 = arith.select %eq3A_2993, %sub3A_2994, %broadcast_in_dim3A_2996 : vector<16xi1>, vector<16xi32>
      %reduce_sum3A_2998 = arith.constant true
      %reduce_sum3A_2999 = vector.broadcast %reduce_sum3A_2998 : i1 to vector<16xi1>
      %reduce_sum3A_3000 = tpu.scan <sum>, %select_n3A_2997 masked %reduce_sum3A_2999 : vector<16xi32>, vector<16xi1> -> vector<16xi32>
      %reduce_sum3A_3001 = vector.extract %reduce_sum3A_3000[15] : i32 from vector<16xi32>
      %sub3A_3002 = vector.broadcast %reduce_sum3A_3001 : i32 to vector<16xi32>
      %sub3A_3003 = arith.subi %iota3A_2635, %sub3A_3002 : vector<16xi32>
      %select_n3A_3004 = arith.select %eq3A_2966, %sub3A_3003, %select_n3A_2963 : vector<16xi1>, vector<16xi32>
      %eq3A_3005 = arith.constant 5 : i32
      %eq3A_3006 = vector.broadcast %eq3A_3005 : i32 to vector<16xi32>
      %eq3A_3007 = arith.cmpi eq, %min3A_2799, %eq3A_3006 : vector<16xi32>
      %eq3A_3008 = arith.constant 5 : i32
      %eq3A_3009 = vector.broadcast %eq3A_3008 : i32 to vector<16xi32>
      %eq3A_3010 = arith.cmpi eq, %iota3A, %eq3A_3009 : vector<16xi32>
      %jit3A_3011 = arith.constant 0 : i32
      %broadcast_in_dim3A_3012 = vector.broadcast %jit3A_3011 : i32 to vector<16xi32>
      %select_n3A_3013 = arith.select %eq3A_3010, %sub3A, %broadcast_in_dim3A_3012 : vector<16xi1>, vector<16xi32>
      %reduce_sum3A_3014 = arith.constant true
      %reduce_sum3A_3015 = vector.broadcast %reduce_sum3A_3014 : i1 to vector<16xi1>
      %reduce_sum3A_3016 = tpu.scan <sum>, %select_n3A_3013 masked %reduce_sum3A_3015 : vector<16xi32>, vector<16xi1> -> vector<16xi32>
      %reduce_sum3A_3017 = vector.extract %reduce_sum3A_3016[15] : i32 from vector<16xi32>
      %broadcast_in_dim3A_3018 = vector.broadcast %reduce_sum3A_3017 : i32 to vector<16xi32>
      %select_n3A_3019 = arith.select %eq3A_3007, %broadcast_in_dim3A_3018, %select_n3A_2978 : vector<16xi1>, vector<16xi32>
      %eq3A_3020 = arith.constant 5 : i32
      %eq3A_3021 = vector.broadcast %eq3A_3020 : i32 to vector<16xi32>
      %eq3A_3022 = arith.cmpi eq, %iota3A, %eq3A_3021 : vector<16xi32>
      %jit3A_3023 = arith.constant 0 : i32
      %broadcast_in_dim3A_3024 = vector.broadcast %jit3A_3023 : i32 to vector<16xi32>
      %select_n3A_3025 = arith.select %eq3A_3022, %cumsum3A_309, %broadcast_in_dim3A_3024 : vector<16xi1>, vector<16xi32>
      %reduce_sum3A_3026 = arith.constant true
      %reduce_sum3A_3027 = vector.broadcast %reduce_sum3A_3026 : i1 to vector<16xi1>
      %reduce_sum3A_3028 = tpu.scan <sum>, %select_n3A_3025 masked %reduce_sum3A_3027 : vector<16xi32>, vector<16xi1> -> vector<16xi32>
      %reduce_sum3A_3029 = vector.extract %reduce_sum3A_3028[15] : i32 from vector<16xi32>
      %broadcast_in_dim3A_3030 = vector.broadcast %reduce_sum3A_3029 : i32 to vector<16xi32>
      %select_n3A_3031 = arith.select %eq3A_3007, %broadcast_in_dim3A_3030, %select_n3A_2990 : vector<16xi1>, vector<16xi32>
      %eq3A_3032 = arith.constant 5 : i32
      %eq3A_3033 = vector.broadcast %eq3A_3032 : i32 to vector<16xi32>
      %eq3A_3034 = arith.cmpi eq, %iota3A, %eq3A_3033 : vector<16xi32>
      %sub3A_3035 = arith.subi %cumsum3A_2634, %select_n3A_2631 : vector<16xi32>
      %jit3A_3036 = arith.constant 0 : i32
      %broadcast_in_dim3A_3037 = vector.broadcast %jit3A_3036 : i32 to vector<16xi32>
      %select_n3A_3038 = arith.select %eq3A_3034, %sub3A_3035, %broadcast_in_dim3A_3037 : vector<16xi1>, vector<16xi32>
      %reduce_sum3A_3039 = arith.constant true
      %reduce_sum3A_3040 = vector.broadcast %reduce_sum3A_3039 : i1 to vector<16xi1>
      %reduce_sum3A_3041 = tpu.scan <sum>, %select_n3A_3038 masked %reduce_sum3A_3040 : vector<16xi32>, vector<16xi1> -> vector<16xi32>
      %reduce_sum3A_3042 = vector.extract %reduce_sum3A_3041[15] : i32 from vector<16xi32>
      %sub3A_3043 = vector.broadcast %reduce_sum3A_3042 : i32 to vector<16xi32>
      %sub3A_3044 = arith.subi %iota3A_2635, %sub3A_3043 : vector<16xi32>
      %select_n3A_3045 = arith.select %eq3A_3007, %sub3A_3044, %select_n3A_3004 : vector<16xi1>, vector<16xi32>
      %eq3A_3046 = arith.constant 6 : i32
      %eq3A_3047 = vector.broadcast %eq3A_3046 : i32 to vector<16xi32>
      %eq3A_3048 = arith.cmpi eq, %min3A_2799, %eq3A_3047 : vector<16xi32>
      %eq3A_3049 = arith.constant 6 : i32
      %eq3A_3050 = vector.broadcast %eq3A_3049 : i32 to vector<16xi32>
      %eq3A_3051 = arith.cmpi eq, %iota3A, %eq3A_3050 : vector<16xi32>
      %jit3A_3052 = arith.constant 0 : i32
      %broadcast_in_dim3A_3053 = vector.broadcast %jit3A_3052 : i32 to vector<16xi32>
      %select_n3A_3054 = arith.select %eq3A_3051, %sub3A, %broadcast_in_dim3A_3053 : vector<16xi1>, vector<16xi32>
      %reduce_sum3A_3055 = arith.constant true
      %reduce_sum3A_3056 = vector.broadcast %reduce_sum3A_3055 : i1 to vector<16xi1>
      %reduce_sum3A_3057 = tpu.scan <sum>, %select_n3A_3054 masked %reduce_sum3A_3056 : vector<16xi32>, vector<16xi1> -> vector<16xi32>
      %reduce_sum3A_3058 = vector.extract %reduce_sum3A_3057[15] : i32 from vector<16xi32>
      %broadcast_in_dim3A_3059 = vector.broadcast %reduce_sum3A_3058 : i32 to vector<16xi32>
      %select_n3A_3060 = arith.select %eq3A_3048, %broadcast_in_dim3A_3059, %select_n3A_3019 : vector<16xi1>, vector<16xi32>
      %eq3A_3061 = arith.constant 6 : i32
      %eq3A_3062 = vector.broadcast %eq3A_3061 : i32 to vector<16xi32>
      %eq3A_3063 = arith.cmpi eq, %iota3A, %eq3A_3062 : vector<16xi32>
      %jit3A_3064 = arith.constant 0 : i32
      %broadcast_in_dim3A_3065 = vector.broadcast %jit3A_3064 : i32 to vector<16xi32>
      %select_n3A_3066 = arith.select %eq3A_3063, %cumsum3A_309, %broadcast_in_dim3A_3065 : vector<16xi1>, vector<16xi32>
      %reduce_sum3A_3067 = arith.constant true
      %reduce_sum3A_3068 = vector.broadcast %reduce_sum3A_3067 : i1 to vector<16xi1>
      %reduce_sum3A_3069 = tpu.scan <sum>, %select_n3A_3066 masked %reduce_sum3A_3068 : vector<16xi32>, vector<16xi1> -> vector<16xi32>
      %reduce_sum3A_3070 = vector.extract %reduce_sum3A_3069[15] : i32 from vector<16xi32>
      %broadcast_in_dim3A_3071 = vector.broadcast %reduce_sum3A_3070 : i32 to vector<16xi32>
      %select_n3A_3072 = arith.select %eq3A_3048, %broadcast_in_dim3A_3071, %select_n3A_3031 : vector<16xi1>, vector<16xi32>
      %eq3A_3073 = arith.constant 6 : i32
      %eq3A_3074 = vector.broadcast %eq3A_3073 : i32 to vector<16xi32>
      %eq3A_3075 = arith.cmpi eq, %iota3A, %eq3A_3074 : vector<16xi32>
      %sub3A_3076 = arith.subi %cumsum3A_2634, %select_n3A_2631 : vector<16xi32>
      %jit3A_3077 = arith.constant 0 : i32
      %broadcast_in_dim3A_3078 = vector.broadcast %jit3A_3077 : i32 to vector<16xi32>
      %select_n3A_3079 = arith.select %eq3A_3075, %sub3A_3076, %broadcast_in_dim3A_3078 : vector<16xi1>, vector<16xi32>
      %reduce_sum3A_3080 = arith.constant true
      %reduce_sum3A_3081 = vector.broadcast %reduce_sum3A_3080 : i1 to vector<16xi1>
      %reduce_sum3A_3082 = tpu.scan <sum>, %select_n3A_3079 masked %reduce_sum3A_3081 : vector<16xi32>, vector<16xi1> -> vector<16xi32>
      %reduce_sum3A_3083 = vector.extract %reduce_sum3A_3082[15] : i32 from vector<16xi32>
      %sub3A_3084 = vector.broadcast %reduce_sum3A_3083 : i32 to vector<16xi32>
      %sub3A_3085 = arith.subi %iota3A_2635, %sub3A_3084 : vector<16xi32>
      %select_n3A_3086 = arith.select %eq3A_3048, %sub3A_3085, %select_n3A_3045 : vector<16xi1>, vector<16xi32>
      %eq3A_3087 = arith.constant 7 : i32
      %eq3A_3088 = vector.broadcast %eq3A_3087 : i32 to vector<16xi32>
      %eq3A_3089 = arith.cmpi eq, %min3A_2799, %eq3A_3088 : vector<16xi32>
      %eq3A_3090 = arith.constant 7 : i32
      %eq3A_3091 = vector.broadcast %eq3A_3090 : i32 to vector<16xi32>
      %eq3A_3092 = arith.cmpi eq, %iota3A, %eq3A_3091 : vector<16xi32>
      %jit3A_3093 = arith.constant 0 : i32
      %broadcast_in_dim3A_3094 = vector.broadcast %jit3A_3093 : i32 to vector<16xi32>
      %select_n3A_3095 = arith.select %eq3A_3092, %sub3A, %broadcast_in_dim3A_3094 : vector<16xi1>, vector<16xi32>
      %reduce_sum3A_3096 = arith.constant true
      %reduce_sum3A_3097 = vector.broadcast %reduce_sum3A_3096 : i1 to vector<16xi1>
      %reduce_sum3A_3098 = tpu.scan <sum>, %select_n3A_3095 masked %reduce_sum3A_3097 : vector<16xi32>, vector<16xi1> -> vector<16xi32>
      %reduce_sum3A_3099 = vector.extract %reduce_sum3A_3098[15] : i32 from vector<16xi32>
      %broadcast_in_dim3A_3100 = vector.broadcast %reduce_sum3A_3099 : i32 to vector<16xi32>
      %select_n3A_3101 = arith.select %eq3A_3089, %broadcast_in_dim3A_3100, %select_n3A_3060 : vector<16xi1>, vector<16xi32>
      %eq3A_3102 = arith.constant 7 : i32
      %eq3A_3103 = vector.broadcast %eq3A_3102 : i32 to vector<16xi32>
      %eq3A_3104 = arith.cmpi eq, %iota3A, %eq3A_3103 : vector<16xi32>
      %jit3A_3105 = arith.constant 0 : i32
      %broadcast_in_dim3A_3106 = vector.broadcast %jit3A_3105 : i32 to vector<16xi32>
      %select_n3A_3107 = arith.select %eq3A_3104, %cumsum3A_309, %broadcast_in_dim3A_3106 : vector<16xi1>, vector<16xi32>
      %reduce_sum3A_3108 = arith.constant true
      %reduce_sum3A_3109 = vector.broadcast %reduce_sum3A_3108 : i1 to vector<16xi1>
      %reduce_sum3A_3110 = tpu.scan <sum>, %select_n3A_3107 masked %reduce_sum3A_3109 : vector<16xi32>, vector<16xi1> -> vector<16xi32>
      %reduce_sum3A_3111 = vector.extract %reduce_sum3A_3110[15] : i32 from vector<16xi32>
      %broadcast_in_dim3A_3112 = vector.broadcast %reduce_sum3A_3111 : i32 to vector<16xi32>
      %select_n3A_3113 = arith.select %eq3A_3089, %broadcast_in_dim3A_3112, %select_n3A_3072 : vector<16xi1>, vector<16xi32>
      %eq3A_3114 = arith.constant 7 : i32
      %eq3A_3115 = vector.broadcast %eq3A_3114 : i32 to vector<16xi32>
      %eq3A_3116 = arith.cmpi eq, %iota3A, %eq3A_3115 : vector<16xi32>
      %sub3A_3117 = arith.subi %cumsum3A_2634, %select_n3A_2631 : vector<16xi32>
      %jit3A_3118 = arith.constant 0 : i32
      %broadcast_in_dim3A_3119 = vector.broadcast %jit3A_3118 : i32 to vector<16xi32>
      %select_n3A_3120 = arith.select %eq3A_3116, %sub3A_3117, %broadcast_in_dim3A_3119 : vector<16xi1>, vector<16xi32>
      %reduce_sum3A_3121 = arith.constant true
      %reduce_sum3A_3122 = vector.broadcast %reduce_sum3A_3121 : i1 to vector<16xi1>
      %reduce_sum3A_3123 = tpu.scan <sum>, %select_n3A_3120 masked %reduce_sum3A_3122 : vector<16xi32>, vector<16xi1> -> vector<16xi32>
      %reduce_sum3A_3124 = vector.extract %reduce_sum3A_3123[15] : i32 from vector<16xi32>
      %sub3A_3125 = vector.broadcast %reduce_sum3A_3124 : i32 to vector<16xi32>
      %sub3A_3126 = arith.subi %iota3A_2635, %sub3A_3125 : vector<16xi32>
      %select_n3A_3127 = arith.select %eq3A_3089, %sub3A_3126, %select_n3A_3086 : vector<16xi1>, vector<16xi32>
      %shift_right_arithmetic3A_3128 = arith.constant 9 : i32
      %shift_right_arithmetic3A_3129 = vector.broadcast %shift_right_arithmetic3A_3128 : i32 to vector<16xi32>
      %shift_right_arithmetic3A_3130 = arith.shrsi %select_n3A_3101, %shift_right_arithmetic3A_3129 : vector<16xi32>
      %add3A_3131 = arith.addi %shift_right_arithmetic3A_3130, %select_n3A_3127 : vector<16xi32>
      %sub3A_3132 = arith.constant 1 : i32
      %sub3A_3133 = vector.broadcast %sub3A_3132 : i32 to vector<16xi32>
      %sub3A_3134 = arith.subi %iota3A_2635, %sub3A_3133 : vector<16xi32>
      %max3A = arith.constant 0 : i32
      %max3A_3135 = vector.broadcast %max3A : i32 to vector<16xi32>
      %max3A_3136 = arith.maxsi %sub3A_3134, %max3A_3135 : vector<16xi32>
      %broadcast_in_dim3A_3137 = arith.constant 0 : i32
      %broadcast_in_dim3A_3138 = vector.broadcast %broadcast_in_dim3A_3137 : i32 to vector<16xi32>
      %broadcast_in_dim3A_3139 = arith.constant 0 : i32
      %broadcast_in_dim3A_3140 = vector.broadcast %broadcast_in_dim3A_3139 : i32 to vector<16xi32>
      %broadcast_in_dim3A_3141 = arith.constant 0 : i32
      %broadcast_in_dim3A_3142 = vector.broadcast %broadcast_in_dim3A_3141 : i32 to vector<16xi32>
      %broadcast_in_dim3A_3143 = arith.constant 0 : i32
      %broadcast_in_dim3A_3144 = vector.broadcast %broadcast_in_dim3A_3143 : i32 to vector<16xi32>
      %eq3A_3145 = arith.constant 0 : i32
      %eq3A_3146 = vector.broadcast %eq3A_3145 : i32 to vector<16xi32>
      %eq3A_3147 = arith.cmpi eq, %iota3A, %eq3A_3146 : vector<16xi32>
      %jit3A_3148 = arith.constant 0 : i32
      %broadcast_in_dim3A_3149 = vector.broadcast %jit3A_3148 : i32 to vector<16xi32>
      %select_n3A_3150 = arith.select %eq3A_3147, %cumsum3A_2634, %broadcast_in_dim3A_3149 : vector<16xi1>, vector<16xi32>
      %reduce_sum3A_3151 = arith.constant true
      %reduce_sum3A_3152 = vector.broadcast %reduce_sum3A_3151 : i1 to vector<16xi1>
      %reduce_sum3A_3153 = tpu.scan <sum>, %select_n3A_3150 masked %reduce_sum3A_3152 : vector<16xi32>, vector<16xi1> -> vector<16xi32>
      %reduce_sum3A_3154 = vector.extract %reduce_sum3A_3153[15] : i32 from vector<16xi32>
      %lt3A_3155 = vector.broadcast %reduce_sum3A_3154 : i32 to vector<16xi32>
      %lt3A_3156 = arith.cmpi slt, %max3A_3136, %lt3A_3155 : vector<16xi32>
      %jit3A_3157 = arith.constant 0 : i32
      %jit3A_3158 = arith.constant 1 : i32
      %broadcast_in_dim3A_3159 = vector.broadcast %jit3A_3157 : i32 to vector<16xi32>
      %broadcast_in_dim3A_3160 = vector.broadcast %jit3A_3158 : i32 to vector<16xi32>
      %select_n3A_3161 = arith.select %lt3A_3156, %broadcast_in_dim3A_3159, %broadcast_in_dim3A_3160 : vector<16xi1>, vector<16xi32>
      %add3A_3162 = arith.addi %broadcast_in_dim3A_3138, %select_n3A_3161 : vector<16xi32>
      %eq3A_3163 = arith.constant 1 : i32
      %eq3A_3164 = vector.broadcast %eq3A_3163 : i32 to vector<16xi32>
      %eq3A_3165 = arith.cmpi eq, %iota3A, %eq3A_3164 : vector<16xi32>
      %jit3A_3166 = arith.constant 0 : i32
      %broadcast_in_dim3A_3167 = vector.broadcast %jit3A_3166 : i32 to vector<16xi32>
      %select_n3A_3168 = arith.select %eq3A_3165, %cumsum3A_2634, %broadcast_in_dim3A_3167 : vector<16xi1>, vector<16xi32>
      %reduce_sum3A_3169 = arith.constant true
      %reduce_sum3A_3170 = vector.broadcast %reduce_sum3A_3169 : i1 to vector<16xi1>
      %reduce_sum3A_3171 = tpu.scan <sum>, %select_n3A_3168 masked %reduce_sum3A_3170 : vector<16xi32>, vector<16xi1> -> vector<16xi32>
      %reduce_sum3A_3172 = vector.extract %reduce_sum3A_3171[15] : i32 from vector<16xi32>
      %lt3A_3173 = vector.broadcast %reduce_sum3A_3172 : i32 to vector<16xi32>
      %lt3A_3174 = arith.cmpi slt, %max3A_3136, %lt3A_3173 : vector<16xi32>
      %jit3A_3175 = arith.constant 0 : i32
      %jit3A_3176 = arith.constant 1 : i32
      %broadcast_in_dim3A_3177 = vector.broadcast %jit3A_3175 : i32 to vector<16xi32>
      %broadcast_in_dim3A_3178 = vector.broadcast %jit3A_3176 : i32 to vector<16xi32>
      %select_n3A_3179 = arith.select %lt3A_3174, %broadcast_in_dim3A_3177, %broadcast_in_dim3A_3178 : vector<16xi1>, vector<16xi32>
      %add3A_3180 = arith.addi %add3A_3162, %select_n3A_3179 : vector<16xi32>
      %eq3A_3181 = arith.constant 2 : i32
      %eq3A_3182 = vector.broadcast %eq3A_3181 : i32 to vector<16xi32>
      %eq3A_3183 = arith.cmpi eq, %iota3A, %eq3A_3182 : vector<16xi32>
      %jit3A_3184 = arith.constant 0 : i32
      %broadcast_in_dim3A_3185 = vector.broadcast %jit3A_3184 : i32 to vector<16xi32>
      %select_n3A_3186 = arith.select %eq3A_3183, %cumsum3A_2634, %broadcast_in_dim3A_3185 : vector<16xi1>, vector<16xi32>
      %reduce_sum3A_3187 = arith.constant true
      %reduce_sum3A_3188 = vector.broadcast %reduce_sum3A_3187 : i1 to vector<16xi1>
      %reduce_sum3A_3189 = tpu.scan <sum>, %select_n3A_3186 masked %reduce_sum3A_3188 : vector<16xi32>, vector<16xi1> -> vector<16xi32>
      %reduce_sum3A_3190 = vector.extract %reduce_sum3A_3189[15] : i32 from vector<16xi32>
      %lt3A_3191 = vector.broadcast %reduce_sum3A_3190 : i32 to vector<16xi32>
      %lt3A_3192 = arith.cmpi slt, %max3A_3136, %lt3A_3191 : vector<16xi32>
      %jit3A_3193 = arith.constant 0 : i32
      %jit3A_3194 = arith.constant 1 : i32
      %broadcast_in_dim3A_3195 = vector.broadcast %jit3A_3193 : i32 to vector<16xi32>
      %broadcast_in_dim3A_3196 = vector.broadcast %jit3A_3194 : i32 to vector<16xi32>
      %select_n3A_3197 = arith.select %lt3A_3192, %broadcast_in_dim3A_3195, %broadcast_in_dim3A_3196 : vector<16xi1>, vector<16xi32>
      %add3A_3198 = arith.addi %add3A_3180, %select_n3A_3197 : vector<16xi32>
      %eq3A_3199 = arith.constant 3 : i32
      %eq3A_3200 = vector.broadcast %eq3A_3199 : i32 to vector<16xi32>
      %eq3A_3201 = arith.cmpi eq, %iota3A, %eq3A_3200 : vector<16xi32>
      %jit3A_3202 = arith.constant 0 : i32
      %broadcast_in_dim3A_3203 = vector.broadcast %jit3A_3202 : i32 to vector<16xi32>
      %select_n3A_3204 = arith.select %eq3A_3201, %cumsum3A_2634, %broadcast_in_dim3A_3203 : vector<16xi1>, vector<16xi32>
      %reduce_sum3A_3205 = arith.constant true
      %reduce_sum3A_3206 = vector.broadcast %reduce_sum3A_3205 : i1 to vector<16xi1>
      %reduce_sum3A_3207 = tpu.scan <sum>, %select_n3A_3204 masked %reduce_sum3A_3206 : vector<16xi32>, vector<16xi1> -> vector<16xi32>
      %reduce_sum3A_3208 = vector.extract %reduce_sum3A_3207[15] : i32 from vector<16xi32>
      %lt3A_3209 = vector.broadcast %reduce_sum3A_3208 : i32 to vector<16xi32>
      %lt3A_3210 = arith.cmpi slt, %max3A_3136, %lt3A_3209 : vector<16xi32>
      %jit3A_3211 = arith.constant 0 : i32
      %jit3A_3212 = arith.constant 1 : i32
      %broadcast_in_dim3A_3213 = vector.broadcast %jit3A_3211 : i32 to vector<16xi32>
      %broadcast_in_dim3A_3214 = vector.broadcast %jit3A_3212 : i32 to vector<16xi32>
      %select_n3A_3215 = arith.select %lt3A_3210, %broadcast_in_dim3A_3213, %broadcast_in_dim3A_3214 : vector<16xi1>, vector<16xi32>
      %add3A_3216 = arith.addi %add3A_3198, %select_n3A_3215 : vector<16xi32>
      %eq3A_3217 = arith.constant 4 : i32
      %eq3A_3218 = vector.broadcast %eq3A_3217 : i32 to vector<16xi32>
      %eq3A_3219 = arith.cmpi eq, %iota3A, %eq3A_3218 : vector<16xi32>
      %jit3A_3220 = arith.constant 0 : i32
      %broadcast_in_dim3A_3221 = vector.broadcast %jit3A_3220 : i32 to vector<16xi32>
      %select_n3A_3222 = arith.select %eq3A_3219, %cumsum3A_2634, %broadcast_in_dim3A_3221 : vector<16xi1>, vector<16xi32>
      %reduce_sum3A_3223 = arith.constant true
      %reduce_sum3A_3224 = vector.broadcast %reduce_sum3A_3223 : i1 to vector<16xi1>
      %reduce_sum3A_3225 = tpu.scan <sum>, %select_n3A_3222 masked %reduce_sum3A_3224 : vector<16xi32>, vector<16xi1> -> vector<16xi32>
      %reduce_sum3A_3226 = vector.extract %reduce_sum3A_3225[15] : i32 from vector<16xi32>
      %lt3A_3227 = vector.broadcast %reduce_sum3A_3226 : i32 to vector<16xi32>
      %lt3A_3228 = arith.cmpi slt, %max3A_3136, %lt3A_3227 : vector<16xi32>
      %jit3A_3229 = arith.constant 0 : i32
      %jit3A_3230 = arith.constant 1 : i32
      %broadcast_in_dim3A_3231 = vector.broadcast %jit3A_3229 : i32 to vector<16xi32>
      %broadcast_in_dim3A_3232 = vector.broadcast %jit3A_3230 : i32 to vector<16xi32>
      %select_n3A_3233 = arith.select %lt3A_3228, %broadcast_in_dim3A_3231, %broadcast_in_dim3A_3232 : vector<16xi1>, vector<16xi32>
      %add3A_3234 = arith.addi %add3A_3216, %select_n3A_3233 : vector<16xi32>
      %eq3A_3235 = arith.constant 5 : i32
      %eq3A_3236 = vector.broadcast %eq3A_3235 : i32 to vector<16xi32>
      %eq3A_3237 = arith.cmpi eq, %iota3A, %eq3A_3236 : vector<16xi32>
      %jit3A_3238 = arith.constant 0 : i32
      %broadcast_in_dim3A_3239 = vector.broadcast %jit3A_3238 : i32 to vector<16xi32>
      %select_n3A_3240 = arith.select %eq3A_3237, %cumsum3A_2634, %broadcast_in_dim3A_3239 : vector<16xi1>, vector<16xi32>
      %reduce_sum3A_3241 = arith.constant true
      %reduce_sum3A_3242 = vector.broadcast %reduce_sum3A_3241 : i1 to vector<16xi1>
      %reduce_sum3A_3243 = tpu.scan <sum>, %select_n3A_3240 masked %reduce_sum3A_3242 : vector<16xi32>, vector<16xi1> -> vector<16xi32>
      %reduce_sum3A_3244 = vector.extract %reduce_sum3A_3243[15] : i32 from vector<16xi32>
      %lt3A_3245 = vector.broadcast %reduce_sum3A_3244 : i32 to vector<16xi32>
      %lt3A_3246 = arith.cmpi slt, %max3A_3136, %lt3A_3245 : vector<16xi32>
      %jit3A_3247 = arith.constant 0 : i32
      %jit3A_3248 = arith.constant 1 : i32
      %broadcast_in_dim3A_3249 = vector.broadcast %jit3A_3247 : i32 to vector<16xi32>
      %broadcast_in_dim3A_3250 = vector.broadcast %jit3A_3248 : i32 to vector<16xi32>
      %select_n3A_3251 = arith.select %lt3A_3246, %broadcast_in_dim3A_3249, %broadcast_in_dim3A_3250 : vector<16xi1>, vector<16xi32>
      %add3A_3252 = arith.addi %add3A_3234, %select_n3A_3251 : vector<16xi32>
      %eq3A_3253 = arith.constant 6 : i32
      %eq3A_3254 = vector.broadcast %eq3A_3253 : i32 to vector<16xi32>
      %eq3A_3255 = arith.cmpi eq, %iota3A, %eq3A_3254 : vector<16xi32>
      %jit3A_3256 = arith.constant 0 : i32
      %broadcast_in_dim3A_3257 = vector.broadcast %jit3A_3256 : i32 to vector<16xi32>
      %select_n3A_3258 = arith.select %eq3A_3255, %cumsum3A_2634, %broadcast_in_dim3A_3257 : vector<16xi1>, vector<16xi32>
      %reduce_sum3A_3259 = arith.constant true
      %reduce_sum3A_3260 = vector.broadcast %reduce_sum3A_3259 : i1 to vector<16xi1>
      %reduce_sum3A_3261 = tpu.scan <sum>, %select_n3A_3258 masked %reduce_sum3A_3260 : vector<16xi32>, vector<16xi1> -> vector<16xi32>
      %reduce_sum3A_3262 = vector.extract %reduce_sum3A_3261[15] : i32 from vector<16xi32>
      %lt3A_3263 = vector.broadcast %reduce_sum3A_3262 : i32 to vector<16xi32>
      %lt3A_3264 = arith.cmpi slt, %max3A_3136, %lt3A_3263 : vector<16xi32>
      %jit3A_3265 = arith.constant 0 : i32
      %jit3A_3266 = arith.constant 1 : i32
      %broadcast_in_dim3A_3267 = vector.broadcast %jit3A_3265 : i32 to vector<16xi32>
      %broadcast_in_dim3A_3268 = vector.broadcast %jit3A_3266 : i32 to vector<16xi32>
      %select_n3A_3269 = arith.select %lt3A_3264, %broadcast_in_dim3A_3267, %broadcast_in_dim3A_3268 : vector<16xi1>, vector<16xi32>
      %add3A_3270 = arith.addi %add3A_3252, %select_n3A_3269 : vector<16xi32>
      %eq3A_3271 = arith.constant 7 : i32
      %eq3A_3272 = vector.broadcast %eq3A_3271 : i32 to vector<16xi32>
      %eq3A_3273 = arith.cmpi eq, %iota3A, %eq3A_3272 : vector<16xi32>
      %jit3A_3274 = arith.constant 0 : i32
      %broadcast_in_dim3A_3275 = vector.broadcast %jit3A_3274 : i32 to vector<16xi32>
      %select_n3A_3276 = arith.select %eq3A_3273, %cumsum3A_2634, %broadcast_in_dim3A_3275 : vector<16xi1>, vector<16xi32>
      %reduce_sum3A_3277 = arith.constant true
      %reduce_sum3A_3278 = vector.broadcast %reduce_sum3A_3277 : i1 to vector<16xi1>
      %reduce_sum3A_3279 = tpu.scan <sum>, %select_n3A_3276 masked %reduce_sum3A_3278 : vector<16xi32>, vector<16xi1> -> vector<16xi32>
      %reduce_sum3A_3280 = vector.extract %reduce_sum3A_3279[15] : i32 from vector<16xi32>
      %lt3A_3281 = vector.broadcast %reduce_sum3A_3280 : i32 to vector<16xi32>
      %lt3A_3282 = arith.cmpi slt, %max3A_3136, %lt3A_3281 : vector<16xi32>
      %jit3A_3283 = arith.constant 0 : i32
      %jit3A_3284 = arith.constant 1 : i32
      %broadcast_in_dim3A_3285 = vector.broadcast %jit3A_3283 : i32 to vector<16xi32>
      %broadcast_in_dim3A_3286 = vector.broadcast %jit3A_3284 : i32 to vector<16xi32>
      %select_n3A_3287 = arith.select %lt3A_3282, %broadcast_in_dim3A_3285, %broadcast_in_dim3A_3286 : vector<16xi1>, vector<16xi32>
      %add3A_3288 = arith.addi %add3A_3270, %select_n3A_3287 : vector<16xi32>
      %min3A_3289 = arith.constant 7 : i32
      %min3A_3290 = vector.broadcast %min3A_3289 : i32 to vector<16xi32>
      %min3A_3291 = arith.minsi %add3A_3288, %min3A_3290 : vector<16xi32>
      %eq3A_3292 = arith.constant 0 : i32
      %eq3A_3293 = vector.broadcast %eq3A_3292 : i32 to vector<16xi32>
      %eq3A_3294 = arith.cmpi eq, %min3A_3291, %eq3A_3293 : vector<16xi32>
      %eq3A_3295 = arith.constant 0 : i32
      %eq3A_3296 = vector.broadcast %eq3A_3295 : i32 to vector<16xi32>
      %eq3A_3297 = arith.cmpi eq, %iota3A, %eq3A_3296 : vector<16xi32>
      %jit3A_3298 = arith.constant 0 : i32
      %broadcast_in_dim3A_3299 = vector.broadcast %jit3A_3298 : i32 to vector<16xi32>
      %select_n3A_3300 = arith.select %eq3A_3297, %sub3A, %broadcast_in_dim3A_3299 : vector<16xi1>, vector<16xi32>
      %reduce_sum3A_3301 = arith.constant true
      %reduce_sum3A_3302 = vector.broadcast %reduce_sum3A_3301 : i1 to vector<16xi1>
      %reduce_sum3A_3303 = tpu.scan <sum>, %select_n3A_3300 masked %reduce_sum3A_3302 : vector<16xi32>, vector<16xi1> -> vector<16xi32>
      %reduce_sum3A_3304 = vector.extract %reduce_sum3A_3303[15] : i32 from vector<16xi32>
      %broadcast_in_dim3A_3305 = vector.broadcast %reduce_sum3A_3304 : i32 to vector<16xi32>
      %select_n3A_3306 = arith.select %eq3A_3294, %broadcast_in_dim3A_3305, %broadcast_in_dim3A_3140 : vector<16xi1>, vector<16xi32>
      %eq3A_3307 = arith.constant 0 : i32
      %eq3A_3308 = vector.broadcast %eq3A_3307 : i32 to vector<16xi32>
      %eq3A_3309 = arith.cmpi eq, %iota3A, %eq3A_3308 : vector<16xi32>
      %jit3A_3310 = arith.constant 0 : i32
      %broadcast_in_dim3A_3311 = vector.broadcast %jit3A_3310 : i32 to vector<16xi32>
      %select_n3A_3312 = arith.select %eq3A_3309, %cumsum3A_309, %broadcast_in_dim3A_3311 : vector<16xi1>, vector<16xi32>
      %reduce_sum3A_3313 = arith.constant true
      %reduce_sum3A_3314 = vector.broadcast %reduce_sum3A_3313 : i1 to vector<16xi1>
      %reduce_sum3A_3315 = tpu.scan <sum>, %select_n3A_3312 masked %reduce_sum3A_3314 : vector<16xi32>, vector<16xi1> -> vector<16xi32>
      %reduce_sum3A_3316 = vector.extract %reduce_sum3A_3315[15] : i32 from vector<16xi32>
      %broadcast_in_dim3A_3317 = vector.broadcast %reduce_sum3A_3316 : i32 to vector<16xi32>
      %select_n3A_3318 = arith.select %eq3A_3294, %broadcast_in_dim3A_3317, %broadcast_in_dim3A_3142 : vector<16xi1>, vector<16xi32>
      %eq3A_3319 = arith.constant 0 : i32
      %eq3A_3320 = vector.broadcast %eq3A_3319 : i32 to vector<16xi32>
      %eq3A_3321 = arith.cmpi eq, %iota3A, %eq3A_3320 : vector<16xi32>
      %sub3A_3322 = arith.subi %cumsum3A_2634, %select_n3A_2631 : vector<16xi32>
      %jit3A_3323 = arith.constant 0 : i32
      %broadcast_in_dim3A_3324 = vector.broadcast %jit3A_3323 : i32 to vector<16xi32>
      %select_n3A_3325 = arith.select %eq3A_3321, %sub3A_3322, %broadcast_in_dim3A_3324 : vector<16xi1>, vector<16xi32>
      %reduce_sum3A_3326 = arith.constant true
      %reduce_sum3A_3327 = vector.broadcast %reduce_sum3A_3326 : i1 to vector<16xi1>
      %reduce_sum3A_3328 = tpu.scan <sum>, %select_n3A_3325 masked %reduce_sum3A_3327 : vector<16xi32>, vector<16xi1> -> vector<16xi32>
      %reduce_sum3A_3329 = vector.extract %reduce_sum3A_3328[15] : i32 from vector<16xi32>
      %sub3A_3330 = vector.broadcast %reduce_sum3A_3329 : i32 to vector<16xi32>
      %sub3A_3331 = arith.subi %max3A_3136, %sub3A_3330 : vector<16xi32>
      %select_n3A_3332 = arith.select %eq3A_3294, %sub3A_3331, %broadcast_in_dim3A_3144 : vector<16xi1>, vector<16xi32>
      %eq3A_3333 = arith.constant 1 : i32
      %eq3A_3334 = vector.broadcast %eq3A_3333 : i32 to vector<16xi32>
      %eq3A_3335 = arith.cmpi eq, %min3A_3291, %eq3A_3334 : vector<16xi32>
      %eq3A_3336 = arith.constant 1 : i32
      %eq3A_3337 = vector.broadcast %eq3A_3336 : i32 to vector<16xi32>
      %eq3A_3338 = arith.cmpi eq, %iota3A, %eq3A_3337 : vector<16xi32>
      %jit3A_3339 = arith.constant 0 : i32
      %broadcast_in_dim3A_3340 = vector.broadcast %jit3A_3339 : i32 to vector<16xi32>
      %select_n3A_3341 = arith.select %eq3A_3338, %sub3A, %broadcast_in_dim3A_3340 : vector<16xi1>, vector<16xi32>
      %reduce_sum3A_3342 = arith.constant true
      %reduce_sum3A_3343 = vector.broadcast %reduce_sum3A_3342 : i1 to vector<16xi1>
      %reduce_sum3A_3344 = tpu.scan <sum>, %select_n3A_3341 masked %reduce_sum3A_3343 : vector<16xi32>, vector<16xi1> -> vector<16xi32>
      %reduce_sum3A_3345 = vector.extract %reduce_sum3A_3344[15] : i32 from vector<16xi32>
      %broadcast_in_dim3A_3346 = vector.broadcast %reduce_sum3A_3345 : i32 to vector<16xi32>
      %select_n3A_3347 = arith.select %eq3A_3335, %broadcast_in_dim3A_3346, %select_n3A_3306 : vector<16xi1>, vector<16xi32>
      %eq3A_3348 = arith.constant 1 : i32
      %eq3A_3349 = vector.broadcast %eq3A_3348 : i32 to vector<16xi32>
      %eq3A_3350 = arith.cmpi eq, %iota3A, %eq3A_3349 : vector<16xi32>
      %jit3A_3351 = arith.constant 0 : i32
      %broadcast_in_dim3A_3352 = vector.broadcast %jit3A_3351 : i32 to vector<16xi32>
      %select_n3A_3353 = arith.select %eq3A_3350, %cumsum3A_309, %broadcast_in_dim3A_3352 : vector<16xi1>, vector<16xi32>
      %reduce_sum3A_3354 = arith.constant true
      %reduce_sum3A_3355 = vector.broadcast %reduce_sum3A_3354 : i1 to vector<16xi1>
      %reduce_sum3A_3356 = tpu.scan <sum>, %select_n3A_3353 masked %reduce_sum3A_3355 : vector<16xi32>, vector<16xi1> -> vector<16xi32>
      %reduce_sum3A_3357 = vector.extract %reduce_sum3A_3356[15] : i32 from vector<16xi32>
      %broadcast_in_dim3A_3358 = vector.broadcast %reduce_sum3A_3357 : i32 to vector<16xi32>
      %select_n3A_3359 = arith.select %eq3A_3335, %broadcast_in_dim3A_3358, %select_n3A_3318 : vector<16xi1>, vector<16xi32>
      %eq3A_3360 = arith.constant 1 : i32
      %eq3A_3361 = vector.broadcast %eq3A_3360 : i32 to vector<16xi32>
      %eq3A_3362 = arith.cmpi eq, %iota3A, %eq3A_3361 : vector<16xi32>
      %sub3A_3363 = arith.subi %cumsum3A_2634, %select_n3A_2631 : vector<16xi32>
      %jit3A_3364 = arith.constant 0 : i32
      %broadcast_in_dim3A_3365 = vector.broadcast %jit3A_3364 : i32 to vector<16xi32>
      %select_n3A_3366 = arith.select %eq3A_3362, %sub3A_3363, %broadcast_in_dim3A_3365 : vector<16xi1>, vector<16xi32>
      %reduce_sum3A_3367 = arith.constant true
      %reduce_sum3A_3368 = vector.broadcast %reduce_sum3A_3367 : i1 to vector<16xi1>
      %reduce_sum3A_3369 = tpu.scan <sum>, %select_n3A_3366 masked %reduce_sum3A_3368 : vector<16xi32>, vector<16xi1> -> vector<16xi32>
      %reduce_sum3A_3370 = vector.extract %reduce_sum3A_3369[15] : i32 from vector<16xi32>
      %sub3A_3371 = vector.broadcast %reduce_sum3A_3370 : i32 to vector<16xi32>
      %sub3A_3372 = arith.subi %max3A_3136, %sub3A_3371 : vector<16xi32>
      %select_n3A_3373 = arith.select %eq3A_3335, %sub3A_3372, %select_n3A_3332 : vector<16xi1>, vector<16xi32>
      %eq3A_3374 = arith.constant 2 : i32
      %eq3A_3375 = vector.broadcast %eq3A_3374 : i32 to vector<16xi32>
      %eq3A_3376 = arith.cmpi eq, %min3A_3291, %eq3A_3375 : vector<16xi32>
      %eq3A_3377 = arith.constant 2 : i32
      %eq3A_3378 = vector.broadcast %eq3A_3377 : i32 to vector<16xi32>
      %eq3A_3379 = arith.cmpi eq, %iota3A, %eq3A_3378 : vector<16xi32>
      %jit3A_3380 = arith.constant 0 : i32
      %broadcast_in_dim3A_3381 = vector.broadcast %jit3A_3380 : i32 to vector<16xi32>
      %select_n3A_3382 = arith.select %eq3A_3379, %sub3A, %broadcast_in_dim3A_3381 : vector<16xi1>, vector<16xi32>
      %reduce_sum3A_3383 = arith.constant true
      %reduce_sum3A_3384 = vector.broadcast %reduce_sum3A_3383 : i1 to vector<16xi1>
      %reduce_sum3A_3385 = tpu.scan <sum>, %select_n3A_3382 masked %reduce_sum3A_3384 : vector<16xi32>, vector<16xi1> -> vector<16xi32>
      %reduce_sum3A_3386 = vector.extract %reduce_sum3A_3385[15] : i32 from vector<16xi32>
      %broadcast_in_dim3A_3387 = vector.broadcast %reduce_sum3A_3386 : i32 to vector<16xi32>
      %select_n3A_3388 = arith.select %eq3A_3376, %broadcast_in_dim3A_3387, %select_n3A_3347 : vector<16xi1>, vector<16xi32>
      %eq3A_3389 = arith.constant 2 : i32
      %eq3A_3390 = vector.broadcast %eq3A_3389 : i32 to vector<16xi32>
      %eq3A_3391 = arith.cmpi eq, %iota3A, %eq3A_3390 : vector<16xi32>
      %jit3A_3392 = arith.constant 0 : i32
      %broadcast_in_dim3A_3393 = vector.broadcast %jit3A_3392 : i32 to vector<16xi32>
      %select_n3A_3394 = arith.select %eq3A_3391, %cumsum3A_309, %broadcast_in_dim3A_3393 : vector<16xi1>, vector<16xi32>
      %reduce_sum3A_3395 = arith.constant true
      %reduce_sum3A_3396 = vector.broadcast %reduce_sum3A_3395 : i1 to vector<16xi1>
      %reduce_sum3A_3397 = tpu.scan <sum>, %select_n3A_3394 masked %reduce_sum3A_3396 : vector<16xi32>, vector<16xi1> -> vector<16xi32>
      %reduce_sum3A_3398 = vector.extract %reduce_sum3A_3397[15] : i32 from vector<16xi32>
      %broadcast_in_dim3A_3399 = vector.broadcast %reduce_sum3A_3398 : i32 to vector<16xi32>
      %select_n3A_3400 = arith.select %eq3A_3376, %broadcast_in_dim3A_3399, %select_n3A_3359 : vector<16xi1>, vector<16xi32>
      %eq3A_3401 = arith.constant 2 : i32
      %eq3A_3402 = vector.broadcast %eq3A_3401 : i32 to vector<16xi32>
      %eq3A_3403 = arith.cmpi eq, %iota3A, %eq3A_3402 : vector<16xi32>
      %sub3A_3404 = arith.subi %cumsum3A_2634, %select_n3A_2631 : vector<16xi32>
      %jit3A_3405 = arith.constant 0 : i32
      %broadcast_in_dim3A_3406 = vector.broadcast %jit3A_3405 : i32 to vector<16xi32>
      %select_n3A_3407 = arith.select %eq3A_3403, %sub3A_3404, %broadcast_in_dim3A_3406 : vector<16xi1>, vector<16xi32>
      %reduce_sum3A_3408 = arith.constant true
      %reduce_sum3A_3409 = vector.broadcast %reduce_sum3A_3408 : i1 to vector<16xi1>
      %reduce_sum3A_3410 = tpu.scan <sum>, %select_n3A_3407 masked %reduce_sum3A_3409 : vector<16xi32>, vector<16xi1> -> vector<16xi32>
      %reduce_sum3A_3411 = vector.extract %reduce_sum3A_3410[15] : i32 from vector<16xi32>
      %sub3A_3412 = vector.broadcast %reduce_sum3A_3411 : i32 to vector<16xi32>
      %sub3A_3413 = arith.subi %max3A_3136, %sub3A_3412 : vector<16xi32>
      %select_n3A_3414 = arith.select %eq3A_3376, %sub3A_3413, %select_n3A_3373 : vector<16xi1>, vector<16xi32>
      %eq3A_3415 = arith.constant 3 : i32
      %eq3A_3416 = vector.broadcast %eq3A_3415 : i32 to vector<16xi32>
      %eq3A_3417 = arith.cmpi eq, %min3A_3291, %eq3A_3416 : vector<16xi32>
      %eq3A_3418 = arith.constant 3 : i32
      %eq3A_3419 = vector.broadcast %eq3A_3418 : i32 to vector<16xi32>
      %eq3A_3420 = arith.cmpi eq, %iota3A, %eq3A_3419 : vector<16xi32>
      %jit3A_3421 = arith.constant 0 : i32
      %broadcast_in_dim3A_3422 = vector.broadcast %jit3A_3421 : i32 to vector<16xi32>
      %select_n3A_3423 = arith.select %eq3A_3420, %sub3A, %broadcast_in_dim3A_3422 : vector<16xi1>, vector<16xi32>
      %reduce_sum3A_3424 = arith.constant true
      %reduce_sum3A_3425 = vector.broadcast %reduce_sum3A_3424 : i1 to vector<16xi1>
      %reduce_sum3A_3426 = tpu.scan <sum>, %select_n3A_3423 masked %reduce_sum3A_3425 : vector<16xi32>, vector<16xi1> -> vector<16xi32>
      %reduce_sum3A_3427 = vector.extract %reduce_sum3A_3426[15] : i32 from vector<16xi32>
      %broadcast_in_dim3A_3428 = vector.broadcast %reduce_sum3A_3427 : i32 to vector<16xi32>
      %select_n3A_3429 = arith.select %eq3A_3417, %broadcast_in_dim3A_3428, %select_n3A_3388 : vector<16xi1>, vector<16xi32>
      %eq3A_3430 = arith.constant 3 : i32
      %eq3A_3431 = vector.broadcast %eq3A_3430 : i32 to vector<16xi32>
      %eq3A_3432 = arith.cmpi eq, %iota3A, %eq3A_3431 : vector<16xi32>
      %jit3A_3433 = arith.constant 0 : i32
      %broadcast_in_dim3A_3434 = vector.broadcast %jit3A_3433 : i32 to vector<16xi32>
      %select_n3A_3435 = arith.select %eq3A_3432, %cumsum3A_309, %broadcast_in_dim3A_3434 : vector<16xi1>, vector<16xi32>
      %reduce_sum3A_3436 = arith.constant true
      %reduce_sum3A_3437 = vector.broadcast %reduce_sum3A_3436 : i1 to vector<16xi1>
      %reduce_sum3A_3438 = tpu.scan <sum>, %select_n3A_3435 masked %reduce_sum3A_3437 : vector<16xi32>, vector<16xi1> -> vector<16xi32>
      %reduce_sum3A_3439 = vector.extract %reduce_sum3A_3438[15] : i32 from vector<16xi32>
      %broadcast_in_dim3A_3440 = vector.broadcast %reduce_sum3A_3439 : i32 to vector<16xi32>
      %select_n3A_3441 = arith.select %eq3A_3417, %broadcast_in_dim3A_3440, %select_n3A_3400 : vector<16xi1>, vector<16xi32>
      %eq3A_3442 = arith.constant 3 : i32
      %eq3A_3443 = vector.broadcast %eq3A_3442 : i32 to vector<16xi32>
      %eq3A_3444 = arith.cmpi eq, %iota3A, %eq3A_3443 : vector<16xi32>
      %sub3A_3445 = arith.subi %cumsum3A_2634, %select_n3A_2631 : vector<16xi32>
      %jit3A_3446 = arith.constant 0 : i32
      %broadcast_in_dim3A_3447 = vector.broadcast %jit3A_3446 : i32 to vector<16xi32>
      %select_n3A_3448 = arith.select %eq3A_3444, %sub3A_3445, %broadcast_in_dim3A_3447 : vector<16xi1>, vector<16xi32>
      %reduce_sum3A_3449 = arith.constant true
      %reduce_sum3A_3450 = vector.broadcast %reduce_sum3A_3449 : i1 to vector<16xi1>
      %reduce_sum3A_3451 = tpu.scan <sum>, %select_n3A_3448 masked %reduce_sum3A_3450 : vector<16xi32>, vector<16xi1> -> vector<16xi32>
      %reduce_sum3A_3452 = vector.extract %reduce_sum3A_3451[15] : i32 from vector<16xi32>
      %sub3A_3453 = vector.broadcast %reduce_sum3A_3452 : i32 to vector<16xi32>
      %sub3A_3454 = arith.subi %max3A_3136, %sub3A_3453 : vector<16xi32>
      %select_n3A_3455 = arith.select %eq3A_3417, %sub3A_3454, %select_n3A_3414 : vector<16xi1>, vector<16xi32>
      %eq3A_3456 = arith.constant 4 : i32
      %eq3A_3457 = vector.broadcast %eq3A_3456 : i32 to vector<16xi32>
      %eq3A_3458 = arith.cmpi eq, %min3A_3291, %eq3A_3457 : vector<16xi32>
      %eq3A_3459 = arith.constant 4 : i32
      %eq3A_3460 = vector.broadcast %eq3A_3459 : i32 to vector<16xi32>
      %eq3A_3461 = arith.cmpi eq, %iota3A, %eq3A_3460 : vector<16xi32>
      %jit3A_3462 = arith.constant 0 : i32
      %broadcast_in_dim3A_3463 = vector.broadcast %jit3A_3462 : i32 to vector<16xi32>
      %select_n3A_3464 = arith.select %eq3A_3461, %sub3A, %broadcast_in_dim3A_3463 : vector<16xi1>, vector<16xi32>
      %reduce_sum3A_3465 = arith.constant true
      %reduce_sum3A_3466 = vector.broadcast %reduce_sum3A_3465 : i1 to vector<16xi1>
      %reduce_sum3A_3467 = tpu.scan <sum>, %select_n3A_3464 masked %reduce_sum3A_3466 : vector<16xi32>, vector<16xi1> -> vector<16xi32>
      %reduce_sum3A_3468 = vector.extract %reduce_sum3A_3467[15] : i32 from vector<16xi32>
      %broadcast_in_dim3A_3469 = vector.broadcast %reduce_sum3A_3468 : i32 to vector<16xi32>
      %select_n3A_3470 = arith.select %eq3A_3458, %broadcast_in_dim3A_3469, %select_n3A_3429 : vector<16xi1>, vector<16xi32>
      %eq3A_3471 = arith.constant 4 : i32
      %eq3A_3472 = vector.broadcast %eq3A_3471 : i32 to vector<16xi32>
      %eq3A_3473 = arith.cmpi eq, %iota3A, %eq3A_3472 : vector<16xi32>
      %jit3A_3474 = arith.constant 0 : i32
      %broadcast_in_dim3A_3475 = vector.broadcast %jit3A_3474 : i32 to vector<16xi32>
      %select_n3A_3476 = arith.select %eq3A_3473, %cumsum3A_309, %broadcast_in_dim3A_3475 : vector<16xi1>, vector<16xi32>
      %reduce_sum3A_3477 = arith.constant true
      %reduce_sum3A_3478 = vector.broadcast %reduce_sum3A_3477 : i1 to vector<16xi1>
      %reduce_sum3A_3479 = tpu.scan <sum>, %select_n3A_3476 masked %reduce_sum3A_3478 : vector<16xi32>, vector<16xi1> -> vector<16xi32>
      %reduce_sum3A_3480 = vector.extract %reduce_sum3A_3479[15] : i32 from vector<16xi32>
      %broadcast_in_dim3A_3481 = vector.broadcast %reduce_sum3A_3480 : i32 to vector<16xi32>
      %select_n3A_3482 = arith.select %eq3A_3458, %broadcast_in_dim3A_3481, %select_n3A_3441 : vector<16xi1>, vector<16xi32>
      %eq3A_3483 = arith.constant 4 : i32
      %eq3A_3484 = vector.broadcast %eq3A_3483 : i32 to vector<16xi32>
      %eq3A_3485 = arith.cmpi eq, %iota3A, %eq3A_3484 : vector<16xi32>
      %sub3A_3486 = arith.subi %cumsum3A_2634, %select_n3A_2631 : vector<16xi32>
      %jit3A_3487 = arith.constant 0 : i32
      %broadcast_in_dim3A_3488 = vector.broadcast %jit3A_3487 : i32 to vector<16xi32>
      %select_n3A_3489 = arith.select %eq3A_3485, %sub3A_3486, %broadcast_in_dim3A_3488 : vector<16xi1>, vector<16xi32>
      %reduce_sum3A_3490 = arith.constant true
      %reduce_sum3A_3491 = vector.broadcast %reduce_sum3A_3490 : i1 to vector<16xi1>
      %reduce_sum3A_3492 = tpu.scan <sum>, %select_n3A_3489 masked %reduce_sum3A_3491 : vector<16xi32>, vector<16xi1> -> vector<16xi32>
      %reduce_sum3A_3493 = vector.extract %reduce_sum3A_3492[15] : i32 from vector<16xi32>
      %sub3A_3494 = vector.broadcast %reduce_sum3A_3493 : i32 to vector<16xi32>
      %sub3A_3495 = arith.subi %max3A_3136, %sub3A_3494 : vector<16xi32>
      %select_n3A_3496 = arith.select %eq3A_3458, %sub3A_3495, %select_n3A_3455 : vector<16xi1>, vector<16xi32>
      %eq3A_3497 = arith.constant 5 : i32
      %eq3A_3498 = vector.broadcast %eq3A_3497 : i32 to vector<16xi32>
      %eq3A_3499 = arith.cmpi eq, %min3A_3291, %eq3A_3498 : vector<16xi32>
      %eq3A_3500 = arith.constant 5 : i32
      %eq3A_3501 = vector.broadcast %eq3A_3500 : i32 to vector<16xi32>
      %eq3A_3502 = arith.cmpi eq, %iota3A, %eq3A_3501 : vector<16xi32>
      %jit3A_3503 = arith.constant 0 : i32
      %broadcast_in_dim3A_3504 = vector.broadcast %jit3A_3503 : i32 to vector<16xi32>
      %select_n3A_3505 = arith.select %eq3A_3502, %sub3A, %broadcast_in_dim3A_3504 : vector<16xi1>, vector<16xi32>
      %reduce_sum3A_3506 = arith.constant true
      %reduce_sum3A_3507 = vector.broadcast %reduce_sum3A_3506 : i1 to vector<16xi1>
      %reduce_sum3A_3508 = tpu.scan <sum>, %select_n3A_3505 masked %reduce_sum3A_3507 : vector<16xi32>, vector<16xi1> -> vector<16xi32>
      %reduce_sum3A_3509 = vector.extract %reduce_sum3A_3508[15] : i32 from vector<16xi32>
      %broadcast_in_dim3A_3510 = vector.broadcast %reduce_sum3A_3509 : i32 to vector<16xi32>
      %select_n3A_3511 = arith.select %eq3A_3499, %broadcast_in_dim3A_3510, %select_n3A_3470 : vector<16xi1>, vector<16xi32>
      %eq3A_3512 = arith.constant 5 : i32
      %eq3A_3513 = vector.broadcast %eq3A_3512 : i32 to vector<16xi32>
      %eq3A_3514 = arith.cmpi eq, %iota3A, %eq3A_3513 : vector<16xi32>
      %jit3A_3515 = arith.constant 0 : i32
      %broadcast_in_dim3A_3516 = vector.broadcast %jit3A_3515 : i32 to vector<16xi32>
      %select_n3A_3517 = arith.select %eq3A_3514, %cumsum3A_309, %broadcast_in_dim3A_3516 : vector<16xi1>, vector<16xi32>
      %reduce_sum3A_3518 = arith.constant true
      %reduce_sum3A_3519 = vector.broadcast %reduce_sum3A_3518 : i1 to vector<16xi1>
      %reduce_sum3A_3520 = tpu.scan <sum>, %select_n3A_3517 masked %reduce_sum3A_3519 : vector<16xi32>, vector<16xi1> -> vector<16xi32>
      %reduce_sum3A_3521 = vector.extract %reduce_sum3A_3520[15] : i32 from vector<16xi32>
      %broadcast_in_dim3A_3522 = vector.broadcast %reduce_sum3A_3521 : i32 to vector<16xi32>
      %select_n3A_3523 = arith.select %eq3A_3499, %broadcast_in_dim3A_3522, %select_n3A_3482 : vector<16xi1>, vector<16xi32>
      %eq3A_3524 = arith.constant 5 : i32
      %eq3A_3525 = vector.broadcast %eq3A_3524 : i32 to vector<16xi32>
      %eq3A_3526 = arith.cmpi eq, %iota3A, %eq3A_3525 : vector<16xi32>
      %sub3A_3527 = arith.subi %cumsum3A_2634, %select_n3A_2631 : vector<16xi32>
      %jit3A_3528 = arith.constant 0 : i32
      %broadcast_in_dim3A_3529 = vector.broadcast %jit3A_3528 : i32 to vector<16xi32>
      %select_n3A_3530 = arith.select %eq3A_3526, %sub3A_3527, %broadcast_in_dim3A_3529 : vector<16xi1>, vector<16xi32>
      %reduce_sum3A_3531 = arith.constant true
      %reduce_sum3A_3532 = vector.broadcast %reduce_sum3A_3531 : i1 to vector<16xi1>
      %reduce_sum3A_3533 = tpu.scan <sum>, %select_n3A_3530 masked %reduce_sum3A_3532 : vector<16xi32>, vector<16xi1> -> vector<16xi32>
      %reduce_sum3A_3534 = vector.extract %reduce_sum3A_3533[15] : i32 from vector<16xi32>
      %sub3A_3535 = vector.broadcast %reduce_sum3A_3534 : i32 to vector<16xi32>
      %sub3A_3536 = arith.subi %max3A_3136, %sub3A_3535 : vector<16xi32>
      %select_n3A_3537 = arith.select %eq3A_3499, %sub3A_3536, %select_n3A_3496 : vector<16xi1>, vector<16xi32>
      %eq3A_3538 = arith.constant 6 : i32
      %eq3A_3539 = vector.broadcast %eq3A_3538 : i32 to vector<16xi32>
      %eq3A_3540 = arith.cmpi eq, %min3A_3291, %eq3A_3539 : vector<16xi32>
      %eq3A_3541 = arith.constant 6 : i32
      %eq3A_3542 = vector.broadcast %eq3A_3541 : i32 to vector<16xi32>
      %eq3A_3543 = arith.cmpi eq, %iota3A, %eq3A_3542 : vector<16xi32>
      %jit3A_3544 = arith.constant 0 : i32
      %broadcast_in_dim3A_3545 = vector.broadcast %jit3A_3544 : i32 to vector<16xi32>
      %select_n3A_3546 = arith.select %eq3A_3543, %sub3A, %broadcast_in_dim3A_3545 : vector<16xi1>, vector<16xi32>
      %reduce_sum3A_3547 = arith.constant true
      %reduce_sum3A_3548 = vector.broadcast %reduce_sum3A_3547 : i1 to vector<16xi1>
      %reduce_sum3A_3549 = tpu.scan <sum>, %select_n3A_3546 masked %reduce_sum3A_3548 : vector<16xi32>, vector<16xi1> -> vector<16xi32>
      %reduce_sum3A_3550 = vector.extract %reduce_sum3A_3549[15] : i32 from vector<16xi32>
      %broadcast_in_dim3A_3551 = vector.broadcast %reduce_sum3A_3550 : i32 to vector<16xi32>
      %select_n3A_3552 = arith.select %eq3A_3540, %broadcast_in_dim3A_3551, %select_n3A_3511 : vector<16xi1>, vector<16xi32>
      %eq3A_3553 = arith.constant 6 : i32
      %eq3A_3554 = vector.broadcast %eq3A_3553 : i32 to vector<16xi32>
      %eq3A_3555 = arith.cmpi eq, %iota3A, %eq3A_3554 : vector<16xi32>
      %jit3A_3556 = arith.constant 0 : i32
      %broadcast_in_dim3A_3557 = vector.broadcast %jit3A_3556 : i32 to vector<16xi32>
      %select_n3A_3558 = arith.select %eq3A_3555, %cumsum3A_309, %broadcast_in_dim3A_3557 : vector<16xi1>, vector<16xi32>
      %reduce_sum3A_3559 = arith.constant true
      %reduce_sum3A_3560 = vector.broadcast %reduce_sum3A_3559 : i1 to vector<16xi1>
      %reduce_sum3A_3561 = tpu.scan <sum>, %select_n3A_3558 masked %reduce_sum3A_3560 : vector<16xi32>, vector<16xi1> -> vector<16xi32>
      %reduce_sum3A_3562 = vector.extract %reduce_sum3A_3561[15] : i32 from vector<16xi32>
      %broadcast_in_dim3A_3563 = vector.broadcast %reduce_sum3A_3562 : i32 to vector<16xi32>
      %select_n3A_3564 = arith.select %eq3A_3540, %broadcast_in_dim3A_3563, %select_n3A_3523 : vector<16xi1>, vector<16xi32>
      %eq3A_3565 = arith.constant 6 : i32
      %eq3A_3566 = vector.broadcast %eq3A_3565 : i32 to vector<16xi32>
      %eq3A_3567 = arith.cmpi eq, %iota3A, %eq3A_3566 : vector<16xi32>
      %sub3A_3568 = arith.subi %cumsum3A_2634, %select_n3A_2631 : vector<16xi32>
      %jit3A_3569 = arith.constant 0 : i32
      %broadcast_in_dim3A_3570 = vector.broadcast %jit3A_3569 : i32 to vector<16xi32>
      %select_n3A_3571 = arith.select %eq3A_3567, %sub3A_3568, %broadcast_in_dim3A_3570 : vector<16xi1>, vector<16xi32>
      %reduce_sum3A_3572 = arith.constant true
      %reduce_sum3A_3573 = vector.broadcast %reduce_sum3A_3572 : i1 to vector<16xi1>
      %reduce_sum3A_3574 = tpu.scan <sum>, %select_n3A_3571 masked %reduce_sum3A_3573 : vector<16xi32>, vector<16xi1> -> vector<16xi32>
      %reduce_sum3A_3575 = vector.extract %reduce_sum3A_3574[15] : i32 from vector<16xi32>
      %sub3A_3576 = vector.broadcast %reduce_sum3A_3575 : i32 to vector<16xi32>
      %sub3A_3577 = arith.subi %max3A_3136, %sub3A_3576 : vector<16xi32>
      %select_n3A_3578 = arith.select %eq3A_3540, %sub3A_3577, %select_n3A_3537 : vector<16xi1>, vector<16xi32>
      %eq3A_3579 = arith.constant 7 : i32
      %eq3A_3580 = vector.broadcast %eq3A_3579 : i32 to vector<16xi32>
      %eq3A_3581 = arith.cmpi eq, %min3A_3291, %eq3A_3580 : vector<16xi32>
      %eq3A_3582 = arith.constant 7 : i32
      %eq3A_3583 = vector.broadcast %eq3A_3582 : i32 to vector<16xi32>
      %eq3A_3584 = arith.cmpi eq, %iota3A, %eq3A_3583 : vector<16xi32>
      %jit3A_3585 = arith.constant 0 : i32
      %broadcast_in_dim3A_3586 = vector.broadcast %jit3A_3585 : i32 to vector<16xi32>
      %select_n3A_3587 = arith.select %eq3A_3584, %sub3A, %broadcast_in_dim3A_3586 : vector<16xi1>, vector<16xi32>
      %reduce_sum3A_3588 = arith.constant true
      %reduce_sum3A_3589 = vector.broadcast %reduce_sum3A_3588 : i1 to vector<16xi1>
      %reduce_sum3A_3590 = tpu.scan <sum>, %select_n3A_3587 masked %reduce_sum3A_3589 : vector<16xi32>, vector<16xi1> -> vector<16xi32>
      %reduce_sum3A_3591 = vector.extract %reduce_sum3A_3590[15] : i32 from vector<16xi32>
      %broadcast_in_dim3A_3592 = vector.broadcast %reduce_sum3A_3591 : i32 to vector<16xi32>
      %select_n3A_3593 = arith.select %eq3A_3581, %broadcast_in_dim3A_3592, %select_n3A_3552 : vector<16xi1>, vector<16xi32>
      %eq3A_3594 = arith.constant 7 : i32
      %eq3A_3595 = vector.broadcast %eq3A_3594 : i32 to vector<16xi32>
      %eq3A_3596 = arith.cmpi eq, %iota3A, %eq3A_3595 : vector<16xi32>
      %jit3A_3597 = arith.constant 0 : i32
      %broadcast_in_dim3A_3598 = vector.broadcast %jit3A_3597 : i32 to vector<16xi32>
      %select_n3A_3599 = arith.select %eq3A_3596, %cumsum3A_309, %broadcast_in_dim3A_3598 : vector<16xi1>, vector<16xi32>
      %reduce_sum3A_3600 = arith.constant true
      %reduce_sum3A_3601 = vector.broadcast %reduce_sum3A_3600 : i1 to vector<16xi1>
      %reduce_sum3A_3602 = tpu.scan <sum>, %select_n3A_3599 masked %reduce_sum3A_3601 : vector<16xi32>, vector<16xi1> -> vector<16xi32>
      %reduce_sum3A_3603 = vector.extract %reduce_sum3A_3602[15] : i32 from vector<16xi32>
      %broadcast_in_dim3A_3604 = vector.broadcast %reduce_sum3A_3603 : i32 to vector<16xi32>
      %select_n3A_3605 = arith.select %eq3A_3581, %broadcast_in_dim3A_3604, %select_n3A_3564 : vector<16xi1>, vector<16xi32>
      %eq3A_3606 = arith.constant 7 : i32
      %eq3A_3607 = vector.broadcast %eq3A_3606 : i32 to vector<16xi32>
      %eq3A_3608 = arith.cmpi eq, %iota3A, %eq3A_3607 : vector<16xi32>
      %sub3A_3609 = arith.subi %cumsum3A_2634, %select_n3A_2631 : vector<16xi32>
      %jit3A_3610 = arith.constant 0 : i32
      %broadcast_in_dim3A_3611 = vector.broadcast %jit3A_3610 : i32 to vector<16xi32>
      %select_n3A_3612 = arith.select %eq3A_3608, %sub3A_3609, %broadcast_in_dim3A_3611 : vector<16xi1>, vector<16xi32>
      %reduce_sum3A_3613 = arith.constant true
      %reduce_sum3A_3614 = vector.broadcast %reduce_sum3A_3613 : i1 to vector<16xi1>
      %reduce_sum3A_3615 = tpu.scan <sum>, %select_n3A_3612 masked %reduce_sum3A_3614 : vector<16xi32>, vector<16xi1> -> vector<16xi32>
      %reduce_sum3A_3616 = vector.extract %reduce_sum3A_3615[15] : i32 from vector<16xi32>
      %sub3A_3617 = vector.broadcast %reduce_sum3A_3616 : i32 to vector<16xi32>
      %sub3A_3618 = arith.subi %max3A_3136, %sub3A_3617 : vector<16xi32>
      %select_n3A_3619 = arith.select %eq3A_3581, %sub3A_3618, %select_n3A_3578 : vector<16xi1>, vector<16xi32>
      %shift_right_arithmetic3A_3620 = arith.constant 9 : i32
      %shift_right_arithmetic3A_3621 = vector.broadcast %shift_right_arithmetic3A_3620 : i32 to vector<16xi32>
      %shift_right_arithmetic3A_3622 = arith.shrsi %select_n3A_3593, %shift_right_arithmetic3A_3621 : vector<16xi32>
      %add3A_3623 = arith.addi %shift_right_arithmetic3A_3622, %select_n3A_3619 : vector<16xi32>
      %lt3A_3624 = vector.broadcast %reduce_sum3A_2645 : i32 to vector<16xi32>
      %lt3A_3625 = arith.cmpi slt, %iota3A_2635, %lt3A_3624 : vector<16xi32>
      %jit3A_3626 = arith.constant 7 : i32
      %broadcast_in_dim3A_3627 = vector.broadcast %jit3A_3626 : i32 to vector<16xi32>
      %select_n3A_3628 = arith.select %lt3A_3625, %add3A_3131, %broadcast_in_dim3A_3627 : vector<16xi1>, vector<16xi32>
      %jit3A_3629 = arith.constant 1 : i32
      %broadcast_in_dim3A_3630 = vector.broadcast %jit3A_3629 : i32 to vector<16xi32>
      %select_n3A_3631 = arith.select %lt3A_3625, %select_n3A_3101, %broadcast_in_dim3A_3630 : vector<16xi1>, vector<16xi32>
      %jit3A_3632 = arith.constant 0 : i32
      %broadcast_in_dim3A_3633 = vector.broadcast %jit3A_3632 : i32 to vector<16xi32>
      %select_n3A_3634 = arith.select %lt3A_3625, %select_n3A_3113, %broadcast_in_dim3A_3633 : vector<16xi1>, vector<16xi32>
      %eq3A_3635 = arith.constant 0 : i32
      %eq3A_3636 = vector.broadcast %eq3A_3635 : i32 to vector<16xi32>
      %eq3A_3637 = arith.cmpi eq, %iota3A_2635, %eq3A_3636 : vector<16xi32>
      %ne3A_3638 = arith.cmpi ne, %add3A_3131, %add3A_3623 : vector<16xi32>
      %or3A = arith.ori %eq3A_3637, %ne3A_3638 : vector<16xi1>
      %convert_element_type3A_3639 = arith.extui %or3A : vector<16xi1> to vector<16xi32>
      %jit3A_3640 = arith.constant 0 : i32
      %broadcast_in_dim3A_3641 = vector.broadcast %jit3A_3640 : i32 to vector<16xi32>
      %select_n3A_3642 = arith.select %lt3A_3625, %convert_element_type3A_3639, %broadcast_in_dim3A_3641 : vector<16xi1>, vector<16xi32>
      %swap3A_3643 = arith.constant 0 : index
      %swap3A_3644 = tpu.vector_load %arg13[%swap3A_3643] {strides = array<i32>} : memref<80xi32, #tpu.memory_space<vmem>>, vector<16xi32>,
      tpu.vector_store %arg13[%swap3A_3643], %min3A_2799 {strides = array<i32>} : memref<80xi32, #tpu.memory_space<vmem>>, vector<16xi32>,
      %swap3A_3645 = arith.constant 16 : index
      %swap3A_3646 = tpu.vector_load %arg13[%swap3A_3645] {strides = array<i32>} : memref<80xi32, #tpu.memory_space<vmem>>, vector<16xi32>,
      tpu.vector_store %arg13[%swap3A_3645], %select_n3A_3628 {strides = array<i32>} : memref<80xi32, #tpu.memory_space<vmem>>, vector<16xi32>,
      %swap3A_3647 = arith.constant 32 : index
      %swap3A_3648 = tpu.vector_load %arg13[%swap3A_3647] {strides = array<i32>} : memref<80xi32, #tpu.memory_space<vmem>>, vector<16xi32>,
      tpu.vector_store %arg13[%swap3A_3647], %select_n3A_3631 {strides = array<i32>} : memref<80xi32, #tpu.memory_space<vmem>>, vector<16xi32>,
      %swap3A_3649 = arith.constant 48 : index
      %swap3A_3650 = tpu.vector_load %arg13[%swap3A_3649] {strides = array<i32>} : memref<80xi32, #tpu.memory_space<vmem>>, vector<16xi32>,
      tpu.vector_store %arg13[%swap3A_3649], %select_n3A_3634 {strides = array<i32>} : memref<80xi32, #tpu.memory_space<vmem>>, vector<16xi32>,
      %swap3A_3651 = arith.constant 64 : index
      %swap3A_3652 = tpu.vector_load %arg13[%swap3A_3651] {strides = array<i32>} : memref<80xi32, #tpu.memory_space<vmem>>, vector<16xi32>,
      tpu.vector_store %arg13[%swap3A_3651], %select_n3A_3642 {strides = array<i32>} : memref<80xi32, #tpu.memory_space<vmem>>, vector<16xi32>,
      "tpu.region"() ({
        %run_scoped3A = tpu.sem_alloc : memref<!tpu.dma_semaphore, #tpu.memory_space<semaphore_mem>>
        tpu.enqueue_dma source(%arg13 : memref<80xi32, #tpu.memory_space<vmem>>) target(%arg8 : memref<80xi32, #tpu.memory_space<hbm>>) target_semaphore(%run_scoped3A : memref<!tpu.dma_semaphore, #tpu.memory_space<semaphore_mem>>)
        tpu.wait_dma2 semaphore(%run_scoped3A : memref<!tpu.dma_semaphore, #tpu.memory_space<semaphore_mem>>) src(%arg13 : memref<80xi32, #tpu.memory_space<vmem>>) dst(%arg8 : memref<80xi32, #tpu.memory_space<hbm>>)
        tpu.yield
      }) : () -> ()
    } else {
    }
    return
  }
}

module attributes {stable_mosaic.version = 14 : i64} {
  func.func @_grouped_body(%arg0: i32, %arg1: i32, %arg2: memref<80xi32, #tpu.memory_space<smem>>, %arg3: memref<512x768xf32, #tpu.memory_space<vmem>>, %arg4: memref<1x768x768xf32, #tpu.memory_space<vmem>>, %arg5: memref<1x768x768xf32, #tpu.memory_space<vmem>>, %arg6: memref<1x1x512xf32, #tpu.memory_space<vmem>>, %arg7: memref<512x768xf32, #tpu.memory_space<vmem>>) attributes {dimension_semantics = [#tpu.dimension_semantics<arbitrary>, #tpu.dimension_semantics<arbitrary>], iteration_bounds = array<i64: 15, 4>, scalar_prefetch = 1 : i64, scratch_operands = 0 : i64, tpu.core_type = #tpu.core_type<tc>, window_params = [{transform_indices = @transform_0, window_bounds = array<i64: 512, 768>}, {transform_indices = @transform_1, window_bounds = array<i64: 1, 768, 768>}, {transform_indices = @transform_2, window_bounds = array<i64: 1, 768, 768>}, {transform_indices = @transform_3, window_bounds = array<i64: 1, 1, 512>}, {transform_indices = @transform_4, window_bounds = array<i64: 512, 768>}]} {
    %add3A = arith.constant 64 : i32
    %add3A_0 = arith.addi %add3A, %arg0 : i32
    %get3A = arith.index_cast %add3A_0 : i32 to index
    %get3A_1 = memref.load %arg2[%get3A] : memref<80xi32, #tpu.memory_space<smem>>
    %eq3A = arith.constant 0 : i32
    %eq3A_2 = arith.cmpi eq, %arg1, %eq3A : i32
    %eq3A_3 = arith.constant 1 : i32
    %eq3A_4 = arith.cmpi eq, %get3A_1, %eq3A_3 : i32
    %and3A = arith.andi %eq3A_2, %eq3A_4 : i1
    %convert_element_type3A = arith.extui %and3A : i1 to i32
    %cond3A = arith.constant 0 : i32
    %cond3A_5 = arith.cmpi ne, %convert_element_type3A, %cond3A : i32
    scf.if %cond3A_5 {
      %broadcast_in_dim3A_72 = arith.constant 0.000000e+00 : f32
      %broadcast_in_dim3A_73 = vector.broadcast %broadcast_in_dim3A_72 : f32 to vector<512x768xf32>
      %swap3A_74 = arith.constant 0 : index
      %swap3A_75 = arith.constant 0 : index
      %swap3A_76 = vector.load %arg7[%swap3A_74, %swap3A_75] : memref<512x768xf32, #tpu.memory_space<vmem>>, vector<512x768xf32>
      tpu.vector_store %arg7[%swap3A_74, %swap3A_75], %broadcast_in_dim3A_73 {strides = array<i32>} : memref<512x768xf32, #tpu.memory_space<vmem>>, vector<512x768xf32>,
    } else {
    }
    %get3A_6 = arith.constant 0 : index
    %get3A_7 = arith.constant 0 : index
    %get3A_8 = vector.load %arg3[%get3A_6, %get3A_7] : memref<512x768xf32, #tpu.memory_space<vmem>>, vector<512x768xf32>
    %convert_element_type3A_9 = arith.truncf %get3A_8 : vector<512x768xf32> to vector<512x768xbf16>
    %get3A_10 = arith.constant 0 : index
    %get3A_11 = arith.constant 0 : index
    %get3A_12 = arith.constant 0 : index
    %get3A_13 = vector.load %arg4[%get3A_10, %get3A_11, %get3A_12] : memref<1x768x768xf32, #tpu.memory_space<vmem>>, vector<1x768x768xf32>
    %get3A_14 = vector.shape_cast %get3A_13 : vector<1x768x768xf32> to vector<768x768xf32>
    %convert_element_type3A_15 = arith.truncf %get3A_14 : vector<768x768xf32> to vector<768x768xbf16>
    %dot_general3A = arith.constant dense<0.000000e+00> : vector<512x768xf32>
    %dot_general3A_16 = tpu.matmul %convert_element_type3A_9, %convert_element_type3A_15, %dot_general3A {dimension_numbers = #tpu.dot_dimension_numbers<[1], [0], [0], [1], [0, 0, 1, 1], [], []>, transpose_lhs_hint = false} : vector<512x768xbf16>, vector<768x768xbf16>, vector<512x768xf32> -> vector<512x768xf32>
    %integer_pow3A = arith.mulf %dot_general3A_16, %dot_general3A_16 : vector<512x768xf32>
    %integer_pow3A_17 = arith.mulf %dot_general3A_16, %integer_pow3A : vector<512x768xf32>
    %mul3A = arith.constant 4.471500e-02 : f32
    %mul3A_18 = vector.broadcast %mul3A : f32 to vector<512x768xf32>
    %mul3A_19 = arith.mulf %mul3A_18, %integer_pow3A_17 : vector<512x768xf32>
    %add3A_20 = arith.addf %dot_general3A_16, %mul3A_19 : vector<512x768xf32>
    %mul3A_21 = arith.constant 0.797884583 : f32
    %mul3A_22 = vector.broadcast %mul3A_21 : f32 to vector<512x768xf32>
    %mul3A_23 = arith.mulf %mul3A_22, %add3A_20 : vector<512x768xf32>
    %tanh3A = math.tanh %mul3A_23 : vector<512x768xf32>
    %add3A_24 = arith.constant 1.000000e+00 : f32
    %add3A_25 = vector.broadcast %add3A_24 : f32 to vector<512x768xf32>
    %add3A_26 = arith.addf %add3A_25, %tanh3A : vector<512x768xf32>
    %mul3A_27 = arith.constant 5.000000e-01 : f32
    %mul3A_28 = vector.broadcast %mul3A_27 : f32 to vector<512x768xf32>
    %mul3A_29 = arith.mulf %mul3A_28, %add3A_26 : vector<512x768xf32>
    %mul3A_30 = arith.mulf %dot_general3A_16, %mul3A_29 : vector<512x768xf32>
    %add3A_31 = arith.constant 16 : i32
    %add3A_32 = arith.addi %add3A_31, %arg0 : i32
    %get3A_33 = arith.index_cast %add3A_32 : i32 to index
    %get3A_34 = memref.load %arg2[%get3A_33] : memref<80xi32, #tpu.memory_space<smem>>
    %add3A_35 = arith.constant 32 : i32
    %add3A_36 = arith.addi %add3A_35, %arg0 : i32
    %get3A_37 = arith.index_cast %add3A_36 : i32 to index
    %get3A_38 = memref.load %arg2[%get3A_37] : memref<80xi32, #tpu.memory_space<smem>>
    %add3A_39 = arith.constant 48 : i32
    %add3A_40 = arith.addi %add3A_39, %arg0 : i32
    %get3A_41 = arith.index_cast %add3A_40 : i32 to index
    %get3A_42 = memref.load %arg2[%get3A_41] : memref<80xi32, #tpu.memory_space<smem>>
    %mul3A_43 = arith.constant 512 : i32
    %mul3A_44 = arith.muli %get3A_34, %mul3A_43 : i32
    %iota3A = tpu.iota {dimensions = array<i32: 0>} : vector<512x1xi32>
    %add3A_45 = vector.broadcast %mul3A_44 : i32 to vector<512x1xi32>
    %add3A_46 = arith.addi %add3A_45, %iota3A : vector<512x1xi32>
    %get3A_47 = arith.constant 0 : index
    %get3A_48 = arith.constant 0 : index
    %get3A_49 = arith.constant 0 : index
    %get3A_50 = vector.load %arg6[%get3A_47, %get3A_48, %get3A_49] : memref<1x1x512xf32, #tpu.memory_space<vmem>>, vector<1x1x512xf32>
    %get3A_51 = vector.shape_cast %get3A_50 : vector<1x1x512xf32> to vector<512xf32>
    %reshape3A = vector.shape_cast %get3A_51 : vector<512xf32> to vector<512x1xf32>
    %ge3A = vector.broadcast %get3A_38 : i32 to vector<512x1xi32>
    %ge3A_52 = arith.cmpi sge, %add3A_46, %ge3A : vector<512x1xi32>
    %lt3A = vector.broadcast %get3A_42 : i32 to vector<512x1xi32>
    %lt3A_53 = arith.cmpi slt, %add3A_46, %lt3A : vector<512x1xi32>
    %and3A_54 = arith.andi %ge3A_52, %lt3A_53 : vector<512x1xi1>
    %jit3A = arith.constant 0.000000e+00 : f32
    %broadcast_in_dim3A = vector.broadcast %jit3A : f32 to vector<512x1xf32>
    %select_n3A = arith.select %and3A_54, %reshape3A, %broadcast_in_dim3A : vector<512x1xi1>, vector<512x1xf32>
    %get3A_55 = arith.constant 0 : index
    %get3A_56 = arith.constant 0 : index
    %get3A_57 = vector.load %arg7[%get3A_55, %get3A_56] : memref<512x768xf32, #tpu.memory_space<vmem>>, vector<512x768xf32>
    %mul3A_58 = vector.broadcast %select_n3A : vector<512x1xf32> to vector<512x768xf32>
    %mul3A_59 = arith.mulf %mul3A_30, %mul3A_58 : vector<512x768xf32>
    %convert_element_type3A_60 = arith.truncf %mul3A_59 : vector<512x768xf32> to vector<512x768xbf16>
    %get3A_61 = arith.constant 0 : index
    %get3A_62 = arith.constant 0 : index
    %get3A_63 = arith.constant 0 : index
    %get3A_64 = vector.load %arg5[%get3A_61, %get3A_62, %get3A_63] : memref<1x768x768xf32, #tpu.memory_space<vmem>>, vector<1x768x768xf32>
    %get3A_65 = vector.shape_cast %get3A_64 : vector<1x768x768xf32> to vector<768x768xf32>
    %convert_element_type3A_66 = arith.truncf %get3A_65 : vector<768x768xf32> to vector<768x768xbf16>
    %dot_general3A_67 = arith.constant dense<0.000000e+00> : vector<512x768xf32>
    %dot_general3A_68 = tpu.matmul %convert_element_type3A_60, %convert_element_type3A_66, %dot_general3A_67 {dimension_numbers = #tpu.dot_dimension_numbers<[1], [0], [0], [1], [0, 0, 1, 1], [], []>, transpose_lhs_hint = false} : vector<512x768xbf16>, vector<768x768xbf16>, vector<512x768xf32> -> vector<512x768xf32>
    %add3A_69 = arith.addf %get3A_57, %dot_general3A_68 : vector<512x768xf32>
    %swap3A = arith.constant 0 : index
    %swap3A_70 = arith.constant 0 : index
    %swap3A_71 = vector.load %arg7[%swap3A, %swap3A_70] : memref<512x768xf32, #tpu.memory_space<vmem>>, vector<512x768xf32>
    tpu.vector_store %arg7[%swap3A, %swap3A_70], %add3A_69 {strides = array<i32>} : memref<512x768xf32, #tpu.memory_space<vmem>>, vector<512x768xf32>,
    return
  }
  func.func @transform_0(%arg0: i32, %arg1: i32, %arg2: memref<80xi32, #tpu.memory_space<smem>>) -> (i32, i32) {
    %add3A = arith.constant 16 : i32
    %add3A_0 = arith.addi %add3A, %arg0 : i32
    %get3A = arith.index_cast %add3A_0 : i32 to index
    %get3A_1 = memref.load %arg2[%get3A] : memref<80xi32, #tpu.memory_space<smem>>
    %c0_i32 = arith.constant 0 : i32
    %c0_i32_2 = arith.constant 0 : i32
    return %get3A_1, %c0_i32 : i32, i32
  }
  func.func @transform_1(%arg0: i32, %arg1: i32, %arg2: memref<80xi32, #tpu.memory_space<smem>>) -> (i32, i32, i32) {
    %get3A = arith.index_cast %arg0 : i32 to index
    %get3A_0 = memref.load %arg2[%get3A] : memref<80xi32, #tpu.memory_space<smem>>
    %c0_i32 = arith.constant 0 : i32
    %c0_i32_1 = arith.constant 0 : i32
    return %get3A_0, %c0_i32, %arg1 : i32, i32, i32
  }
  func.func @transform_2(%arg0: i32, %arg1: i32, %arg2: memref<80xi32, #tpu.memory_space<smem>>) -> (i32, i32, i32) {
    %get3A = arith.index_cast %arg0 : i32 to index
    %get3A_0 = memref.load %arg2[%get3A] : memref<80xi32, #tpu.memory_space<smem>>
    %c0_i32 = arith.constant 0 : i32
    %c0_i32_1 = arith.constant 0 : i32
    return %get3A_0, %arg1, %c0_i32 : i32, i32, i32
  }
  func.func @transform_3(%arg0: i32, %arg1: i32, %arg2: memref<80xi32, #tpu.memory_space<smem>>) -> (i32, i32, i32) {
    %add3A = arith.constant 16 : i32
    %add3A_0 = arith.addi %add3A, %arg0 : i32
    %get3A = arith.index_cast %add3A_0 : i32 to index
    %get3A_1 = memref.load %arg2[%get3A] : memref<80xi32, #tpu.memory_space<smem>>
    %c0_i32 = arith.constant 0 : i32
    %c0_i32_2 = arith.constant 0 : i32
    %c0_i32_3 = arith.constant 0 : i32
    return %get3A_1, %c0_i32, %c0_i32_2 : i32, i32, i32
  }
  func.func @transform_4(%arg0: i32, %arg1: i32, %arg2: memref<80xi32, #tpu.memory_space<smem>>) -> (i32, i32) {
    %add3A = arith.constant 16 : i32
    %add3A_0 = arith.addi %add3A, %arg0 : i32
    %get3A = arith.index_cast %add3A_0 : i32 to index
    %get3A_1 = memref.load %arg2[%get3A] : memref<80xi32, #tpu.memory_space<smem>>
    %c0_i32 = arith.constant 0 : i32
    %c0_i32_2 = arith.constant 0 : i32
    return %get3A_1, %c0_i32 : i32, i32
  }
}

module attributes {stable_mosaic.version = 14 : i64} {
  func.func @_shared_body(%arg0: i32, %arg1: i32, %arg2: memref<512x768xf32, #tpu.memory_space<vmem>>, %arg3: memref<768x768xf32, #tpu.memory_space<vmem>>, %arg4: memref<768x768xf32, #tpu.memory_space<vmem>>, %arg5: memref<512x768xf32, #tpu.memory_space<vmem>>, %arg6: memref<512x768xf32, #tpu.memory_space<vmem>>, %arg7: memref<512x768xf32, #tpu.memory_space<vmem>>) attributes {dimension_semantics = [#tpu.dimension_semantics<arbitrary>, #tpu.dimension_semantics<arbitrary>], iteration_bounds = array<i64: 4, 4>, scalar_prefetch = 0 : i64, scratch_operands = 0 : i64, tpu.core_type = #tpu.core_type<tc>, window_params = [{transform_indices = @transform_0, window_bounds = array<i64: 512, 768>}, {transform_indices = @transform_1, window_bounds = array<i64: 768, 768>}, {transform_indices = @transform_2, window_bounds = array<i64: 768, 768>}, {transform_indices = @transform_3, window_bounds = array<i64: 512, 768>}, {transform_indices = @transform_4, window_bounds = array<i64: 512, 768>}, {transform_indices = @transform_5, window_bounds = array<i64: 512, 768>}]} {
    %eq3A = arith.constant 0 : i32
    %eq3A_0 = arith.cmpi eq, %arg1, %eq3A : i32
    %convert_element_type3A = arith.extui %eq3A_0 : i1 to i32
    %cond3A = arith.constant 0 : i32
    %cond3A_1 = arith.cmpi ne, %convert_element_type3A, %cond3A : i32
    scf.if %cond3A_1 {
      %broadcast_in_dim3A = arith.constant 0.000000e+00 : f32
      %broadcast_in_dim3A_41 = vector.broadcast %broadcast_in_dim3A : f32 to vector<512x768xf32>
      %swap3A_42 = arith.constant 0 : index
      %swap3A_43 = arith.constant 0 : index
      %swap3A_44 = vector.load %arg7[%swap3A_42, %swap3A_43] : memref<512x768xf32, #tpu.memory_space<vmem>>, vector<512x768xf32>
      tpu.vector_store %arg7[%swap3A_42, %swap3A_43], %broadcast_in_dim3A_41 {strides = array<i32>} : memref<512x768xf32, #tpu.memory_space<vmem>>, vector<512x768xf32>,
    } else {
    }
    %get3A = arith.constant 0 : index
    %get3A_2 = arith.constant 0 : index
    %get3A_3 = vector.load %arg2[%get3A, %get3A_2] : memref<512x768xf32, #tpu.memory_space<vmem>>, vector<512x768xf32>
    %convert_element_type3A_4 = arith.truncf %get3A_3 : vector<512x768xf32> to vector<512x768xbf16>
    %get3A_5 = arith.constant 0 : index
    %get3A_6 = arith.constant 0 : index
    %get3A_7 = vector.load %arg3[%get3A_5, %get3A_6] : memref<768x768xf32, #tpu.memory_space<vmem>>, vector<768x768xf32>
    %convert_element_type3A_8 = arith.truncf %get3A_7 : vector<768x768xf32> to vector<768x768xbf16>
    %dot_general3A = arith.constant dense<0.000000e+00> : vector<512x768xf32>
    %dot_general3A_9 = tpu.matmul %convert_element_type3A_4, %convert_element_type3A_8, %dot_general3A {dimension_numbers = #tpu.dot_dimension_numbers<[1], [0], [0], [1], [0, 0, 1, 1], [], []>, transpose_lhs_hint = false} : vector<512x768xbf16>, vector<768x768xbf16>, vector<512x768xf32> -> vector<512x768xf32>
    %integer_pow3A = arith.mulf %dot_general3A_9, %dot_general3A_9 : vector<512x768xf32>
    %integer_pow3A_10 = arith.mulf %dot_general3A_9, %integer_pow3A : vector<512x768xf32>
    %mul3A = arith.constant 4.471500e-02 : f32
    %mul3A_11 = vector.broadcast %mul3A : f32 to vector<512x768xf32>
    %mul3A_12 = arith.mulf %mul3A_11, %integer_pow3A_10 : vector<512x768xf32>
    %add3A = arith.addf %dot_general3A_9, %mul3A_12 : vector<512x768xf32>
    %mul3A_13 = arith.constant 0.797884583 : f32
    %mul3A_14 = vector.broadcast %mul3A_13 : f32 to vector<512x768xf32>
    %mul3A_15 = arith.mulf %mul3A_14, %add3A : vector<512x768xf32>
    %tanh3A = math.tanh %mul3A_15 : vector<512x768xf32>
    %add3A_16 = arith.constant 1.000000e+00 : f32
    %add3A_17 = vector.broadcast %add3A_16 : f32 to vector<512x768xf32>
    %add3A_18 = arith.addf %add3A_17, %tanh3A : vector<512x768xf32>
    %mul3A_19 = arith.constant 5.000000e-01 : f32
    %mul3A_20 = vector.broadcast %mul3A_19 : f32 to vector<512x768xf32>
    %mul3A_21 = arith.mulf %mul3A_20, %add3A_18 : vector<512x768xf32>
    %mul3A_22 = arith.mulf %dot_general3A_9, %mul3A_21 : vector<512x768xf32>
    %get3A_23 = arith.constant 0 : index
    %get3A_24 = arith.constant 0 : index
    %get3A_25 = vector.load %arg7[%get3A_23, %get3A_24] : memref<512x768xf32, #tpu.memory_space<vmem>>, vector<512x768xf32>
    %convert_element_type3A_26 = arith.truncf %mul3A_22 : vector<512x768xf32> to vector<512x768xbf16>
    %get3A_27 = arith.constant 0 : index
    %get3A_28 = arith.constant 0 : index
    %get3A_29 = vector.load %arg4[%get3A_27, %get3A_28] : memref<768x768xf32, #tpu.memory_space<vmem>>, vector<768x768xf32>
    %convert_element_type3A_30 = arith.truncf %get3A_29 : vector<768x768xf32> to vector<768x768xbf16>
    %dot_general3A_31 = arith.constant dense<0.000000e+00> : vector<512x768xf32>
    %dot_general3A_32 = tpu.matmul %convert_element_type3A_26, %convert_element_type3A_30, %dot_general3A_31 {dimension_numbers = #tpu.dot_dimension_numbers<[1], [0], [0], [1], [0, 0, 1, 1], [], []>, transpose_lhs_hint = false} : vector<512x768xbf16>, vector<768x768xbf16>, vector<512x768xf32> -> vector<512x768xf32>
    %add3A_33 = arith.addf %get3A_25, %dot_general3A_32 : vector<512x768xf32>
    %swap3A = arith.constant 0 : index
    %swap3A_34 = arith.constant 0 : index
    %swap3A_35 = vector.load %arg7[%swap3A, %swap3A_34] : memref<512x768xf32, #tpu.memory_space<vmem>>, vector<512x768xf32>
    tpu.vector_store %arg7[%swap3A, %swap3A_34], %add3A_33 {strides = array<i32>} : memref<512x768xf32, #tpu.memory_space<vmem>>, vector<512x768xf32>,
    %eq3A_36 = arith.constant 3 : i32
    %eq3A_37 = arith.cmpi eq, %arg1, %eq3A_36 : i32
    %convert_element_type3A_38 = arith.extui %eq3A_37 : i1 to i32
    %cond3A_39 = arith.constant 0 : i32
    %cond3A_40 = arith.cmpi ne, %convert_element_type3A_38, %cond3A_39 : i32
    scf.if %cond3A_40 {
      %get3A_41 = arith.constant 0 : index
      %get3A_42 = arith.constant 0 : index
      %get3A_43 = vector.load %arg7[%get3A_41, %get3A_42] : memref<512x768xf32, #tpu.memory_space<vmem>>, vector<512x768xf32>
      %get3A_44 = arith.constant 0 : index
      %get3A_45 = arith.constant 0 : index
      %get3A_46 = vector.load %arg5[%get3A_44, %get3A_45] : memref<512x768xf32, #tpu.memory_space<vmem>>, vector<512x768xf32>
      %get3A_47 = arith.constant 0 : index
      %get3A_48 = arith.constant 0 : index
      %get3A_49 = vector.load %arg6[%get3A_47, %get3A_48] : memref<512x768xf32, #tpu.memory_space<vmem>>, vector<512x768xf32>
      %add3A_50 = arith.addf %get3A_46, %get3A_49 : vector<512x768xf32>
      %add3A_51 = arith.addf %get3A_43, %add3A_50 : vector<512x768xf32>
      %swap3A_52 = arith.constant 0 : index
      %swap3A_53 = arith.constant 0 : index
      %swap3A_54 = vector.load %arg7[%swap3A_52, %swap3A_53] : memref<512x768xf32, #tpu.memory_space<vmem>>, vector<512x768xf32>
      tpu.vector_store %arg7[%swap3A_52, %swap3A_53], %add3A_51 {strides = array<i32>} : memref<512x768xf32, #tpu.memory_space<vmem>>, vector<512x768xf32>,
    } else {
    }
    return
  }
  func.func @transform_0(%arg0: i32, %arg1: i32) -> (i32, i32) {
    %c0_i32 = arith.constant 0 : i32
    %c0_i32_0 = arith.constant 0 : i32
    return %arg0, %c0_i32 : i32, i32
  }
  func.func @transform_1(%arg0: i32, %arg1: i32) -> (i32, i32) {
    %c0_i32 = arith.constant 0 : i32
    %c0_i32_0 = arith.constant 0 : i32
    return %c0_i32, %arg1 : i32, i32
  }
  func.func @transform_2(%arg0: i32, %arg1: i32) -> (i32, i32) {
    %c0_i32 = arith.constant 0 : i32
    %c0_i32_0 = arith.constant 0 : i32
    return %arg1, %c0_i32 : i32, i32
  }
  func.func @transform_3(%arg0: i32, %arg1: i32) -> (i32, i32) {
    %c0_i32 = arith.constant 0 : i32
    %c0_i32_0 = arith.constant 0 : i32
    return %arg0, %c0_i32 : i32, i32
  }
  func.func @transform_4(%arg0: i32, %arg1: i32) -> (i32, i32) {
    %add3A = arith.constant 4 : i32
    %add3A_0 = arith.addi %arg0, %add3A : i32
    %c0_i32 = arith.constant 0 : i32
    %c0_i32_1 = arith.constant 0 : i32
    return %add3A_0, %c0_i32 : i32, i32
  }
  func.func @transform_5(%arg0: i32, %arg1: i32) -> (i32, i32) {
    %c0_i32 = arith.constant 0 : i32
    %c0_i32_0 = arith.constant 0 : i32
    return %arg0, %c0_i32 : i32, i32
  }
}

</mosaic_0001>

<sc_bundles>
// kernel: kernel.6.cloned.1.call-start
scs
__scs_entry_jumppad:
0x0: {  	(pc) =	sbr.rel $0x88, $3  }
0x1: {  	(tag) =	ssettag $0x0;
	lr =	simm.s32 $0x1  }
0x2: {  	[smem:$0x3F9A] =	sst lr;
	_ =	strace $0xD0000000  }
0x3: {  	_ = 	snop  }
0x4: {  	_ = 	snop  }
0x5: {  	_ = 	snop  }
0x6: {  	_ = 	snop  }
0x7: {  	_ = 	snop  }
__scs_overlays_trampoline_lowered:
0x8: {  	[smem:$0x3FA9] =	sst s0  }
0x9: {  	[smem:$0x3FAA] =	sst s1  }
0xa: {  	[smem:$0x3FAB] =	sst s2  }
0xb: {  	[smem:$0x3FAC] =	sst s3  }
0xc: {  	[smem:$0x3FAD] =	sst s4  }
0xd: {  	[smem:$0x3FAE] =	sst s5  }
0xe: {  	[smem:$0x3FAF] =	sst s6  }
0xf: {  	[smem:$0x3FB0] =	sst s7  }
0x10: {  	[smem:$0x3FB1] =	sst s8  }
0x11: {  	[smem:$0x3FB2] =	sst s9;
	s0 =	simm.s32 @!p0 $0x0  }
0x12: {  	s1 =	sld [smem:$0x3F98];
	s0 =	simm.s32 @p0 $0x1  }
0x13: {  	[smem:$0x3FB3] =	sst s0;
	s0 =	simm.s32 @!p1 $0x0  }
0x14: {  	s2 =	sld [smem:$0x3F97];
	s0 =	simm.s32 @p1 $0x1  }
0x15: {  	[smem:$0x3FB4] =	sst s0;
	s0 =	simm.s32 @!p2 $0x0  }
0x16: {  	s3 =	sld [smem:$0x3FDB];
	s0 =	simm.s32 @p2 $0x1  }
0x17: {  	s4 =	simm.s32 $0x1BF5;
	[smem:$0x3FB6] =	sst s0  }
0x18: {  	s0 =	sld [smem:$0x3F99];
	_ =	swait.ge [sflag:s4], $0x0  }
0x19: {  	s7 =	sld [smem:$0x3F9A]  }
0x1a: {  	s8 =	sadd.s32 $0xFFFFE003, lr  }
0x1b: {  	s9 =	sadd.s32 $0xFFFFFEF7, lr;
	s5 =	simm.s32 $0xFFFFFFFF;
	p2 =	slt.u32 s8, $0xFFFFF086  }
0x1c: {  	p1 =	slt.u32 s9, $0xF7A;
	s5 =	simm.s32 @!p2 $0x0  }
0x1d: {  	s5 =	simm.s32 @p1 $0x1;
	p0 =	seq.s32 s7, s2  }
0x1e: {  	s7 =	smul.u32 @!p0 $0xF7A, s2;
	p2 =	seq.s32 @!p0 s5, $0x0  }
0x1f: {  	s9 =	smul.u32 $0xF7A, s1;
	s8 =	simm.s32 @!p0 $0x1BF5;
	p2 =	por !p2, p0  }
0x20: {  	[sflag:s8] =	ssyncset.s32 @!p0 $0xFFFFF086;
	s6 =	sadd.s32 @!p0 s3, s7;
	s7 =	simm.s32 @!p0 $0x108  }
0x21: {  	s3 =	sadd.s32 s3, s9;
	s6 =	sadd.s32 @!p0 $0x88, s6;
	s7 =	simm.s32 @p2 $0x1082  }
0x22: {  	[simem:s7], [sflag:s8] =	dma.local @!p0 [hbm:s6], $0xF7A  }
0x23: {  	s9 =	sor.u32 $0xD0000000, s2;
	s6 =	simm.s32 $0x108;
	_ =	swait.ge @!p0 [sflag:s8], $0x0  }
0x24: {  	s3 =	sadd.s32 $0x88, s3;
	s6 =	simm.s32 @!p1 $0x1082;
	[sflag:s4] =	ssyncset.s32 $0xFFFFF086  }
0x25: {  	[simem:s6], [sflag:s4] =	dma.local [hbm:s3], $0xF7A  }
0x26: {  	[smem:$0x3F9A] =	sst s1;
	(tag) =	ssettag s2;
	_ =	strace s9  }
0x27: {  	s1 =	sld [smem:$0x3FAA]  }
0x28: {  	s2 =	sld [smem:$0x3FAB]  }
0x29: {  	s4 =	sld [smem:$0x3FAD]  }
0x2a: {  	p0 =	seq.s32 s5, $0x0;
	s5 =	sld [smem:$0x3FAE]  }
0x2b: {  	s6 =	sld [smem:$0x3FAF]  }
0x2c: {  	s7 =	sld [smem:$0x3FB0]  }
0x2d: {  	s3 =	simm.s32 $0x108;
	s8 =	sld [smem:$0x3FB1]  }
0x2e: {  	s3 =	simm.s32 @!p0 $0x1082;
	s9 =	sld [smem:$0x3FB2]  }
0x2f: {  	lr =	sadd.s32 s0, s3;
	s0 =	sld [smem:$0x3FA9]  }
0x30: {  	s3 =	sld [smem:$0x3FAC]  }
0x31: {  	[smem:$0x3FB5] =	sst s10  }
0x32: {  	s10 =	sld [smem:$0x3FB3];
	_ =	sdelay $0x3  }
0x33: {  	p0 =	seq.s32 s10, $0x1;
	s10 =	sld [smem:$0x3FB5];
	_ =	sdelay $0x3  }
0x34: {  	[smem:$0x3FB5] =	sst s10  }
0x35: {  	s10 =	sld [smem:$0x3FB4];
	_ =	sdelay $0x3  }
0x36: {  	p1 =	seq.s32 s10, $0x1;
	s10 =	sld [smem:$0x3FB5];
	_ =	sdelay $0x3  }
0x37: {  	[smem:$0x3FB5] =	sst s10  }
0x38: {  	s10 =	sld [smem:$0x3FB6]  }
0x39: {  	_ = 	snop;
	(pc) =	sbr.ind lr, $3  }
0x3a: {  	_ = 	snop  }
0x3b: {  	_ = 	snop  }
0x3c: {  	p2 =	seq.s32 s10, $0x1;
	s10 =	sld [smem:$0x3FB5]  }
0x3d: {  	_ =	shalt  }
0x3e: {  	_ =	shalt  }
0x3f: {  	_ =	shalt  }
0x40: {  	_ =	shalt  }
0x41: {  	_ =	shalt  }
0x42: {  	_ =	shalt  }
0x43: {  	_ =	shalt  }
0x44: {  	_ =	shalt  }
0x45: {  	_ =	shalt  }
0x46: {  	_ =	shalt  }
0x47: {  	_ =	shalt  }
0x48: {  	_ =	shalt  }
0x49: {  	_ =	shalt  }
0x4a: {  	_ =	shalt  }
0x4b: {  	_ =	shalt  }
0x4c: {  	_ =	shalt  }
0x4d: {  	_ =	shalt  }
0x4e: {  	_ =	shalt  }
0x4f: {  	_ =	shalt  }
0x50: {  	_ =	shalt  }
0x51: {  	_ =	shalt  }
0x52: {  	_ =	shalt  }
0x53: {  	_ =	shalt  }
0x54: {  	_ =	shalt  }
0x55: {  	_ =	shalt  }
0x56: {  	_ =	shalt  }
0x57: {  	_ =	shalt  }
0x58: {  	_ =	shalt  }
0x59: {  	_ =	shalt  }
0x5a: {  	_ =	shalt  }
0x5b: {  	_ =	shalt  }
0x5c: {  	_ =	shalt  }
0x5d: {  	_ =	shalt  }
0x5e: {  	_ =	shalt  }
0x5f: {  	_ =	shalt  }
0x60: {  	_ =	shalt  }
0x61: {  	_ =	shalt  }
0x62: {  	_ =	shalt  }
0x63: {  	_ =	shalt  }
0x64: {  	_ =	shalt  }
0x65: {  	_ =	shalt  }
0x66: {  	_ =	shalt  }
0x67: {  	_ =	shalt  }
0x68: {  	_ =	shalt  }
0x69: {  	_ =	shalt  }
0x6a: {  	_ =	shalt  }
0x6b: {  	_ =	shalt  }
0x6c: {  	_ =	shalt  }
0x6d: {  	_ =	shalt  }
0x6e: {  	_ =	shalt  }
0x6f: {  	_ =	shalt  }
0x70: {  	_ =	shalt  }
0x71: {  	_ =	shalt  }
0x72: {  	_ =	shalt  }
0x73: {  	_ =	shalt  }
0x74: {  	_ =	shalt  }
0x75: {  	_ =	shalt  }
0x76: {  	_ =	shalt  }
0x77: {  	_ =	shalt  }
0x78: {  	_ =	shalt  }
0x79: {  	_ =	shalt  }
0x7a: {  	_ =	shalt  }
0x7b: {  	_ =	shalt  }
0x7c: {  	_ =	shalt  }
0x7d: {  	_ =	shalt  }
0x7e: {  	_ =	shalt  }
0x7f: {  	_ =	shalt  }
0x80: {  	_ =	shalt  }
0x81: {  	_ =	shalt  }
0x82: {  	_ =	shalt  }
0x83: {  	_ =	shalt  }
0x84: {  	_ =	shalt  }
0x85: {  	_ =	shalt  }
0x86: {  	_ =	shalt  }
0x87: {  	_ =	shalt  }
.Lfunc_end0:
.L_simem_size_0:
called_computation_lowered:
.L_overlay_start_0:
0x88: {  	s2 =	sld [smem:$0x3FD9]  }
0x89: {  	s3 =	sld [smem:$0x3FFE];
	_ =	sdelay $0x1  }
0x8a: {  	s1 =	srdreg.scid  }
0x8b: {  	s0 =	sand.u32 $0x1, s1  }
0x8c: {  	s17 =	sshll.u32 s0, $0xA;
	s2 =	sadd.s32 s3, s2  }
0x8d: {  	s2 =	sadd.s32 s2, s17  }
0x8e: {  	[smem:$0x3FC1] =	sst s2  }
0x8f: {  	_ = 	snop  }
0x90: {  	s2 =	sld [smem:$0x3FD0];
	(tm) =	ssettm $0x1  }
0x91: {  	s18 =	sld [smem:$0x3FFB];
	_ =	sdelay $0x3  }
0x92: {  	_ =	strace s18  }
0x93: {  	s3 =	sld [smem:$0x3FFC];
	_ =	sdelay $0x3  }
0x94: {  	_ =	strace s3  }
0x95: {  	s3 =	sld [smem:$0x3FFD];
	_ =	sdelay $0x3  }
0x96: {  	_ =	strace s3  }
0x97: {  	_ =	strace $0x8FFFFFFF  }
0x98: {  	s19 =	sld [smem:$0x3FDB];
	_ =	sdelay $0x1  }
0x99: {  	s4 =	simm.s32 $_scs_section_size  }
0x9a: {  	s5 =	simm.s32 $_size__tile_overlayer_lowered;
	s6 =	simm.s32 $_tile_overlayer_lowered  }
0x9b: {  	s22 =	simm.s32 $0x1BFF;
	s21 =	sshll.u32 s6, $0x1;
	s3 =	sadd.s32 s4, s19  }
0x9c: {  	s7 =	simm.s32 $0x0;
	s20 =	sshll.u32 s5, $0x1;
	s5 =	sadd.s32 s21, s3  }
0x9d: {  	[timem:s7], [sflag:s22] =	dma.local [hbm:s5], s20  }
0x9e: {  	_ =	swait.ge [sflag:s22], s20  }
0x9f: {  	s4 =	ssub.s32 $0x0, s20;
	[sflag:s22] =	ssyncset.done $0x0  }
0xa0: {  	[sflag:s22] =	ssyncadd.s32 s4;
	_ =	sdelay $0x1  }
0xa1: {  	s23 =	simm.s32 $0x1B8B  }
0xa2: {  	_ =	swait.ge [sflag:s23], $0x1  }
0xa3: {  	[sflag:s23] =	ssyncset.done $0x0  }
0xa4: {  	s25 =	simm.s32 $0x1B8E;
	s24 =	sld [smem:$0x3FFE];
	[sflag:s23] =	ssyncadd.s32 $0xFFFFFFFF  }
0xa5: {  	s26 =	simm.s32 $execute0_lowered;
	[smem:$0x3FD2] =	sst s25  }
0xa6: {  	s5 =	sshll.u32 s26, $0x1;
	_ =	strace $0x80000046;
	[dreg:$0x1] =	wrdreg $0xFFFFFFFF  }
0xa7: {  	s28 =	simm.s32 $_size_execute0_lowered;
	s3 =	sadd.s32 s3, s5;
	[dreg:$0x0] =	wrdreg $0x0  }
0xa8: {  	s5 =	sshll.u32 s28, $0x1;
	[dreg:$0x2] =	wrdreg s3  }
0xa9: {  	[dreg:$0x3] =	wrdreg s5  }
0xaa: {  	[dreg:$0x4] =	wrdreg $0xC0  }
0xab: {  	_ =	task [dreg:s7], $0x5FFFF  }
0xac: {  	[dreg:$0x1] =	wrdreg $0xFFFFFFFF  }
0xad: {  	[dreg:$0x0] =	wrdreg $0x60  }
0xae: {  	[dreg:$0x2] =	wrdreg s24  }
0xaf: {  	[dreg:$0x3] =	wrdreg s2  }
0xb0: {  	[dreg:$0x4] =	wrdreg $0x9  }
0xb1: {  	_ =	task.clear_ibuf [dreg:s7], $0x5FFFF;
	_ =	strace $0x90000046  }
0xb2: {  	s29 =	simm.s32 $0x9;
	_ =	strace $0x80000048  }
0xb3: {  	_ =	swait.ge [sflag:s29], $0x1  }
0xb4: {  	[sflag:s29] =	ssyncadd.s32 $0xFFFFFFFF  }
0xb5: {  	_ =	strace $0x90000048  }
0xb6: {  	_ =	sfence  }
0xb7: {  	s30 =	sld [smem:$0x0];
	_ =	sdelay $0x2  }
0xb8: {  	s31 =	sshll.u32 s1, $0xD;
	s1 =	sshrl.u32 s1, $0x2  }
0xb9: {  	s3 =	sand.u32 $0x4000, s31;
	s1 =	sadd.s32 s1, s30  }
0xba: {  	s0 =	sor.u32 s3, s0;
	s1 =	sshll.u32 s1, $0x11  }
0xbb: {  	s0 =	sor.u32 s1, s0  }
0xbc: {  	s0 =	sadd.s32 $0x8F2B, s0  }
0xbd: {  	[sflag:s0] =	ssyncadd.remote.s32 $0x1  }
0xbe: {  	_ =	sfence.sel $0xFFFF  }
0xbf: {  	[dreg:$0x0] =	wrdreg $0xFFFFFFFF;
	(pc) =	sbr.abs _section_cstart, $3  }
0xc0: {  	[dreg:$0x1] =	wrdreg $0xFFFFFFFF  }
0xc1: {  	_ =	task.clear_ibuf [dreg:s7], $0x2FFFF;
	_ =	strace $0x9FFFFFFF  }
0xc2: {  	(tm) =	ssettm $0x7FFFFFFF  }
0xc3: {  	_ =	shalt  }
tec
execute0_lowered:
.L_overlay_start_1:
0x0: {  	(tag) =	ssettag $0x1  }
0x1: {  	s0 =	rddreg [dreg:$0x0]  }
0x2: {  	s1 =	rddreg [dreg:$0x1]  }
0x3: {  	s3 =	srdreg.scid;
	s14 =	stileid.u32;
	s2 =	simm.s32 $0x0  }
0x4: {  	s15 =	simm.s32 $0x2;
	s17 =	simm.s32 $0x19080;
	s19 =	simm.s32 $0x1  }
0x5: {  	s20 =	simm.s32 $0x1000;
	s31 =	simm.s32 $0x14000;
	s18 =	simm.s32 $0x16000  }
0x6: {  	s21 =	simm.s32 $0x16800;
	s22 =	simm.s32 $0x17000;
	s23 =	simm.s32 $0x17800  }
0x7: {  	s24 =	simm.s32 $0x18000;
	s25 =	simm.s32 $0x18800;
	s6 =	sand.u32 $0x1, s3  }
0x8: {  	s26 =	sshll.u32 s14, $0x1;
	[smem:$0x7FF] =	sst s2;
	s3 =	sadd.s32 $0x2800, s0  }
0x9: {  	s4 =	sadd.s32 $0x2E00, s0;
	s5 =	sadd.s32 $0x2A00, s0;
	s11 =	sadd.s32 $0x2C00, s0  }
0xa: {  	v0 =	vimm.s32 $0x1;
	vm0 =	vmmov $0xffff;
	vm1 =	vmmov $0x1;
	s12 =	sadd.s32 $0x3000, s0;
	s29 =	sshll.u32 s14, $0x4;
	s16 =	sor.u32 s6, s26  }
0xb: {  	v1 =	vimm.s32 $0x0;
	v2 =	vimm.s32 $0xFEDCBA98;
	v3 =	vimm.s32 $0x76543211;
	_ =	strace $0x80000047;
	s8 =	ssub.s32 $0x2, s6;
	[dreg:$0x3] =	wrdreg s11  }
0xc: {  	v4 =	vimm.s32 $0xEDCBA987;
	v2 =	vunpack.c.l.s4.s8 v2;
	v3 =	vunpack.c.l.s4.s8 v3;
	s11 =	sadd.s32 $0x2F00, s0;
	s30 =	sshll.u32 s6, $0x3;
	s6 =	simm.s32 $0x15800  }
0xd: {  	v5 =	vimm.s32 $0x65432100;
	v1 =	vsel vm1, $0xFFFFFFFF, v1;
	v4 =	vunpack.c.l.s4.s8 v4;
	s26 =	simm.s32 $0x0;
	s7 =	sshll.u32 s16, $0x4;
	s10 =	sshrl.u32 s8, $0x1  }
.Ltmp0:
0xe: {  	v5 =	vunpack.c.l.s4.s8 v5;
	s14 =	sor.u32 s30, s29;
	p0 =	sne.s32 s16, $0x0;
	v6 =	vunpack.c.0.s8.s32 v2;
	v3 =	vunpack.c.0.s8.s32 v3;
	(pc) =	sbr.rel .LBB2_1-.Ltmp0, $4  }
0xf: {  	[tilespmem:$0x1FFF0] =	vst v1;
	v1 =	vimm.s32 $0x0;
	v2 =	vlaneseq.u32;
	v7 =	vunpack.c.0.s8.s32 v4;
	s9 =	sadd.s32 s7, s0;
	s7 =	sand.u32 $0xF0, s7;
	s13 =	ssub.s32 s8, s10  }
0x10: {  	v8 =	vunpack.c.0.s8.s32 v5;
	s0 =	simm.s32 $0x14800;
	v4 =	vshrl.u32 v2, $0x3;
	s28 =	smul.u32 $0x300, s7;
	s7 =	sshll.u32 s16, $0x7;
	v6 =	vcombine.low v3, v6  }
0x11: {  	v5 =	vor.u32 $0x8, v2;
	s8 =	sadd.s32 $0x62E00, s9;
	s9 =	sadd.s32 $0x2600, s9;
	s13 =	smax.u32 s13, $0x1;
	v3 =	vand.u32 $0x7, v2;
	v7 =	vand.u32 $0xF, v7  }
0x12: {  	s16 =	simm.s32 $0x19000;
	v4 =	vmul.u32 $0x8, v4;
	v7 =	vcombine.low v8, v7;
	s10 =	sadd.s32 s1, s28;
	s1 =	simm.s32 $0x15000;
	v6 =	vand.u32 $0xF, v6  }
.LBB2_5:
0x13: {  	s26 =	sadd.s32 $0x1, s26  }
0x14: {  	p1 =	sne.s32 s26, s13  }
.Ltmp1:
0x15: {  	_ = 	snop;
	(pc) =	sbr.rel @!p1 .LBB2_6-.Ltmp1, $1  }
0x16: {  	_ =	sdelay $0x3  }
.LBB2_1:
0x17: {  	[tilespmem:s2], [sflag:$0x2] =	stream.linear.gather [hbm4b:s3+s2], $0x1000, $0x38;
	[tilespmem:$0x19180] =	vst v63  }
0x18: {  	_ =	swait.ge [sflag:s15], $0x1000  }
0x19: {  	[sflag:s15] =	ssyncset.done $0x0  }
0x1a: {  	s28 =	simm.s32 $0x40;
	[sflag:s15] =	ssyncadd.s32 $0xFFFFF000  }
0x1b: {  	v12 =	vld [tilespmem:s28+$0xFFFFFFC0]  }
0x1c: {  	v13 =	vld [tilespmem:s28+$0x30]  }
0x1d: {  	v14 =	vld [tilespmem:s28+$0x0]  }
0x1e: {  	v16 =	vld [tilespmem:s28+$0xFFFFFFD0]  }
0x1f: {  	v22 =	vld [tilespmem:s28+$0x10]  }
0x20: {  	v24 =	vld [tilespmem:s28+$0xFFFFFFE0]  }
0x21: {  	p1 =	seq.s32 s14, $0x0;
	v25 =	vld [tilespmem:s28+$0xFFFFFFF0]  }
0x22: {  	v11 =	vpsel p1, v1, v1;
	v10 =	vpsel p1, v1, v1;
	v9 =	vpsel p1, v1, v1  }
0x23: {  	v8 =	vpsel p1, v1, v1;
	v15 =	vshll.u32 v12, $0x4;
	v12 =	vshrl.u32 v12, $0x1  }
0x24: {  	v18 =	vld [tilespmem:s28+$0x20];
	v17 =	vshll.u32 v13, $0x4;
	v13 =	vshrl.u32 v13, $0x1;
	v21 =	vshll.u32 v14, $0x4  }
0x25: {  	v23 =	vshll.u32 v16, $0x4;
	v16 =	vshrl.u32 v16, $0x1;
	v26 =	vshrl.u32 v14, $0x1  }
0x26: {  	v14 =	vshrl.u32 v22, $0x1;
	v27 =	vshll.u32 v24, $0x4;
	v29 =	vshrl.u32 v25, $0x1  }
0x27: {  	v24 =	vshrl.u32 v24, $0x1;
	v15 =	vand.u32 $0x10, v15;
	vm1 =	veq.s32 v12, $0x0  }
0x28: {  	vm2 =	veq.s32 v12, $0x2;
	vm4 =	veq.s32 v13, $0x3;
	vm6 =	veq.s32 v12, $0x3  }
0x29: {  	vm7 =	veq.s32 v12, $0x1;
	vm5 =	veq.s32 v13, $0x2;
	v12 =	vshll.u32 v18, $0x4  }
0x2a: {  	v18 =	vshrl.u32 v18, $0x1;
	v23 =	vand.u32 $0x10, v23;
	v21 =	vand.u32 $0x10, v21  }
0x2b: {  	vm10 =	veq.s32 v14, $0x2;
	v28 =	vand.u32 $0x10, v17;
	vm12 =	veq.s32 v26, $0x3  }
0x2c: {  	vm13 =	veq.s32 v14, $0x0;
	vm14 =	veq.s32 v14, $0x1;
	vm15 =	veq.s32 v16, $0x1  }
0x2d: {  	v15 =	vshll.u32 v0, v15;
	vm3 =	veq.s32 v18, $0x1;
	vm8 =	veq.s32 v18, $0x3  }
0x2e: {  	v12 =	vand.u32 $0x10, v12;
	v21 =	vshll.u32 v0, v21;
	vm9 =	veq.s32 v18, $0x0  }
0x2f: {  	v23 =	vshll.u32 v0, v23;
	vm11 =	veq.s32 v18, $0x2;
	v18 =	vshll.u32 v25, $0x4  }
0x30: {  	v19 =	vnsel vm1, $0x0, v15;
	v20 =	vnsel vm2, $0x0, v15;
	vm1 =	veq.s32 v13, $0x1  }
0x31: {  	vm2 =	veq.s32 v13, $0x0;
	v13 =	vshll.u32 v22, $0x4;
	v22 =	vnsel vm6, $0x0, v15  }
0x32: {  	v15 =	vnsel vm7, $0x0, v15;
	vm7 =	veq.s32 v16, $0x3;
	vm6 =	veq.s32 v29, $0x3  }
0x33: {  	v37 =	vnsel vm12, $0x0, v21;
	vm12 =	veq.s32 v29, $0x0;
	v20 =	vadd.s32 v1, v20  }
0x34: {  	v19 =	vadd.s32 v1, v19;
	v13 =	vand.u32 $0x10, v13;
	v15 =	vadd.s32 v1, v15  }
0x35: {  	v32 =	vnsel vm7, $0x0, v23;
	vm7 =	veq.s32 v24, $0x1;
	v30 =	vshll.u32 v0, v13  }
0x36: {  	v13 =	vshll.u32 v0, v12;
	v31 =	vnsel vm10, $0x0, v30;
	vm10 =	veq.s32 v14, $0x3  }
0x37: {  	v14 =	vnsel vm9, $0x0, v13;
	v12 =	vnsel vm8, $0x0, v13;
	vm8 =	veq.s32 v16, $0x0  }
0x38: {  	v34 =	vnsel vm14, $0x0, v30;
	v35 =	vnsel vm11, $0x0, v13;
	vm9 =	veq.s32 v26, $0x0  }
0x39: {  	vm14 =	veq.s32 v26, $0x1;
	v17 =	vnsel vm8, $0x0, v23;
	vm8 =	veq.s32 v24, $0x3  }
0x3a: {  	v55 =	vnsel vm14, $0x0, v21;
	v33 =	vadd.s32 v17, v19;
	v17 =	vnsel vm15, $0x0, v23  }
0x3b: {  	vm14 =	veq.s32 v24, $0x2;
	vm15 =	veq.s32 v26, $0x2;
	v54 =	vadd.s32 v17, v15  }
0x3c: {  	v15 =	vand.u32 $0x10, v18;
	v17 =	vnsel vm13, $0x0, v30;
	vm13 =	veq.s32 v29, $0x1  }
0x3d: {  	v18 =	vadd.s32 v1, v22;
	v36 =	vshll.u32 v0, v15;
	v15 =	vnsel vm10, $0x0, v30  }
0x3e: {  	vm10 =	veq.s32 v16, $0x2;
	v16 =	vand.u32 $0x10, v27;
	v22 =	vadd.s32 v32, v18  }
0x3f: {  	v19 =	vnsel vm10, $0x0, v23;
	vm10 =	veq.s32 v29, $0x2;
	v23 =	vnsel vm15, $0x0, v21  }
0x40: {  	v56 =	vnsel vm13, $0x0, v36;
	v57 =	vnsel vm6, $0x0, v36;
	v21 =	vnsel vm9, $0x0, v21  }
0x41: {  	v59 =	vshll.u32 v0, v16;
	vm15 =	veq.s32 v24, $0x0;
	v62 =	vnsel vm12, $0x0, v36  }
0x42: {  	v20 =	vadd.s32 v19, v20;
	v58 =	vnsel vm10, $0x0, v36;
	v19 =	vshll.u32 v0, v28  }
0x43: {  	v24 =	vnsel vm15, $0x0, v59;
	v60 =	vnsel vm14, $0x0, v59;
	v61 =	vnsel vm7, $0x0, v59  }
0x44: {  	v28 =	vnsel vm8, $0x0, v59;
	v16 =	vnsel vm4, $0x0, v19;
	v18 =	vnsel vm5, $0x0, v19  }
0x45: {  	v24 =	vadd.s32 v24, v33;
	v20 =	vadd.s32 v60, v20;
	v25 =	vadd.s32 v61, v54  }
0x46: {  	v22 =	vadd.s32 v28, v22;
	v20 =	vadd.s32 v58, v20;
	v24 =	vadd.s32 v62, v24  }
0x47: {  	v25 =	vadd.s32 v56, v25;
	v22 =	vadd.s32 v57, v22;
	v20 =	vadd.s32 v23, v20  }
0x48: {  	v23 =	vadd.s32 v21, v24;
	v63 =	vadd.s32 v55, v25;
	v20 =	vadd.s32 v31, v20  }
0x49: {  	s29 =	simm.s32 $0xC0;
	s28 =	simm.s32 $0x8;
	v21 =	vadd.s32 v37, v22;
	v22 =	vadd.s32 v34, v63;
	v20 =	vadd.s32 v35, v20  }
.LBB2_2:
0x4a: {  	v24 =	vld [tilespmem:s29+$0xFFFFFFC0];
	p1 =	slt.u32 s28, $0xF8;
	v17 =	vadd.s32 v17, v23;
	v23 =	vnsel vm2, $0x0, v19;
	v19 =	vnsel vm1, $0x0, v19;
	s30 =	smov.u32 s28;
	s28 =	sadd.s32 $0x8, s28  }
0x4b: {  	v15 =	vadd.s32 v15, v21;
	v13 =	vnsel vm3, $0x0, v13;
	v25 =	vld [tilespmem:s29+$0x30];
	v14 =	vadd.s32 v14, v17  }
0x4c: {  	v13 =	vadd.s32 v13, v22;
	v12 =	vadd.s32 v12, v15;
	v17 =	vld [tilespmem:s29+$0x20];
	v14 =	vadd.s32 v23, v14  }
0x4d: {  	p2 =	seq.s32 s14, s30;
	v19 =	vadd.s32 v19, v13;
	v13 =	vadd.s32 v18, v20;
	v16 =	vadd.s32 v16, v12;
	v15 =	vld [tilespmem:s29+$0xFFFFFFE0]  }
0x4e: {  	v11 =	vpsel p2, v14, v11;
	v10 =	vpsel p2, v19, v10;
	v9 =	vpsel p2, v13, v9;
	v12 =	vld [tilespmem:s29+$0x0]  }
0x4f: {  	v8 =	vpsel p2, v16, v8;
	v18 =	vshll.u32 v24, $0x4;
	v20 =	vshrl.u32 v24, $0x1;
	v21 =	vld [tilespmem:s29+$0xFFFFFFD0]  }
0x50: {  	v18 =	vand.u32 $0x10, v18;
	vm1 =	veq.s32 v20, $0x0;
	v22 =	vld [tilespmem:s29+$0xFFFFFFF0];
	v23 =	vshll.u32 v25, $0x4  }
0x51: {  	vm2 =	veq.s32 v20, $0x2;
	v24 =	vshrl.u32 v25, $0x1;
	v18 =	vshll.u32 v0, v18  }
0x52: {  	vm4 =	veq.s32 v24, $0x3;
	v25 =	vnsel vm1, $0x0, v18;
	v26 =	vnsel vm2, $0x0, v18  }
0x53: {  	vm6 =	veq.s32 v20, $0x3;
	vm1 =	veq.s32 v24, $0x1;
	v27 =	vshll.u32 v12, $0x4;
	v28 =	vld [tilespmem:s29+$0x10]  }
0x54: {  	vm2 =	veq.s32 v24, $0x0;
	v26 =	vadd.s32 v13, v26;
	v13 =	vshll.u32 v21, $0x4  }
0x55: {  	vm7 =	veq.s32 v20, $0x1;
	vm5 =	veq.s32 v24, $0x2;
	v25 =	vadd.s32 v14, v25  }
0x56: {  	v14 =	vshll.u32 v17, $0x4;
	v17 =	vshrl.u32 v17, $0x1;
	v20 =	vshrl.u32 v21, $0x1  }
0x57: {  	v24 =	vshrl.u32 v12, $0x1;
	vm3 =	veq.s32 v17, $0x1;
	v21 =	vand.u32 $0x10, v13  }
0x58: {  	vm8 =	veq.s32 v17, $0x3;
	v12 =	vshll.u32 v28, $0x4;
	v28 =	vshrl.u32 v28, $0x1  }
0x59: {  	v14 =	vand.u32 $0x10, v14;
	v13 =	vand.u32 $0x10, v27;
	v12 =	vand.u32 $0x10, v12  }
0x5a: {  	vm13 =	veq.s32 v17, $0x0;
	v27 =	vnsel vm6, $0x0, v18;
	v29 =	vshll.u32 v0, v13  }
0x5b: {  	v23 =	vand.u32 $0x10, v23;
	v30 =	vshll.u32 v15, $0x4;
	vm12 =	veq.s32 v28, $0x2  }
0x5c: {  	vm9 =	veq.s32 v24, $0x3;
	v18 =	vnsel vm7, $0x0, v18;
	v31 =	vshrl.u32 v22, $0x1  }
0x5d: {  	vm7 =	veq.s32 v20, $0x3;
	vm6 =	veq.s32 v31, $0x3;
	v32 =	vshll.u32 v0, v12  }
0x5e: {  	v13 =	vshll.u32 v0, v14;
	vm10 =	veq.s32 v28, $0x0;
	vm14 =	veq.s32 v28, $0x1  }
0x5f: {  	v14 =	vnsel vm13, $0x0, v13;
	v33 =	vnsel vm12, $0x0, v32;
	vm12 =	veq.s32 v28, $0x3  }
0x60: {  	v18 =	vadd.s32 v19, v18;
	v19 =	vshll.u32 v0, v21;
	v12 =	vnsel vm8, $0x0, v13  }
0x61: {  	v21 =	vshrl.u32 v15, $0x1;
	vm13 =	veq.s32 v20, $0x1;
	vm8 =	veq.s32 v20, $0x0  }
0x62: {  	v15 =	vnsel vm8, $0x0, v19;
	v28 =	vnsel vm7, $0x0, v19;
	vm7 =	veq.s32 v17, $0x2  }
0x63: {  	v34 =	vnsel vm14, $0x0, v32;
	v25 =	vadd.s32 v15, v25;
	v35 =	vnsel vm7, $0x0, v13  }
0x64: {  	v17 =	vshll.u32 v22, $0x4;
	v15 =	vnsel vm13, $0x0, v19;
	vm7 =	veq.s32 v21, $0x1  }
0x65: {  	vm8 =	veq.s32 v21, $0x3;
	v22 =	vadd.s32 v15, v18;
	v15 =	vand.u32 $0x10, v17  }
0x66: {  	v37 =	vnsel vm9, $0x0, v29;
	vm13 =	veq.s32 v24, $0x0;
	v36 =	vshll.u32 v0, v15  }
0x67: {  	vm9 =	veq.s32 v31, $0x0;
	vm14 =	veq.s32 v24, $0x1;
	v17 =	vnsel vm10, $0x0, v32  }
0x68: {  	vm15 =	veq.s32 v24, $0x2;
	vm10 =	veq.s32 v31, $0x1;
	v15 =	vnsel vm12, $0x0, v32  }
0x69: {  	v16 =	vadd.s32 v16, v27;
	v18 =	vand.u32 $0x10, v30;
	vm12 =	veq.s32 v20, $0x2  }
0x6a: {  	v24 =	vnsel vm14, $0x0, v29;
	v20 =	vadd.s32 v28, v16;
	v19 =	vnsel vm12, $0x0, v19  }
0x6b: {  	v27 =	vnsel vm15, $0x0, v29;
	vm12 =	veq.s32 v31, $0x2;
	v26 =	vadd.s32 v19, v26  }
0x6c: {  	v29 =	vnsel vm13, $0x0, v29;
	v28 =	vnsel vm10, $0x0, v36;
	v30 =	vnsel vm6, $0x0, v36  }
0x6d: {  	vm6 =	veq.s32 v21, $0x2;
	v31 =	vnsel vm12, $0x0, v36;
	v19 =	vshll.u32 v0, v23  }
0x6e: {  	vm10 =	veq.s32 v21, $0x0;
	v23 =	vshll.u32 v0, v18;
	v16 =	vnsel vm4, $0x0, v19  }
0x6f: {  	v21 =	vnsel vm10, $0x0, v23;
	v32 =	vnsel vm6, $0x0, v23;
	v18 =	vnsel vm5, $0x0, v19  }
0x70: {  	v21 =	vadd.s32 v21, v25;
	v25 =	vnsel vm7, $0x0, v23;
	v26 =	vadd.s32 v32, v26  }
.Ltmp2:
0x71: {  	v23 =	vnsel vm8, $0x0, v23;
	v32 =	vnsel vm9, $0x0, v36;
	v26 =	vadd.s32 v31, v26;
	(pc) =	sbr.rel @p1 .LBB2_2-.Ltmp2, $4  }
0x72: {  	v22 =	vadd.s32 v25, v22;
	v20 =	vadd.s32 v23, v20;
	v21 =	vadd.s32 v32, v21  }
0x73: {  	v22 =	vadd.s32 v28, v22;
	v20 =	vadd.s32 v30, v20;
	v25 =	vadd.s32 v27, v26  }
0x74: {  	v23 =	vadd.s32 v29, v21;
	v22 =	vadd.s32 v24, v22;
	v24 =	vadd.s32 v33, v25  }
0x75: {  	s29 =	sadd.s32 $0x80, s29;
	v21 =	vadd.s32 v37, v20;
	v22 =	vadd.s32 v34, v22;
	v20 =	vadd.s32 v35, v24  }
0x76: {  	v17 =	vadd.s32 v17, v23  }
0x77: {  	v42 =	vnsel vm2, $0x0, v19;
	v14 =	vadd.s32 v14, v17  }
0x78: {  	v14 =	vadd.s32 v42, v14  }
0x79: {  	v43 =	vand.u32 $0xFFFF, v14  }
0x7a: {  	v13 =	vnsel vm3, $0x0, v13;
	v44 =	vand.u32 $0xFFFF, v11;
	(xrf0) =	vadd.scan.msk.s32 $0xffff, v43  }
0x7b: {  	v45 =	vnsel vm1, $0x0, v19;
	v13 =	vadd.s32 v13, v22;
	v14 =	vshrl.u32 v14, $0x10;
	(xrf0) =	vadd.scan.msk.s32 $0xffff, v44  }
0x7c: {  	v11 =	vshrl.u32 v11, $0x10;
	v13 =	vadd.s32 v45, v13;
	(xrf0) =	vadd.scan.msk.s32 $0xffff, v14  }
0x7d: {  	(xrf0) =	vadd.scan.msk.s32 $0xffff, v11;
	v11 =	vand.u32 $0xFFFF, v13  }
0x7e: {  	(xrf0) =	vadd.scan.msk.s32 $0xffff, v11;
	v11 =	vand.u32 $0xFFFF, v10  }
0x7f: {  	(xrf0) =	vadd.scan.msk.s32 $0xffff, v11;
	v11 =	vshrl.u32 v13, $0x10;
	_ =	sdelay $0x1  }
0x80: {  	v46 =	vadd.s32 v18, v20;
	v10 =	vshrl.u32 v10, $0x10;
	v47, _, _ =	vpop (xrf0);
	(xrf0) =	vadd.scan.msk.s32 $0xffff, v11  }
0x81: {  	v11, _, _ =	vpop (xrf0);
	(xrf0) =	vadd.scan.msk.s32 $0xffff, v10;
	v10 =	vand.u32 $0xFFFF, v46  }
0x82: {  	v48, _, _ =	vpop (xrf0);
	(xrf0) =	vadd.scan.msk.s32 $0xffff, v10;
	v10 =	vand.u32 $0xFFFF, v9  }
0x83: {  	v15 =	vadd.s32 v15, v21;
	v49, _, _ =	vpop (xrf0);
	(xrf0) =	vadd.scan.msk.s32 $0xffff, v10;
	v10 =	vshrl.u32 v46, $0x10  }
0x84: {  	v12 =	vadd.s32 v12, v15  }
0x85: {  	v57 =	vld [tilespmem:$0x1FFF0];
	v12 =	vadd.s32 v16, v12;
	v9 =	vshrl.u32 v9, $0x10;
	v50, _, _ =	vpop (xrf0);
	(xrf0) =	vadd.scan.msk.s32 $0xffff, v10  }
0x86: {  	vm1 =	vcmask $0x704;
	v10, _, _ =	vpop (xrf0);
	(xrf0) =	vadd.scan.msk.s32 $0xffff, v9;
	v9 =	vand.u32 $0xFFFF, v12  }
0x87: {  	vm2 =	vcmask $0xB08;
	vm3 =	vcmask $0xF0C;
	v51, _, _ =	vpop (xrf0);
	(xrf0) =	vadd.scan.msk.s32 $0xffff, v9;
	v9 =	vand.u32 $0xFFFF, v8  }
0x88: {  	vm4 =	vcmask $0x1310;
	v54 =	vbroadcast v48, $0xF;
	v52, _, _ =	vpop (xrf0);
	(xrf0) =	vadd.scan.msk.s32 $0xffff, v9;
	v9 =	vshrl.u32 v12, $0x10  }
0x89: {  	vm5 =	vcmask $0x1714;
	vm6 =	vcmask $0x1B18;
	v53 =	vbroadcast v47, $0xF;
	v55, _, _ =	vpop (xrf0);
	(xrf0) =	vadd.scan.msk.s32 $0xffff, v9  }
0x8a: {  	vm7 =	vcmask $0x1F1C;
	vm11 =	vnez.u8 v57;
	v14 =	vnsel vm1, $0x0, v54;
	v56, _, _ =	vpop (xrf0)  }
0x8b: {  	v12 =	vnsel vm11, $0x0, v53;
	v16 =	vbroadcast v51, $0xF;
	v9 =	vbroadcast v50, $0xF;
	v58, _, _ =	vpop (xrf0)  }
0x8c: {  	v11 =	vbroadcast v11, $0xF;
	v8 =	vshrl.u32 v8, $0x10;
	v12 =	vadd.s32 v14, v12;
	v60, _, _ =	vpop (xrf0)  }
0x8d: {  	v59 =	vbroadcast v55, $0xF;
	v61 =	vnsel vm3, $0x0, v16;
	v9 =	vnsel vm2, $0x0, v9;
	v62, _, _ =	vpop (xrf0)  }
0x8e: {  	(xrf0) =	vadd.scan.msk.s32 $0xffff, v8;
	v8 =	vbroadcast v49, $0xF;
	v9 =	vadd.s32 v9, v12;
	v21 =	vbroadcast v58, $0xF;
	v22, _, _ =	vpop (xrf0)  }
0x8f: {  	v63 =	vnsel vm4, $0x0, v59;
	v9 =	vadd.s32 v61, v9;
	v23 =	vbroadcast v62, $0xF;
	v24, _, _ =	vpop (xrf0)  }
0x90: {  	v9 =	vadd.s32 v63, v9;
	v14 =	vnsel vm5, $0x0, v21;
	v16 =	vbroadcast v24, $0xF  }
0x91: {  	v26 =	vbroadcast v10, $0xF;
	v9 =	vadd.s32 v14, v9;
	v12 =	vnsel vm6, $0x0, v23  }
0x92: {  	v8 =	vnsel vm1, $0x0, v8;
	v9 =	vadd.s32 v12, v9;
	v25 =	vnsel vm7, $0x0, v16  }
0x93: {  	v10 =	vadd.s32 v25, v9;
	v9 =	vnsel vm11, $0x0, v11;
	v11 =	vbroadcast v52, $0xF  }
0x94: {  	v27 =	vbroadcast v56, $0xF;
	v8 =	vadd.s32 v8, v9;
	v9 =	vnsel vm2, $0x0, v26  }
0x95: {  	(xrf0) =	vadd.scan.msk.s32 $0xffff, v10;
	v8 =	vadd.s32 v9, v8;
	v9 =	vnsel vm3, $0x0, v11;
	v11 =	vbroadcast v60, $0xF  }
0x96: {  	v8 =	vadd.s32 v9, v8;
	v9 =	vnsel vm4, $0x0, v27  }
0x97: {  	v28 =	vld [tilespmem:s7+$0x0];
	v8 =	vadd.s32 v9, v8;
	v9 =	vnsel vm5, $0x0, v11  }
0x98: {  	v29 =	vbroadcast v22, $0xF;
	v30, _, _ =	vpop (xrf0);
	v8 =	vadd.s32 v9, v8  }
0x99: {  	v11 =	vbroadcast v30, $0xF  }
0x9a: {  	v9 =	vnsel vm6, $0x0, v29  }
0x9b: {  	v9 =	vadd.s32 v9, v8;
	v11 =	vnsel vm7, $0x0, v11;
	v8, _, _ =	vpop (xrf0)  }
0x9c: {  	vm1 =	veq.s32 v28, $0x0;
	v11 =	vadd.s32 v11, v9;
	v9 =	vsub.s32 v8, v10  }
0x9d: {  	v31 =	vsel vm1, $0x1, v1;
	v11 =	vadd.s32 v9, v11  }
0x9e: {  	vm2 =	veq.s32 v28, $0x1;
	(xrf0) =	vadd.scan.msk.s32 $0xffff, v31;
	v32 =	vnsel vm11, $0x0, v11  }
0x9f: {  	vm9 =	vcmask $0x308;
	v33 =	vsel vm2, $0x1, v1;
	(xrf0) =	vadd.scan.msk.s32 $0xffff, v32  }
0xa0: {  	vm3 =	veq.s32 v28, $0x2;
	v34 =	vsel vm9, $0x0, v11;
	(xrf0) =	vadd.scan.msk.s32 $0xffff, v33  }
0xa1: {  	vm10 =	vcmask $0x70C;
	v35 =	vsel vm3, $0x1, v1;
	(xrf0) =	vadd.scan.msk.s32 $0xffff, v34  }
0xa2: {  	vm4 =	veq.s32 v28, $0x3;
	v36 =	vsel vm10, $0x0, v11;
	(xrf0) =	vadd.scan.msk.s32 $0xffff, v35  }
0xa3: {  	vm12 =	vcmask $0xB10;
	v37 =	vsel vm4, $0x1, v1;
	(xrf0) =	vadd.scan.msk.s32 $0xffff, v36  }
0xa4: {  	vm5 =	veq.s32 v28, $0x4;
	v38, _, _ =	vpop (xrf0);
	v39 =	vsel vm12, $0x0, v11;
	(xrf0) =	vadd.scan.msk.s32 $0xffff, v37  }
0xa5: {  	vm13 =	vcmask $0xF14;
	v41 =	vsel vm5, $0x1, v1;
	v40, _, _ =	vpop (xrf0);
	(xrf0) =	vadd.scan.msk.s32 $0xffff, v39  }
0xa6: {  	vm6 =	veq.s32 v28, $0x5;
	v43 =	vsel vm13, $0x0, v11;
	v42, _, _ =	vpop (xrf0);
	(xrf0) =	vadd.scan.msk.s32 $0xffff, v41  }
0xa7: {  	vm14 =	vcmask $0x1318;
	v45 =	vsel vm6, $0x1, v1;
	v44, _, _ =	vpop (xrf0);
	(xrf0) =	vadd.scan.msk.s32 $0xffff, v43  }
0xa8: {  	vm7 =	veq.s32 v28, $0x6;
	v47 =	vsel vm14, $0x0, v11;
	v46, _, _ =	vpop (xrf0);
	(xrf0) =	vadd.scan.msk.s32 $0xffff, v45  }
0xa9: {  	vm15 =	vcmask $0x171C;
	v49 =	vsel vm7, $0x1, v1;
	v48, _, _ =	vpop (xrf0);
	(xrf0) =	vadd.scan.msk.s32 $0xffff, v47  }
0xaa: {  	vm8 =	veq.s32 v28, $0x7;
	v51 =	vsel vm15, $0x0, v11;
	v50, _, _ =	vpop (xrf0);
	(xrf0) =	vadd.scan.msk.s32 $0xffff, v49  }
0xab: {  	v54 =	vsel vm8, $0x1, v1;
	vm9 =	vcmask $0x1B20;
	v52 =	vadd.s32 $0xFFFFFFFF, v40;
	v53, _, _ =	vpop (xrf0);
	(xrf0) =	vadd.scan.msk.s32 $0xffff, v51  }
0xac: {  	v56 =	vsel vm9, $0x0, v11;
	v13 =	vbroadcast v52, $0xF;
	v17 =	vadd.s32 $0xFFFFFFFF, v44;
	v55, _, _ =	vpop (xrf0);
	(xrf0) =	vadd.scan.msk.s32 $0xffff, v54  }
0xad: {  	v17 =	vbroadcast v17, $0xF;
	v19 =	vadd.s32 $0xFFFFFFFF, v48;
	v57, _, _ =	vpop (xrf0);
	(xrf0) =	vadd.scan.msk.s32 $0xffff, v56  }
0xae: {  	v58 =	vadd.s32 v38, v13;
	v59 =	vbroadcast v19, $0xF;
	v60, _, _ =	vpop (xrf0)  }
0xaf: {  	v12 =	vnsel vm1, $0x0, v58;
	v16 =	vadd.s32 v42, v17;
	v15 =	vadd.s32 $0xFFFFFFFF, v53;
	v61, _, _ =	vpop (xrf0)  }
0xb0: {  	v12 =	vsel vm2, v16, v12;
	v13 =	vadd.s32 v46, v59;
	v15 =	vbroadcast v15, $0xF;
	v62, _, _ =	vpop (xrf0)  }
0xb1: {  	v29 =	vmpcnt.ones.xlane vm1;
	v12 =	vsel vm3, v13, v12;
	v63 =	vadd.s32 $0xFFFFFFFF, v57;
	v22, _, _ =	vpop (xrf0)  }
0xb2: {  	v15 =	vadd.s32 v50, v15;
	v13 =	vbroadcast v63, $0xF;
	v17 =	vadd.s32 $0xFFFFFFFF, v61;
	v23, _, _ =	vpop (xrf0)  }
0xb3: {  	v12 =	vsel vm4, v15, v12;
	v24 =	vbroadcast v17, $0xF;
	v25 =	vadd.s32 $0xFFFFFFFF, v22;
	v26, _, _ =	vpop (xrf0)  }
0xb4: {  	v13 =	vadd.s32 v55, v13;
	v17 =	vbroadcast v25, $0xF;
	v18 =	vadd.s32 $0xFFFFFFFF, v26  }
0xb5: {  	v12 =	vsel vm5, v13, v12;
	v27 =	vadd.s32 v60, v24;
	v28 =	vbroadcast v18, $0xF  }
0xb6: {  	v31 =	vmpcnt.ones.xlane vm2;
	v12 =	vsel vm6, v27, v12;
	v30 =	vadd.s32 v62, v17  }
0xb7: {  	v33 =	vnsel vm11, $0x0, v29;
	v12 =	vsel vm7, v30, v12;
	v32 =	vadd.s32 v23, v28  }
0xb8: {  	v34 =	vmpcnt.ones.xlane vm3;
	vm3 =	vcmask $0x308;
	v12 =	vsel vm8, v32, v12  }
0xb9: {  	v11 =	vadd.s32 v11, v33;
	v36 =	vmpcnt.ones.xlane vm4;
	v35 =	vsel vm3, $0x0, v31;
	[tilespmem:$0x19000] =	vst v12  }
0xba: {  	v37 =	vsel vm10, $0x0, v34;
	v38 =	vmpcnt.ones.xlane vm5;
	v11 =	vadd.s32 v35, v11;
	v39 =	vld [tilespmem:s7+$0x10]  }
0xbb: {  	v40 =	vsel vm12, $0x0, v36;
	v41 =	vmpcnt.ones.xlane vm6;
	v11 =	vadd.s32 v37, v11  }
0xbc: {  	v43 =	vmpcnt.ones.xlane vm7;
	v42 =	vsel vm13, $0x0, v38;
	v11 =	vadd.s32 v40, v11  }
0xbd: {  	v44 =	vsel vm14, $0x0, v41;
	v45 =	vmpcnt.ones.xlane vm8;
	v11 =	vadd.s32 v42, v11  }
0xbe: {  	v46 =	vsel vm15, $0x0, v43;
	v11 =	vadd.s32 v44, v11  }
0xbf: {  	v47 =	vsel vm9, $0x0, v45;
	v11 =	vadd.s32 v46, v11;
	vm1 =	veq.s32 v39, $0x0  }
0xc0: {  	v11 =	vadd.s32 v47, v11;
	v48 =	vsel vm1, $0x1, v1  }
0xc1: {  	v49 =	vnsel vm11, $0x0, v11;
	vm2 =	veq.s32 v39, $0x1;
	(xrf0) =	vadd.scan.msk.s32 $0xffff, v48  }
0xc2: {  	v50 =	vsel vm2, $0x1, v1;
	(xrf0) =	vadd.scan.msk.s32 $0xffff, v49  }
0xc3: {  	v51 =	vsel vm3, $0x0, v11;
	vm3 =	veq.s32 v39, $0x2;
	(xrf0) =	vadd.scan.msk.s32 $0xffff, v50  }
0xc4: {  	vm4 =	vmmov vm10;
	vm10 =	vmmov vm11;
	v52 =	vsel vm3, $0x1, v1;
	(xrf0) =	vadd.scan.msk.s32 $0xffff, v51  }
0xc5: {  	v53 =	vsel vm4, $0x0, v11;
	vm11 =	vmmov vm4;
	vm4 =	veq.s32 v39, $0x3;
	(xrf0) =	vadd.scan.msk.s32 $0xffff, v52  }
0xc6: {  	v54 =	vsel vm4, $0x1, v1;
	(xrf0) =	vadd.scan.msk.s32 $0xffff, v53  }
0xc7: {  	v56 =	vsel vm12, $0x0, v11;
	vm5 =	veq.s32 v39, $0x4;
	v55, _, _ =	vpop (xrf0);
	(xrf0) =	vadd.scan.msk.s32 $0xffff, v54  }
0xc8: {  	v58 =	vsel vm5, $0x1, v1;
	v57, _, _ =	vpop (xrf0);
	(xrf0) =	vadd.scan.msk.s32 $0xffff, v56  }
0xc9: {  	v60 =	vsel vm13, $0x0, v11;
	vm6 =	veq.s32 v39, $0x5;
	v59, _, _ =	vpop (xrf0);
	(xrf0) =	vadd.scan.msk.s32 $0xffff, v58  }
0xca: {  	v62 =	vsel vm6, $0x1, v1;
	v61, _, _ =	vpop (xrf0);
	(xrf0) =	vadd.scan.msk.s32 $0xffff, v60  }
0xcb: {  	v23 =	vsel vm14, $0x0, v11;
	vm7 =	veq.s32 v39, $0x6;
	v63, _, _ =	vpop (xrf0);
	(xrf0) =	vadd.scan.msk.s32 $0xffff, v62  }
0xcc: {  	v25 =	vsel vm7, $0x1, v1;
	v24, _, _ =	vpop (xrf0);
	(xrf0) =	vadd.scan.msk.s32 $0xffff, v23  }
0xcd: {  	v27 =	vsel vm15, $0x0, v11;
	vm8 =	veq.s32 v39, $0x7;
	v26, _, _ =	vpop (xrf0);
	(xrf0) =	vadd.scan.msk.s32 $0xffff, v25  }
0xce: {  	v30 =	vsel vm8, $0x1, v1;
	v28 =	vadd.s32 $0xFFFFFFFF, v57;
	v29, _, _ =	vpop (xrf0);
	(xrf0) =	vadd.scan.msk.s32 $0xffff, v27  }
0xcf: {  	v32 =	vsel vm9, $0x0, v11;
	v13 =	vbroadcast v28, $0xF;
	v17 =	vadd.s32 $0xFFFFFFFF, v61;
	v31, _, _ =	vpop (xrf0);
	(xrf0) =	vadd.scan.msk.s32 $0xffff, v30  }
0xd0: {  	vm13 =	vmmov vm14;
	v17 =	vbroadcast v17, $0xF;
	v19 =	vadd.s32 $0xFFFFFFFF, v24;
	v33, _, _ =	vpop (xrf0);
	(xrf0) =	vadd.scan.msk.s32 $0xffff, v32  }
0xd1: {  	vm14 =	vcmask $0xF14;
	v34 =	vadd.s32 v55, v13;
	v35 =	vbroadcast v19, $0xF;
	v36, _, _ =	vpop (xrf0)  }
0xd2: {  	v12 =	vnsel vm1, $0x0, v34;
	v16 =	vadd.s32 v59, v17;
	v15 =	vadd.s32 $0xFFFFFFFF, v29;
	v37, _, _ =	vpop (xrf0)  }
0xd3: {  	v12 =	vsel vm2, v16, v12;
	v13 =	vadd.s32 v63, v35;
	v15 =	vbroadcast v15, $0xF;
	v38, _, _ =	vpop (xrf0)  }
0xd4: {  	v47 =	vmpcnt.ones.xlane vm1;
	v12 =	vsel vm3, v13, v12;
	v39 =	vadd.s32 $0xFFFFFFFF, v33;
	v40, _, _ =	vpop (xrf0)  }
0xd5: {  	v15 =	vadd.s32 v26, v15;
	v13 =	vbroadcast v39, $0xF;
	v17 =	vadd.s32 $0xFFFFFFFF, v37;
	v41, _, _ =	vpop (xrf0)  }
0xd6: {  	v12 =	vsel vm4, v15, v12;
	v42 =	vbroadcast v17, $0xF;
	v43 =	vadd.s32 $0xFFFFFFFF, v40;
	v44, _, _ =	vpop (xrf0)  }
0xd7: {  	v13 =	vadd.s32 v31, v13;
	v17 =	vbroadcast v43, $0xF;
	v18 =	vadd.s32 $0xFFFFFFFF, v44  }
0xd8: {  	v12 =	vsel vm5, v13, v12;
	v45 =	vadd.s32 v36, v42;
	v46 =	vbroadcast v18, $0xF  }
0xd9: {  	v49 =	vmpcnt.ones.xlane vm2;
	v12 =	vsel vm6, v45, v12;
	v48 =	vadd.s32 v38, v17  }
0xda: {  	v51 =	vnsel vm10, $0x0, v47;
	v12 =	vsel vm7, v48, v12;
	v50 =	vadd.s32 v41, v46  }
0xdb: {  	v52 =	vmpcnt.ones.xlane vm3;
	vm3 =	vcmask $0x308;
	v12 =	vsel vm8, v50, v12  }
0xdc: {  	v11 =	vadd.s32 v11, v51;
	v54 =	vmpcnt.ones.xlane vm4;
	v53 =	vsel vm3, $0x0, v49;
	[tilespmem:$0x19010] =	vst v12  }
0xdd: {  	v56 =	vmpcnt.ones.xlane vm5;
	v55 =	vsel vm11, $0x0, v52;
	v11 =	vadd.s32 v53, v11;
	v57 =	vld [tilespmem:s7+$0x20]  }
0xde: {  	v58 =	vsel vm12, $0x0, v54;
	v59 =	vmpcnt.ones.xlane vm6;
	v11 =	vadd.s32 v55, v11  }
0xdf: {  	v60 =	vsel vm14, $0x0, v56;
	v61 =	vmpcnt.ones.xlane vm7;
	v11 =	vadd.s32 v58, v11  }
0xe0: {  	v62 =	vsel vm13, $0x0, v59;
	v63 =	vmpcnt.ones.xlane vm8;
	v11 =	vadd.s32 v60, v11  }
0xe1: {  	v11 =	vadd.s32 v62, v11;
	v17 =	vsel vm15, $0x0, v61  }
0xe2: {  	v18 =	vsel vm9, $0x0, v63;
	v11 =	vadd.s32 v17, v11;
	vm1 =	veq.s32 v57, $0x0  }
0xe3: {  	v11 =	vadd.s32 v18, v11;
	v19 =	vsel vm1, $0x1, v1  }
0xe4: {  	v20 =	vnsel vm10, $0x0, v11;
	vm2 =	veq.s32 v57, $0x1;
	(xrf0) =	vadd.scan.msk.s32 $0xffff, v19  }
0xe5: {  	v21 =	vsel vm2, $0x1, v1;
	(xrf0) =	vadd.scan.msk.s32 $0xffff, v20  }
0xe6: {  	v22 =	vsel vm3, $0x0, v11;
	vm3 =	veq.s32 v57, $0x2;
	(xrf0) =	vadd.scan.msk.s32 $0xffff, v21  }
0xe7: {  	v23 =	vsel vm3, $0x1, v1;
	(xrf0) =	vadd.scan.msk.s32 $0xffff, v22  }
0xe8: {  	v24 =	vsel vm11, $0x0, v11;
	vm4 =	veq.s32 v57, $0x3;
	(xrf0) =	vadd.scan.msk.s32 $0xffff, v23  }
0xe9: {  	v25 =	vsel vm4, $0x1, v1;
	(xrf0) =	vadd.scan.msk.s32 $0xffff, v24  }
0xea: {  	v27 =	vsel vm12, $0x0, v11;
	vm5 =	veq.s32 v57, $0x4;
	v26, _, _ =	vpop (xrf0);
	(xrf0) =	vadd.scan.msk.s32 $0xffff, v25  }
0xeb: {  	v29 =	vsel vm5, $0x1, v1;
	v28, _, _ =	vpop (xrf0);
	(xrf0) =	vadd.scan.msk.s32 $0xffff, v27  }
0xec: {  	v31 =	vsel vm14, $0x0, v11;
	vm6 =	veq.s32 v57, $0x5;
	v30, _, _ =	vpop (xrf0);
	(xrf0) =	vadd.scan.msk.s32 $0xffff, v29  }
0xed: {  	v33 =	vsel vm6, $0x1, v1;
	v32, _, _ =	vpop (xrf0);
	(xrf0) =	vadd.scan.msk.s32 $0xffff, v31  }
0xee: {  	v35 =	vsel vm13, $0x0, v11;
	vm7 =	veq.s32 v57, $0x6;
	v34, _, _ =	vpop (xrf0);
	(xrf0) =	vadd.scan.msk.s32 $0xffff, v33  }
0xef: {  	v37 =	vsel vm7, $0x1, v1;
	v36, _, _ =	vpop (xrf0);
	(xrf0) =	vadd.scan.msk.s32 $0xffff, v35  }
0xf0: {  	v39 =	vsel vm15, $0x0, v11;
	vm8 =	veq.s32 v57, $0x7;
	v38, _, _ =	vpop (xrf0);
	(xrf0) =	vadd.scan.msk.s32 $0xffff, v37  }
0xf1: {  	v42 =	vsel vm8, $0x1, v1;
	v40 =	vadd.s32 $0xFFFFFFFF, v28;
	v41, _, _ =	vpop (xrf0);
	(xrf0) =	vadd.scan.msk.s32 $0xffff, v39  }
0xf2: {  	v44 =	vsel vm9, $0x0, v11;
	v13 =	vbroadcast v40, $0xF;
	v17 =	vadd.s32 $0xFFFFFFFF, v32;
	v43, _, _ =	vpop (xrf0);
	(xrf0) =	vadd.scan.msk.s32 $0xffff, v42  }
0xf3: {  	v17 =	vbroadcast v17, $0xF;
	v19 =	vadd.s32 $0xFFFFFFFF, v36;
	v45, _, _ =	vpop (xrf0);
	(xrf0) =	vadd.scan.msk.s32 $0xffff, v44  }
0xf4: {  	v46 =	vadd.s32 v26, v13;
	v47 =	vbroadcast v19, $0xF;
	v48, _, _ =	vpop (xrf0)  }
0xf5: {  	v12 =	vnsel vm1, $0x0, v46;
	v16 =	vadd.s32 v30, v17;
	v15 =	vadd.s32 $0xFFFFFFFF, v41;
	v49, _, _ =	vpop (xrf0)  }
0xf6: {  	v12 =	vsel vm2, v16, v12;
	v13 =	vadd.s32 v34, v47;
	v15 =	vbroadcast v15, $0xF;
	v50, _, _ =	vpop (xrf0)  }
0xf7: {  	v59 =	vmpcnt.ones.xlane vm1;
	v12 =	vsel vm3, v13, v12;
	v51 =	vadd.s32 $0xFFFFFFFF, v45;
	v52, _, _ =	vpop (xrf0)  }
0xf8: {  	v15 =	vadd.s32 v38, v15;
	v13 =	vbroadcast v51, $0xF;
	v17 =	vadd.s32 $0xFFFFFFFF, v49;
	v53, _, _ =	vpop (xrf0)  }
0xf9: {  	v12 =	vsel vm4, v15, v12;
	v54 =	vbroadcast v17, $0xF;
	v55 =	vadd.s32 $0xFFFFFFFF, v52;
	v56, _, _ =	vpop (xrf0)  }
0xfa: {  	v13 =	vadd.s32 v43, v13;
	v17 =	vbroadcast v55, $0xF;
	v18 =	vadd.s32 $0xFFFFFFFF, v56  }
0xfb: {  	v12 =	vsel vm5, v13, v12;
	v57 =	vadd.s32 v48, v54;
	v58 =	vbroadcast v18, $0xF  }
0xfc: {  	v61 =	vmpcnt.ones.xlane vm2;
	v12 =	vsel vm6, v57, v12;
	v60 =	vadd.s32 v50, v17  }
0xfd: {  	v63 =	vnsel vm10, $0x0, v59;
	v12 =	vsel vm7, v60, v12;
	v62 =	vadd.s32 v53, v58  }
0xfe: {  	v20 =	vmpcnt.ones.xlane vm3;
	vm3 =	vcmask $0x308;
	v12 =	vsel vm8, v62, v12  }
0xff: {  	v11 =	vadd.s32 v11, v63;
	v22 =	vmpcnt.ones.xlane vm4;
	v21 =	vsel vm3, $0x0, v61;
	[tilespmem:$0x19020] =	vst v12  }
0x100: {  	v23 =	vsel vm11, $0x0, v20;
	v24 =	vmpcnt.ones.xlane vm5;
	v11 =	vadd.s32 v21, v11;
	v25 =	vld [tilespmem:s7+$0x30]  }
0x101: {  	v27 =	vmpcnt.ones.xlane vm6;
	v26 =	vsel vm12, $0x0, v22;
	v11 =	vadd.s32 v23, v11  }
0x102: {  	v28 =	vsel vm14, $0x0, v24;
	v29 =	vmpcnt.ones.xlane vm7;
	v11 =	vadd.s32 v26, v11  }
0x103: {  	v31 =	vmpcnt.ones.xlane vm8;
	v30 =	vsel vm13, $0x0, v27;
	v11 =	vadd.s32 v28, v11  }
0x104: {  	v32 =	vsel vm15, $0x0, v29;
	v11 =	vadd.s32 v30, v11  }
0x105: {  	v33 =	vsel vm9, $0x0, v31;
	v11 =	vadd.s32 v32, v11;
	vm1 =	veq.s32 v25, $0x0  }
0x106: {  	v11 =	vadd.s32 v33, v11;
	v34 =	vsel vm1, $0x1, v1  }
0x107: {  	v35 =	vnsel vm10, $0x0, v11;
	vm2 =	veq.s32 v25, $0x1;
	(xrf0) =	vadd.scan.msk.s32 $0xffff, v34  }
0x108: {  	vm7 =	vmmov vm13;
	vm13 =	vmmov vm9;
	v36 =	vsel vm2, $0x1, v1;
	(xrf0) =	vadd.scan.msk.s32 $0xffff, v35  }
0x109: {  	vm9 =	vmmov vm3;
	v37 =	vsel vm3, $0x0, v11;
	vm3 =	veq.s32 v25, $0x2;
	(xrf0) =	vadd.scan.msk.s32 $0xffff, v36  }
0x10a: {  	v38 =	vsel vm3, $0x1, v1;
	(xrf0) =	vadd.scan.msk.s32 $0xffff, v37  }
0x10b: {  	v39 =	vsel vm11, $0x0, v11;
	vm4 =	veq.s32 v25, $0x3;
	(xrf0) =	vadd.scan.msk.s32 $0xffff, v38  }
0x10c: {  	v40 =	vsel vm4, $0x1, v1;
	(xrf0) =	vadd.scan.msk.s32 $0xffff, v39  }
0x10d: {  	v42 =	vsel vm12, $0x0, v11;
	vm5 =	veq.s32 v25, $0x4;
	v41, _, _ =	vpop (xrf0);
	(xrf0) =	vadd.scan.msk.s32 $0xffff, v40  }
0x10e: {  	v44 =	vsel vm5, $0x1, v1;
	v43, _, _ =	vpop (xrf0);
	(xrf0) =	vadd.scan.msk.s32 $0xffff, v42  }
0x10f: {  	v46 =	vsel vm14, $0x0, v11;
	vm6 =	veq.s32 v25, $0x5;
	v45, _, _ =	vpop (xrf0);
	(xrf0) =	vadd.scan.msk.s32 $0xffff, v44  }
0x110: {  	v48 =	vsel vm6, $0x1, v1;
	v47, _, _ =	vpop (xrf0);
	(xrf0) =	vadd.scan.msk.s32 $0xffff, v46  }
0x111: {  	v50 =	vsel vm7, $0x0, v11;
	vm11 =	vmmov vm7;
	vm7 =	veq.s32 v25, $0x6;
	v49, _, _ =	vpop (xrf0);
	(xrf0) =	vadd.scan.msk.s32 $0xffff, v48  }
0x112: {  	v52 =	vsel vm7, $0x1, v1;
	v51, _, _ =	vpop (xrf0);
	(xrf0) =	vadd.scan.msk.s32 $0xffff, v50  }
0x113: {  	v54 =	vsel vm15, $0x0, v11;
	vm8 =	veq.s32 v25, $0x7;
	v53, _, _ =	vpop (xrf0);
	(xrf0) =	vadd.scan.msk.s32 $0xffff, v52  }
0x114: {  	v57 =	vsel vm8, $0x1, v1;
	v55 =	vadd.s32 $0xFFFFFFFF, v43;
	v56, _, _ =	vpop (xrf0);
	(xrf0) =	vadd.scan.msk.s32 $0xffff, v54  }
0x115: {  	v59 =	vsel vm13, $0x0, v11;
	v13 =	vbroadcast v55, $0xF;
	v17 =	vadd.s32 $0xFFFFFFFF, v47;
	v58, _, _ =	vpop (xrf0);
	(xrf0) =	vadd.scan.msk.s32 $0xffff, v57  }
0x116: {  	v17 =	vbroadcast v17, $0xF;
	v19 =	vadd.s32 $0xFFFFFFFF, v51;
	v60, _, _ =	vpop (xrf0);
	(xrf0) =	vadd.scan.msk.s32 $0xffff, v59  }
0x117: {  	v61 =	vadd.s32 v41, v13;
	v62 =	vbroadcast v19, $0xF;
	v63, _, _ =	vpop (xrf0)  }
0x118: {  	v12 =	vnsel vm1, $0x0, v61;
	v16 =	vadd.s32 v45, v17;
	v15 =	vadd.s32 $0xFFFFFFFF, v56;
	v23, _, _ =	vpop (xrf0)  }
0x119: {  	v12 =	vsel vm2, v16, v12;
	v13 =	vadd.s32 v49, v62;
	v15 =	vbroadcast v15, $0xF;
	v24, _, _ =	vpop (xrf0)  }
0x11a: {  	v33 =	vmpcnt.ones.xlane vm1;
	v12 =	vsel vm3, v13, v12;
	v25 =	vadd.s32 $0xFFFFFFFF, v60;
	v26, _, _ =	vpop (xrf0)  }
0x11b: {  	v15 =	vadd.s32 v53, v15;
	v13 =	vbroadcast v25, $0xF;
	v17 =	vadd.s32 $0xFFFFFFFF, v23;
	v27, _, _ =	vpop (xrf0)  }
0x11c: {  	v12 =	vsel vm4, v15, v12;
	v28 =	vbroadcast v17, $0xF;
	v29 =	vadd.s32 $0xFFFFFFFF, v26;
	v30, _, _ =	vpop (xrf0)  }
0x11d: {  	v13 =	vadd.s32 v58, v13;
	v17 =	vbroadcast v29, $0xF;
	v18 =	vadd.s32 $0xFFFFFFFF, v30  }
0x11e: {  	v12 =	vsel vm5, v13, v12;
	v31 =	vadd.s32 v63, v28;
	v32 =	vbroadcast v18, $0xF  }
0x11f: {  	v35 =	vmpcnt.ones.xlane vm2;
	v12 =	vsel vm6, v31, v12;
	v34 =	vadd.s32 v24, v17  }
0x120: {  	v37 =	vnsel vm10, $0x0, v33;
	v12 =	vsel vm7, v34, v12;
	v36 =	vadd.s32 v27, v32  }
0x121: {  	v38 =	vmpcnt.ones.xlane vm3;
	v11 =	vadd.s32 v11, v37;
	v12 =	vsel vm8, v36, v12  }
0x122: {  	v39 =	vsel vm9, $0x0, v35;
	v40 =	vmpcnt.ones.xlane vm4;
	vm4 =	vcmask $0x70C;
	[tilespmem:$0x19030] =	vst v12  }
0x123: {  	v11 =	vadd.s32 v39, v11;
	v42 =	vmpcnt.ones.xlane vm5;
	v41 =	vsel vm4, $0x0, v38;
	v43 =	vld [tilespmem:s7+$0x40]  }
0x124: {  	v44 =	vsel vm12, $0x0, v40;
	v45 =	vmpcnt.ones.xlane vm6;
	v11 =	vadd.s32 v41, v11  }
0x125: {  	v46 =	vsel vm14, $0x0, v42;
	v47 =	vmpcnt.ones.xlane vm7;
	v11 =	vadd.s32 v44, v11  }
0x126: {  	v48 =	vsel vm11, $0x0, v45;
	v49 =	vmpcnt.ones.xlane vm8;
	v11 =	vadd.s32 v46, v11  }
0x127: {  	v50 =	vsel vm15, $0x0, v47;
	v11 =	vadd.s32 v48, v11  }
0x128: {  	v51 =	vsel vm13, $0x0, v49;
	v11 =	vadd.s32 v50, v11;
	vm1 =	veq.s32 v43, $0x0  }
0x129: {  	v11 =	vadd.s32 v51, v11;
	v52 =	vsel vm1, $0x1, v1  }
0x12a: {  	v53 =	vnsel vm10, $0x0, v11;
	vm2 =	veq.s32 v43, $0x1;
	(xrf0) =	vadd.scan.msk.s32 $0xffff, v52  }
0x12b: {  	v54 =	vsel vm2, $0x1, v1;
	(xrf0) =	vadd.scan.msk.s32 $0xffff, v53  }
0x12c: {  	v55 =	vsel vm9, $0x0, v11;
	vm3 =	veq.s32 v43, $0x2;
	(xrf0) =	vadd.scan.msk.s32 $0xffff, v54  }
0x12d: {  	v56 =	vsel vm3, $0x1, v1;
	(xrf0) =	vadd.scan.msk.s32 $0xffff, v55  }
0x12e: {  	v57 =	vsel vm4, $0x0, v11;
	vm4 =	veq.s32 v43, $0x3;
	(xrf0) =	vadd.scan.msk.s32 $0xffff, v56  }
0x12f: {  	v58 =	vsel vm4, $0x1, v1;
	(xrf0) =	vadd.scan.msk.s32 $0xffff, v57  }
0x130: {  	v60 =	vsel vm12, $0x0, v11;
	vm5 =	veq.s32 v43, $0x4;
	v59, _, _ =	vpop (xrf0);
	(xrf0) =	vadd.scan.msk.s32 $0xffff, v58  }
0x131: {  	v62 =	vsel vm5, $0x1, v1;
	v61, _, _ =	vpop (xrf0);
	(xrf0) =	vadd.scan.msk.s32 $0xffff, v60  }
0x132: {  	v24 =	vsel vm14, $0x0, v11;
	vm6 =	veq.s32 v43, $0x5;
	v63, _, _ =	vpop (xrf0);
	(xrf0) =	vadd.scan.msk.s32 $0xffff, v62  }
0x133: {  	v26 =	vsel vm6, $0x1, v1;
	v25, _, _ =	vpop (xrf0);
	(xrf0) =	vadd.scan.msk.s32 $0xffff, v24  }
0x134: {  	v28 =	vsel vm11, $0x0, v11;
	vm7 =	veq.s32 v43, $0x6;
	v27, _, _ =	vpop (xrf0);
	(xrf0) =	vadd.scan.msk.s32 $0xffff, v26  }
0x135: {  	vm8 =	vmmov vm15;
	v30 =	vsel vm7, $0x1, v1;
	v29, _, _ =	vpop (xrf0);
	(xrf0) =	vadd.scan.msk.s32 $0xffff, v28  }
0x136: {  	v32 =	vsel vm8, $0x0, v11;
	vm12 =	vmmov vm8;
	vm8 =	veq.s32 v43, $0x7;
	v31, _, _ =	vpop (xrf0);
	(xrf0) =	vadd.scan.msk.s32 $0xffff, v30  }
0x137: {  	v35 =	vsel vm8, $0x1, v1;
	v33 =	vadd.s32 $0xFFFFFFFF, v61;
	v34, _, _ =	vpop (xrf0);
	(xrf0) =	vadd.scan.msk.s32 $0xffff, v32  }
0x138: {  	v37 =	vsel vm13, $0x0, v11;
	v13 =	vbroadcast v33, $0xF;
	v17 =	vadd.s32 $0xFFFFFFFF, v25;
	v36, _, _ =	vpop (xrf0);
	(xrf0) =	vadd.scan.msk.s32 $0xffff, v35  }
0x139: {  	vm15 =	vmmov vm13;
	v17 =	vbroadcast v17, $0xF;
	v19 =	vadd.s32 $0xFFFFFFFF, v29;
	v38, _, _ =	vpop (xrf0);
	(xrf0) =	vadd.scan.msk.s32 $0xffff, v37  }
0x13a: {  	vm13 =	vcmask $0xB10;
	v39 =	vadd.s32 v59, v13;
	v40 =	vbroadcast v19, $0xF;
	v41, _, _ =	vpop (xrf0)  }
0x13b: {  	v12 =	vnsel vm1, $0x0, v39;
	v16 =	vadd.s32 v63, v17;
	v15 =	vadd.s32 $0xFFFFFFFF, v34;
	v42, _, _ =	vpop (xrf0)  }
0x13c: {  	v12 =	vsel vm2, v16, v12;
	v13 =	vadd.s32 v27, v40;
	v15 =	vbroadcast v15, $0xF;
	v43, _, _ =	vpop (xrf0)  }
0x13d: {  	v52 =	vmpcnt.ones.xlane vm1;
	v12 =	vsel vm3, v13, v12;
	v44 =	vadd.s32 $0xFFFFFFFF, v38;
	v45, _, _ =	vpop (xrf0)  }
0x13e: {  	v15 =	vadd.s32 v31, v15;
	v13 =	vbroadcast v44, $0xF;
	v17 =	vadd.s32 $0xFFFFFFFF, v42;
	v46, _, _ =	vpop (xrf0)  }
0x13f: {  	v12 =	vsel vm4, v15, v12;
	v47 =	vbroadcast v17, $0xF;
	v48 =	vadd.s32 $0xFFFFFFFF, v45;
	v49, _, _ =	vpop (xrf0)  }
0x140: {  	v13 =	vadd.s32 v36, v13;
	v17 =	vbroadcast v48, $0xF;
	v18 =	vadd.s32 $0xFFFFFFFF, v49  }
0x141: {  	v12 =	vsel vm5, v13, v12;
	v50 =	vadd.s32 v41, v47;
	v51 =	vbroadcast v18, $0xF  }
0x142: {  	v54 =	vmpcnt.ones.xlane vm2;
	v12 =	vsel vm6, v50, v12;
	v53 =	vadd.s32 v43, v17  }
0x143: {  	v56 =	vnsel vm10, $0x0, v52;
	v12 =	vsel vm7, v53, v12;
	v55 =	vadd.s32 v46, v51  }
0x144: {  	v57 =	vmpcnt.ones.xlane vm3;
	v11 =	vadd.s32 v11, v56;
	v12 =	vsel vm8, v55, v12  }
0x145: {  	v58 =	vsel vm9, $0x0, v54;
	v59 =	vmpcnt.ones.xlane vm4;
	vm4 =	vcmask $0x70C;
	[tilespmem:$0x19040] =	vst v12  }
0x146: {  	v11 =	vadd.s32 v58, v11;
	v61 =	vmpcnt.ones.xlane vm5;
	v60 =	vsel vm4, $0x0, v57;
	v62 =	vld [tilespmem:s7+$0x50]  }
0x147: {  	v20 =	vmpcnt.ones.xlane vm6;
	v63 =	vsel vm13, $0x0, v59;
	v11 =	vadd.s32 v60, v11  }
0x148: {  	v22 =	vmpcnt.ones.xlane vm7;
	v21 =	vsel vm14, $0x0, v61;
	v11 =	vadd.s32 v63, v11  }
0x149: {  	v23 =	vsel vm11, $0x0, v20;
	v24 =	vmpcnt.ones.xlane vm8;
	v11 =	vadd.s32 v21, v11  }
0x14a: {  	v25 =	vsel vm12, $0x0, v22;
	v11 =	vadd.s32 v23, v11  }
0x14b: {  	v26 =	vsel vm15, $0x0, v24;
	v11 =	vadd.s32 v25, v11;
	vm1 =	veq.s32 v62, $0x0  }
0x14c: {  	v11 =	vadd.s32 v26, v11;
	v27 =	vsel vm1, $0x1, v1  }
0x14d: {  	v28 =	vnsel vm10, $0x0, v11;
	vm2 =	veq.s32 v62, $0x1;
	(xrf0) =	vadd.scan.msk.s32 $0xffff, v27  }
0x14e: {  	v29 =	vsel vm2, $0x1, v1;
	(xrf0) =	vadd.scan.msk.s32 $0xffff, v28  }
0x14f: {  	v30 =	vsel vm9, $0x0, v11;
	vm3 =	veq.s32 v62, $0x2;
	(xrf0) =	vadd.scan.msk.s32 $0xffff, v29  }
0x150: {  	v31 =	vsel vm3, $0x1, v1;
	(xrf0) =	vadd.scan.msk.s32 $0xffff, v30  }
0x151: {  	v32 =	vsel vm4, $0x0, v11;
	vm4 =	veq.s32 v62, $0x3;
	(xrf0) =	vadd.scan.msk.s32 $0xffff, v31  }
0x152: {  	v33 =	vsel vm4, $0x1, v1;
	(xrf0) =	vadd.scan.msk.s32 $0xffff, v32  }
0x153: {  	v35 =	vsel vm13, $0x0, v11;
	vm5 =	veq.s32 v62, $0x4;
	v34, _, _ =	vpop (xrf0);
	(xrf0) =	vadd.scan.msk.s32 $0xffff, v33  }
0x154: {  	v37 =	vsel vm5, $0x1, v1;
	v36, _, _ =	vpop (xrf0);
	(xrf0) =	vadd.scan.msk.s32 $0xffff, v35  }
0x155: {  	v39 =	vsel vm14, $0x0, v11;
	vm6 =	veq.s32 v62, $0x5;
	v38, _, _ =	vpop (xrf0);
	(xrf0) =	vadd.scan.msk.s32 $0xffff, v37  }
0x156: {  	v41 =	vsel vm6, $0x1, v1;
	v40, _, _ =	vpop (xrf0);
	(xrf0) =	vadd.scan.msk.s32 $0xffff, v39  }
0x157: {  	v43 =	vsel vm11, $0x0, v11;
	vm7 =	veq.s32 v62, $0x6;
	v42, _, _ =	vpop (xrf0);
	(xrf0) =	vadd.scan.msk.s32 $0xffff, v41  }
0x158: {  	v45 =	vsel vm7, $0x1, v1;
	v44, _, _ =	vpop (xrf0);
	(xrf0) =	vadd.scan.msk.s32 $0xffff, v43  }
0x159: {  	v47 =	vsel vm12, $0x0, v11;
	vm8 =	veq.s32 v62, $0x7;
	v46, _, _ =	vpop (xrf0);
	(xrf0) =	vadd.scan.msk.s32 $0xffff, v45  }
0x15a: {  	vm12 =	vmmov vm15;
	v50 =	vsel vm8, $0x1, v1;
	v48 =	vadd.s32 $0xFFFFFFFF, v36;
	v49, _, _ =	vpop (xrf0);
	(xrf0) =	vadd.scan.msk.s32 $0xffff, v47  }
0x15b: {  	v52 =	vsel vm15, $0x0, v11;
	v13 =	vbroadcast v48, $0xF;
	v17 =	vadd.s32 $0xFFFFFFFF, v40;
	v51, _, _ =	vpop (xrf0);
	(xrf0) =	vadd.scan.msk.s32 $0xffff, v50  }
0x15c: {  	vm15 =	vcmask $0x1318;
	v17 =	vbroadcast v17, $0xF;
	v19 =	vadd.s32 $0xFFFFFFFF, v44;
	v53, _, _ =	vpop (xrf0);
	(xrf0) =	vadd.scan.msk.s32 $0xffff, v52  }
0x15d: {  	v25 =	vmpcnt.ones.xlane vm1;
	v54 =	vadd.s32 v34, v13;
	v55 =	vbroadcast v19, $0xF;
	v56, _, _ =	vpop (xrf0)  }
0x15e: {  	v12 =	vnsel vm1, $0x0, v54;
	v16 =	vadd.s32 v38, v17;
	v15 =	vadd.s32 $0xFFFFFFFF, v49;
	v57, _, _ =	vpop (xrf0)  }
0x15f: {  	v12 =	vsel vm2, v16, v12;
	v13 =	vadd.s32 v42, v55;
	v15 =	vbroadcast v15, $0xF;
	v58, _, _ =	vpop (xrf0)  }
0x160: {  	v27 =	vmpcnt.ones.xlane vm2;
	v12 =	vsel vm3, v13, v12;
	v59 =	vadd.s32 $0xFFFFFFFF, v53;
	v60, _, _ =	vpop (xrf0)  }
0x161: {  	v15 =	vadd.s32 v46, v15;
	v13 =	vbroadcast v59, $0xF;
	v17 =	vadd.s32 $0xFFFFFFFF, v57;
	v61, _, _ =	vpop (xrf0)  }
0x162: {  	v12 =	vsel vm4, v15, v12;
	v62 =	vbroadcast v17, $0xF;
	v63 =	vadd.s32 $0xFFFFFFFF, v60;
	v22, _, _ =	vpop (xrf0)  }
0x163: {  	v13 =	vadd.s32 v51, v13;
	v17 =	vbroadcast v63, $0xF;
	v18 =	vadd.s32 $0xFFFFFFFF, v22  }
0x164: {  	v12 =	vsel vm5, v13, v12;
	v23 =	vadd.s32 v56, v62;
	v24 =	vbroadcast v18, $0xF  }
0x165: {  	v29 =	vnsel vm10, $0x0, v25;
	v12 =	vsel vm6, v23, v12;
	v26 =	vadd.s32 v58, v17  }
0x166: {  	v30 =	vmpcnt.ones.xlane vm3;
	v12 =	vsel vm7, v26, v12;
	v28 =	vadd.s32 v61, v24  }
0x167: {  	v11 =	vadd.s32 v11, v29;
	v31 =	vsel vm9, $0x0, v27;
	v12 =	vsel vm8, v28, v12  }
0x168: {  	v32 =	vmpcnt.ones.xlane vm4;
	v11 =	vadd.s32 v31, v11;
	vm4 =	vcmask $0x70C;
	[tilespmem:$0x19050] =	vst v12  }
0x169: {  	v37 =	vmpcnt.ones.xlane vm6;
	v34 =	vmpcnt.ones.xlane vm5;
	v33 =	vsel vm4, $0x0, v30;
	v35 =	vld [tilespmem:s7+$0x60]  }
0x16a: {  	v36 =	vsel vm13, $0x0, v32;
	v39 =	vmpcnt.ones.xlane vm7;
	v11 =	vadd.s32 v33, v11  }
0x16b: {  	v40 =	vsel vm15, $0x0, v37;
	v38 =	vsel vm14, $0x0, v34;
	v11 =	vadd.s32 v36, v11  }
0x16c: {  	v41 =	vmpcnt.ones.xlane vm8;
	v11 =	vadd.s32 v38, v11;
	vm8 =	vcmask $0x171C  }
0x16d: {  	v11 =	vadd.s32 v40, v11;
	v42 =	vsel vm8, $0x0, v39  }
0x16e: {  	v43 =	vsel vm12, $0x0, v41;
	v11 =	vadd.s32 v42, v11;
	vm1 =	veq.s32 v35, $0x0  }
0x16f: {  	v11 =	vadd.s32 v43, v11;
	v44 =	vsel vm1, $0x1, v1  }
0x170: {  	v45 =	vnsel vm10, $0x0, v11;
	vm2 =	veq.s32 v35, $0x1;
	(xrf0) =	vadd.scan.msk.s32 $0xffff, v44  }
0x171: {  	v46 =	vsel vm2, $0x1, v1;
	(xrf0) =	vadd.scan.msk.s32 $0xffff, v45  }
0x172: {  	v47 =	vsel vm9, $0x0, v11;
	vm3 =	veq.s32 v35, $0x2;
	(xrf0) =	vadd.scan.msk.s32 $0xffff, v46  }
0x173: {  	v48 =	vsel vm3, $0x1, v1;
	(xrf0) =	vadd.scan.msk.s32 $0xffff, v47  }
0x174: {  	v49 =	vsel vm4, $0x0, v11;
	vm4 =	veq.s32 v35, $0x3;
	(xrf0) =	vadd.scan.msk.s32 $0xffff, v48  }
0x175: {  	v50 =	vsel vm4, $0x1, v1;
	(xrf0) =	vadd.scan.msk.s32 $0xffff, v49  }
0x176: {  	v52 =	vsel vm13, $0x0, v11;
	vm5 =	veq.s32 v35, $0x4;
	v51, _, _ =	vpop (xrf0);
	(xrf0) =	vadd.scan.msk.s32 $0xffff, v50  }
0x177: {  	v54 =	vsel vm5, $0x1, v1;
	v53, _, _ =	vpop (xrf0);
	(xrf0) =	vadd.scan.msk.s32 $0xffff, v52  }
0x178: {  	v56 =	vsel vm14, $0x0, v11;
	vm6 =	veq.s32 v35, $0x5;
	v55, _, _ =	vpop (xrf0);
	(xrf0) =	vadd.scan.msk.s32 $0xffff, v54  }
0x179: {  	v58 =	vsel vm6, $0x1, v1;
	v57, _, _ =	vpop (xrf0);
	(xrf0) =	vadd.scan.msk.s32 $0xffff, v56  }
0x17a: {  	v60 =	vsel vm15, $0x0, v11;
	vm7 =	veq.s32 v35, $0x6;
	v59, _, _ =	vpop (xrf0);
	(xrf0) =	vadd.scan.msk.s32 $0xffff, v58  }
0x17b: {  	v62 =	vsel vm7, $0x1, v1;
	v61, _, _ =	vpop (xrf0);
	(xrf0) =	vadd.scan.msk.s32 $0xffff, v60  }
0x17c: {  	v24 =	vsel vm8, $0x0, v11;
	vm8 =	veq.s32 v35, $0x7;
	v63, _, _ =	vpop (xrf0);
	(xrf0) =	vadd.scan.msk.s32 $0xffff, v62  }
0x17d: {  	v27 =	vsel vm8, $0x1, v1;
	v25 =	vadd.s32 $0xFFFFFFFF, v53;
	v26, _, _ =	vpop (xrf0);
	(xrf0) =	vadd.scan.msk.s32 $0xffff, v24  }
0x17e: {  	v29 =	vsel vm12, $0x0, v11;
	v13 =	vbroadcast v25, $0xF;
	v17 =	vadd.s32 $0xFFFFFFFF, v57;
	v28, _, _ =	vpop (xrf0);
	(xrf0) =	vadd.scan.msk.s32 $0xffff, v27  }
0x17f: {  	v31 =	vbroadcast v17, $0xF;
	v32 =	vadd.s32 $0xFFFFFFFF, v61;
	v30, _, _ =	vpop (xrf0);
	(xrf0) =	vadd.scan.msk.s32 $0xffff, v29  }
0x180: {  	v47 =	vmpcnt.ones.xlane vm1;
	v13 =	vadd.s32 v51, v13;
	v33 =	vbroadcast v32, $0xF;
	v34, _, _ =	vpop (xrf0)  }
0x181: {  	v13 =	vnsel vm1, $0x0, v13;
	v12 =	vadd.s32 v55, v31;
	v15 =	vadd.s32 $0xFFFFFFFF, v26;
	v35, _, _ =	vpop (xrf0)  }
0x182: {  	v12 =	vsel vm2, v12, v13;
	v36 =	vadd.s32 v59, v33;
	v37 =	vbroadcast v15, $0xF;
	v38, _, _ =	vpop (xrf0)  }
0x183: {  	v49 =	vmpcnt.ones.xlane vm2;
	v12 =	vsel vm3, v36, v12;
	v39 =	vadd.s32 $0xFFFFFFFF, v30;
	v40, _, _ =	vpop (xrf0)  }
0x184: {  	v14 =	vadd.s32 v63, v37;
	v13 =	vbroadcast v39, $0xF;
	v16 =	vadd.s32 $0xFFFFFFFF, v35;
	v41, _, _ =	vpop (xrf0)  }
0x185: {  	v12 =	vsel vm4, v14, v12;
	v42 =	vbroadcast v16, $0xF;
	v43 =	vadd.s32 $0xFFFFFFFF, v40;
	v44, _, _ =	vpop (xrf0)  }
0x186: {  	v13 =	vadd.s32 v28, v13;
	v16 =	vbroadcast v43, $0xF;
	v18 =	vadd.s32 $0xFFFFFFFF, v44  }
0x187: {  	v12 =	vsel vm5, v13, v12;
	v45 =	vadd.s32 v34, v42;
	v46 =	vbroadcast v18, $0xF  }
0x188: {  	v52 =	vmpcnt.ones.xlane vm3;
	v12 =	vsel vm6, v45, v12;
	v48 =	vadd.s32 v38, v16  }
0x189: {  	v53 =	vsel vm9, $0x0, v49;
	v12 =	vsel vm7, v48, v12;
	v50 =	vadd.s32 v41, v46  }
0x18a: {  	v54 =	vmpcnt.ones.xlane vm4;
	v51 =	vnsel vm10, $0x0, v47;
	v12 =	vsel vm8, v50, v12  }
0x18b: {  	v56 =	vmpcnt.ones.xlane vm5;
	v11 =	vadd.s32 v11, v51;
	vm1 =	vcmask $0x70C;
	[tilespmem:$0x19060] =	vst v12  }
0x18c: {  	v58 =	vmpcnt.ones.xlane vm6;
	v55 =	vsel vm1, $0x0, v52;
	v11 =	vadd.s32 v53, v11;
	v57 =	vld [tilespmem:s7+$0x70]  }
0x18d: {  	v60 =	vmpcnt.ones.xlane vm7;
	v11 =	vadd.s32 v55, v11;
	v15 =	vsel vm13, $0x0, v54  }
0x18e: {  	v61 =	vsel vm15, $0x0, v58;
	v59 =	vsel vm14, $0x0, v56;
	v11 =	vadd.s32 v15, v11  }
0x18f: {  	v62 =	vmpcnt.ones.xlane vm8;
	v11 =	vadd.s32 v59, v11;
	vm8 =	vcmask $0x171C  }
0x190: {  	v11 =	vadd.s32 v61, v11;
	v63 =	vsel vm8, $0x0, v60  }
0x191: {  	v16 =	vsel vm12, $0x0, v62;
	v11 =	vadd.s32 v63, v11;
	vm2 =	veq.s32 v57, $0x0  }
0x192: {  	v11 =	vadd.s32 v16, v11;
	v17 =	vsel vm2, $0x1, v1  }
0x193: {  	v18 =	vnsel vm10, $0x0, v11;
	vm4 =	veq.s32 v57, $0x1;
	(xrf0) =	vadd.scan.msk.s32 $0xffff, v17  }
0x194: {  	v19 =	vsel vm4, $0x1, v1;
	(xrf0) =	vadd.scan.msk.s32 $0xffff, v18  }
0x195: {  	v20 =	vsel vm9, $0x0, v11;
	vm5 =	veq.s32 v57, $0x2;
	(xrf0) =	vadd.scan.msk.s32 $0xffff, v19  }
0x196: {  	v21 =	vsel vm5, $0x1, v1;
	(xrf0) =	vadd.scan.msk.s32 $0xffff, v20  }
0x197: {  	v22 =	vsel vm1, $0x0, v11;
	vm3 =	veq.s32 v57, $0x3;
	(xrf0) =	vadd.scan.msk.s32 $0xffff, v21  }
0x198: {  	v23 =	vsel vm3, $0x1, v1;
	(xrf0) =	vadd.scan.msk.s32 $0xffff, v22  }
0x199: {  	v25 =	vsel vm13, $0x0, v11;
	vm1 =	veq.s32 v57, $0x4;
	v24, _, _ =	vpop (xrf0);
	(xrf0) =	vadd.scan.msk.s32 $0xffff, v23  }
0x19a: {  	v27 =	vsel vm1, $0x1, v1;
	v26, _, _ =	vpop (xrf0);
	(xrf0) =	vadd.scan.msk.s32 $0xffff, v25  }
0x19b: {  	v29 =	vsel vm14, $0x0, v11;
	vm13 =	veq.s32 v57, $0x5;
	v28, _, _ =	vpop (xrf0);
	(xrf0) =	vadd.scan.msk.s32 $0xffff, v27  }
0x19c: {  	v31 =	vsel vm13, $0x1, v1;
	v30, _, _ =	vpop (xrf0);
	(xrf0) =	vadd.scan.msk.s32 $0xffff, v29  }
0x19d: {  	v33 =	vsel vm15, $0x0, v11;
	vm14 =	veq.s32 v57, $0x6;
	v32, _, _ =	vpop (xrf0);
	(xrf0) =	vadd.scan.msk.s32 $0xffff, v31  }
0x19e: {  	v35 =	vsel vm14, $0x1, v1;
	v34, _, _ =	vpop (xrf0);
	(xrf0) =	vadd.scan.msk.s32 $0xffff, v33  }
0x19f: {  	v37 =	vsel vm8, $0x0, v11;
	vm15 =	veq.s32 v57, $0x7;
	v36, _, _ =	vpop (xrf0);
	(xrf0) =	vadd.scan.msk.s32 $0xffff, v35  }
0x1a0: {  	v11 =	vsel vm12, $0x0, v11;
	v40 =	vsel vm15, $0x1, v1;
	v38 =	vadd.s32 $0xFFFFFFFF, v26;
	v39, _, _ =	vpop (xrf0);
	(xrf0) =	vadd.scan.msk.s32 $0xffff, v37  }
0x1a1: {  	v13 =	vbroadcast v38, $0xF;
	v17 =	vadd.s32 $0xFFFFFFFF, v30;
	v41, _, _ =	vpop (xrf0);
	(xrf0) =	vadd.scan.msk.s32 $0xffff, v40  }
0x1a2: {  	v42 =	vbroadcast v17, $0xF;
	v43 =	vadd.s32 $0xFFFFFFFF, v34;
	v44, _, _ =	vpop (xrf0);
	(xrf0) =	vadd.scan.msk.s32 $0xffff, v11  }
0x1a3: {  	v13 =	vadd.s32 v24, v13;
	v45 =	vbroadcast v43, $0xF;
	v11, _, _ =	vpop (xrf0)  }
0x1a4: {  	v13 =	vnsel vm2, $0x0, v13;
	v12 =	vadd.s32 v28, v42;
	v15 =	vadd.s32 $0xFFFFFFFF, v39;
	v46, _, _ =	vpop (xrf0)  }
0x1a5: {  	v12 =	vsel vm4, v12, v13;
	v14 =	vadd.s32 v32, v45;
	v15 =	vbroadcast v15, $0xF;
	v47, _, _ =	vpop (xrf0)  }
0x1a6: {  	v12 =	vsel vm5, v14, v12;
	v49 =	vadd.s32 $0xFFFFFFFF, v44;
	v48, _, _ =	vpop (xrf0)  }
0x1a7: {  	v15 =	vadd.s32 v36, v15;
	v16 =	vbroadcast v49, $0xF;
	v17 =	vadd.s32 $0xFFFFFFFF, v46;
	v50, _, _ =	vpop (xrf0)  }
0x1a8: {  	v12 =	vsel vm3, v15, v12;
	v51 =	vbroadcast v17, $0xF;
	v14 =	vadd.s32 $0xFFFFFFFF, v48;
	v52, _, _ =	vpop (xrf0)  }
0x1a9: {  	v16 =	vadd.s32 v41, v16;
	v14 =	vbroadcast v14, $0xF;
	v17 =	vadd.s32 $0xFFFFFFFF, v52  }
0x1aa: {  	v12 =	vsel vm1, v16, v12;
	v11 =	vadd.s32 v11, v51;
	v53 =	vbroadcast v17, $0xF  }
0x1ab: {  	v11 =	vsel vm13, v11, v12;
	v54 =	vadd.s32 v47, v14  }
0x1ac: {  	v11 =	vsel vm14, v54, v11;
	v55 =	vadd.s32 v50, v53  }
0x1ad: {  	v11 =	vsel vm15, v55, v11  }
0x1ae: {  	[tilespmem:$0x19070] =	vst v11  }
0x1af: {  	[hbm4b:s8+s2] =	stream.linear.scatter [tilespmem:s16], [sflag:$0x2], $0x80, $0x38;
	[tilespmem:$0x19180] =	vst v63  }
0x1b0: {  	_ =	swait.ge [sflag:s15], $0x80  }
0x1b1: {  	[sflag:s15] =	ssyncset.done $0x0  }
0x1b2: {  	[sflag:s15] =	ssyncadd.s32 $0xFFFFFF80  }
0x1b3: {  	[tilespmem:s17], [sflag:$0x2] =	stream.linear.gather [hbm4b:s9+s2], $0x80, $0x38;
	[tilespmem:$0x19180] =	vst v63  }
0x1b4: {  	_ =	swait.ge [sflag:s15], $0x80  }
0x1b5: {  	[sflag:s15] =	ssyncset.done $0x0  }
0x1b6: {  	s28 =	simm.s32 $0x80;
	[sflag:s15] =	ssyncadd.s32 $0xFFFFFF80  }
0x1b7: {  	[hbm4b:s5+s28] =	stream.indirect.scatter [tilespmem:s17], [sflag:$0x1], $0x1, s16, s28, $0xb8;
	[tilespmem:$0x19180] =	vst v63  }
0x1b8: {  	_ =	swait.ge [sflag:s19], $0x80  }
0x1b9: {  	[sflag:s19] =	ssyncset.done $0x0  }
0x1ba: {  	[sflag:s19] =	ssyncadd.s32 $0xFFFFFF80  }
0x1bb: {  	[tilespmem:s20], [sflag:$0x2] =	stream.linear.gather [hbm4b:s10+s2], $0x18000, $0x38;
	[tilespmem:$0x19180] =	vst v63  }
0x1bc: {  	_ =	swait.ge [sflag:s15], $0x18000  }
0x1bd: {  	[sflag:s15] =	ssyncset.done $0x0  }
0x1be: {  	[sflag:s15] =	ssyncadd.s32 $0xFFFE8000  }
0x1bf: {  	v11 =	vld [tilespmem:$0x19000];
	_ =	sdelay $0x4  }
0x1c0: {  	v56 =	vshrl.u32 v11, $0x3  }
0x1c1: {  	v12 =	vmul.u32 $0x30, v56  }
0x1c2: {  	v11 =	vand.u32 $0x7, v11  }
0x1c3: {  	v11 =	vor.u32 v11, v12  }
0x1c4: {  	v12 =	vperm.xlane v11, v3;
	_ =	sdelay $0x1  }
0x1c5: {  	v12 =	vadd.s32 v4, v12;
	_ =	sdelay $0x3  }
0x1c6: {  	v11 =	vperm.xlane v11, v5  }
0x1c7: {  	[hbm4b:s4+s2] =	stream.indirect_vreg.scatter [tilespmem:s20], [sflag:$0x1], $0x80, v12, vm0, $0xb8;
	[tilespmem:$0x19180] =	vst v63  }
0x1c8: {  	s30 =	simm.s32 $0x1800;
	v11 =	vadd.s32 v4, v11  }
0x1c9: {  	[hbm4b:s11+s2] =	stream.indirect_vreg.scatter [tilespmem:s30], [sflag:$0x1], $0x80, v12, vm0, $0xb8;
	[tilespmem:$0x19180] =	vst v63  }
0x1ca: {  	s29 =	simm.s32 $0x2000  }
0x1cb: {  	[hbm4b:s12+s2] =	stream.indirect_vreg.scatter [tilespmem:s29], [sflag:$0x1], $0x80, v12, vm0, $0xb8;
	[tilespmem:$0x19180] =	vst v63  }
0x1cc: {  	s30 =	simm.s32 $0x2800  }
0x1cd: {  	[hbm4b:s4+s2] =	stream.indirect_vreg.scatter [tilespmem:s30], [sflag:$0x1], $0x80, v11, vm0, $0xb8;
	[tilespmem:$0x19180] =	vst v63  }
0x1ce: {  	s29 =	simm.s32 $0x3000  }
0x1cf: {  	[hbm4b:s11+s2] =	stream.indirect_vreg.scatter [tilespmem:s29], [sflag:$0x1], $0x80, v11, vm0, $0xb8;
	[tilespmem:$0x19180] =	vst v63  }
0x1d0: {  	s30 =	simm.s32 $0x3800  }
0x1d1: {  	[hbm4b:s12+s2] =	stream.indirect_vreg.scatter [tilespmem:s30], [sflag:$0x1], $0x80, v11, vm0, $0xb8;
	[tilespmem:$0x19180] =	vst v63  }
0x1d2: {  	v11 =	vld [tilespmem:$0x19010];
	_ =	sdelay $0x4  }
0x1d3: {  	v57 =	vshrl.u32 v11, $0x3  }
0x1d4: {  	v12 =	vmul.u32 $0x30, v57  }
0x1d5: {  	v11 =	vand.u32 $0x7, v11  }
0x1d6: {  	v11 =	vor.u32 v11, v12  }
0x1d7: {  	v12 =	vperm.xlane v11, v3;
	_ =	sdelay $0x1  }
0x1d8: {  	v12 =	vadd.s32 v4, v12;
	_ =	sdelay $0x3  }
0x1d9: {  	s29 =	simm.s32 $0x4000;
	v11 =	vperm.xlane v11, v5  }
0x1da: {  	[hbm4b:s4+s2] =	stream.indirect_vreg.scatter [tilespmem:s29], [sflag:$0x1], $0x80, v12, vm0, $0xb8;
	[tilespmem:$0x19180] =	vst v63  }
0x1db: {  	s30 =	simm.s32 $0x4800;
	v11 =	vadd.s32 v4, v11  }
0x1dc: {  	[hbm4b:s11+s2] =	stream.indirect_vreg.scatter [tilespmem:s30], [sflag:$0x1], $0x80, v12, vm0, $0xb8;
	[tilespmem:$0x19180] =	vst v63  }
0x1dd: {  	s29 =	simm.s32 $0x5000  }
0x1de: {  	[hbm4b:s12+s2] =	stream.indirect_vreg.scatter [tilespmem:s29], [sflag:$0x1], $0x80, v12, vm0, $0xb8;
	[tilespmem:$0x19180] =	vst v63  }
0x1df: {  	s30 =	simm.s32 $0x5800  }
0x1e0: {  	[hbm4b:s4+s2] =	stream.indirect_vreg.scatter [tilespmem:s30], [sflag:$0x1], $0x80, v11, vm0, $0xb8;
	[tilespmem:$0x19180] =	vst v63  }
0x1e1: {  	s29 =	simm.s32 $0x6000  }
0x1e2: {  	[hbm4b:s11+s2] =	stream.indirect_vreg.scatter [tilespmem:s29], [sflag:$0x1], $0x80, v11, vm0, $0xb8;
	[tilespmem:$0x19180] =	vst v63  }
0x1e3: {  	s30 =	simm.s32 $0x6800  }
0x1e4: {  	[hbm4b:s12+s2] =	stream.indirect_vreg.scatter [tilespmem:s30], [sflag:$0x1], $0x80, v11, vm0, $0xb8;
	[tilespmem:$0x19180] =	vst v63  }
0x1e5: {  	v11 =	vld [tilespmem:$0x19020];
	_ =	sdelay $0x4  }
0x1e6: {  	v58 =	vshrl.u32 v11, $0x3  }
0x1e7: {  	v12 =	vmul.u32 $0x30, v58  }
0x1e8: {  	v11 =	vand.u32 $0x7, v11  }
0x1e9: {  	v11 =	vor.u32 v11, v12  }
0x1ea: {  	v12 =	vperm.xlane v11, v3;
	_ =	sdelay $0x1  }
0x1eb: {  	v12 =	vadd.s32 v4, v12;
	_ =	sdelay $0x3  }
0x1ec: {  	s29 =	simm.s32 $0x7000;
	v11 =	vperm.xlane v11, v5  }
0x1ed: {  	[hbm4b:s4+s2] =	stream.indirect_vreg.scatter [tilespmem:s29], [sflag:$0x1], $0x80, v12, vm0, $0xb8;
	[tilespmem:$0x19180] =	vst v63  }
0x1ee: {  	s30 =	simm.s32 $0x7800;
	v11 =	vadd.s32 v4, v11  }
0x1ef: {  	[hbm4b:s11+s2] =	stream.indirect_vreg.scatter [tilespmem:s30], [sflag:$0x1], $0x80, v12, vm0, $0xb8;
	[tilespmem:$0x19180] =	vst v63  }
0x1f0: {  	s29 =	simm.s32 $0x8000  }
0x1f1: {  	[hbm4b:s12+s2] =	stream.indirect_vreg.scatter [tilespmem:s29], [sflag:$0x1], $0x80, v12, vm0, $0xb8;
	[tilespmem:$0x19180] =	vst v63  }
0x1f2: {  	s30 =	simm.s32 $0x8800  }
0x1f3: {  	[hbm4b:s4+s2] =	stream.indirect_vreg.scatter [tilespmem:s30], [sflag:$0x1], $0x80, v11, vm0, $0xb8;
	[tilespmem:$0x19180] =	vst v63  }
0x1f4: {  	s29 =	simm.s32 $0x9000  }
0x1f5: {  	[hbm4b:s11+s2] =	stream.indirect_vreg.scatter [tilespmem:s29], [sflag:$0x1], $0x80, v11, vm0, $0xb8;
	[tilespmem:$0x19180] =	vst v63  }
0x1f6: {  	s30 =	simm.s32 $0x9800  }
0x1f7: {  	[hbm4b:s12+s2] =	stream.indirect_vreg.scatter [tilespmem:s30], [sflag:$0x1], $0x80, v11, vm0, $0xb8;
	[tilespmem:$0x19180] =	vst v63  }
0x1f8: {  	v11 =	vld [tilespmem:$0x19030];
	_ =	sdelay $0x4  }
0x1f9: {  	v59 =	vshrl.u32 v11, $0x3  }
0x1fa: {  	v12 =	vmul.u32 $0x30, v59  }
0x1fb: {  	v11 =	vand.u32 $0x7, v11  }
0x1fc: {  	v11 =	vor.u32 v11, v12  }
0x1fd: {  	v12 =	vperm.xlane v11, v3;
	_ =	sdelay $0x1  }
0x1fe: {  	v12 =	vadd.s32 v4, v12;
	_ =	sdelay $0x3  }
0x1ff: {  	s29 =	simm.s32 $0xA000;
	v11 =	vperm.xlane v11, v5  }
0x200: {  	[hbm4b:s4+s2] =	stream.indirect_vreg.scatter [tilespmem:s29], [sflag:$0x1], $0x80, v12, vm0, $0xb8;
	[tilespmem:$0x19180] =	vst v63  }
0x201: {  	s30 =	simm.s32 $0xA800;
	v11 =	vadd.s32 v4, v11  }
0x202: {  	[hbm4b:s11+s2] =	stream.indirect_vreg.scatter [tilespmem:s30], [sflag:$0x1], $0x80, v12, vm0, $0xb8;
	[tilespmem:$0x19180] =	vst v63  }
0x203: {  	s29 =	simm.s32 $0xB000  }
0x204: {  	[hbm4b:s12+s2] =	stream.indirect_vreg.scatter [tilespmem:s29], [sflag:$0x1], $0x80, v12, vm0, $0xb8;
	[tilespmem:$0x19180] =	vst v63  }
0x205: {  	s30 =	simm.s32 $0xB800  }
0x206: {  	[hbm4b:s4+s2] =	stream.indirect_vreg.scatter [tilespmem:s30], [sflag:$0x1], $0x80, v11, vm0, $0xb8;
	[tilespmem:$0x19180] =	vst v63  }
0x207: {  	s29 =	simm.s32 $0xC000  }
0x208: {  	[hbm4b:s11+s2] =	stream.indirect_vreg.scatter [tilespmem:s29], [sflag:$0x1], $0x80, v11, vm0, $0xb8;
	[tilespmem:$0x19180] =	vst v63  }
0x209: {  	s30 =	simm.s32 $0xC800  }
0x20a: {  	[hbm4b:s12+s2] =	stream.indirect_vreg.scatter [tilespmem:s30], [sflag:$0x1], $0x80, v11, vm0, $0xb8;
	[tilespmem:$0x19180] =	vst v63  }
0x20b: {  	v11 =	vld [tilespmem:$0x19040];
	_ =	sdelay $0x4  }
0x20c: {  	v60 =	vshrl.u32 v11, $0x3  }
0x20d: {  	v12 =	vmul.u32 $0x30, v60  }
0x20e: {  	v11 =	vand.u32 $0x7, v11  }
0x20f: {  	v11 =	vor.u32 v11, v12  }
0x210: {  	v12 =	vperm.xlane v11, v3;
	_ =	sdelay $0x1  }
0x211: {  	v12 =	vadd.s32 v4, v12;
	_ =	sdelay $0x3  }
0x212: {  	s29 =	simm.s32 $0xD000;
	v11 =	vperm.xlane v11, v5  }
0x213: {  	[hbm4b:s4+s2] =	stream.indirect_vreg.scatter [tilespmem:s29], [sflag:$0x1], $0x80, v12, vm0, $0xb8;
	[tilespmem:$0x19180] =	vst v63  }
0x214: {  	s30 =	simm.s32 $0xD800;
	v11 =	vadd.s32 v4, v11  }
0x215: {  	[hbm4b:s11+s2] =	stream.indirect_vreg.scatter [tilespmem:s30], [sflag:$0x1], $0x80, v12, vm0, $0xb8;
	[tilespmem:$0x19180] =	vst v63  }
0x216: {  	s29 =	simm.s32 $0xE000  }
0x217: {  	[hbm4b:s12+s2] =	stream.indirect_vreg.scatter [tilespmem:s29], [sflag:$0x1], $0x80, v12, vm0, $0xb8;
	[tilespmem:$0x19180] =	vst v63  }
0x218: {  	s30 =	simm.s32 $0xE800  }
0x219: {  	[hbm4b:s4+s2] =	stream.indirect_vreg.scatter [tilespmem:s30], [sflag:$0x1], $0x80, v11, vm0, $0xb8;
	[tilespmem:$0x19180] =	vst v63  }
0x21a: {  	s29 =	simm.s32 $0xF000  }
0x21b: {  	[hbm4b:s11+s2] =	stream.indirect_vreg.scatter [tilespmem:s29], [sflag:$0x1], $0x80, v11, vm0, $0xb8;
	[tilespmem:$0x19180] =	vst v63  }
0x21c: {  	s30 =	simm.s32 $0xF800  }
0x21d: {  	[hbm4b:s12+s2] =	stream.indirect_vreg.scatter [tilespmem:s30], [sflag:$0x1], $0x80, v11, vm0, $0xb8;
	[tilespmem:$0x19180] =	vst v63  }
0x21e: {  	v11 =	vld [tilespmem:$0x19050];
	_ =	sdelay $0x4  }
0x21f: {  	v61 =	vshrl.u32 v11, $0x3  }
0x220: {  	v12 =	vmul.u32 $0x30, v61  }
0x221: {  	v11 =	vand.u32 $0x7, v11  }
0x222: {  	v11 =	vor.u32 v11, v12  }
0x223: {  	v12 =	vperm.xlane v11, v3;
	_ =	sdelay $0x1  }
0x224: {  	v12 =	vadd.s32 v4, v12;
	_ =	sdelay $0x3  }
0x225: {  	s29 =	simm.s32 $0x10000;
	v11 =	vperm.xlane v11, v5  }
0x226: {  	[hbm4b:s4+s2] =	stream.indirect_vreg.scatter [tilespmem:s29], [sflag:$0x1], $0x80, v12, vm0, $0xb8;
	[tilespmem:$0x19180] =	vst v63  }
0x227: {  	s30 =	simm.s32 $0x10800;
	v11 =	vadd.s32 v4, v11  }
0x228: {  	[hbm4b:s11+s2] =	stream.indirect_vreg.scatter [tilespmem:s30], [sflag:$0x1], $0x80, v12, vm0, $0xb8;
	[tilespmem:$0x19180] =	vst v63  }
0x229: {  	s29 =	simm.s32 $0x11000  }
0x22a: {  	[hbm4b:s12+s2] =	stream.indirect_vreg.scatter [tilespmem:s29], [sflag:$0x1], $0x80, v12, vm0, $0xb8;
	[tilespmem:$0x19180] =	vst v63  }
0x22b: {  	s30 =	simm.s32 $0x11800  }
0x22c: {  	[hbm4b:s4+s2] =	stream.indirect_vreg.scatter [tilespmem:s30], [sflag:$0x1], $0x80, v11, vm0, $0xb8;
	[tilespmem:$0x19180] =	vst v63  }
0x22d: {  	s29 =	simm.s32 $0x12000  }
0x22e: {  	[hbm4b:s11+s2] =	stream.indirect_vreg.scatter [tilespmem:s29], [sflag:$0x1], $0x80, v11, vm0, $0xb8;
	[tilespmem:$0x19180] =	vst v63  }
0x22f: {  	s30 =	simm.s32 $0x12800  }
0x230: {  	[hbm4b:s12+s2] =	stream.indirect_vreg.scatter [tilespmem:s30], [sflag:$0x1], $0x80, v11, vm0, $0xb8;
	[tilespmem:$0x19180] =	vst v63  }
0x231: {  	v11 =	vld [tilespmem:$0x19060];
	_ =	sdelay $0x4  }
0x232: {  	v62 =	vshrl.u32 v11, $0x3  }
0x233: {  	v12 =	vmul.u32 $0x30, v62  }
0x234: {  	v11 =	vand.u32 $0x7, v11  }
0x235: {  	v11 =	vor.u32 v11, v12  }
0x236: {  	v12 =	vperm.xlane v11, v3;
	_ =	sdelay $0x1  }
0x237: {  	v12 =	vadd.s32 v4, v12;
	_ =	sdelay $0x3  }
0x238: {  	s29 =	simm.s32 $0x13000;
	v11 =	vperm.xlane v11, v5  }
0x239: {  	[hbm4b:s4+s2] =	stream.indirect_vreg.scatter [tilespmem:s29], [sflag:$0x1], $0x80, v12, vm0, $0xb8;
	[tilespmem:$0x19180] =	vst v63  }
0x23a: {  	s30 =	simm.s32 $0x13800;
	v11 =	vadd.s32 v4, v11  }
0x23b: {  	[hbm4b:s11+s2] =	stream.indirect_vreg.scatter [tilespmem:s30], [sflag:$0x1], $0x80, v12, vm0, $0xb8;
	[tilespmem:$0x19180] =	vst v63  }
0x23c: {  	_ = 	snop  }
0x23d: {  	[hbm4b:s12+s2] =	stream.indirect_vreg.scatter [tilespmem:s31], [sflag:$0x1], $0x80, v12, vm0, $0xb8;
	[tilespmem:$0x19180] =	vst v63  }
0x23e: {  	_ = 	snop  }
0x23f: {  	[hbm4b:s4+s2] =	stream.indirect_vreg.scatter [tilespmem:s0], [sflag:$0x1], $0x80, v11, vm0, $0xb8;
	[tilespmem:$0x19180] =	vst v63  }
0x240: {  	_ = 	snop  }
0x241: {  	[hbm4b:s11+s2] =	stream.indirect_vreg.scatter [tilespmem:s1], [sflag:$0x1], $0x80, v11, vm0, $0xb8;
	[tilespmem:$0x19180] =	vst v63  }
0x242: {  	_ = 	snop  }
0x243: {  	[hbm4b:s12+s2] =	stream.indirect_vreg.scatter [tilespmem:s6], [sflag:$0x1], $0x80, v11, vm0, $0xb8;
	[tilespmem:$0x19180] =	vst v63  }
0x244: {  	v11 =	vld [tilespmem:$0x19070];
	_ =	sdelay $0x4  }
0x245: {  	v63 =	vshrl.u32 v11, $0x3  }
0x246: {  	v12 =	vmul.u32 $0x30, v63  }
0x247: {  	v11 =	vand.u32 $0x7, v11  }
0x248: {  	v11 =	vor.u32 v11, v12  }
0x249: {  	v12 =	vperm.xlane v11, v3;
	_ =	sdelay $0x1  }
0x24a: {  	v12 =	vadd.s32 v4, v12;
	_ =	sdelay $0x3  }
0x24b: {  	v11 =	vperm.xlane v11, v5  }
0x24c: {  	[hbm4b:s4+s2] =	stream.indirect_vreg.scatter [tilespmem:s18], [sflag:$0x1], $0x80, v12, vm0, $0xb8;
	[tilespmem:$0x19180] =	vst v63  }
0x24d: {  	v11 =	vadd.s32 v4, v11  }
0x24e: {  	[hbm4b:s11+s2] =	stream.indirect_vreg.scatter [tilespmem:s21], [sflag:$0x1], $0x80, v12, vm0, $0xb8;
	[tilespmem:$0x19180] =	vst v63  }
0x24f: {  	_ = 	snop  }
0x250: {  	[hbm4b:s12+s2] =	stream.indirect_vreg.scatter [tilespmem:s22], [sflag:$0x1], $0x80, v12, vm0, $0xb8;
	[tilespmem:$0x19180] =	vst v63  }
0x251: {  	_ = 	snop  }
0x252: {  	[hbm4b:s4+s2] =	stream.indirect_vreg.scatter [tilespmem:s23], [sflag:$0x1], $0x80, v11, vm0, $0xb8;
	[tilespmem:$0x19180] =	vst v63  }
0x253: {  	_ = 	snop  }
0x254: {  	[hbm4b:s11+s2] =	stream.indirect_vreg.scatter [tilespmem:s24], [sflag:$0x1], $0x80, v11, vm0, $0xb8;
	[tilespmem:$0x19180] =	vst v63  }
.Ltmp3:
0x255: {  	_ = 	snop;
	(pc) =	sbr.rel @p0 .LBB2_5-.Ltmp3, $4  }
0x256: {  	[hbm4b:s12+s2] =	stream.indirect_vreg.scatter [tilespmem:s25], [sflag:$0x1], $0x80, v11, vm0, $0xb8;
	[tilespmem:$0x19180] =	vst v63  }
0x257: {  	_ =	swait.ge [sflag:s19], $0x18000  }
0x258: {  	[sflag:s19] =	ssyncset.done $0x0  }
0x259: {  	[sflag:s19] =	ssyncadd.s32 $0xFFFE8000  }
0x25a: {  	v11 =	vadd.s32 $0xFFFFFFFF, v8  }
0x25b: {  	v12 =	vshra.s32 v9, $0x9;
	v11 =	vshra.s32 v11, $0x9  }
0x25c: {  	v11 =	vsub.s32 v11, v12  }
0x25d: {  	vm1 =	vgt.s32 v10, $0x0;
	v46 =	vadd.s32 $0x1, v11  }
0x25e: {  	v11 =	vnsel vm1, $0x0, v46  }
0x25f: {  	(xrf0) =	vadd.scan.msk.s32 $0xffff, v11;
	_ =	sdelay $0x1  }
0x260: {  	v49 =	vld [tilespmem:$0x1FFF0];
	_ =	sdelay $0x3  }
0x261: {  	vm8 =	vcmask $0x1B20;
	v47, _, _ =	vpop (xrf0)  }
0x262: {  	vm9 =	vnez.u8 v49;
	v48 =	vsel vm8, $0x0, v47  }
0x263: {  	vm2 =	vcmask $0x308;
	v10 =	vnsel vm9, $0x0, v47;
	(xrf0) =	vadd.scan.msk.s32 $0xffff, v48  }
0x264: {  	vm3 =	vcmask $0x70C;
	v50 =	vsel vm2, $0x0, v47;
	(xrf0) =	vadd.scan.msk.s32 $0xffff, v10  }
0x265: {  	vm4 =	vcmask $0xB10;
	v51 =	vsel vm3, $0x0, v47;
	(xrf0) =	vadd.scan.msk.s32 $0xffff, v50  }
0x266: {  	vm5 =	vcmask $0xF14;
	v52 =	vsel vm4, $0x0, v47;
	(xrf0) =	vadd.scan.msk.s32 $0xffff, v51  }
0x267: {  	vm6 =	vcmask $0x1318;
	vm7 =	vcmask $0x171C;
	v53 =	vsel vm5, $0x0, v47;
	(xrf0) =	vadd.scan.msk.s32 $0xffff, v52  }
0x268: {  	v26 =	vsel vm2, $0x0, v9;
	v28 =	vsel vm2, $0x0, v8;
	v31 =	vsel vm3, $0x0, v9;
	(xrf0) =	vadd.scan.msk.s32 $0xffff, v53  }
0x269: {  	v34 =	vsel vm3, $0x0, v8;
	v37 =	vsel vm4, $0x0, v9;
	v39 =	vsel vm5, $0x0, v9;
	v13, _, _ =	vpop (xrf0)  }
0x26a: {  	v40 =	vsel vm5, $0x0, v8;
	v42 =	vsel vm6, $0x0, v9;
	v43 =	vsel vm6, $0x0, v8;
	v54, _, _ =	vpop (xrf0)  }
0x26b: {  	v23 =	vnsel vm9, $0x0, v9;
	v62 =	vnsel vm9, $0x0, v8;
	v14 =	vbroadcast v54, $0xF;
	v15, _, _ =	vpop (xrf0)  }
0x26c: {  	v16 =	vsel vm6, $0x0, v47;
	v10 =	vadd.s32 $0x1, v2;
	v15 =	vbroadcast v15, $0xF;
	v17, _, _ =	vpop (xrf0)  }
0x26d: {  	v19 =	vsel vm7, $0x0, v47;
	(xrf0) =	vadd.scan.msk.s32 $0xffff, v16;
	vm1 =	vlt.s32 v14, v10;
	v16 =	vbroadcast v17, $0xF;
	v55, _, _ =	vpop (xrf0)  }
0x26e: {  	v20 =	vsel vm1, $0x1, v1;
	vm1 =	vlt.s32 v15, v10;
	v18 =	vbroadcast v55, $0xF;
	v56, _, _ =	vpop (xrf0);
	(xrf0) =	vadd.scan.msk.s32 $0xffff, v19  }
0x26f: {  	v21 =	vsel vm1, $0x1, v1;
	vm1 =	vlt.s32 v16, v10;
	v19 =	vbroadcast v56, $0xF  }
0x270: {  	v57 =	vadd.s32 v21, v20;
	v58 =	vsel vm1, $0x1, v1;
	vm1 =	vlt.s32 v18, v10  }
0x271: {  	v17 =	vadd.s32 v58, v57;
	v59 =	vsel vm1, $0x1, v1;
	vm1 =	vlt.s32 v19, v10  }
0x272: {  	(xrf0) =	vadd.scan.msk.s32 $0xffff, v23;
	v58 =	vsel vm7, $0x0, v8;
	v60 =	vadd.s32 v59, v17;
	v17 =	vsub.s32 v47, v11  }
0x273: {  	(xrf0) =	vadd.scan.msk.s32 $0xffff, v62;
	v22 =	vsel vm1, $0x1, v1;
	v61, _, _ =	vpop (xrf0);
	v11 =	vbroadcast v13, $0xF;
	v25 =	vnsel vm9, $0x0, v17  }
0x274: {  	v20 =	vbroadcast v61, $0xF;
	v63 =	vadd.s32 v22, v60;
	v29 =	vsel vm2, $0x0, v17;
	v24, _, _ =	vpop (xrf0);
	(xrf0) =	vadd.scan.msk.s32 $0xffff, v25  }
0x275: {  	v36 =	vsel vm3, $0x0, v17;
	v38 =	vsel vm4, $0x0, v17;
	v21 =	vbroadcast v24, $0xF;
	(xrf0) =	vadd.scan.msk.s32 $0xffff, v26  }
0x276: {  	v41 =	vsel vm5, $0x0, v17;
	v44 =	vsel vm6, $0x0, v17;
	vm1 =	vlt.s32 v20, v10;
	(xrf0) =	vadd.scan.msk.s32 $0xffff, v28  }
0x277: {  	v59 =	vsel vm7, $0x0, v17;
	v27 =	vsel vm1, $0x1, v1;
	vm1 =	vlt.s32 v21, v10;
	(xrf0) =	vadd.scan.msk.s32 $0xffff, v29  }
0x278: {  	v33, _, _ =	vpop (xrf0);
	v12 =	vadd.s32 v27, v63;
	v30 =	vsel vm1, $0x1, v1;
	vm1 =	vlt.s32 v11, v10;
	(xrf0) =	vadd.scan.msk.s32 $0xffff, v31  }
0x279: {  	v61 =	vsel vm8, $0x0, v9;
	v35, _, _ =	vpop (xrf0);
	v12 =	vadd.s32 v30, v12;
	v32 =	vsel vm1, $0x1, v1;
	(xrf0) =	vadd.scan.msk.s32 $0xffff, v34  }
0x27a: {  	v23 =	vbroadcast v33, $0xF;
	v22 =	vbroadcast v35, $0xF;
	v12 =	vadd.s32 v32, v12;
	v24, _, _ =	vpop (xrf0);
	(xrf0) =	vadd.scan.msk.s32 $0xffff, v36  }
0x27b: {  	v26 =	vsel vm4, $0x0, v8;
	vm2 =	veq.s32 v12, $0x0;
	v24 =	vbroadcast v24, $0xF;
	v25, _, _ =	vpop (xrf0);
	(xrf0) =	vadd.scan.msk.s32 $0xffff, v37  }
0x27c: {  	v8 =	vsel vm8, $0x0, v8;
	v27 =	vnsel vm2, $0x0, v23;
	v28, _, _ =	vpop (xrf0);
	(xrf0) =	vadd.scan.msk.s32 $0xffff, v26;
	v22 =	vnsel vm2, $0x0, v22  }
0x27d: {  	v25 =	vbroadcast v25, $0xF;
	v29 =	vsub.s32 v2, v24;
	v30, _, _ =	vpop (xrf0);
	(xrf0) =	vadd.scan.msk.s32 $0xffff, v38;
	v28 =	vbroadcast v28, $0xF  }
0x27e: {  	v29 =	vnsel vm2, $0x0, v29;
	v31, _, _ =	vpop (xrf0);
	(xrf0) =	vadd.scan.msk.s32 $0xffff, v39;
	vm2 =	veq.s32 v12, $0x1;
	v30 =	vbroadcast v30, $0xF  }
0x27f: {  	v13 =	vmin.u32 v12, $0x7;
	v32, _, _ =	vpop (xrf0);
	(xrf0) =	vadd.scan.msk.s32 $0xffff, v40;
	v27 =	vsel vm2, v25, v27;
	v31 =	vbroadcast v31, $0xF  }
0x280: {  	v22 =	vsel vm2, v28, v22;
	v33, _, _ =	vpop (xrf0);
	(xrf0) =	vadd.scan.msk.s32 $0xffff, v41;
	v34 =	vsub.s32 v2, v30;
	v32 =	vbroadcast v32, $0xF  }
0x281: {  	v35, _, _ =	vpop (xrf0);
	(xrf0) =	vadd.scan.msk.s32 $0xffff, v42;
	v33 =	vbroadcast v33, $0xF;
	v45 =	vsel vm2, v34, v29;
	vm2 =	veq.s32 v12, $0x2  }
0x282: {  	v37 =	vsel vm7, $0x0, v9;
	v36, _, _ =	vpop (xrf0);
	(xrf0) =	vadd.scan.msk.s32 $0xffff, v43;
	v27 =	vsel vm2, v31, v27;
	v22 =	vsel vm2, v32, v22  }
0x283: {  	v32 =	vbroadcast v35, $0xF;
	v46, _, _ =	vpop (xrf0);
	(xrf0) =	vadd.scan.msk.s32 $0xffff, v44;
	v48 =	vsub.s32 v2, v33;
	v50 =	vbroadcast v36, $0xF  }
0x284: {  	v47, _, _ =	vpop (xrf0);
	v28 =	vsel vm2, v48, v45;
	vm2 =	veq.s32 v12, $0x3;
	v29 =	vbroadcast v46, $0xF  }
0x285: {  	vm3 =	veq.s32 v12, $0x4;
	v49, _, _ =	vpop (xrf0);
	v27 =	vsel vm2, v32, v27;
	v22 =	vsel vm2, v50, v22  }
0x286: {  	v26 =	vbroadcast v47, $0xF;
	v50 =	vsub.s32 v7, v30;
	v51, _, _ =	vpop (xrf0);
	v53 =	vsub.s32 v2, v29  }
0x287: {  	v34 =	vbroadcast v49, $0xF;
	v49 =	vsub.s32 v7, v24;
	v52, _, _ =	vpop (xrf0);
	v28 =	vsel vm2, v53, v28  }
0x288: {  	v27 =	vsel vm3, v26, v27;
	v36 =	vbroadcast v51, $0xF;
	vm2 =	veq.s32 v12, $0x5;
	v38, _, _ =	vpop (xrf0)  }
0x289: {  	(xrf0) =	vadd.scan.msk.s32 $0xffff, v37;
	v22 =	vsel vm3, v34, v22;
	v34 =	vbroadcast v52, $0xF;
	v52 =	vsub.s32 v7, v33;
	v54, _, _ =	vpop (xrf0)  }
0x28a: {  	v55 =	vsub.s32 v2, v36;
	v38 =	vbroadcast v38, $0xF;
	v35 =	vbroadcast v54, $0xF  }
0x28b: {  	(xrf0) =	vadd.scan.msk.s32 $0xffff, v58;
	v28 =	vsel vm3, v55, v28;
	v27 =	vsel vm2, v34, v27;
	vm3 =	vlt.s32 v14, v6  }
0x28c: {  	v54 =	vsub.s32 v7, v29;
	v60 =	vsel vm3, $0x1, v1;
	vm3 =	vlt.s32 v15, v6  }
0x28d: {  	v22 =	vsel vm2, v38, v22;
	v56 =	vsub.s32 v2, v35;
	v62 =	vsel vm3, $0x1, v1  }
0x28e: {  	vm3 =	vlt.s32 v16, v6;
	v58 =	vsub.s32 v7, v35;
	v28 =	vsel vm2, v56, v28  }
0x28f: {  	v57, _, _ =	vpop (xrf0);
	(xrf0) =	vadd.scan.msk.s32 $0xffff, v59;
	vm2 =	veq.s32 v12, $0x6;
	v14 =	vadd.s32 v62, v60;
	v63 =	vsel vm3, $0x1, v1  }
0x290: {  	v37 =	vbroadcast v57, $0xF;
	vm3 =	vlt.s32 v18, v6;
	(xrf0) =	vadd.scan.msk.s32 $0xffff, v61;
	v14 =	vadd.s32 v63, v14  }
0x291: {  	v41, _, _ =	vpop (xrf0);
	v38 =	vsel vm3, $0x1, v1;
	vm3 =	vlt.s32 v19, v6;
	(xrf0) =	vadd.scan.msk.s32 $0xffff, v8;
	v8 =	vsel vm8, $0x0, v17  }
0x292: {  	v14 =	vadd.s32 v38, v14;
	v39 =	vsel vm3, $0x1, v1;
	vm3 =	vlt.s32 v20, v6  }
0x293: {  	v14 =	vadd.s32 v39, v14;
	v40 =	vsel vm3, $0x1, v1;
	vm3 =	vlt.s32 v21, v6  }
0x294: {  	v14 =	vadd.s32 v40, v14;
	v42 =	vsel vm3, $0x1, v1;
	vm3 =	vlt.s32 v11, v6  }
0x295: {  	v16 =	vbroadcast v41, $0xF;
	v43, _, _ =	vpop (xrf0);
	v44 =	vadd.s32 v42, v14;
	v45 =	vsel vm3, $0x1, v1;
	(xrf0) =	vadd.scan.msk.s32 $0xffff, v8  }
0x296: {  	v57 =	vsub.s32 v7, v36;
	v47 =	vsel vm2, v37, v27;
	v9 =	vadd.s32 v45, v44  }
0x297: {  	v16 =	vsel vm2, v16, v22;
	v46 =	vbroadcast v43, $0xF;
	vm3 =	veq.s32 v9, $0x0  }
0x298: {  	v48 =	vnsel vm3, $0x0, v23;
	v18 =	vnsel vm3, $0x0, v49;
	vm3 =	veq.s32 v9, $0x1  }
0x299: {  	v51, _, _ =	vpop (xrf0);
	v17 =	vsel vm3, v25, v48;
	v18 =	vsel vm3, v50, v18;
	vm3 =	veq.s32 v9, $0x2  }
0x29a: {  	v53, _, _ =	vpop (xrf0);
	v17 =	vsel vm3, v31, v17;
	v18 =	vsel vm3, v52, v18;
	vm3 =	veq.s32 v9, $0x3  }
0x29b: {  	v19 =	vbroadcast v51, $0xF;
	v8 =	vsub.s32 v2, v46;
	v55, _, _ =	vpop (xrf0);
	v17 =	vsel vm3, v32, v17  }
0x29c: {  	v18 =	vsel vm3, v54, v18;
	vm3 =	veq.s32 v9, $0x4;
	v56 =	vbroadcast v55, $0xF  }
0x29d: {  	v17 =	vsel vm3, v26, v17;
	v18 =	vsel vm3, v57, v18;
	vm3 =	veq.s32 v9, $0x5  }
0x29e: {  	v17 =	vsel vm3, v34, v17;
	v18 =	vsel vm3, v58, v18;
	vm3 =	veq.s32 v9, $0x6  }
0x29f: {  	v15 =	vsub.s32 v7, v46;
	v60 =	vbroadcast v53, $0xF;
	v17 =	vsel vm3, v37, v17  }
0x2a0: {  	v15 =	vsel vm3, v15, v18;
	vm3 =	vgt.u32 v9, $0x6;
	v59 =	vsub.s32 v7, v56  }
0x2a1: {  	v17 =	vsel vm3, v19, v17;
	v9 =	vsel vm3, v59, v15;
	vm3 =	vgt.u32 v12, $0x6  }
0x2a2: {  	v8 =	vsel vm2, v8, v28;
	v61 =	vsub.s32 v2, v56;
	v12 =	vsel vm3, v19, v47  }
0x2a3: {  	v8 =	vsel vm3, v61, v8;
	v17 =	vshra.s32 v17, $0x9;
	v62 =	vshra.s32 v12, $0x9  }
0x2a4: {  	v14 =	vsel vm3, v60, v16;
	v9 =	vadd.s32 v9, v17;
	v8 =	vadd.s32 v8, v62  }
0x2a5: {  	[tilespmem:$0x19100] =	vst v13;
	v63 =	vsel vm1, $0x0, v14;
	vm2 =	vne.s32 v8, v9  }
0x2a6: {  	vm3 =	vge.s32 v11, v10;
	[tilespmem:$0x19130] =	vst v63;
	v15 =	vsel vm1, $0x7, v8;
	vm2 =	vmor vm2, vm9  }
0x2a7: {  	v8 =	vsel vm1, $0x1, v12;
	[tilespmem:$0x19110] =	vst v15;
	vm1 =	vmand vm3, vm2  }
0x2a8: {  	[tilespmem:$0x19120] =	vst v8;
	v8 =	vsel vm1, $0x1, v1  }
.Ltmp4:
0x2a9: {  	s28 =	rddreg [dreg:$0x3];
	s29 =	simm.s32 $0x19100;
	[tilespmem:$0x19140] =	vst v8;
	(pc) =	sbr.rel .LBB2_5-.Ltmp4, $4  }
0x2aa: {  	[hbm4b:s28+s2] =	stream.linear.scatter [tilespmem:s29], [sflag:$0x2], $0x80, $0x38;
	[tilespmem:$0x19180] =	vst v63  }
0x2ab: {  	_ =	swait.ge [sflag:s15], $0x80  }
0x2ac: {  	[sflag:s15] =	ssyncset.done $0x0  }
0x2ad: {  	[sflag:s15] =	ssyncadd.s32 $0xFFFFFF80  }
.LBB2_6:
0x2ae: {  	_ =	sfence.sel $0x180000  }
0x2af: {  	[bflag:$0x0] =	sbarrier.arrive $0xFFFF  }
0x2b0: {  	_ =	strace $0x90000047  }
0x2b1: {  	s0 =	stileid.u32;
	[bflag:$0x2] =	sbarrier.arrive $0xFFFF  }
0x2b2: {  	p0 =	sne.s32 s0, $0x0;
	s0 =	rddreg [dreg:$0x2]  }
0x2b3: {  	s0 =	sadd.s32 @!p0 $0x100000, s0  }
0x2b4: {  	[sflag:s0] =	ssyncadd.tile.s32 @!p0 $0x1;
	_ =	shalt  }
.Lfunc_end2:
_tile_overlayer_lowered:
.L_overlay_start_2:
0x2b5: {  	(tag) =	ssettag $0x2  }
0x2b6: {  	s0 =	rddreg [dreg:$0x0];
	s2 =	stileid.u32  }
0x2b7: {  	s1 =	rddreg [dreg:$0x1];
	p0 =	sne.s32 s2, $0x0  }
0x2b8: {  	s3 =	rddreg [dreg:$0x2];
	[bflag:$0x3] =	sbarrier.arrive $0xFFFF;
	s2 =	simm.s32 @!p0 $0x1C02  }
0x2b9: {  	[timem:s3], [sflag:s2] =	dma.local @!p0 [hbm:s0], s1  }
0x2ba: {  	s0 =	simm.s32 @!p0 $0x2  }
0x2bb: {  	_ =	swait.ge @!p0 [sflag:s0], s1  }
0x2bc: {  	s1 =	ssub.s32 @!p0 $0x0, s1;
	[sflag:s0] =	ssyncset.done @!p0 $0x0  }
0x2bd: {  	[sflag:s0] =	ssyncadd.s32 @!p0 s1  }
0x2be: {  	[bflag:$0x3] =	sbarrier.arrive $0xFFFF  }
0x2bf: {  	_ =	shalt  }

// kernel: kernel.9.cloned.1.call-start
scs
__scs_entry_jumppad:
0x0: {  	(pc) =	sbr.rel $0x88, $3  }
0x1: {  	(tag) =	ssettag $0x0;
	lr =	simm.s32 $0x1  }
0x2: {  	[smem:$0x3F9A] =	sst lr;
	_ =	strace $0xD0000000  }
0x3: {  	_ = 	snop  }
0x4: {  	_ = 	snop  }
0x5: {  	_ = 	snop  }
0x6: {  	_ = 	snop  }
0x7: {  	_ = 	snop  }
__scs_overlays_trampoline_lowered:
0x8: {  	[smem:$0x3FA9] =	sst s0  }
0x9: {  	[smem:$0x3FAA] =	sst s1  }
0xa: {  	[smem:$0x3FAB] =	sst s2  }
0xb: {  	[smem:$0x3FAC] =	sst s3  }
0xc: {  	[smem:$0x3FAD] =	sst s4  }
0xd: {  	[smem:$0x3FAE] =	sst s5  }
0xe: {  	[smem:$0x3FAF] =	sst s6  }
0xf: {  	[smem:$0x3FB0] =	sst s7  }
0x10: {  	[smem:$0x3FB1] =	sst s8  }
0x11: {  	[smem:$0x3FB2] =	sst s9;
	s0 =	simm.s32 @!p0 $0x0  }
0x12: {  	s1 =	sld [smem:$0x3F98];
	s0 =	simm.s32 @p0 $0x1  }
0x13: {  	[smem:$0x3FB3] =	sst s0;
	s0 =	simm.s32 @!p1 $0x0  }
0x14: {  	s2 =	sld [smem:$0x3F97];
	s0 =	simm.s32 @p1 $0x1  }
0x15: {  	[smem:$0x3FB4] =	sst s0;
	s0 =	simm.s32 @!p2 $0x0  }
0x16: {  	s3 =	sld [smem:$0x3FDB];
	s0 =	simm.s32 @p2 $0x1  }
0x17: {  	s4 =	simm.s32 $0x1BF5;
	[smem:$0x3FB6] =	sst s0  }
0x18: {  	s0 =	sld [smem:$0x3F99];
	_ =	swait.ge [sflag:s4], $0x0  }
0x19: {  	s7 =	sld [smem:$0x3F9A]  }
0x1a: {  	s8 =	sadd.s32 $0xFFFFE003, lr  }
0x1b: {  	s9 =	sadd.s32 $0xFFFFFEF7, lr;
	s5 =	simm.s32 $0xFFFFFFFF;
	p2 =	slt.u32 s8, $0xFFFFF086  }
0x1c: {  	p1 =	slt.u32 s9, $0xF7A;
	s5 =	simm.s32 @!p2 $0x0  }
0x1d: {  	s5 =	simm.s32 @p1 $0x1;
	p0 =	seq.s32 s7, s2  }
0x1e: {  	s7 =	smul.u32 @!p0 $0xF7A, s2;
	p2 =	seq.s32 @!p0 s5, $0x0  }
0x1f: {  	s9 =	smul.u32 $0xF7A, s1;
	s8 =	simm.s32 @!p0 $0x1BF5;
	p2 =	por !p2, p0  }
0x20: {  	[sflag:s8] =	ssyncset.s32 @!p0 $0xFFFFF086;
	s6 =	sadd.s32 @!p0 s3, s7;
	s7 =	simm.s32 @!p0 $0x108  }
0x21: {  	s3 =	sadd.s32 s3, s9;
	s6 =	sadd.s32 @!p0 $0x88, s6;
	s7 =	simm.s32 @p2 $0x1082  }
0x22: {  	[simem:s7], [sflag:s8] =	dma.local @!p0 [hbm:s6], $0xF7A  }
0x23: {  	s9 =	sor.u32 $0xD0000000, s2;
	s6 =	simm.s32 $0x108;
	_ =	swait.ge @!p0 [sflag:s8], $0x0  }
0x24: {  	s3 =	sadd.s32 $0x88, s3;
	s6 =	simm.s32 @!p1 $0x1082;
	[sflag:s4] =	ssyncset.s32 $0xFFFFF086  }
0x25: {  	[simem:s6], [sflag:s4] =	dma.local [hbm:s3], $0xF7A  }
0x26: {  	[smem:$0x3F9A] =	sst s1;
	(tag) =	ssettag s2;
	_ =	strace s9  }
0x27: {  	s1 =	sld [smem:$0x3FAA]  }
0x28: {  	s2 =	sld [smem:$0x3FAB]  }
0x29: {  	s4 =	sld [smem:$0x3FAD]  }
0x2a: {  	p0 =	seq.s32 s5, $0x0;
	s5 =	sld [smem:$0x3FAE]  }
0x2b: {  	s6 =	sld [smem:$0x3FAF]  }
0x2c: {  	s7 =	sld [smem:$0x3FB0]  }
0x2d: {  	s3 =	simm.s32 $0x108;
	s8 =	sld [smem:$0x3FB1]  }
0x2e: {  	s3 =	simm.s32 @!p0 $0x1082;
	s9 =	sld [smem:$0x3FB2]  }
0x2f: {  	lr =	sadd.s32 s0, s3;
	s0 =	sld [smem:$0x3FA9]  }
0x30: {  	s3 =	sld [smem:$0x3FAC]  }
0x31: {  	[smem:$0x3FB5] =	sst s10  }
0x32: {  	s10 =	sld [smem:$0x3FB3];
	_ =	sdelay $0x3  }
0x33: {  	p0 =	seq.s32 s10, $0x1;
	s10 =	sld [smem:$0x3FB5];
	_ =	sdelay $0x3  }
0x34: {  	[smem:$0x3FB5] =	sst s10  }
0x35: {  	s10 =	sld [smem:$0x3FB4];
	_ =	sdelay $0x3  }
0x36: {  	p1 =	seq.s32 s10, $0x1;
	s10 =	sld [smem:$0x3FB5];
	_ =	sdelay $0x3  }
0x37: {  	[smem:$0x3FB5] =	sst s10  }
0x38: {  	s10 =	sld [smem:$0x3FB6]  }
0x39: {  	_ = 	snop;
	(pc) =	sbr.ind lr, $3  }
0x3a: {  	_ = 	snop  }
0x3b: {  	_ = 	snop  }
0x3c: {  	p2 =	seq.s32 s10, $0x1;
	s10 =	sld [smem:$0x3FB5]  }
0x3d: {  	_ =	shalt  }
0x3e: {  	_ =	shalt  }
0x3f: {  	_ =	shalt  }
0x40: {  	_ =	shalt  }
0x41: {  	_ =	shalt  }
0x42: {  	_ =	shalt  }
0x43: {  	_ =	shalt  }
0x44: {  	_ =	shalt  }
0x45: {  	_ =	shalt  }
0x46: {  	_ =	shalt  }
0x47: {  	_ =	shalt  }
0x48: {  	_ =	shalt  }
0x49: {  	_ =	shalt  }
0x4a: {  	_ =	shalt  }
0x4b: {  	_ =	shalt  }
0x4c: {  	_ =	shalt  }
0x4d: {  	_ =	shalt  }
0x4e: {  	_ =	shalt  }
0x4f: {  	_ =	shalt  }
0x50: {  	_ =	shalt  }
0x51: {  	_ =	shalt  }
0x52: {  	_ =	shalt  }
0x53: {  	_ =	shalt  }
0x54: {  	_ =	shalt  }
0x55: {  	_ =	shalt  }
0x56: {  	_ =	shalt  }
0x57: {  	_ =	shalt  }
0x58: {  	_ =	shalt  }
0x59: {  	_ =	shalt  }
0x5a: {  	_ =	shalt  }
0x5b: {  	_ =	shalt  }
0x5c: {  	_ =	shalt  }
0x5d: {  	_ =	shalt  }
0x5e: {  	_ =	shalt  }
0x5f: {  	_ =	shalt  }
0x60: {  	_ =	shalt  }
0x61: {  	_ =	shalt  }
0x62: {  	_ =	shalt  }
0x63: {  	_ =	shalt  }
0x64: {  	_ =	shalt  }
0x65: {  	_ =	shalt  }
0x66: {  	_ =	shalt  }
0x67: {  	_ =	shalt  }
0x68: {  	_ =	shalt  }
0x69: {  	_ =	shalt  }
0x6a: {  	_ =	shalt  }
0x6b: {  	_ =	shalt  }
0x6c: {  	_ =	shalt  }
0x6d: {  	_ =	shalt  }
0x6e: {  	_ =	shalt  }
0x6f: {  	_ =	shalt  }
0x70: {  	_ =	shalt  }
0x71: {  	_ =	shalt  }
0x72: {  	_ =	shalt  }
0x73: {  	_ =	shalt  }
0x74: {  	_ =	shalt  }
0x75: {  	_ =	shalt  }
0x76: {  	_ =	shalt  }
0x77: {  	_ =	shalt  }
0x78: {  	_ =	shalt  }
0x79: {  	_ =	shalt  }
0x7a: {  	_ =	shalt  }
0x7b: {  	_ =	shalt  }
0x7c: {  	_ =	shalt  }
0x7d: {  	_ =	shalt  }
0x7e: {  	_ =	shalt  }
0x7f: {  	_ =	shalt  }
0x80: {  	_ =	shalt  }
0x81: {  	_ =	shalt  }
0x82: {  	_ =	shalt  }
0x83: {  	_ =	shalt  }
0x84: {  	_ =	shalt  }
0x85: {  	_ =	shalt  }
0x86: {  	_ =	shalt  }
0x87: {  	_ =	shalt  }
.Lfunc_end0:
.L_simem_size_0:
called_computation.1_lowered:
.L_overlay_start_0:
0x88: {  	s2 =	sld [smem:$0x3FD9]  }
0x89: {  	s3 =	sld [smem:$0x3FFE];
	_ =	sdelay $0x1  }
0x8a: {  	s1 =	srdreg.scid  }
0x8b: {  	s0 =	sand.u32 $0x1, s1  }
0x8c: {  	s16 =	sshll.u32 s0, $0xA;
	s2 =	sadd.s32 s3, s2  }
0x8d: {  	s2 =	sadd.s32 s2, s16  }
0x8e: {  	[smem:$0x3FC1] =	sst s2  }
0x8f: {  	_ = 	snop  }
0x90: {  	(tm) =	ssettm $0x1  }
0x91: {  	s17 =	sld [smem:$0x3FFB];
	_ =	sdelay $0x3  }
0x92: {  	_ =	strace s17  }
0x93: {  	s2 =	sld [smem:$0x3FFC];
	_ =	sdelay $0x3  }
0x94: {  	_ =	strace s2  }
0x95: {  	s2 =	sld [smem:$0x3FFD];
	_ =	sdelay $0x3  }
0x96: {  	_ =	strace s2  }
0x97: {  	_ =	strace $0x8FFFFFFF  }
0x98: {  	s18 =	sld [smem:$0x3FDB];
	_ =	sdelay $0x1  }
0x99: {  	s19 =	simm.s32 $_scs_section_size  }
0x9a: {  	s4 =	simm.s32 $_size__tile_overlayer_lowered;
	s5 =	simm.s32 $_tile_overlayer_lowered  }
0x9b: {  	s22 =	simm.s32 $0x1BFF;
	s21 =	sshll.u32 s5, $0x1;
	s2 =	sadd.s32 s19, s18  }
0x9c: {  	s6 =	simm.s32 $0x0;
	s20 =	sshll.u32 s4, $0x1;
	s4 =	sadd.s32 s21, s2  }
0x9d: {  	[timem:s6], [sflag:s22] =	dma.local [hbm:s4], s20  }
0x9e: {  	_ =	swait.ge [sflag:s22], s20  }
0x9f: {  	s3 =	ssub.s32 $0x0, s20;
	[sflag:s22] =	ssyncset.done $0x0  }
0xa0: {  	[sflag:s22] =	ssyncadd.s32 s3;
	_ =	sdelay $0x1  }
0xa1: {  	s23 =	simm.s32 $0x1B8B  }
0xa2: {  	_ =	swait.ge [sflag:s23], $0x1  }
0xa3: {  	[sflag:s23] =	ssyncset.done $0x0  }
0xa4: {  	s25 =	simm.s32 $0x1B8E;
	s24 =	sld [smem:$0x3FFE];
	[sflag:s23] =	ssyncadd.s32 $0xFFFFFFFF  }
0xa5: {  	s26 =	simm.s32 $execute0_lowered;
	[smem:$0x3FD2] =	sst s25  }
0xa6: {  	s4 =	sshll.u32 s26, $0x1;
	_ =	strace $0x80000049;
	[dreg:$0x1] =	wrdreg $0xFFFFFFFF  }
0xa7: {  	s28 =	simm.s32 $_size_execute0_lowered;
	s2 =	sadd.s32 s2, s4;
	[dreg:$0x0] =	wrdreg $0x0  }
0xa8: {  	s4 =	sshll.u32 s28, $0x1;
	[dreg:$0x2] =	wrdreg s2  }
0xa9: {  	[dreg:$0x3] =	wrdreg s4  }
0xaa: {  	[dreg:$0x4] =	wrdreg $0xC0  }
0xab: {  	_ =	task [dreg:s6], $0x5FFFF  }
0xac: {  	[dreg:$0x1] =	wrdreg $0xFFFFFFFF  }
0xad: {  	[dreg:$0x0] =	wrdreg $0x60  }
0xae: {  	[dreg:$0x2] =	wrdreg s24  }
0xaf: {  	[dreg:$0x3] =	wrdreg $0x9  }
0xb0: {  	_ =	task.clear_ibuf [dreg:s6], $0x4FFFF;
	_ =	strace $0x90000049  }
0xb1: {  	s29 =	simm.s32 $0x9;
	_ =	strace $0x8000004B  }
0xb2: {  	_ =	swait.ge [sflag:s29], $0x1  }
0xb3: {  	[sflag:s29] =	ssyncadd.s32 $0xFFFFFFFF  }
0xb4: {  	_ =	strace $0x9000004B  }
0xb5: {  	_ =	sfence  }
0xb6: {  	s30 =	sld [smem:$0x0];
	_ =	sdelay $0x2  }
0xb7: {  	s31 =	sshll.u32 s1, $0xD;
	s1 =	sshrl.u32 s1, $0x2  }
0xb8: {  	s3 =	sand.u32 $0x4000, s31;
	s1 =	sadd.s32 s1, s30  }
0xb9: {  	s0 =	sor.u32 s3, s0;
	s1 =	sshll.u32 s1, $0x11  }
0xba: {  	s0 =	sor.u32 s1, s0  }
0xbb: {  	s0 =	sadd.s32 $0x8F2B, s0  }
0xbc: {  	[sflag:s0] =	ssyncadd.remote.s32 $0x1  }
0xbd: {  	_ =	sfence.sel $0xFFFF  }
0xbe: {  	[dreg:$0x0] =	wrdreg $0xFFFFFFFF;
	(pc) =	sbr.abs _section_cstart, $3  }
0xbf: {  	[dreg:$0x1] =	wrdreg $0xFFFFFFFF  }
0xc0: {  	_ =	task.clear_ibuf [dreg:s6], $0x2FFFF;
	_ =	strace $0x9FFFFFFF  }
0xc1: {  	(tm) =	ssettm $0x7FFFFFFF  }
tec
execute0_lowered:
.L_overlay_start_1:
0x0: {  	(tag) =	ssettag $0x1  }
0x1: {  	s1 =	srdreg.scid  }
0x2: {  	s0 =	stileid.u32;
	s1 =	sand.u32 $0x1, s1  }
0x3: {  	s2 =	sshll.u32 s0, $0x5;
	s3 =	sshll.u32 s1, $0x4  }
0x4: {  	s5 =	rddreg [dreg:$0x0];
	s3 =	sor.u32 s3, s2;
	s2 =	simm.s32 $0x0  }
0x5: {  	s26 =	simm.s32 $0x880;
	[smem:$0x7FF] =	sst s2  }
0x6: {  	s0 =	simm.s32 $0x1080;
	_ =	strace $0x8000004A;
	[dreg:$0x4] =	wrdreg s26  }
0x7: {  	s6 =	simm.s32 $0x2080;
	[dreg:$0x5] =	wrdreg s0  }
0x8: {  	s7 =	simm.s32 $0x2880;
	[dreg:$0x7] =	wrdreg s6  }
0x9: {  	s8 =	simm.s32 $0x3080;
	[dreg:$0x8] =	wrdreg s7  }
0xa: {  	s9 =	simm.s32 $0x3880;
	[dreg:$0x9] =	wrdreg s8  }
0xb: {  	s10 =	simm.s32 $0x4080;
	[dreg:$0xa] =	wrdreg s9  }
0xc: {  	s11 =	simm.s32 $0x4880;
	[dreg:$0xb] =	wrdreg s10  }
0xd: {  	s12 =	simm.s32 $0x5080;
	[dreg:$0xc] =	wrdreg s11  }
0xe: {  	s13 =	simm.s32 $0x5880;
	[dreg:$0xd] =	wrdreg s12  }
0xf: {  	s14 =	simm.s32 $0x6080;
	[dreg:$0xe] =	wrdreg s13  }
0x10: {  	s15 =	simm.s32 $0x6880;
	[dreg:$0xf] =	wrdreg s14  }
0x11: {  	s16 =	simm.s32 $0x7080;
	[dreg:$0x10] =	wrdreg s15  }
0x12: {  	s17 =	simm.s32 $0x7880;
	s18 =	simm.s32 $0x8080;
	[dreg:$0x11] =	wrdreg s16  }
0x13: {  	s19 =	simm.s32 $0x8880;
	s20 =	simm.s32 $0x9080;
	[dreg:$0x12] =	wrdreg s17  }
0x14: {  	s21 =	simm.s32 $0x9880;
	s22 =	simm.s32 $0xA080;
	[dreg:$0x13] =	wrdreg s18  }
0x15: {  	s23 =	simm.s32 $0xA880;
	s24 =	simm.s32 $0xB880;
	[dreg:$0x14] =	wrdreg s19  }
0x16: {  	s28 =	simm.s32 $0x16080;
	s29 =	simm.s32 $0x16880;
	[dreg:$0x15] =	wrdreg s20  }
0x17: {  	s30 =	simm.s32 $0x17080;
	s31 =	simm.s32 $0x17880;
	[dreg:$0x16] =	wrdreg s21  }
0x18: {  	s4 =	smul.u32 $0x300, s3;
	s3 =	sadd.s32 s3, s5;
	[dreg:$0x17] =	wrdreg s22  }
0x19: {  	s1 =	ssub.s32 $0x2, s1;
	s3 =	sadd.s32 $0x62E00, s3;
	[dreg:$0x18] =	wrdreg s23  }
0x1a: {  	s6 =	sshrl.u32 s1, $0x1;
	s7 =	simm.s32 $0xB080;
	[dreg:$0x1a] =	wrdreg s24  }
0x1b: {  	s8 =	simm.s32 $0x80;
	s26 =	simm.s32 $0xC880;
	s10 =	simm.s32 $0xD880  }
0x1c: {  	s11 =	simm.s32 $0xE080;
	s12 =	simm.s32 $0xE880;
	s13 =	simm.s32 $0xF080  }
0x1d: {  	s14 =	simm.s32 $0xF880;
	s15 =	simm.s32 $0x10080;
	s16 =	simm.s32 $0x10880  }
0x1e: {  	s17 =	simm.s32 $0x11080;
	s18 =	simm.s32 $0x11880;
	s19 =	simm.s32 $0x12080  }
0x1f: {  	s20 =	simm.s32 $0x12880;
	s21 =	simm.s32 $0x13080;
	s22 =	simm.s32 $0x13880  }
0x20: {  	s23 =	simm.s32 $0x14080;
	s24 =	simm.s32 $0x14880;
	[dreg:$0x2] =	wrdreg s3  }
0x21: {  	s4 =	sadd.s32 s4, s5;
	s3 =	sadd.s32 $0x2600, s5;
	[dreg:$0x19] =	wrdreg s7  }
0x22: {  	s1 =	ssub.s32 s1, s6;
	s7 =	simm.s32 $0x2;
	[dreg:$0x1c] =	wrdreg s26  }
0x23: {  	s26 =	simm.s32 $0x15880;
	s25 =	sadd.s32 $0x63000, s4;
	s4 =	simm.s32 $0x1880  }
0x24: {  	v2 =	vlaneseq.u32;
	s6 =	smax.u32 s1, $0x1;
	s1 =	simm.s32 $0x1;
	[dreg:$0x3] =	wrdreg s25  }
0x25: {  	vm0 =	vmmov $0xffff;
	v1 =	vshrl.u32 v2, $0x3;
	[dreg:$0x6] =	wrdreg s4;
	s4 =	sadd.s32 $0x2700, s5;
	s25 =	simm.s32 $0xC080  }
0x26: {  	v0 =	vand.u32 $0x7, v2;
	v2 =	vor.u32 $0x8, v2;
	v1 =	vmul.u32 $0x8, v1;
	s5 =	sadd.s32 $0x2800, s5;
	[dreg:$0x1b] =	wrdreg s25;
	s25 =	simm.s32 $0x15080  }
.LBB2_1:
0x27: {  	s0 =	rddreg [dreg:$0x2]  }
0x28: {  	[tilespmem:s2], [sflag:$0x2] =	stream.linear.gather [hbm4b:s0+s2], $0x80, $0x38;
	[tilespmem:$0x18080] =	vst v63  }
0x29: {  	_ =	swait.ge [sflag:s7], $0x80  }
0x2a: {  	[sflag:s7] =	ssyncset.done $0x0  }
0x2b: {  	[sflag:s7] =	ssyncadd.s32 $0xFFFFFF80  }
0x2c: {  	v3 =	vld [tilespmem:$0x0];
	_ =	sdelay $0x4  }
0x2d: {  	v4 =	vshrl.u32 v3, $0x3  }
0x2e: {  	v4 =	vmul.u32 $0x30, v4  }
0x2f: {  	v3 =	vand.u32 $0x7, v3  }
0x30: {  	v3 =	vor.u32 v3, v4  }
0x31: {  	v4 =	vperm.xlane v3, v0;
	_ =	sdelay $0x1  }
0x32: {  	v4 =	vadd.s32 v1, v4;
	_ =	sdelay $0x3  }
0x33: {  	v3 =	vperm.xlane v3, v2  }
0x34: {  	[tilespmem:s8], [sflag:$0x1] =	stream.indirect_vreg.gather [hbm4b:s3+s2], $0x80, v4, vm0, $0xb8;
	[tilespmem:$0x18080] =	vst v63  }
0x35: {  	s0 =	rddreg [dreg:$0x4];
	v3 =	vadd.s32 v1, v3  }
0x36: {  	[tilespmem:s0], [sflag:$0x1] =	stream.indirect_vreg.gather [hbm4b:s4+s2], $0x80, v4, vm0, $0xb8;
	[tilespmem:$0x18080] =	vst v63  }
0x37: {  	s9 =	rddreg [dreg:$0x5]  }
0x38: {  	[tilespmem:s9], [sflag:$0x1] =	stream.indirect_vreg.gather [hbm4b:s5+s2], $0x80, v4, vm0, $0xb8;
	[tilespmem:$0x18080] =	vst v63  }
0x39: {  	s0 =	rddreg [dreg:$0x6]  }
0x3a: {  	[tilespmem:s0], [sflag:$0x1] =	stream.indirect_vreg.gather [hbm4b:s3+s2], $0x80, v3, vm0, $0xb8;
	[tilespmem:$0x18080] =	vst v63  }
0x3b: {  	s9 =	rddreg [dreg:$0x7]  }
0x3c: {  	[tilespmem:s9], [sflag:$0x1] =	stream.indirect_vreg.gather [hbm4b:s4+s2], $0x80, v3, vm0, $0xb8;
	[tilespmem:$0x18080] =	vst v63  }
0x3d: {  	s0 =	rddreg [dreg:$0x8]  }
0x3e: {  	[tilespmem:s0], [sflag:$0x1] =	stream.indirect_vreg.gather [hbm4b:s5+s2], $0x80, v3, vm0, $0xb8;
	[tilespmem:$0x18080] =	vst v63  }
0x3f: {  	v3 =	vld [tilespmem:$0x10];
	_ =	sdelay $0x4  }
0x40: {  	v57 =	vshrl.u32 v3, $0x3  }
0x41: {  	v4 =	vmul.u32 $0x30, v57  }
0x42: {  	v3 =	vand.u32 $0x7, v3  }
0x43: {  	v3 =	vor.u32 v3, v4  }
0x44: {  	v4 =	vperm.xlane v3, v0;
	_ =	sdelay $0x1  }
0x45: {  	v4 =	vadd.s32 v1, v4;
	_ =	sdelay $0x3  }
0x46: {  	s0 =	rddreg [dreg:$0x9];
	v3 =	vperm.xlane v3, v2  }
0x47: {  	[tilespmem:s0], [sflag:$0x1] =	stream.indirect_vreg.gather [hbm4b:s3+s2], $0x80, v4, vm0, $0xb8;
	[tilespmem:$0x18080] =	vst v63  }
0x48: {  	s9 =	rddreg [dreg:$0xa];
	v3 =	vadd.s32 v1, v3  }
0x49: {  	[tilespmem:s9], [sflag:$0x1] =	stream.indirect_vreg.gather [hbm4b:s4+s2], $0x80, v4, vm0, $0xb8;
	[tilespmem:$0x18080] =	vst v63  }
0x4a: {  	s0 =	rddreg [dreg:$0xb]  }
0x4b: {  	[tilespmem:s0], [sflag:$0x1] =	stream.indirect_vreg.gather [hbm4b:s5+s2], $0x80, v4, vm0, $0xb8;
	[tilespmem:$0x18080] =	vst v63  }
0x4c: {  	s9 =	rddreg [dreg:$0xc]  }
0x4d: {  	[tilespmem:s9], [sflag:$0x1] =	stream.indirect_vreg.gather [hbm4b:s3+s2], $0x80, v3, vm0, $0xb8;
	[tilespmem:$0x18080] =	vst v63  }
0x4e: {  	s0 =	rddreg [dreg:$0xd]  }
0x4f: {  	[tilespmem:s0], [sflag:$0x1] =	stream.indirect_vreg.gather [hbm4b:s4+s2], $0x80, v3, vm0, $0xb8;
	[tilespmem:$0x18080] =	vst v63  }
0x50: {  	s9 =	rddreg [dreg:$0xe]  }
0x51: {  	[tilespmem:s9], [sflag:$0x1] =	stream.indirect_vreg.gather [hbm4b:s5+s2], $0x80, v3, vm0, $0xb8;
	[tilespmem:$0x18080] =	vst v63  }
0x52: {  	v3 =	vld [tilespmem:$0x20];
	_ =	sdelay $0x4  }
0x53: {  	v58 =	vshrl.u32 v3, $0x3  }
0x54: {  	v4 =	vmul.u32 $0x30, v58  }
0x55: {  	v3 =	vand.u32 $0x7, v3  }
0x56: {  	v3 =	vor.u32 v3, v4  }
0x57: {  	v4 =	vperm.xlane v3, v0;
	_ =	sdelay $0x1  }
0x58: {  	v4 =	vadd.s32 v1, v4;
	_ =	sdelay $0x3  }
0x59: {  	s0 =	rddreg [dreg:$0xf];
	v3 =	vperm.xlane v3, v2  }
0x5a: {  	[tilespmem:s0], [sflag:$0x1] =	stream.indirect_vreg.gather [hbm4b:s3+s2], $0x80, v4, vm0, $0xb8;
	[tilespmem:$0x18080] =	vst v63  }
0x5b: {  	s9 =	rddreg [dreg:$0x10];
	v3 =	vadd.s32 v1, v3  }
0x5c: {  	[tilespmem:s9], [sflag:$0x1] =	stream.indirect_vreg.gather [hbm4b:s4+s2], $0x80, v4, vm0, $0xb8;
	[tilespmem:$0x18080] =	vst v63  }
0x5d: {  	s0 =	rddreg [dreg:$0x11]  }
0x5e: {  	[tilespmem:s0], [sflag:$0x1] =	stream.indirect_vreg.gather [hbm4b:s5+s2], $0x80, v4, vm0, $0xb8;
	[tilespmem:$0x18080] =	vst v63  }
0x5f: {  	s9 =	rddreg [dreg:$0x12]  }
0x60: {  	[tilespmem:s9], [sflag:$0x1] =	stream.indirect_vreg.gather [hbm4b:s3+s2], $0x80, v3, vm0, $0xb8;
	[tilespmem:$0x18080] =	vst v63  }
0x61: {  	s0 =	rddreg [dreg:$0x13]  }
0x62: {  	[tilespmem:s0], [sflag:$0x1] =	stream.indirect_vreg.gather [hbm4b:s4+s2], $0x80, v3, vm0, $0xb8;
	[tilespmem:$0x18080] =	vst v63  }
0x63: {  	s9 =	rddreg [dreg:$0x14]  }
0x64: {  	[tilespmem:s9], [sflag:$0x1] =	stream.indirect_vreg.gather [hbm4b:s5+s2], $0x80, v3, vm0, $0xb8;
	[tilespmem:$0x18080] =	vst v63  }
0x65: {  	v3 =	vld [tilespmem:$0x30];
	_ =	sdelay $0x4  }
0x66: {  	v59 =	vshrl.u32 v3, $0x3  }
0x67: {  	v4 =	vmul.u32 $0x30, v59  }
0x68: {  	v3 =	vand.u32 $0x7, v3  }
0x69: {  	v3 =	vor.u32 v3, v4  }
0x6a: {  	v4 =	vperm.xlane v3, v0;
	_ =	sdelay $0x1  }
0x6b: {  	v4 =	vadd.s32 v1, v4;
	_ =	sdelay $0x3  }
0x6c: {  	s0 =	rddreg [dreg:$0x15];
	v3 =	vperm.xlane v3, v2  }
0x6d: {  	[tilespmem:s0], [sflag:$0x1] =	stream.indirect_vreg.gather [hbm4b:s3+s2], $0x80, v4, vm0, $0xb8;
	[tilespmem:$0x18080] =	vst v63  }
0x6e: {  	s9 =	rddreg [dreg:$0x16];
	v3 =	vadd.s32 v1, v3  }
0x6f: {  	[tilespmem:s9], [sflag:$0x1] =	stream.indirect_vreg.gather [hbm4b:s4+s2], $0x80, v4, vm0, $0xb8;
	[tilespmem:$0x18080] =	vst v63  }
0x70: {  	s0 =	rddreg [dreg:$0x17]  }
0x71: {  	[tilespmem:s0], [sflag:$0x1] =	stream.indirect_vreg.gather [hbm4b:s5+s2], $0x80, v4, vm0, $0xb8;
	[tilespmem:$0x18080] =	vst v63  }
0x72: {  	s9 =	rddreg [dreg:$0x18]  }
0x73: {  	[tilespmem:s9], [sflag:$0x1] =	stream.indirect_vreg.gather [hbm4b:s3+s2], $0x80, v3, vm0, $0xb8;
	[tilespmem:$0x18080] =	vst v63  }
0x74: {  	s0 =	rddreg [dreg:$0x19]  }
0x75: {  	[tilespmem:s0], [sflag:$0x1] =	stream.indirect_vreg.gather [hbm4b:s4+s2], $0x80, v3, vm0, $0xb8;
	[tilespmem:$0x18080] =	vst v63  }
0x76: {  	s9 =	rddreg [dreg:$0x1a]  }
0x77: {  	[tilespmem:s9], [sflag:$0x1] =	stream.indirect_vreg.gather [hbm4b:s5+s2], $0x80, v3, vm0, $0xb8;
	[tilespmem:$0x18080] =	vst v63  }
0x78: {  	v3 =	vld [tilespmem:$0x40];
	_ =	sdelay $0x4  }
0x79: {  	v60 =	vshrl.u32 v3, $0x3  }
0x7a: {  	v4 =	vmul.u32 $0x30, v60  }
0x7b: {  	v3 =	vand.u32 $0x7, v3  }
0x7c: {  	v3 =	vor.u32 v3, v4  }
0x7d: {  	v4 =	vperm.xlane v3, v0;
	_ =	sdelay $0x1  }
0x7e: {  	v4 =	vadd.s32 v1, v4;
	_ =	sdelay $0x3  }
0x7f: {  	s0 =	rddreg [dreg:$0x1b];
	v3 =	vperm.xlane v3, v2  }
0x80: {  	[tilespmem:s0], [sflag:$0x1] =	stream.indirect_vreg.gather [hbm4b:s3+s2], $0x80, v4, vm0, $0xb8;
	[tilespmem:$0x18080] =	vst v63  }
0x81: {  	s9 =	rddreg [dreg:$0x1c];
	v3 =	vadd.s32 v1, v3  }
0x82: {  	[tilespmem:s9], [sflag:$0x1] =	stream.indirect_vreg.gather [hbm4b:s4+s2], $0x80, v4, vm0, $0xb8;
	[tilespmem:$0x18080] =	vst v63  }
0x83: {  	s9 =	simm.s32 $0xD080  }
0x84: {  	[tilespmem:s9], [sflag:$0x1] =	stream.indirect_vreg.gather [hbm4b:s5+s2], $0x80, v4, vm0, $0xb8;
	[tilespmem:$0x18080] =	vst v63  }
0x85: {  	_ = 	snop  }
0x86: {  	[tilespmem:s10], [sflag:$0x1] =	stream.indirect_vreg.gather [hbm4b:s3+s2], $0x80, v3, vm0, $0xb8;
	[tilespmem:$0x18080] =	vst v63  }
0x87: {  	_ = 	snop  }
0x88: {  	[tilespmem:s11], [sflag:$0x1] =	stream.indirect_vreg.gather [hbm4b:s4+s2], $0x80, v3, vm0, $0xb8;
	[tilespmem:$0x18080] =	vst v63  }
0x89: {  	_ = 	snop  }
0x8a: {  	[tilespmem:s12], [sflag:$0x1] =	stream.indirect_vreg.gather [hbm4b:s5+s2], $0x80, v3, vm0, $0xb8;
	[tilespmem:$0x18080] =	vst v63  }
0x8b: {  	v3 =	vld [tilespmem:$0x50];
	_ =	sdelay $0x4  }
0x8c: {  	v61 =	vshrl.u32 v3, $0x3  }
0x8d: {  	v4 =	vmul.u32 $0x30, v61  }
0x8e: {  	v3 =	vand.u32 $0x7, v3  }
0x8f: {  	v3 =	vor.u32 v3, v4  }
0x90: {  	v4 =	vperm.xlane v3, v0;
	_ =	sdelay $0x1  }
0x91: {  	v4 =	vadd.s32 v1, v4;
	_ =	sdelay $0x3  }
0x92: {  	v3 =	vperm.xlane v3, v2  }
0x93: {  	[tilespmem:s13], [sflag:$0x1] =	stream.indirect_vreg.gather [hbm4b:s3+s2], $0x80, v4, vm0, $0xb8;
	[tilespmem:$0x18080] =	vst v63  }
0x94: {  	v3 =	vadd.s32 v1, v3  }
0x95: {  	[tilespmem:s14], [sflag:$0x1] =	stream.indirect_vreg.gather [hbm4b:s4+s2], $0x80, v4, vm0, $0xb8;
	[tilespmem:$0x18080] =	vst v63  }
0x96: {  	_ = 	snop  }
0x97: {  	[tilespmem:s15], [sflag:$0x1] =	stream.indirect_vreg.gather [hbm4b:s5+s2], $0x80, v4, vm0, $0xb8;
	[tilespmem:$0x18080] =	vst v63  }
0x98: {  	_ = 	snop  }
0x99: {  	[tilespmem:s16], [sflag:$0x1] =	stream.indirect_vreg.gather [hbm4b:s3+s2], $0x80, v3, vm0, $0xb8;
	[tilespmem:$0x18080] =	vst v63  }
0x9a: {  	_ = 	snop  }
0x9b: {  	[tilespmem:s17], [sflag:$0x1] =	stream.indirect_vreg.gather [hbm4b:s4+s2], $0x80, v3, vm0, $0xb8;
	[tilespmem:$0x18080] =	vst v63  }
0x9c: {  	_ = 	snop  }
0x9d: {  	[tilespmem:s18], [sflag:$0x1] =	stream.indirect_vreg.gather [hbm4b:s5+s2], $0x80, v3, vm0, $0xb8;
	[tilespmem:$0x18080] =	vst v63  }
0x9e: {  	v3 =	vld [tilespmem:$0x60];
	_ =	sdelay $0x4  }
0x9f: {  	v62 =	vshrl.u32 v3, $0x3  }
0xa0: {  	v4 =	vmul.u32 $0x30, v62  }
0xa1: {  	v3 =	vand.u32 $0x7, v3  }
0xa2: {  	v3 =	vor.u32 v3, v4  }
0xa3: {  	v4 =	vperm.xlane v3, v0;
	_ =	sdelay $0x1  }
0xa4: {  	v4 =	vadd.s32 v1, v4;
	_ =	sdelay $0x3  }
0xa5: {  	v3 =	vperm.xlane v3, v2  }
0xa6: {  	[tilespmem:s19], [sflag:$0x1] =	stream.indirect_vreg.gather [hbm4b:s3+s2], $0x80, v4, vm0, $0xb8;
	[tilespmem:$0x18080] =	vst v63  }
0xa7: {  	v3 =	vadd.s32 v1, v3  }
0xa8: {  	[tilespmem:s20], [sflag:$0x1] =	stream.indirect_vreg.gather [hbm4b:s4+s2], $0x80, v4, vm0, $0xb8;
	[tilespmem:$0x18080] =	vst v63  }
0xa9: {  	_ = 	snop  }
0xaa: {  	[tilespmem:s21], [sflag:$0x1] =	stream.indirect_vreg.gather [hbm4b:s5+s2], $0x80, v4, vm0, $0xb8;
	[tilespmem:$0x18080] =	vst v63  }
0xab: {  	_ = 	snop  }
0xac: {  	[tilespmem:s22], [sflag:$0x1] =	stream.indirect_vreg.gather [hbm4b:s3+s2], $0x80, v3, vm0, $0xb8;
	[tilespmem:$0x18080] =	vst v63  }
0xad: {  	_ = 	snop  }
0xae: {  	[tilespmem:s23], [sflag:$0x1] =	stream.indirect_vreg.gather [hbm4b:s4+s2], $0x80, v3, vm0, $0xb8;
	[tilespmem:$0x18080] =	vst v63  }
0xaf: {  	_ = 	snop  }
0xb0: {  	[tilespmem:s24], [sflag:$0x1] =	stream.indirect_vreg.gather [hbm4b:s5+s2], $0x80, v3, vm0, $0xb8;
	[tilespmem:$0x18080] =	vst v63  }
0xb1: {  	v3 =	vld [tilespmem:$0x70];
	_ =	sdelay $0x4  }
0xb2: {  	v63 =	vshrl.u32 v3, $0x3  }
0xb3: {  	v4 =	vmul.u32 $0x30, v63  }
0xb4: {  	v3 =	vand.u32 $0x7, v3  }
0xb5: {  	v3 =	vor.u32 v3, v4  }
0xb6: {  	v4 =	vperm.xlane v3, v0;
	_ =	sdelay $0x1  }
0xb7: {  	v4 =	vadd.s32 v1, v4;
	_ =	sdelay $0x3  }
0xb8: {  	v3 =	vperm.xlane v3, v2  }
0xb9: {  	[tilespmem:s25], [sflag:$0x1] =	stream.indirect_vreg.gather [hbm4b:s3+s2], $0x80, v4, vm0, $0xb8;
	[tilespmem:$0x18080] =	vst v63  }
0xba: {  	v3 =	vadd.s32 v1, v3  }
0xbb: {  	[tilespmem:s26], [sflag:$0x1] =	stream.indirect_vreg.gather [hbm4b:s4+s2], $0x80, v4, vm0, $0xb8;
	[tilespmem:$0x18080] =	vst v63  }
0xbc: {  	_ = 	snop  }
0xbd: {  	[tilespmem:s28], [sflag:$0x1] =	stream.indirect_vreg.gather [hbm4b:s5+s2], $0x80, v4, vm0, $0xb8;
	[tilespmem:$0x18080] =	vst v63  }
0xbe: {  	_ = 	snop  }
0xbf: {  	[tilespmem:s29], [sflag:$0x1] =	stream.indirect_vreg.gather [hbm4b:s3+s2], $0x80, v3, vm0, $0xb8;
	[tilespmem:$0x18080] =	vst v63  }
0xc0: {  	_ = 	snop  }
0xc1: {  	[tilespmem:s30], [sflag:$0x1] =	stream.indirect_vreg.gather [hbm4b:s4+s2], $0x80, v3, vm0, $0xb8;
	[tilespmem:$0x18080] =	vst v63  }
0xc2: {  	_ = 	snop  }
0xc3: {  	[tilespmem:s31], [sflag:$0x1] =	stream.indirect_vreg.gather [hbm4b:s5+s2], $0x80, v3, vm0, $0xb8;
	[tilespmem:$0x18080] =	vst v63  }
0xc4: {  	_ =	swait.ge [sflag:s1], $0x18000  }
0xc5: {  	p0 =	sne.s32 s6, $0x1;
	[sflag:s1] =	ssyncset.done $0x0  }
.Ltmp0:
0xc6: {  	s9 =	rddreg [dreg:$0x3];
	[sflag:s1] =	ssyncadd.s32 $0xFFFE8000;
	(pc) =	sbr.rel @p0 .LBB2_1-.Ltmp0, $4  }
0xc7: {  	[hbm4b:s9+s2] =	stream.linear.scatter [tilespmem:s8], [sflag:$0x2], $0x18000, $0x38;
	[tilespmem:$0x18080] =	vst v63  }
0xc8: {  	_ =	swait.ge [sflag:s7], $0x18000  }
0xc9: {  	[sflag:s7] =	ssyncset.done $0x0  }
0xca: {  	s6 =	sadd.s32 $0xFFFFFFFF, s6;
	[sflag:s7] =	ssyncadd.s32 $0xFFFE8000  }
0xcb: {  	_ =	sfence.sel $0x180000  }
0xcc: {  	[bflag:$0x0] =	sbarrier.arrive $0xFFFF  }
0xcd: {  	_ =	strace $0x9000004A  }
0xce: {  	s0 =	stileid.u32;
	[bflag:$0x2] =	sbarrier.arrive $0xFFFF  }
0xcf: {  	p0 =	sne.s32 s0, $0x0;
	s0 =	rddreg [dreg:$0x1]  }
0xd0: {  	s0 =	sadd.s32 @!p0 $0x100000, s0  }
0xd1: {  	[sflag:s0] =	ssyncadd.tile.s32 @!p0 $0x1;
	_ =	shalt  }
.Lfunc_end2:
_tile_overlayer_lowered:
.L_overlay_start_2:
0xd2: {  	(tag) =	ssettag $0x2  }
0xd3: {  	s0 =	rddreg [dreg:$0x0];
	s2 =	stileid.u32  }
0xd4: {  	s1 =	rddreg [dreg:$0x1];
	p0 =	sne.s32 s2, $0x0  }
0xd5: {  	s3 =	rddreg [dreg:$0x2];
	[bflag:$0x3] =	sbarrier.arrive $0xFFFF;
	s2 =	simm.s32 @!p0 $0x1C02  }
0xd6: {  	[timem:s3], [sflag:s2] =	dma.local @!p0 [hbm:s0], s1  }
0xd7: {  	s0 =	simm.s32 @!p0 $0x2  }
0xd8: {  	_ =	swait.ge @!p0 [sflag:s0], s1  }
0xd9: {  	s1 =	ssub.s32 @!p0 $0x0, s1;
	[sflag:s0] =	ssyncset.done @!p0 $0x0  }
0xda: {  	[sflag:s0] =	ssyncadd.s32 @!p0 s1  }
0xdb: {  	[bflag:$0x3] =	sbarrier.arrive $0xFFFF  }
0xdc: {  	_ =	shalt  }

</sc_bundles>
